<compile_context>
chip_gen: v7x
topology: tpu7x:2x2x1
jax: 0.10.2.dev20260603
libtpu: 0.0.44.dev20260713+nightly
codegen_flags: <defaults>
</compile_context>

<pallas_src>
import functools
import jax
import jax.numpy as jnp
from jax import lax
from jax.experimental import pallas as pl
from jax.experimental.pallas import tpu as pltpu
from jax.experimental.pallas import tpu_sc as plsc

N = 50000
E = 300000
HID = 128
NH = 8
DH = 16
OUTD = 349
NBLK = 1000
EBLK = 1000
PACK = 144
NPAD = 50176


def _dense_a_body(xp, xa, wip, bip, wia, bia, wq, bq, wkw, bkw, wvw, bvw,
                  wkc, bkc, wvc, bvc, hp_o, q_o, kw_o, vw_o, kc_o, vc_o):
    f32 = jnp.float32
    hp = jnp.maximum(jnp.dot(xp[...], wip[...], preferred_element_type=f32) + bip[...], 0.0)
    ha = jnp.maximum(jnp.dot(xa[...], wia[...], preferred_element_type=f32) + bia[...], 0.0)
    hp_o[...] = hp
    q_o[...] = jnp.dot(hp, wq[...], preferred_element_type=f32) + bq[...]
    kc_o[...] = jnp.dot(hp, wkc[...], preferred_element_type=f32) + bkc[...]
    vc_o[...] = jnp.dot(hp, wvc[...], preferred_element_type=f32) + bvc[...]
    kw_o[...] = jnp.dot(ha, wkw[...], preferred_element_type=f32) + bkw[...]
    vw_o[...] = jnp.dot(ha, wvw[...], preferred_element_type=f32) + bvw[...]


def _edge_b_body(ke, qe, ve, dst, smat, tmat, wv_o, ws_o):
    f32 = jnp.float32
    al = jnp.dot(ke[...] * qe[...], smat[...], preferred_element_type=f32)
    w = jnp.exp(al)
    wexp = jnp.dot(w, smat[...].T, preferred_element_type=f32)
    wv_o[...] = ve[...] * wexp
    wt = jnp.dot(w, tmat[...], preferred_element_type=f32)
    win = lax.broadcasted_iota(jnp.int32, wt.shape, 1) // NH
    m16 = lax.rem(dst[...], 16)
    ws_o[...] = wt * (win == m16).astype(f32)


def _final_c_body(accw, sw, accc, sc_, hp, smat, wa, ba, wout, bout, beta, out):
    f32 = jnp.float32

    def seg(acc, s):
        sexp = jnp.dot(s[...], smat[...].T, preferred_element_type=f32)
        return acc[...] / (sexp + 1e-16)

    agg = seg(accw, sw) + seg(accc, sc_)
    g = 0.5 * agg * (1.0 + lax.erf(agg * 0.7071067811865476))
    o = jnp.dot(g, wa[...], preferred_element_type=f32) + ba[...]
    b = beta[0, 0]
    h2 = b * o + (1.0 - b) * hp[...]
    out[...] = jnp.dot(h2, wout[...], preferred_element_type=f32) + bout[...]


def _rowspec(blk, width):
    return pl.BlockSpec((blk, width), lambda i: (i, 0))


def _fullspec(shape):
    return pl.BlockSpec(shape, lambda i: tuple(0 for _ in shape))


def _dense_a(xp, xa, ws):
    n = xp.shape[0]
    grid = (n // NBLK,)
    outs = [jax.ShapeDtypeStruct((n, HID), jnp.float32)] * 6
    specs = [_rowspec(NBLK, HID)] * 2
    for w in ws:
        specs.append(_fullspec(w.shape))
    return pl.pallas_call(
        _dense_a_body,
        grid=grid,
        in_specs=specs,
        out_specs=[_rowspec(NBLK, HID)] * 6,
        out_shape=outs,
    )(xp, xa, *ws)


def _edge_b(ke, qe, ve, dst, smat, tmat):
    grid = (E // EBLK,)
    return pl.pallas_call(
        _edge_b_body,
        grid=grid,
        in_specs=[_rowspec(EBLK, HID)] * 3 + [_rowspec(EBLK, 1)]
        + [_fullspec(smat.shape), _fullspec(tmat.shape)],
        out_specs=[_rowspec(EBLK, HID)] * 2,
        out_shape=[jax.ShapeDtypeStruct((E, HID), jnp.float32)] * 2,
    )(ke, qe, ve, dst, smat, tmat)


def _final_c(accw, sw, accc, sc_, hp, smat, wa, ba, wout, bout, beta):
    grid = (N // NBLK,)
    return pl.pallas_call(
        _final_c_body,
        grid=grid,
        in_specs=[_rowspec(NBLK, HID), _rowspec(NBLK, NH)] * 2
        + [_rowspec(NBLK, HID)]
        + [_fullspec(smat.shape), _fullspec(wa.shape), _fullspec(ba.shape),
           _fullspec(wout.shape), _fullspec(bout.shape), _fullspec((1, 1))],
        out_specs=_rowspec(NBLK, OUTD),
        out_shape=jax.ShapeDtypeStruct((N, OUTD), jnp.float32),
    )(accw, sw, accc, sc_, hp, smat, wa, ba, wout, bout, beta)


def _fold_kv(wk, bk, wrel, scale):
    wk4 = wk.reshape(HID, NH, DH)
    bk4 = bk.reshape(NH, DH)
    wf = jnp.einsum('nhd,hdf->nhf', wk4, wrel)
    bf = jnp.einsum('hd,hdf->hf', bk4, wrel)
    if scale is not None:
        wf = wf * scale[None, :, None]
        bf = bf * scale[:, None]
    return wf.reshape(HID, HID), bf.reshape(1, HID)


_SC_G = 600
_SC_NCH = E // _SC_G
_SC_NW = 32


def _sc_gather6(kw, q, vw, kc, vc, sw, dw, sci, dc):
    mesh = plsc.VectorSubcoreMesh(core_axis_name="c", subcore_axis_name="s")
    out_t = [jax.ShapeDtypeStruct((E, HID), jnp.float32)] * 6

    @functools.partial(
        pl.kernel, mesh=mesh, out_type=out_t,
        scratch_types=[pltpu.VMEM((_SC_G,), jnp.int32),
                       pltpu.VMEM((_SC_G, HID), jnp.float32),
                       pltpu.SemaphoreType.DMA],
    )
    def body(kw_h, q_h, vw_h, kc_h, vc_h, sw_h, dw_h, sci_h, dc_h,
             o_kw, o_qw, o_vw, o_kc, o_qc, o_vc, idx_v, rows_v, sem):
        wid = lax.axis_index("s") * 2 + lax.axis_index("c")

        def do_chunk(chunk):
            base = chunk * _SC_G
            for idx_h, pairs in ((sw_h, ((kw_h, o_kw), (vw_h, o_vw))),
                                 (dw_h, ((q_h, o_qw),)),
                                 (sci_h, ((kc_h, o_kc), (vc_h, o_vc))),
                                 (dc_h, ((q_h, o_qc),))):
                pltpu.sync_copy(idx_h.at[pl.ds(base, _SC_G)], idx_v)
                for tab, out in pairs:
                    pltpu.async_copy(tab.at[idx_v], rows_v, sem).wait()
                    pltpu.sync_copy(rows_v, out.at[pl.ds(base, _SC_G)])

        def loop_body(j, c):
            chunk = wid + j * _SC_NW

            @pl.when(chunk < _SC_NCH)
            def _():
                do_chunk(chunk)

            return c

        lax.fori_loop(0, (_SC_NCH + _SC_NW - 1) // _SC_NW, loop_body, 0)

    return body(kw, q, vw, kc, vc, sw, dw, sci, dc)


_SB = 96
_SC_NB = E // _SB
_RNG = 12544
_SRNG = _RNG // 16
_ZROWS = 112


def _sc_scatter2(wv_w, ws_w, dst_w, wv_c, ws_c, dst_c):
    mesh = plsc.VectorSubcoreMesh(core_axis_name="c", subcore_axis_name="s")

    def _pipe_scan(sub, d_h, src_h, accs, make_idx, dvs, ldvs, bufs, sems):
        def start(j, par):
            b = sub + j * 16

            @pl.when(b < _SC_NB)
            def _():
                e0 = b * _SB
                pltpu.async_copy(d_h.at[pl.ds(e0, _SB)], dvs[par], sems[par])
                pltpu.async_copy(src_h.at[pl.ds(e0, _SB)], bufs[par], sems[par])

        def proc(j, par):
            b = sub + j * 16

            @pl.when(b < _SC_NB)
            def _():
                e0 = b * _SB
                pltpu.make_async_copy(d_h.at[pl.ds(e0, _SB)], dvs[par], sems[par]).wait()
                pltpu.make_async_copy(src_h.at[pl.ds(e0, _SB)], bufs[par], sems[par]).wait()
                for k in range(_SB // 16):
                    d = dvs[par][pl.ds(k * 16, 16)]
                    ldvs[par][pl.ds(k * 16, 16)] = make_idx(d)
                pltpu.sync_copy(bufs[par], accs.at[ldvs[par]], add=True)

        start(0, 0)
        start(1, 1)

        def bat_body(j2, c):
            j = j2 * 2
            proc(j, 0)
            start(j + 2, 0)
            proc(j + 1, 1)
            start(j + 3, 1)
            return c

        nj2 = ((_SC_NB + 15) // 16 + 1) // 2
        lax.fori_loop(0, nj2, bat_body, 0)

    @functools.partial(
        pl.kernel, mesh=mesh,
        out_type=[jax.ShapeDtypeStruct((NPAD, HID), jnp.float32)] * 2,
        scratch_types=[pltpu.VMEM((_SB,), jnp.int32),
                       pltpu.VMEM((_SB,), jnp.int32),
                       pltpu.VMEM((_SB, HID), jnp.float32),
                       pltpu.VMEM((_ZROWS, HID), jnp.float32),
                       pltpu.VMEM_SHARED((_RNG + 8, HID), jnp.float32)],
    )
    def body_wv(wvw_h, dw_h, wvc_h, dc_h, ow_h, oc_h,
                dstv, ldstv, wvbuf, zbuf, accs):
        core = lax.axis_index("c")
        sub = lax.axis_index("s")

        def zb_body(r, c):
            for k in range(HID // 16):
                zbuf[r, pl.ds(k * 16, 16)] = jnp.zeros((16,), jnp.float32)
            return c

        lax.fori_loop(0, _ZROWS, zb_body, 0)

        for wv_h, d_h, out_h in ((wvw_h, dw_h, ow_h), (wvc_h, dc_h, oc_h)):
            for p in range(2):
                base = (2 * p + core) * _RNG
                row0 = sub * 784
                for i in range(7):
                    pltpu.sync_copy(zbuf, accs.at[pl.ds(row0 + i * _ZROWS, _ZROWS)])
                plsc.subcore_barrier()

                def bat_body(j, c):
                    b = sub + j * 16

                    @pl.when(b < _SC_NB)
                    def _():
                        e0 = b * _SB
                        pltpu.sync_copy(d_h.at[pl.ds(e0, _SB)], dstv)
                        for k in range(_SB // 16):
                            d = dstv[pl.ds(k * 16, 16)]
                            m = (d >= base) & (d < base + _RNG)
                            ldstv[pl.ds(k * 16, 16)] = jnp.where(m, d - base, _RNG)
                        pltpu.sync_copy(wv_h.at[pl.ds(e0, _SB)], wvbuf)
                        pltpu.sync_copy(wvbuf, accs.at[ldstv], add=True)

                    return c

                lax.fori_loop(0, (_SC_NB + 15) // 16, bat_body, 0)
                plsc.subcore_barrier()
                pltpu.sync_copy(accs.at[pl.ds(row0, 784)],
                                out_h.at[pl.ds(base + row0, 784)])
                plsc.subcore_barrier()

    _SROWS = NPAD // 16
    _SHALF = _SROWS // 2

    @functools.partial(
        pl.kernel, mesh=mesh,
        out_type=[jax.ShapeDtypeStruct((_SROWS, HID), jnp.float32)] * 2,
        scratch_types=[pltpu.VMEM((_SB,), jnp.int32),
                       pltpu.VMEM((_SB,), jnp.int32),
                       pltpu.VMEM((_SB,), jnp.int32),
                       pltpu.VMEM((_SB,), jnp.int32),
                       pltpu.VMEM((_SB, HID), jnp.float32),
                       pltpu.VMEM((_SB, HID), jnp.float32),
                       pltpu.VMEM((_ZROWS, HID), jnp.float32),
                       pltpu.VMEM_SHARED((_SHALF + 8, HID), jnp.float32),
                       pltpu.SemaphoreType.DMA,
                       pltpu.SemaphoreType.DMA],
    )
    def body_ws(wsw_h, dw_h, wsc_h, dc_h, osw_h, osc_h,
                dv0, dv1, ldv0, ldv1, buf0, buf1, zbuf, accs, sem0, sem1):
        core = lax.axis_index("c")
        sub = lax.axis_index("s")

        def zb_body(r, c):
            for k in range(HID // 16):
                zbuf[r, pl.ds(k * 16, 16)] = jnp.zeros((16,), jnp.float32)
            return c

        lax.fori_loop(0, _ZROWS, zb_body, 0)

        for ws_h, d_h, outs_h in ((wsw_h, dw_h, osw_h), (wsc_h, dc_h, osc_h)):
            sbase = core * _SHALF

            @pl.when(sub < 7)
            def _():
                pltpu.sync_copy(zbuf, accs.at[pl.ds(sub * 224, _ZROWS)])
                pltpu.sync_copy(zbuf, accs.at[pl.ds(sub * 224 + _ZROWS, _ZROWS)])

            plsc.subcore_barrier()

            def mk_idx(d, sbase=sbase):
                r = lax.shift_right_logical(d, 4)
                m = (r >= sbase) & (r < sbase + _SHALF)
                return jnp.where(m, r - sbase, _SHALF)

            _pipe_scan(sub, d_h, ws_h, accs, mk_idx,
                       (dv0, dv1), (ldv0, ldv1), (buf0, buf1), (sem0, sem1))
            plsc.subcore_barrier()

            @pl.when(sub < 7)
            def _():
                pltpu.sync_copy(accs.at[pl.ds(sub * 224, 224)],
                                outs_h.at[pl.ds(sbase + sub * 224, 224)])

            plsc.subcore_barrier()

    acc_w, acc_c = body_wv(wv_w, dst_w, wv_c, dst_c)
    sp_w, sp_c = body_ws(ws_w, dst_w, ws_c, dst_c)
    return acc_w, sp_w, acc_c, sp_c


def kernel(x_paper, x_author, params, edge_index_writes, edge_index_cites):
    p = params
    scale_w = p['mu_writes'] * 0.25
    scale_c = p['mu_cites'] * 0.25
    wkw, bkw = _fold_kv(p['Wk_author'], p['bk_author'], p['Watt_writes'], scale_w)
    wvw, bvw = _fold_kv(p['Wv_author'], p['bv_author'], p['Wmsg_writes'], None)
    wkc, bkc = _fold_kv(p['Wk_paper'], p['bk_paper'], p['Watt_cites'], scale_c)
    wvc, bvc = _fold_kv(p['Wv_paper'], p['bv_paper'], p['Wmsg_cites'], None)
    ws = [p['W_in_paper'], p['b_in_paper'].reshape(1, HID),
          p['W_in_author'], p['b_in_author'].reshape(1, HID),
          p['Wq_paper'], p['bq_paper'].reshape(1, HID),
          wkw, bkw, wvw, bvw, wkc, bkc, wvc, bvc]
    hp, q, kw, vw, kc, vc = _dense_a(x_paper, x_author, ws)

    smat = (jnp.arange(HID)[:, None] // DH == jnp.arange(NH)[None, :]).astype(jnp.float32)

    src_w, dst_w = edge_index_writes[0], edge_index_writes[1]
    src_c, dst_c = edge_index_cites[0], edge_index_cites[1]

    tmat = (jnp.arange(NH)[:, None] == jnp.arange(HID)[None, :] % NH).astype(jnp.float32)

    kew, qew, vew, kec, qec, vec = _sc_gather6(
        kw, q, vw, kc, vc, src_w, dst_w, src_c, dst_c)
    wv_w, ws_w = _edge_b(kew, qew, vew, dst_w.reshape(E, 1), smat, tmat)
    wv_c, ws_c = _edge_b(kec, qec, vec, dst_c.reshape(E, 1), smat, tmat)

    acc_w, sp_w, acc_c, sp_c = _sc_scatter2(wv_w, ws_w, dst_w, wv_c, ws_c, dst_c)
    s_w = sp_w.reshape(NPAD, NH)[:N]
    s_c = sp_c.reshape(NPAD, NH)[:N]

    beta = jax.nn.sigmoid(p['skip_paper']).reshape(1, 1)
    return _final_c(acc_w[:N], s_w, acc_c[:N], s_c, hp, smat, p['Wa_paper'],
                    p['ba_paper'].reshape(1, HID), p['W_out'],
                    p['b_out'].reshape(1, OUTD), beta)

# --- scband reference (transcript-rebuilt; emitter-appended) ---
"""Pipeline reference for scband-hgt-71768903516648 (READ-ONLY COPY).

The authoritative reference and input builder live on the scoring server;
editing this copy changes nothing except your own understanding.
"""

import jax, jax.numpy as jnp
import numpy as np

HID = 128
H = 8
DH = 16
OUT = 349


def _glorot(key, shape):
    fan_in = shape[-2] if len(shape) > 1 else shape[0]
    return jax.random.normal(key, shape, dtype=jnp.float32) / np.sqrt(fan_in)


def setup_inputs(seed: int = 0):
    key = jax.random.key(seed)
    ks = jax.random.split(key, 32)
    x_paper = jax.random.normal(ks[0], (50000, 128), dtype=jnp.float32)
    x_author = jax.random.normal(ks[1], (50000, 128), dtype=jnp.float32)
    edge_index_writes = jax.random.randint(ks[2], (2, 300000), 0, 50000, dtype=jnp.int32)
    edge_index_cites = jax.random.randint(ks[3], (2, 300000), 0, 50000, dtype=jnp.int32)
    p = {}
    i = 4
    for t in ('paper', 'author'):
        p['W_in_' + t] = _glorot(ks[i], (128, HID)); i += 1
        p['b_in_' + t] = jnp.zeros((HID,), jnp.float32)
        for n in ('k', 'q', 'v'):
            p['W' + n + '_' + t] = _glorot(ks[i], (HID, HID)); i += 1
            p['b' + n + '_' + t] = jnp.zeros((HID,), jnp.float32)
        p['Wa_' + t] = _glorot(ks[i], (HID, HID)); i += 1
        p['ba_' + t] = jnp.zeros((HID,), jnp.float32)
        p['skip_' + t] = jnp.ones((), jnp.float32)
    for e in ('writes', 'cites'):
        p['Watt_' + e] = _glorot(ks[i], (H, DH, DH)); i += 1
        p['Wmsg_' + e] = _glorot(ks[i], (H, DH, DH)); i += 1
        p['mu_' + e] = jnp.ones((H,), jnp.float32)
    p['W_out'] = _glorot(ks[i], (HID, OUT)); i += 1
    p['b_out'] = jnp.zeros((OUT,), jnp.float32)
    return {'x_paper': x_paper, 'x_author': x_author, 'params': p,
            'edge_index_writes': edge_index_writes, 'edge_index_cites': edge_index_cites}


def _hgt_forward(x_paper, x_author, p, ei_w, ei_c):
    n_paper = x_paper.shape[0]
    # per-type input projections + relu (lin_dict)
    h_p = jax.nn.relu(x_paper @ p['W_in_paper'] + p['b_in_paper'])
    h_a = jax.nn.relu(x_author @ p['W_in_author'] + p['b_in_author'])

    def kqv(h, t):
        k = (h @ p['Wk_' + t] + p['bk_' + t]).reshape(-1, H, DH)
        q = (h @ p['Wq_' + t] + p['bq_' + t]).reshape(-1, H, DH)
        v = (h @ p['Wv_' + t] + p['bv_' + t]).reshape(-1, H, DH)
        return k, q, v

    k_p, q_p, v_p = kqv(h_p, 'paper')
    k_a, q_a, v_a = kqv(h_a, 'author')

    def rel_agg(k_src, v_src, q_dst, ei, et, n_dst):
        src, dst = ei[0], ei[1]
        # relation-specific key/message transforms (per-head matmul)
        k_e = jnp.einsum('ehd,hdf->ehf', k_src[src], p['Watt_' + et])
        v_e = jnp.einsum('ehd,hdf->ehf', v_src[src], p['Wmsg_' + et])
        alpha = (q_dst[dst] * k_e).sum(-1) * p['mu_' + et] / jnp.sqrt(jnp.float32(DH))
        # segment softmax over incoming edges per dst node
        m = jax.ops.segment_max(alpha, dst, num_segments=n_dst)
        m = jax.lax.stop_gradient(jnp.where(jnp.isfinite(m), m, 0.0))
        ex = jnp.exp(alpha - m[dst])
        s = jax.ops.segment_sum(ex, dst, num_segments=n_dst)
        a = ex / (s[dst] + 1e-16)
        agg = jax.ops.segment_sum(v_e * a[..., None], dst, num_segments=n_dst)
        return agg.reshape(n_dst, HID)

    # group='sum' over the two edge types targeting 'paper'
    agg_p = rel_agg(k_a, v_a, q_p, ei_w, 'writes', n_paper) + \
            rel_agg(k_p, v_p, q_p, ei_c, 'cites', n_paper)
    o = jax.nn.gelu(agg_p, approximate=False) @ p['Wa_paper'] + p['ba_paper']
    beta = jax.nn.sigmoid(p['skip_paper'])
    h_p2 = beta * o + (1.0 - beta) * h_p
    return h_p2 @ p['W_out'] + p['b_out']


def reference(x_paper, x_author, params, edge_index_writes, edge_index_cites):
    return _hgt_forward(x_paper, x_author, params, edge_index_writes, edge_index_cites)

if __name__ == "__main__":
    import jax
    _d = setup_inputs()
    print(jax.jit(kernel)(*tuple(_d.values())))

</pallas_src>

<mosaic_0001>
#map = affine_map<(d0, d1) -> (0, 0)>
#map1 = affine_map<(d0, d1) -> (0)>
module attributes {stable_mosaic.version = 14 : i64} {
  func.func @body_ws(%arg0: i32, %arg1: i32, %arg2: memref<300000x128xf32, #tpu.memory_space<hbm>>, %arg3: memref<300000xi32, #tpu.memory_space<hbm>>, %arg4: memref<300000x128xf32, #tpu.memory_space<hbm>>, %arg5: memref<300000xi32, #tpu.memory_space<hbm>>, %arg6: memref<3136x128xf32, #tpu.memory_space<hbm>>, %arg7: memref<3136x128xf32, #tpu.memory_space<hbm>>, %arg8: memref<96xi32, #tpu.memory_space<vmem>>, %arg9: memref<96xi32, #tpu.memory_space<vmem>>, %arg10: memref<96xi32, #tpu.memory_space<vmem>>, %arg11: memref<96xi32, #tpu.memory_space<vmem>>, %arg12: memref<96x128xf32, #tpu.memory_space<vmem>>, %arg13: memref<96x128xf32, #tpu.memory_space<vmem>>, %arg14: memref<112x128xf32, #tpu.memory_space<vmem>>, %arg15: memref<1576x128xf32, #tpu.memory_space<vmem_shared>>, %arg16: memref<!tpu.dma_semaphore, #tpu.memory_space<semaphore_mem>>, %arg17: memref<!tpu.dma_semaphore, #tpu.memory_space<semaphore_mem>>) attributes {dimension_semantics = [#tpu.dimension_semantics<core_parallel>, #tpu.dimension_semantics<subcore_parallel>], iteration_bounds = array<i64: 2, 16>, scalar_prefetch = 0 : i64, scratch_operands = 10 : i64, tpu.core_type = #tpu.core_type<sc_vector_subcore>, window_params = [{transform_indices = #map}, {transform_indices = #map1}, {transform_indices = #map}, {transform_indices = #map1}, {transform_indices = #map}, {transform_indices = #map}]} {
    %scan3A = arith.constant 0 : i32
    %scan3A_0 = arith.constant 0 : i32
    %scan3A_1 = arith.constant 112 : i32
    %scan3A_2 = arith.addi %scan3A_0, %scan3A_1 : i32
    %scan3A_3 = arith.constant 1 : i32
    scf.for %scan3A_69 = %scan3A_0 to %scan3A_2 step %scan3A_3  : i32 {
      %broadcast_in_dim3A = arith.constant 0.000000e+00 : f32
      %broadcast_in_dim3A_70 = vector.broadcast %broadcast_in_dim3A : f32 to vector<16xf32>
      %swap3A = arith.index_cast %scan3A_69 : i32 to index
      %swap3A_71 = arith.constant 0 : index
      %swap3A_72 = tpu.vector_load %arg14[%swap3A, %swap3A_71] {strides = array<i32>} : memref<112x128xf32, #tpu.memory_space<vmem>>, vector<1x16xf32>,
      %swap3A_73 = vector.shape_cast %swap3A_72 : vector<1x16xf32> to vector<16xf32>
      %swap3A_74 = vector.shape_cast %broadcast_in_dim3A_70 : vector<16xf32> to vector<1x16xf32>
      tpu.vector_store %arg14[%swap3A, %swap3A_71], %swap3A_74 {strides = array<i32>} : memref<112x128xf32, #tpu.memory_space<vmem>>, vector<1x16xf32>,
      %broadcast_in_dim3A_75 = arith.constant 0.000000e+00 : f32
      %broadcast_in_dim3A_76 = vector.broadcast %broadcast_in_dim3A_75 : f32 to vector<16xf32>
      %swap3A_77 = arith.index_cast %scan3A_69 : i32 to index
      %swap3A_78 = arith.constant 16 : index
      %swap3A_79 = tpu.vector_load %arg14[%swap3A_77, %swap3A_78] {strides = array<i32>} : memref<112x128xf32, #tpu.memory_space<vmem>>, vector<1x16xf32>,
      %swap3A_80 = vector.shape_cast %swap3A_79 : vector<1x16xf32> to vector<16xf32>
      %swap3A_81 = vector.shape_cast %broadcast_in_dim3A_76 : vector<16xf32> to vector<1x16xf32>
      tpu.vector_store %arg14[%swap3A_77, %swap3A_78], %swap3A_81 {strides = array<i32>} : memref<112x128xf32, #tpu.memory_space<vmem>>, vector<1x16xf32>,
      %broadcast_in_dim3A_82 = arith.constant 0.000000e+00 : f32
      %broadcast_in_dim3A_83 = vector.broadcast %broadcast_in_dim3A_82 : f32 to vector<16xf32>
      %swap3A_84 = arith.index_cast %scan3A_69 : i32 to index
      %swap3A_85 = arith.constant 32 : index
      %swap3A_86 = tpu.vector_load %arg14[%swap3A_84, %swap3A_85] {strides = array<i32>} : memref<112x128xf32, #tpu.memory_space<vmem>>, vector<1x16xf32>,
      %swap3A_87 = vector.shape_cast %swap3A_86 : vector<1x16xf32> to vector<16xf32>
      %swap3A_88 = vector.shape_cast %broadcast_in_dim3A_83 : vector<16xf32> to vector<1x16xf32>
      tpu.vector_store %arg14[%swap3A_84, %swap3A_85], %swap3A_88 {strides = array<i32>} : memref<112x128xf32, #tpu.memory_space<vmem>>, vector<1x16xf32>,
      %broadcast_in_dim3A_89 = arith.constant 0.000000e+00 : f32
      %broadcast_in_dim3A_90 = vector.broadcast %broadcast_in_dim3A_89 : f32 to vector<16xf32>
      %swap3A_91 = arith.index_cast %scan3A_69 : i32 to index
      %swap3A_92 = arith.constant 48 : index
      %swap3A_93 = tpu.vector_load %arg14[%swap3A_91, %swap3A_92] {strides = array<i32>} : memref<112x128xf32, #tpu.memory_space<vmem>>, vector<1x16xf32>,
      %swap3A_94 = vector.shape_cast %swap3A_93 : vector<1x16xf32> to vector<16xf32>
      %swap3A_95 = vector.shape_cast %broadcast_in_dim3A_90 : vector<16xf32> to vector<1x16xf32>
      tpu.vector_store %arg14[%swap3A_91, %swap3A_92], %swap3A_95 {strides = array<i32>} : memref<112x128xf32, #tpu.memory_space<vmem>>, vector<1x16xf32>,
      %broadcast_in_dim3A_96 = arith.constant 0.000000e+00 : f32
      %broadcast_in_dim3A_97 = vector.broadcast %broadcast_in_dim3A_96 : f32 to vector<16xf32>
      %swap3A_98 = arith.index_cast %scan3A_69 : i32 to index
      %swap3A_99 = arith.constant 64 : index
      %swap3A_100 = tpu.vector_load %arg14[%swap3A_98, %swap3A_99] {strides = array<i32>} : memref<112x128xf32, #tpu.memory_space<vmem>>, vector<1x16xf32>,
      %swap3A_101 = vector.shape_cast %swap3A_100 : vector<1x16xf32> to vector<16xf32>
      %swap3A_102 = vector.shape_cast %broadcast_in_dim3A_97 : vector<16xf32> to vector<1x16xf32>
      tpu.vector_store %arg14[%swap3A_98, %swap3A_99], %swap3A_102 {strides = array<i32>} : memref<112x128xf32, #tpu.memory_space<vmem>>, vector<1x16xf32>,
      %broadcast_in_dim3A_103 = arith.constant 0.000000e+00 : f32
      %broadcast_in_dim3A_104 = vector.broadcast %broadcast_in_dim3A_103 : f32 to vector<16xf32>
      %swap3A_105 = arith.index_cast %scan3A_69 : i32 to index
      %swap3A_106 = arith.constant 80 : index
      %swap3A_107 = tpu.vector_load %arg14[%swap3A_105, %swap3A_106] {strides = array<i32>} : memref<112x128xf32, #tpu.memory_space<vmem>>, vector<1x16xf32>,
      %swap3A_108 = vector.shape_cast %swap3A_107 : vector<1x16xf32> to vector<16xf32>
      %swap3A_109 = vector.shape_cast %broadcast_in_dim3A_104 : vector<16xf32> to vector<1x16xf32>
      tpu.vector_store %arg14[%swap3A_105, %swap3A_106], %swap3A_109 {strides = array<i32>} : memref<112x128xf32, #tpu.memory_space<vmem>>, vector<1x16xf32>,
      %broadcast_in_dim3A_110 = arith.constant 0.000000e+00 : f32
      %broadcast_in_dim3A_111 = vector.broadcast %broadcast_in_dim3A_110 : f32 to vector<16xf32>
      %swap3A_112 = arith.index_cast %scan3A_69 : i32 to index
      %swap3A_113 = arith.constant 96 : index
      %swap3A_114 = tpu.vector_load %arg14[%swap3A_112, %swap3A_113] {strides = array<i32>} : memref<112x128xf32, #tpu.memory_space<vmem>>, vector<1x16xf32>,
      %swap3A_115 = vector.shape_cast %swap3A_114 : vector<1x16xf32> to vector<16xf32>
      %swap3A_116 = vector.shape_cast %broadcast_in_dim3A_111 : vector<16xf32> to vector<1x16xf32>
      tpu.vector_store %arg14[%swap3A_112, %swap3A_113], %swap3A_116 {strides = array<i32>} : memref<112x128xf32, #tpu.memory_space<vmem>>, vector<1x16xf32>,
      %broadcast_in_dim3A_117 = arith.constant 0.000000e+00 : f32
      %broadcast_in_dim3A_118 = vector.broadcast %broadcast_in_dim3A_117 : f32 to vector<16xf32>
      %swap3A_119 = arith.index_cast %scan3A_69 : i32 to index
      %swap3A_120 = arith.constant 112 : index
      %swap3A_121 = tpu.vector_load %arg14[%swap3A_119, %swap3A_120] {strides = array<i32>} : memref<112x128xf32, #tpu.memory_space<vmem>>, vector<1x16xf32>,
      %swap3A_122 = vector.shape_cast %swap3A_121 : vector<1x16xf32> to vector<16xf32>
      %swap3A_123 = vector.shape_cast %broadcast_in_dim3A_118 : vector<16xf32> to vector<1x16xf32>
      tpu.vector_store %arg14[%swap3A_119, %swap3A_120], %swap3A_123 {strides = array<i32>} : memref<112x128xf32, #tpu.memory_space<vmem>>, vector<1x16xf32>,
    }
    %scan3A_4 = arith.constant 112 : i32
    %mul3A = arith.constant 1568 : i32
    %mul3A_5 = arith.muli %arg0, %mul3A : i32
    %lt3A = arith.constant 7 : i32
    %lt3A_6 = arith.cmpi slt, %arg1, %lt3A : i32
    %convert_element_type3A = arith.extui %lt3A_6 : i1 to i32
    %cond3A = arith.constant 0 : i32
    %cond3A_7 = arith.cmpi ne, %convert_element_type3A, %cond3A : i32
    scf.if %cond3A_7 {
      %mul3A_69 = arith.constant 224 : i32
      %mul3A_70 = arith.muli %arg1, %mul3A_69 : i32
      "tpu.region"() ({
        %run_scoped3A = tpu.sem_alloc : memref<!tpu.dma_semaphore, #tpu.memory_space<semaphore_mem>>
        %dma_start3A = arith.constant 0 : i32
        %dma_start3A_75 = tpu.memref_slice %arg15[%mul3A_70, %dma_start3A] : memref<1576x128xf32, #tpu.memory_space<vmem_shared>> -> memref<112x128xf32, #tpu.memory_space<vmem_shared>>
        %dma_start3A_76 = arith.constant 0 : i32
        %dma_start3A_77 = tpu.memref_slice %arg15[%mul3A_70, %dma_start3A_76] : memref<1576x128xf32, #tpu.memory_space<vmem_shared>> -> memref<112x128xf32, #tpu.memory_space<vmem_shared>>
        tpu.enqueue_dma source(%arg14 : memref<112x128xf32, #tpu.memory_space<vmem>>) target(%dma_start3A_77 : memref<112x128xf32, #tpu.memory_space<vmem_shared>>) target_semaphore(%run_scoped3A : memref<!tpu.dma_semaphore, #tpu.memory_space<semaphore_mem>>)
        %dma_wait3A = arith.constant 0 : i32
        %dma_wait3A_78 = tpu.memref_slice %arg15[%mul3A_70, %dma_wait3A] : memref<1576x128xf32, #tpu.memory_space<vmem_shared>> -> memref<112x128xf32, #tpu.memory_space<vmem_shared>>
        %dma_wait3A_79 = arith.constant 0 : i32
        %dma_wait3A_80 = tpu.memref_slice %arg15[%mul3A_70, %dma_wait3A_79] : memref<1576x128xf32, #tpu.memory_space<vmem_shared>> -> memref<112x128xf32, #tpu.memory_space<vmem_shared>>
        tpu.wait_dma2 semaphore(%run_scoped3A : memref<!tpu.dma_semaphore, #tpu.memory_space<semaphore_mem>>) src(%arg14 : memref<112x128xf32, #tpu.memory_space<vmem>>) dst(%dma_wait3A_80 : memref<112x128xf32, #tpu.memory_space<vmem_shared>>)
        tpu.yield
      }) : () -> ()
      %mul3A_71 = arith.constant 224 : i32
      %mul3A_72 = arith.muli %arg1, %mul3A_71 : i32
      %add3A_73 = arith.constant 112 : i32
      %add3A_74 = arith.addi %mul3A_72, %add3A_73 : i32
      "tpu.region"() ({
        %run_scoped3A = tpu.sem_alloc : memref<!tpu.dma_semaphore, #tpu.memory_space<semaphore_mem>>
        %dma_start3A = arith.constant 0 : i32
        %dma_start3A_75 = tpu.memref_slice %arg15[%add3A_74, %dma_start3A] : memref<1576x128xf32, #tpu.memory_space<vmem_shared>> -> memref<112x128xf32, #tpu.memory_space<vmem_shared>>
        %dma_start3A_76 = arith.constant 0 : i32
        %dma_start3A_77 = tpu.memref_slice %arg15[%add3A_74, %dma_start3A_76] : memref<1576x128xf32, #tpu.memory_space<vmem_shared>> -> memref<112x128xf32, #tpu.memory_space<vmem_shared>>
        tpu.enqueue_dma source(%arg14 : memref<112x128xf32, #tpu.memory_space<vmem>>) target(%dma_start3A_77 : memref<112x128xf32, #tpu.memory_space<vmem_shared>>) target_semaphore(%run_scoped3A : memref<!tpu.dma_semaphore, #tpu.memory_space<semaphore_mem>>)
        %dma_wait3A = arith.constant 0 : i32
        %dma_wait3A_78 = tpu.memref_slice %arg15[%add3A_74, %dma_wait3A] : memref<1576x128xf32, #tpu.memory_space<vmem_shared>> -> memref<112x128xf32, #tpu.memory_space<vmem_shared>>
        %dma_wait3A_79 = arith.constant 0 : i32
        %dma_wait3A_80 = tpu.memref_slice %arg15[%add3A_74, %dma_wait3A_79] : memref<1576x128xf32, #tpu.memory_space<vmem_shared>> -> memref<112x128xf32, #tpu.memory_space<vmem_shared>>
        tpu.wait_dma2 semaphore(%run_scoped3A : memref<!tpu.dma_semaphore, #tpu.memory_space<semaphore_mem>>) src(%arg14 : memref<112x128xf32, #tpu.memory_space<vmem>>) dst(%dma_wait3A_80 : memref<112x128xf32, #tpu.memory_space<vmem_shared>>)
        tpu.yield
      }) : () -> ()
    } else {
    }
    %barrier3A = arith.constant 0 : index
    tpu.barrier barrier_id(%barrier3A)
    %add3A = arith.constant 0 : i32
    %add3A_8 = arith.addi %arg1, %add3A : i32
    %lt3A_9 = arith.constant 3125 : i32
    %lt3A_10 = arith.cmpi slt, %add3A_8, %lt3A_9 : i32
    %convert_element_type3A_11 = arith.extui %lt3A_10 : i1 to i32
    %cond3A_12 = arith.constant 0 : i32
    %cond3A_13 = arith.cmpi ne, %convert_element_type3A_11, %cond3A_12 : i32
    scf.if %cond3A_13 {
      %mul3A_69 = arith.constant 96 : i32
      %mul3A_70 = arith.muli %add3A_8, %mul3A_69 : i32
      %dma_start3A = tpu.memref_slice %arg3[%mul3A_70] : memref<300000xi32, #tpu.memory_space<hbm>> -> memref<96xi32, #tpu.memory_space<hbm>>
      %dma_start3A_71 = tpu.memref_slice %arg3[%mul3A_70] : memref<300000xi32, #tpu.memory_space<hbm>> -> memref<96xi32, #tpu.memory_space<hbm>>
      tpu.enqueue_dma source(%dma_start3A_71 : memref<96xi32, #tpu.memory_space<hbm>>) target(%arg8 : memref<96xi32, #tpu.memory_space<vmem>>) target_semaphore(%arg16 : memref<!tpu.dma_semaphore, #tpu.memory_space<semaphore_mem>>)
      %dma_start3A_72 = arith.constant 0 : i32
      %dma_start3A_73 = tpu.memref_slice %arg2[%mul3A_70, %dma_start3A_72] : memref<300000x128xf32, #tpu.memory_space<hbm>> -> memref<96x128xf32, #tpu.memory_space<hbm>>
      %dma_start3A_74 = arith.constant 0 : i32
      %dma_start3A_75 = tpu.memref_slice %arg2[%mul3A_70, %dma_start3A_74] : memref<300000x128xf32, #tpu.memory_space<hbm>> -> memref<96x128xf32, #tpu.memory_space<hbm>>
      tpu.enqueue_dma source(%dma_start3A_75 : memref<96x128xf32, #tpu.memory_space<hbm>>) target(%arg12 : memref<96x128xf32, #tpu.memory_space<vmem>>) target_semaphore(%arg16 : memref<!tpu.dma_semaphore, #tpu.memory_space<semaphore_mem>>)
    } else {
    }
    %add3A_14 = arith.constant 16 : i32
    %add3A_15 = arith.addi %arg1, %add3A_14 : i32
    %lt3A_16 = arith.constant 3125 : i32
    %lt3A_17 = arith.cmpi slt, %add3A_15, %lt3A_16 : i32
    %convert_element_type3A_18 = arith.extui %lt3A_17 : i1 to i32
    %cond3A_19 = arith.constant 0 : i32
    %cond3A_20 = arith.cmpi ne, %convert_element_type3A_18, %cond3A_19 : i32
    scf.if %cond3A_20 {
      %mul3A_69 = arith.constant 96 : i32
      %mul3A_70 = arith.muli %add3A_15, %mul3A_69 : i32
      %dma_start3A = tpu.memref_slice %arg3[%mul3A_70] : memref<300000xi32, #tpu.memory_space<hbm>> -> memref<96xi32, #tpu.memory_space<hbm>>
      %dma_start3A_71 = tpu.memref_slice %arg3[%mul3A_70] : memref<300000xi32, #tpu.memory_space<hbm>> -> memref<96xi32, #tpu.memory_space<hbm>>
      tpu.enqueue_dma source(%dma_start3A_71 : memref<96xi32, #tpu.memory_space<hbm>>) target(%arg9 : memref<96xi32, #tpu.memory_space<vmem>>) target_semaphore(%arg17 : memref<!tpu.dma_semaphore, #tpu.memory_space<semaphore_mem>>)
      %dma_start3A_72 = arith.constant 0 : i32
      %dma_start3A_73 = tpu.memref_slice %arg2[%mul3A_70, %dma_start3A_72] : memref<300000x128xf32, #tpu.memory_space<hbm>> -> memref<96x128xf32, #tpu.memory_space<hbm>>
      %dma_start3A_74 = arith.constant 0 : i32
      %dma_start3A_75 = tpu.memref_slice %arg2[%mul3A_70, %dma_start3A_74] : memref<300000x128xf32, #tpu.memory_space<hbm>> -> memref<96x128xf32, #tpu.memory_space<hbm>>
      tpu.enqueue_dma source(%dma_start3A_75 : memref<96x128xf32, #tpu.memory_space<hbm>>) target(%arg13 : memref<96x128xf32, #tpu.memory_space<vmem>>) target_semaphore(%arg17 : memref<!tpu.dma_semaphore, #tpu.memory_space<semaphore_mem>>)
    } else {
    }
    %scan3A_21 = arith.constant 0 : i32
    %scan3A_22 = arith.constant 0 : i32
    %scan3A_23 = arith.constant 98 : i32
    %scan3A_24 = arith.addi %scan3A_22, %scan3A_23 : i32
    %scan3A_25 = arith.constant 1 : i32
    scf.for %scan3A_69 = %scan3A_22 to %scan3A_24 step %scan3A_25  : i32 {
      %mul3A_70 = arith.constant 2 : i32
      %mul3A_71 = arith.muli %scan3A_69, %mul3A_70 : i32
      %mul3A_72 = arith.constant 16 : i32
      %mul3A_73 = arith.muli %mul3A_71, %mul3A_72 : i32
      %add3A_74 = arith.addi %arg1, %mul3A_73 : i32
      %lt3A_75 = arith.constant 3125 : i32
      %lt3A_76 = arith.cmpi slt, %add3A_74, %lt3A_75 : i32
      %convert_element_type3A_77 = arith.extui %lt3A_76 : i1 to i32
      %cond3A_78 = arith.constant 0 : i32
      %cond3A_79 = arith.cmpi ne, %convert_element_type3A_77, %cond3A_78 : i32
      scf.if %cond3A_79 {
        %mul3A_110 = arith.constant 96 : i32
        %mul3A_111 = arith.muli %add3A_74, %mul3A_110 : i32
        %dma_wait3A = tpu.memref_slice %arg3[%mul3A_111] : memref<300000xi32, #tpu.memory_space<hbm>> -> memref<96xi32, #tpu.memory_space<hbm>>
        %dma_wait3A_112 = tpu.memref_slice %arg3[%mul3A_111] : memref<300000xi32, #tpu.memory_space<hbm>> -> memref<96xi32, #tpu.memory_space<hbm>>
        tpu.wait_dma2 semaphore(%arg16 : memref<!tpu.dma_semaphore, #tpu.memory_space<semaphore_mem>>) src(%dma_wait3A_112 : memref<96xi32, #tpu.memory_space<hbm>>) dst(%arg8 : memref<96xi32, #tpu.memory_space<vmem>>)
        %dma_wait3A_113 = arith.constant 0 : i32
        %dma_wait3A_114 = tpu.memref_slice %arg2[%mul3A_111, %dma_wait3A_113] : memref<300000x128xf32, #tpu.memory_space<hbm>> -> memref<96x128xf32, #tpu.memory_space<hbm>>
        %dma_wait3A_115 = arith.constant 0 : i32
        %dma_wait3A_116 = tpu.memref_slice %arg2[%mul3A_111, %dma_wait3A_115] : memref<300000x128xf32, #tpu.memory_space<hbm>> -> memref<96x128xf32, #tpu.memory_space<hbm>>
        tpu.wait_dma2 semaphore(%arg16 : memref<!tpu.dma_semaphore, #tpu.memory_space<semaphore_mem>>) src(%dma_wait3A_116 : memref<96x128xf32, #tpu.memory_space<hbm>>) dst(%arg12 : memref<96x128xf32, #tpu.memory_space<vmem>>)
        %get3A = arith.constant 0 : index
        %get3A_117 = tpu.vector_load %arg8[%get3A] {strides = array<i32>} : memref<96xi32, #tpu.memory_space<vmem>>, vector<16xi32>,
        %get3A_118 = vector.shape_cast %get3A_117 : vector<16xi32> to vector<16xi32>
        %shift_right_logical3A = arith.constant 4 : i32
        %shift_right_logical3A_119 = vector.broadcast %shift_right_logical3A : i32 to vector<16xi32>
        %shift_right_logical3A_120 = arith.shrui %get3A_118, %shift_right_logical3A_119 : vector<16xi32>
        %ge3A = vector.broadcast %mul3A_5 : i32 to vector<16xi32>
        %ge3A_121 = arith.cmpi sge, %shift_right_logical3A_120, %ge3A : vector<16xi32>
        %add3A_122 = arith.constant 1568 : i32
        %add3A_123 = arith.addi %mul3A_5, %add3A_122 : i32
        %lt3A_124 = vector.broadcast %add3A_123 : i32 to vector<16xi32>
        %lt3A_125 = arith.cmpi slt, %shift_right_logical3A_120, %lt3A_124 : vector<16xi32>
        %and3A = arith.andi %ge3A_121, %lt3A_125 : vector<16xi1>
        %sub3A = vector.broadcast %mul3A_5 : i32 to vector<16xi32>
        %sub3A_126 = arith.subi %shift_right_logical3A_120, %sub3A : vector<16xi32>
        %jit3A = arith.constant 1568 : i32
        %broadcast_in_dim3A = vector.broadcast %jit3A : i32 to vector<16xi32>
        %select_n3A = arith.select %and3A, %sub3A_126, %broadcast_in_dim3A : vector<16xi1>, vector<16xi32>
        %swap3A = arith.constant 0 : index
        %swap3A_127 = tpu.vector_load %arg10[%swap3A] {strides = array<i32>} : memref<96xi32, #tpu.memory_space<vmem>>, vector<16xi32>,
        %swap3A_128 = vector.shape_cast %swap3A_127 : vector<16xi32> to vector<16xi32>
        %swap3A_129 = vector.shape_cast %select_n3A : vector<16xi32> to vector<16xi32>
        tpu.vector_store %arg10[%swap3A], %swap3A_129 {strides = array<i32>} : memref<96xi32, #tpu.memory_space<vmem>>, vector<16xi32>,
        %get3A_130 = arith.constant 16 : index
        %get3A_131 = tpu.vector_load %arg8[%get3A_130] {strides = array<i32>} : memref<96xi32, #tpu.memory_space<vmem>>, vector<16xi32>,
        %get3A_132 = vector.shape_cast %get3A_131 : vector<16xi32> to vector<16xi32>
        %shift_right_logical3A_133 = arith.constant 4 : i32
        %shift_right_logical3A_134 = vector.broadcast %shift_right_logical3A_133 : i32 to vector<16xi32>
        %shift_right_logical3A_135 = arith.shrui %get3A_132, %shift_right_logical3A_134 : vector<16xi32>
        %ge3A_136 = vector.broadcast %mul3A_5 : i32 to vector<16xi32>
        %ge3A_137 = arith.cmpi sge, %shift_right_logical3A_135, %ge3A_136 : vector<16xi32>
        %add3A_138 = arith.constant 1568 : i32
        %add3A_139 = arith.addi %mul3A_5, %add3A_138 : i32
        %lt3A_140 = vector.broadcast %add3A_139 : i32 to vector<16xi32>
        %lt3A_141 = arith.cmpi slt, %shift_right_logical3A_135, %lt3A_140 : vector<16xi32>
        %and3A_142 = arith.andi %ge3A_137, %lt3A_141 : vector<16xi1>
        %sub3A_143 = vector.broadcast %mul3A_5 : i32 to vector<16xi32>
        %sub3A_144 = arith.subi %shift_right_logical3A_135, %sub3A_143 : vector<16xi32>
        %jit3A_145 = arith.constant 1568 : i32
        %broadcast_in_dim3A_146 = vector.broadcast %jit3A_145 : i32 to vector<16xi32>
        %select_n3A_147 = arith.select %and3A_142, %sub3A_144, %broadcast_in_dim3A_146 : vector<16xi1>, vector<16xi32>
        %swap3A_148 = arith.constant 16 : index
        %swap3A_149 = tpu.vector_load %arg10[%swap3A_148] {strides = array<i32>} : memref<96xi32, #tpu.memory_space<vmem>>, vector<16xi32>,
        %swap3A_150 = vector.shape_cast %swap3A_149 : vector<16xi32> to vector<16xi32>
        %swap3A_151 = vector.shape_cast %select_n3A_147 : vector<16xi32> to vector<16xi32>
        tpu.vector_store %arg10[%swap3A_148], %swap3A_151 {strides = array<i32>} : memref<96xi32, #tpu.memory_space<vmem>>, vector<16xi32>,
        %get3A_152 = arith.constant 32 : index
        %get3A_153 = tpu.vector_load %arg8[%get3A_152] {strides = array<i32>} : memref<96xi32, #tpu.memory_space<vmem>>, vector<16xi32>,
        %get3A_154 = vector.shape_cast %get3A_153 : vector<16xi32> to vector<16xi32>
        %shift_right_logical3A_155 = arith.constant 4 : i32
        %shift_right_logical3A_156 = vector.broadcast %shift_right_logical3A_155 : i32 to vector<16xi32>
        %shift_right_logical3A_157 = arith.shrui %get3A_154, %shift_right_logical3A_156 : vector<16xi32>
        %ge3A_158 = vector.broadcast %mul3A_5 : i32 to vector<16xi32>
        %ge3A_159 = arith.cmpi sge, %shift_right_logical3A_157, %ge3A_158 : vector<16xi32>
        %add3A_160 = arith.constant 1568 : i32
        %add3A_161 = arith.addi %mul3A_5, %add3A_160 : i32
        %lt3A_162 = vector.broadcast %add3A_161 : i32 to vector<16xi32>
        %lt3A_163 = arith.cmpi slt, %shift_right_logical3A_157, %lt3A_162 : vector<16xi32>
        %and3A_164 = arith.andi %ge3A_159, %lt3A_163 : vector<16xi1>
        %sub3A_165 = vector.broadcast %mul3A_5 : i32 to vector<16xi32>
        %sub3A_166 = arith.subi %shift_right_logical3A_157, %sub3A_165 : vector<16xi32>
        %jit3A_167 = arith.constant 1568 : i32
        %broadcast_in_dim3A_168 = vector.broadcast %jit3A_167 : i32 to vector<16xi32>
        %select_n3A_169 = arith.select %and3A_164, %sub3A_166, %broadcast_in_dim3A_168 : vector<16xi1>, vector<16xi32>
        %swap3A_170 = arith.constant 32 : index
        %swap3A_171 = tpu.vector_load %arg10[%swap3A_170] {strides = array<i32>} : memref<96xi32, #tpu.memory_space<vmem>>, vector<16xi32>,
        %swap3A_172 = vector.shape_cast %swap3A_171 : vector<16xi32> to vector<16xi32>
        %swap3A_173 = vector.shape_cast %select_n3A_169 : vector<16xi32> to vector<16xi32>
        tpu.vector_store %arg10[%swap3A_170], %swap3A_173 {strides = array<i32>} : memref<96xi32, #tpu.memory_space<vmem>>, vector<16xi32>,
        %get3A_174 = arith.constant 48 : index
        %get3A_175 = tpu.vector_load %arg8[%get3A_174] {strides = array<i32>} : memref<96xi32, #tpu.memory_space<vmem>>, vector<16xi32>,
        %get3A_176 = vector.shape_cast %get3A_175 : vector<16xi32> to vector<16xi32>
        %shift_right_logical3A_177 = arith.constant 4 : i32
        %shift_right_logical3A_178 = vector.broadcast %shift_right_logical3A_177 : i32 to vector<16xi32>
        %shift_right_logical3A_179 = arith.shrui %get3A_176, %shift_right_logical3A_178 : vector<16xi32>
        %ge3A_180 = vector.broadcast %mul3A_5 : i32 to vector<16xi32>
        %ge3A_181 = arith.cmpi sge, %shift_right_logical3A_179, %ge3A_180 : vector<16xi32>
        %add3A_182 = arith.constant 1568 : i32
        %add3A_183 = arith.addi %mul3A_5, %add3A_182 : i32
        %lt3A_184 = vector.broadcast %add3A_183 : i32 to vector<16xi32>
        %lt3A_185 = arith.cmpi slt, %shift_right_logical3A_179, %lt3A_184 : vector<16xi32>
        %and3A_186 = arith.andi %ge3A_181, %lt3A_185 : vector<16xi1>
        %sub3A_187 = vector.broadcast %mul3A_5 : i32 to vector<16xi32>
        %sub3A_188 = arith.subi %shift_right_logical3A_179, %sub3A_187 : vector<16xi32>
        %jit3A_189 = arith.constant 1568 : i32
        %broadcast_in_dim3A_190 = vector.broadcast %jit3A_189 : i32 to vector<16xi32>
        %select_n3A_191 = arith.select %and3A_186, %sub3A_188, %broadcast_in_dim3A_190 : vector<16xi1>, vector<16xi32>
        %swap3A_192 = arith.constant 48 : index
        %swap3A_193 = tpu.vector_load %arg10[%swap3A_192] {strides = array<i32>} : memref<96xi32, #tpu.memory_space<vmem>>, vector<16xi32>,
        %swap3A_194 = vector.shape_cast %swap3A_193 : vector<16xi32> to vector<16xi32>
        %swap3A_195 = vector.shape_cast %select_n3A_191 : vector<16xi32> to vector<16xi32>
        tpu.vector_store %arg10[%swap3A_192], %swap3A_195 {strides = array<i32>} : memref<96xi32, #tpu.memory_space<vmem>>, vector<16xi32>,
        %get3A_196 = arith.constant 64 : index
        %get3A_197 = tpu.vector_load %arg8[%get3A_196] {strides = array<i32>} : memref<96xi32, #tpu.memory_space<vmem>>, vector<16xi32>,
        %get3A_198 = vector.shape_cast %get3A_197 : vector<16xi32> to vector<16xi32>
        %shift_right_logical3A_199 = arith.constant 4 : i32
        %shift_right_logical3A_200 = vector.broadcast %shift_right_logical3A_199 : i32 to vector<16xi32>
        %shift_right_logical3A_201 = arith.shrui %get3A_198, %shift_right_logical3A_200 : vector<16xi32>
        %ge3A_202 = vector.broadcast %mul3A_5 : i32 to vector<16xi32>
        %ge3A_203 = arith.cmpi sge, %shift_right_logical3A_201, %ge3A_202 : vector<16xi32>
        %add3A_204 = arith.constant 1568 : i32
        %add3A_205 = arith.addi %mul3A_5, %add3A_204 : i32
        %lt3A_206 = vector.broadcast %add3A_205 : i32 to vector<16xi32>
        %lt3A_207 = arith.cmpi slt, %shift_right_logical3A_201, %lt3A_206 : vector<16xi32>
        %and3A_208 = arith.andi %ge3A_203, %lt3A_207 : vector<16xi1>
        %sub3A_209 = vector.broadcast %mul3A_5 : i32 to vector<16xi32>
        %sub3A_210 = arith.subi %shift_right_logical3A_201, %sub3A_209 : vector<16xi32>
        %jit3A_211 = arith.constant 1568 : i32
        %broadcast_in_dim3A_212 = vector.broadcast %jit3A_211 : i32 to vector<16xi32>
        %select_n3A_213 = arith.select %and3A_208, %sub3A_210, %broadcast_in_dim3A_212 : vector<16xi1>, vector<16xi32>
        %swap3A_214 = arith.constant 64 : index
        %swap3A_215 = tpu.vector_load %arg10[%swap3A_214] {strides = array<i32>} : memref<96xi32, #tpu.memory_space<vmem>>, vector<16xi32>,
        %swap3A_216 = vector.shape_cast %swap3A_215 : vector<16xi32> to vector<16xi32>
        %swap3A_217 = vector.shape_cast %select_n3A_213 : vector<16xi32> to vector<16xi32>
        tpu.vector_store %arg10[%swap3A_214], %swap3A_217 {strides = array<i32>} : memref<96xi32, #tpu.memory_space<vmem>>, vector<16xi32>,
        %get3A_218 = arith.constant 80 : index
        %get3A_219 = tpu.vector_load %arg8[%get3A_218] {strides = array<i32>} : memref<96xi32, #tpu.memory_space<vmem>>, vector<16xi32>,
        %get3A_220 = vector.shape_cast %get3A_219 : vector<16xi32> to vector<16xi32>
        %shift_right_logical3A_221 = arith.constant 4 : i32
        %shift_right_logical3A_222 = vector.broadcast %shift_right_logical3A_221 : i32 to vector<16xi32>
        %shift_right_logical3A_223 = arith.shrui %get3A_220, %shift_right_logical3A_222 : vector<16xi32>
        %ge3A_224 = vector.broadcast %mul3A_5 : i32 to vector<16xi32>
        %ge3A_225 = arith.cmpi sge, %shift_right_logical3A_223, %ge3A_224 : vector<16xi32>
        %add3A_226 = arith.constant 1568 : i32
        %add3A_227 = arith.addi %mul3A_5, %add3A_226 : i32
        %lt3A_228 = vector.broadcast %add3A_227 : i32 to vector<16xi32>
        %lt3A_229 = arith.cmpi slt, %shift_right_logical3A_223, %lt3A_228 : vector<16xi32>
        %and3A_230 = arith.andi %ge3A_225, %lt3A_229 : vector<16xi1>
        %sub3A_231 = vector.broadcast %mul3A_5 : i32 to vector<16xi32>
        %sub3A_232 = arith.subi %shift_right_logical3A_223, %sub3A_231 : vector<16xi32>
        %jit3A_233 = arith.constant 1568 : i32
        %broadcast_in_dim3A_234 = vector.broadcast %jit3A_233 : i32 to vector<16xi32>
        %select_n3A_235 = arith.select %and3A_230, %sub3A_232, %broadcast_in_dim3A_234 : vector<16xi1>, vector<16xi32>
        %swap3A_236 = arith.constant 80 : index
        %swap3A_237 = tpu.vector_load %arg10[%swap3A_236] {strides = array<i32>} : memref<96xi32, #tpu.memory_space<vmem>>, vector<16xi32>,
        %swap3A_238 = vector.shape_cast %swap3A_237 : vector<16xi32> to vector<16xi32>
        %swap3A_239 = vector.shape_cast %select_n3A_235 : vector<16xi32> to vector<16xi32>
        tpu.vector_store %arg10[%swap3A_236], %swap3A_239 {strides = array<i32>} : memref<96xi32, #tpu.memory_space<vmem>>, vector<16xi32>,
        "tpu.region"() ({
          %run_scoped3A = tpu.sem_alloc : memref<!tpu.dma_semaphore, #tpu.memory_space<semaphore_mem>>
          %dma_start3A = arith.constant 0 : i32
          %dma_start3A_240 = arith.constant 0 : i32
          %dma_start3A_241 = tpu.memref_slice %arg15[%dma_start3A, %dma_start3A_240] : memref<1576x128xf32, #tpu.memory_space<vmem_shared>> -> memref<1576x128xf32, #tpu.memory_space<vmem_shared>>
          tpu.enqueue_indirect_dma source(%arg12 : memref<96x128xf32, #tpu.memory_space<vmem>>) target(%dma_start3A_241 : memref<1576x128xf32, #tpu.memory_space<vmem_shared>>) offsets(%arg10 : memref<96xi32, #tpu.memory_space<vmem>>) semaphore(%run_scoped3A : memref<!tpu.dma_semaphore, #tpu.memory_space<semaphore_mem>>) {add = true}
          %dma_wait3A_242 = arith.constant 0 : i32
          %dma_wait3A_243 = arith.constant 0 : i32
          %dma_wait3A_244 = tpu.memref_slice %arg15[%dma_wait3A_242, %dma_wait3A_243] : memref<1576x128xf32, #tpu.memory_space<vmem_shared>> -> memref<1576x128xf32, #tpu.memory_space<vmem_shared>>
          tpu.wait_indirect_dma semaphore(%run_scoped3A : memref<!tpu.dma_semaphore, #tpu.memory_space<semaphore_mem>>) src(%arg12 : memref<96x128xf32, #tpu.memory_space<vmem>>) dst(%dma_wait3A_244 : memref<1576x128xf32, #tpu.memory_space<vmem_shared>>)
          tpu.yield
        }) : () -> ()
      } else {
      }
      %add3A_80 = arith.constant 2 : i32
      %add3A_81 = arith.addi %mul3A_71, %add3A_80 : i32
      %mul3A_82 = arith.constant 16 : i32
      %mul3A_83 = arith.muli %add3A_81, %mul3A_82 : i32
      %add3A_84 = arith.addi %arg1, %mul3A_83 : i32
      %lt3A_85 = arith.constant 3125 : i32
      %lt3A_86 = arith.cmpi slt, %add3A_84, %lt3A_85 : i32
      %convert_element_type3A_87 = arith.extui %lt3A_86 : i1 to i32
      %cond3A_88 = arith.constant 0 : i32
      %cond3A_89 = arith.cmpi ne, %convert_element_type3A_87, %cond3A_88 : i32
      scf.if %cond3A_89 {
        %mul3A_110 = arith.constant 96 : i32
        %mul3A_111 = arith.muli %add3A_84, %mul3A_110 : i32
        %dma_start3A = tpu.memref_slice %arg3[%mul3A_111] : memref<300000xi32, #tpu.memory_space<hbm>> -> memref<96xi32, #tpu.memory_space<hbm>>
        %dma_start3A_112 = tpu.memref_slice %arg3[%mul3A_111] : memref<300000xi32, #tpu.memory_space<hbm>> -> memref<96xi32, #tpu.memory_space<hbm>>
        tpu.enqueue_dma source(%dma_start3A_112 : memref<96xi32, #tpu.memory_space<hbm>>) target(%arg8 : memref<96xi32, #tpu.memory_space<vmem>>) target_semaphore(%arg16 : memref<!tpu.dma_semaphore, #tpu.memory_space<semaphore_mem>>)
        %dma_start3A_113 = arith.constant 0 : i32
        %dma_start3A_114 = tpu.memref_slice %arg2[%mul3A_111, %dma_start3A_113] : memref<300000x128xf32, #tpu.memory_space<hbm>> -> memref<96x128xf32, #tpu.memory_space<hbm>>
        %dma_start3A_115 = arith.constant 0 : i32
        %dma_start3A_116 = tpu.memref_slice %arg2[%mul3A_111, %dma_start3A_115] : memref<300000x128xf32, #tpu.memory_space<hbm>> -> memref<96x128xf32, #tpu.memory_space<hbm>>
        tpu.enqueue_dma source(%dma_start3A_116 : memref<96x128xf32, #tpu.memory_space<hbm>>) target(%arg12 : memref<96x128xf32, #tpu.memory_space<vmem>>) target_semaphore(%arg16 : memref<!tpu.dma_semaphore, #tpu.memory_space<semaphore_mem>>)
      } else {
      }
      %add3A_90 = arith.constant 1 : i32
      %add3A_91 = arith.addi %mul3A_71, %add3A_90 : i32
      %mul3A_92 = arith.constant 16 : i32
      %mul3A_93 = arith.muli %add3A_91, %mul3A_92 : i32
      %add3A_94 = arith.addi %arg1, %mul3A_93 : i32
      %lt3A_95 = arith.constant 3125 : i32
      %lt3A_96 = arith.cmpi slt, %add3A_94, %lt3A_95 : i32
      %convert_element_type3A_97 = arith.extui %lt3A_96 : i1 to i32
      %cond3A_98 = arith.constant 0 : i32
      %cond3A_99 = arith.cmpi ne, %convert_element_type3A_97, %cond3A_98 : i32
      scf.if %cond3A_99 {
        %mul3A_110 = arith.constant 96 : i32
        %mul3A_111 = arith.muli %add3A_94, %mul3A_110 : i32
        %dma_wait3A = tpu.memref_slice %arg3[%mul3A_111] : memref<300000xi32, #tpu.memory_space<hbm>> -> memref<96xi32, #tpu.memory_space<hbm>>
        %dma_wait3A_112 = tpu.memref_slice %arg3[%mul3A_111] : memref<300000xi32, #tpu.memory_space<hbm>> -> memref<96xi32, #tpu.memory_space<hbm>>
        tpu.wait_dma2 semaphore(%arg17 : memref<!tpu.dma_semaphore, #tpu.memory_space<semaphore_mem>>) src(%dma_wait3A_112 : memref<96xi32, #tpu.memory_space<hbm>>) dst(%arg9 : memref<96xi32, #tpu.memory_space<vmem>>)
        %dma_wait3A_113 = arith.constant 0 : i32
        %dma_wait3A_114 = tpu.memref_slice %arg2[%mul3A_111, %dma_wait3A_113] : memref<300000x128xf32, #tpu.memory_space<hbm>> -> memref<96x128xf32, #tpu.memory_space<hbm>>
        %dma_wait3A_115 = arith.constant 0 : i32
        %dma_wait3A_116 = tpu.memref_slice %arg2[%mul3A_111, %dma_wait3A_115] : memref<300000x128xf32, #tpu.memory_space<hbm>> -> memref<96x128xf32, #tpu.memory_space<hbm>>
        tpu.wait_dma2 semaphore(%arg17 : memref<!tpu.dma_semaphore, #tpu.memory_space<semaphore_mem>>) src(%dma_wait3A_116 : memref<96x128xf32, #tpu.memory_space<hbm>>) dst(%arg13 : memref<96x128xf32, #tpu.memory_space<vmem>>)
        %get3A = arith.constant 0 : index
        %get3A_117 = tpu.vector_load %arg9[%get3A] {strides = array<i32>} : memref<96xi32, #tpu.memory_space<vmem>>, vector<16xi32>,
        %get3A_118 = vector.shape_cast %get3A_117 : vector<16xi32> to vector<16xi32>
        %shift_right_logical3A = arith.constant 4 : i32
        %shift_right_logical3A_119 = vector.broadcast %shift_right_logical3A : i32 to vector<16xi32>
        %shift_right_logical3A_120 = arith.shrui %get3A_118, %shift_right_logical3A_119 : vector<16xi32>
        %ge3A = vector.broadcast %mul3A_5 : i32 to vector<16xi32>
        %ge3A_121 = arith.cmpi sge, %shift_right_logical3A_120, %ge3A : vector<16xi32>
        %add3A_122 = arith.constant 1568 : i32
        %add3A_123 = arith.addi %mul3A_5, %add3A_122 : i32
        %lt3A_124 = vector.broadcast %add3A_123 : i32 to vector<16xi32>
        %lt3A_125 = arith.cmpi slt, %shift_right_logical3A_120, %lt3A_124 : vector<16xi32>
        %and3A = arith.andi %ge3A_121, %lt3A_125 : vector<16xi1>
        %sub3A = vector.broadcast %mul3A_5 : i32 to vector<16xi32>
        %sub3A_126 = arith.subi %shift_right_logical3A_120, %sub3A : vector<16xi32>
        %jit3A = arith.constant 1568 : i32
        %broadcast_in_dim3A = vector.broadcast %jit3A : i32 to vector<16xi32>
        %select_n3A = arith.select %and3A, %sub3A_126, %broadcast_in_dim3A : vector<16xi1>, vector<16xi32>
        %swap3A = arith.constant 0 : index
        %swap3A_127 = tpu.vector_load %arg11[%swap3A] {strides = array<i32>} : memref<96xi32, #tpu.memory_space<vmem>>, vector<16xi32>,
        %swap3A_128 = vector.shape_cast %swap3A_127 : vector<16xi32> to vector<16xi32>
        %swap3A_129 = vector.shape_cast %select_n3A : vector<16xi32> to vector<16xi32>
        tpu.vector_store %arg11[%swap3A], %swap3A_129 {strides = array<i32>} : memref<96xi32, #tpu.memory_space<vmem>>, vector<16xi32>,
        %get3A_130 = arith.constant 16 : index
        %get3A_131 = tpu.vector_load %arg9[%get3A_130] {strides = array<i32>} : memref<96xi32, #tpu.memory_space<vmem>>, vector<16xi32>,
        %get3A_132 = vector.shape_cast %get3A_131 : vector<16xi32> to vector<16xi32>
        %shift_right_logical3A_133 = arith.constant 4 : i32
        %shift_right_logical3A_134 = vector.broadcast %shift_right_logical3A_133 : i32 to vector<16xi32>
        %shift_right_logical3A_135 = arith.shrui %get3A_132, %shift_right_logical3A_134 : vector<16xi32>
        %ge3A_136 = vector.broadcast %mul3A_5 : i32 to vector<16xi32>
        %ge3A_137 = arith.cmpi sge, %shift_right_logical3A_135, %ge3A_136 : vector<16xi32>
        %add3A_138 = arith.constant 1568 : i32
        %add3A_139 = arith.addi %mul3A_5, %add3A_138 : i32
        %lt3A_140 = vector.broadcast %add3A_139 : i32 to vector<16xi32>
        %lt3A_141 = arith.cmpi slt, %shift_right_logical3A_135, %lt3A_140 : vector<16xi32>
        %and3A_142 = arith.andi %ge3A_137, %lt3A_141 : vector<16xi1>
        %sub3A_143 = vector.broadcast %mul3A_5 : i32 to vector<16xi32>
        %sub3A_144 = arith.subi %shift_right_logical3A_135, %sub3A_143 : vector<16xi32>
        %jit3A_145 = arith.constant 1568 : i32
        %broadcast_in_dim3A_146 = vector.broadcast %jit3A_145 : i32 to vector<16xi32>
        %select_n3A_147 = arith.select %and3A_142, %sub3A_144, %broadcast_in_dim3A_146 : vector<16xi1>, vector<16xi32>
        %swap3A_148 = arith.constant 16 : index
        %swap3A_149 = tpu.vector_load %arg11[%swap3A_148] {strides = array<i32>} : memref<96xi32, #tpu.memory_space<vmem>>, vector<16xi32>,
        %swap3A_150 = vector.shape_cast %swap3A_149 : vector<16xi32> to vector<16xi32>
        %swap3A_151 = vector.shape_cast %select_n3A_147 : vector<16xi32> to vector<16xi32>
        tpu.vector_store %arg11[%swap3A_148], %swap3A_151 {strides = array<i32>} : memref<96xi32, #tpu.memory_space<vmem>>, vector<16xi32>,
        %get3A_152 = arith.constant 32 : index
        %get3A_153 = tpu.vector_load %arg9[%get3A_152] {strides = array<i32>} : memref<96xi32, #tpu.memory_space<vmem>>, vector<16xi32>,
        %get3A_154 = vector.shape_cast %get3A_153 : vector<16xi32> to vector<16xi32>
        %shift_right_logical3A_155 = arith.constant 4 : i32
        %shift_right_logical3A_156 = vector.broadcast %shift_right_logical3A_155 : i32 to vector<16xi32>
        %shift_right_logical3A_157 = arith.shrui %get3A_154, %shift_right_logical3A_156 : vector<16xi32>
        %ge3A_158 = vector.broadcast %mul3A_5 : i32 to vector<16xi32>
        %ge3A_159 = arith.cmpi sge, %shift_right_logical3A_157, %ge3A_158 : vector<16xi32>
        %add3A_160 = arith.constant 1568 : i32
        %add3A_161 = arith.addi %mul3A_5, %add3A_160 : i32
        %lt3A_162 = vector.broadcast %add3A_161 : i32 to vector<16xi32>
        %lt3A_163 = arith.cmpi slt, %shift_right_logical3A_157, %lt3A_162 : vector<16xi32>
        %and3A_164 = arith.andi %ge3A_159, %lt3A_163 : vector<16xi1>
        %sub3A_165 = vector.broadcast %mul3A_5 : i32 to vector<16xi32>
        %sub3A_166 = arith.subi %shift_right_logical3A_157, %sub3A_165 : vector<16xi32>
        %jit3A_167 = arith.constant 1568 : i32
        %broadcast_in_dim3A_168 = vector.broadcast %jit3A_167 : i32 to vector<16xi32>
        %select_n3A_169 = arith.select %and3A_164, %sub3A_166, %broadcast_in_dim3A_168 : vector<16xi1>, vector<16xi32>
        %swap3A_170 = arith.constant 32 : index
        %swap3A_171 = tpu.vector_load %arg11[%swap3A_170] {strides = array<i32>} : memref<96xi32, #tpu.memory_space<vmem>>, vector<16xi32>,
        %swap3A_172 = vector.shape_cast %swap3A_171 : vector<16xi32> to vector<16xi32>
        %swap3A_173 = vector.shape_cast %select_n3A_169 : vector<16xi32> to vector<16xi32>
        tpu.vector_store %arg11[%swap3A_170], %swap3A_173 {strides = array<i32>} : memref<96xi32, #tpu.memory_space<vmem>>, vector<16xi32>,
        %get3A_174 = arith.constant 48 : index
        %get3A_175 = tpu.vector_load %arg9[%get3A_174] {strides = array<i32>} : memref<96xi32, #tpu.memory_space<vmem>>, vector<16xi32>,
        %get3A_176 = vector.shape_cast %get3A_175 : vector<16xi32> to vector<16xi32>
        %shift_right_logical3A_177 = arith.constant 4 : i32
        %shift_right_logical3A_178 = vector.broadcast %shift_right_logical3A_177 : i32 to vector<16xi32>
        %shift_right_logical3A_179 = arith.shrui %get3A_176, %shift_right_logical3A_178 : vector<16xi32>
        %ge3A_180 = vector.broadcast %mul3A_5 : i32 to vector<16xi32>
        %ge3A_181 = arith.cmpi sge, %shift_right_logical3A_179, %ge3A_180 : vector<16xi32>
        %add3A_182 = arith.constant 1568 : i32
        %add3A_183 = arith.addi %mul3A_5, %add3A_182 : i32
        %lt3A_184 = vector.broadcast %add3A_183 : i32 to vector<16xi32>
        %lt3A_185 = arith.cmpi slt, %shift_right_logical3A_179, %lt3A_184 : vector<16xi32>
        %and3A_186 = arith.andi %ge3A_181, %lt3A_185 : vector<16xi1>
        %sub3A_187 = vector.broadcast %mul3A_5 : i32 to vector<16xi32>
        %sub3A_188 = arith.subi %shift_right_logical3A_179, %sub3A_187 : vector<16xi32>
        %jit3A_189 = arith.constant 1568 : i32
        %broadcast_in_dim3A_190 = vector.broadcast %jit3A_189 : i32 to vector<16xi32>
        %select_n3A_191 = arith.select %and3A_186, %sub3A_188, %broadcast_in_dim3A_190 : vector<16xi1>, vector<16xi32>
        %swap3A_192 = arith.constant 48 : index
        %swap3A_193 = tpu.vector_load %arg11[%swap3A_192] {strides = array<i32>} : memref<96xi32, #tpu.memory_space<vmem>>, vector<16xi32>,
        %swap3A_194 = vector.shape_cast %swap3A_193 : vector<16xi32> to vector<16xi32>
        %swap3A_195 = vector.shape_cast %select_n3A_191 : vector<16xi32> to vector<16xi32>
        tpu.vector_store %arg11[%swap3A_192], %swap3A_195 {strides = array<i32>} : memref<96xi32, #tpu.memory_space<vmem>>, vector<16xi32>,
        %get3A_196 = arith.constant 64 : index
        %get3A_197 = tpu.vector_load %arg9[%get3A_196] {strides = array<i32>} : memref<96xi32, #tpu.memory_space<vmem>>, vector<16xi32>,
        %get3A_198 = vector.shape_cast %get3A_197 : vector<16xi32> to vector<16xi32>
        %shift_right_logical3A_199 = arith.constant 4 : i32
        %shift_right_logical3A_200 = vector.broadcast %shift_right_logical3A_199 : i32 to vector<16xi32>
        %shift_right_logical3A_201 = arith.shrui %get3A_198, %shift_right_logical3A_200 : vector<16xi32>
        %ge3A_202 = vector.broadcast %mul3A_5 : i32 to vector<16xi32>
        %ge3A_203 = arith.cmpi sge, %shift_right_logical3A_201, %ge3A_202 : vector<16xi32>
        %add3A_204 = arith.constant 1568 : i32
        %add3A_205 = arith.addi %mul3A_5, %add3A_204 : i32
        %lt3A_206 = vector.broadcast %add3A_205 : i32 to vector<16xi32>
        %lt3A_207 = arith.cmpi slt, %shift_right_logical3A_201, %lt3A_206 : vector<16xi32>
        %and3A_208 = arith.andi %ge3A_203, %lt3A_207 : vector<16xi1>
        %sub3A_209 = vector.broadcast %mul3A_5 : i32 to vector<16xi32>
        %sub3A_210 = arith.subi %shift_right_logical3A_201, %sub3A_209 : vector<16xi32>
        %jit3A_211 = arith.constant 1568 : i32
        %broadcast_in_dim3A_212 = vector.broadcast %jit3A_211 : i32 to vector<16xi32>
        %select_n3A_213 = arith.select %and3A_208, %sub3A_210, %broadcast_in_dim3A_212 : vector<16xi1>, vector<16xi32>
        %swap3A_214 = arith.constant 64 : index
        %swap3A_215 = tpu.vector_load %arg11[%swap3A_214] {strides = array<i32>} : memref<96xi32, #tpu.memory_space<vmem>>, vector<16xi32>,
        %swap3A_216 = vector.shape_cast %swap3A_215 : vector<16xi32> to vector<16xi32>
        %swap3A_217 = vector.shape_cast %select_n3A_213 : vector<16xi32> to vector<16xi32>
        tpu.vector_store %arg11[%swap3A_214], %swap3A_217 {strides = array<i32>} : memref<96xi32, #tpu.memory_space<vmem>>, vector<16xi32>,
        %get3A_218 = arith.constant 80 : index
        %get3A_219 = tpu.vector_load %arg9[%get3A_218] {strides = array<i32>} : memref<96xi32, #tpu.memory_space<vmem>>, vector<16xi32>,
        %get3A_220 = vector.shape_cast %get3A_219 : vector<16xi32> to vector<16xi32>
        %shift_right_logical3A_221 = arith.constant 4 : i32
        %shift_right_logical3A_222 = vector.broadcast %shift_right_logical3A_221 : i32 to vector<16xi32>
        %shift_right_logical3A_223 = arith.shrui %get3A_220, %shift_right_logical3A_222 : vector<16xi32>
        %ge3A_224 = vector.broadcast %mul3A_5 : i32 to vector<16xi32>
        %ge3A_225 = arith.cmpi sge, %shift_right_logical3A_223, %ge3A_224 : vector<16xi32>
        %add3A_226 = arith.constant 1568 : i32
        %add3A_227 = arith.addi %mul3A_5, %add3A_226 : i32
        %lt3A_228 = vector.broadcast %add3A_227 : i32 to vector<16xi32>
        %lt3A_229 = arith.cmpi slt, %shift_right_logical3A_223, %lt3A_228 : vector<16xi32>
        %and3A_230 = arith.andi %ge3A_225, %lt3A_229 : vector<16xi1>
        %sub3A_231 = vector.broadcast %mul3A_5 : i32 to vector<16xi32>
        %sub3A_232 = arith.subi %shift_right_logical3A_223, %sub3A_231 : vector<16xi32>
        %jit3A_233 = arith.constant 1568 : i32
        %broadcast_in_dim3A_234 = vector.broadcast %jit3A_233 : i32 to vector<16xi32>
        %select_n3A_235 = arith.select %and3A_230, %sub3A_232, %broadcast_in_dim3A_234 : vector<16xi1>, vector<16xi32>
        %swap3A_236 = arith.constant 80 : index
        %swap3A_237 = tpu.vector_load %arg11[%swap3A_236] {strides = array<i32>} : memref<96xi32, #tpu.memory_space<vmem>>, vector<16xi32>,
        %swap3A_238 = vector.shape_cast %swap3A_237 : vector<16xi32> to vector<16xi32>
        %swap3A_239 = vector.shape_cast %select_n3A_235 : vector<16xi32> to vector<16xi32>
        tpu.vector_store %arg11[%swap3A_236], %swap3A_239 {strides = array<i32>} : memref<96xi32, #tpu.memory_space<vmem>>, vector<16xi32>,
        "tpu.region"() ({
          %run_scoped3A = tpu.sem_alloc : memref<!tpu.dma_semaphore, #tpu.memory_space<semaphore_mem>>
          %dma_start3A = arith.constant 0 : i32
          %dma_start3A_240 = arith.constant 0 : i32
          %dma_start3A_241 = tpu.memref_slice %arg15[%dma_start3A, %dma_start3A_240] : memref<1576x128xf32, #tpu.memory_space<vmem_shared>> -> memref<1576x128xf32, #tpu.memory_space<vmem_shared>>
          tpu.enqueue_indirect_dma source(%arg13 : memref<96x128xf32, #tpu.memory_space<vmem>>) target(%dma_start3A_241 : memref<1576x128xf32, #tpu.memory_space<vmem_shared>>) offsets(%arg11 : memref<96xi32, #tpu.memory_space<vmem>>) semaphore(%run_scoped3A : memref<!tpu.dma_semaphore, #tpu.memory_space<semaphore_mem>>) {add = true}
          %dma_wait3A_242 = arith.constant 0 : i32
          %dma_wait3A_243 = arith.constant 0 : i32
          %dma_wait3A_244 = tpu.memref_slice %arg15[%dma_wait3A_242, %dma_wait3A_243] : memref<1576x128xf32, #tpu.memory_space<vmem_shared>> -> memref<1576x128xf32, #tpu.memory_space<vmem_shared>>
          tpu.wait_indirect_dma semaphore(%run_scoped3A : memref<!tpu.dma_semaphore, #tpu.memory_space<semaphore_mem>>) src(%arg13 : memref<96x128xf32, #tpu.memory_space<vmem>>) dst(%dma_wait3A_244 : memref<1576x128xf32, #tpu.memory_space<vmem_shared>>)
          tpu.yield
        }) : () -> ()
      } else {
      }
      %add3A_100 = arith.constant 3 : i32
      %add3A_101 = arith.addi %mul3A_71, %add3A_100 : i32
      %mul3A_102 = arith.constant 16 : i32
      %mul3A_103 = arith.muli %add3A_101, %mul3A_102 : i32
      %add3A_104 = arith.addi %arg1, %mul3A_103 : i32
      %lt3A_105 = arith.constant 3125 : i32
      %lt3A_106 = arith.cmpi slt, %add3A_104, %lt3A_105 : i32
      %convert_element_type3A_107 = arith.extui %lt3A_106 : i1 to i32
      %cond3A_108 = arith.constant 0 : i32
      %cond3A_109 = arith.cmpi ne, %convert_element_type3A_107, %cond3A_108 : i32
      scf.if %cond3A_109 {
        %mul3A_110 = arith.constant 96 : i32
        %mul3A_111 = arith.muli %add3A_104, %mul3A_110 : i32
        %dma_start3A = tpu.memref_slice %arg3[%mul3A_111] : memref<300000xi32, #tpu.memory_space<hbm>> -> memref<96xi32, #tpu.memory_space<hbm>>
        %dma_start3A_112 = tpu.memref_slice %arg3[%mul3A_111] : memref<300000xi32, #tpu.memory_space<hbm>> -> memref<96xi32, #tpu.memory_space<hbm>>
        tpu.enqueue_dma source(%dma_start3A_112 : memref<96xi32, #tpu.memory_space<hbm>>) target(%arg9 : memref<96xi32, #tpu.memory_space<vmem>>) target_semaphore(%arg17 : memref<!tpu.dma_semaphore, #tpu.memory_space<semaphore_mem>>)
        %dma_start3A_113 = arith.constant 0 : i32
        %dma_start3A_114 = tpu.memref_slice %arg2[%mul3A_111, %dma_start3A_113] : memref<300000x128xf32, #tpu.memory_space<hbm>> -> memref<96x128xf32, #tpu.memory_space<hbm>>
        %dma_start3A_115 = arith.constant 0 : i32
        %dma_start3A_116 = tpu.memref_slice %arg2[%mul3A_111, %dma_start3A_115] : memref<300000x128xf32, #tpu.memory_space<hbm>> -> memref<96x128xf32, #tpu.memory_space<hbm>>
        tpu.enqueue_dma source(%dma_start3A_116 : memref<96x128xf32, #tpu.memory_space<hbm>>) target(%arg13 : memref<96x128xf32, #tpu.memory_space<vmem>>) target_semaphore(%arg17 : memref<!tpu.dma_semaphore, #tpu.memory_space<semaphore_mem>>)
      } else {
      }
    }
    %scan3A_26 = arith.constant 98 : i32
    %barrier3A_27 = arith.constant 0 : index
    tpu.barrier barrier_id(%barrier3A_27)
    %lt3A_28 = arith.constant 7 : i32
    %lt3A_29 = arith.cmpi slt, %arg1, %lt3A_28 : i32
    %convert_element_type3A_30 = arith.extui %lt3A_29 : i1 to i32
    %cond3A_31 = arith.constant 0 : i32
    %cond3A_32 = arith.cmpi ne, %convert_element_type3A_30, %cond3A_31 : i32
    scf.if %cond3A_32 {
      %mul3A_69 = arith.constant 224 : i32
      %mul3A_70 = arith.muli %arg1, %mul3A_69 : i32
      %mul3A_71 = arith.constant 224 : i32
      %mul3A_72 = arith.muli %arg1, %mul3A_71 : i32
      %add3A_73 = arith.addi %mul3A_5, %mul3A_72 : i32
      "tpu.region"() ({
        %run_scoped3A = tpu.sem_alloc : memref<!tpu.dma_semaphore, #tpu.memory_space<semaphore_mem>>
        %dma_start3A = arith.constant 0 : i32
        %dma_start3A_74 = tpu.memref_slice %arg6[%add3A_73, %dma_start3A] : memref<3136x128xf32, #tpu.memory_space<hbm>> -> memref<224x128xf32, #tpu.memory_space<hbm>>
        %dma_start3A_75 = arith.constant 0 : i32
        %dma_start3A_76 = tpu.memref_slice %arg15[%mul3A_70, %dma_start3A_75] : memref<1576x128xf32, #tpu.memory_space<vmem_shared>> -> memref<224x128xf32, #tpu.memory_space<vmem_shared>>
        tpu.enqueue_dma source(%dma_start3A_76 : memref<224x128xf32, #tpu.memory_space<vmem_shared>>) target(%dma_start3A_74 : memref<224x128xf32, #tpu.memory_space<hbm>>) target_semaphore(%run_scoped3A : memref<!tpu.dma_semaphore, #tpu.memory_space<semaphore_mem>>)
        %dma_wait3A = arith.constant 0 : i32
        %dma_wait3A_77 = tpu.memref_slice %arg6[%add3A_73, %dma_wait3A] : memref<3136x128xf32, #tpu.memory_space<hbm>> -> memref<224x128xf32, #tpu.memory_space<hbm>>
        %dma_wait3A_78 = arith.constant 0 : i32
        %dma_wait3A_79 = tpu.memref_slice %arg15[%mul3A_70, %dma_wait3A_78] : memref<1576x128xf32, #tpu.memory_space<vmem_shared>> -> memref<224x128xf32, #tpu.memory_space<vmem_shared>>
        tpu.wait_dma2 semaphore(%run_scoped3A : memref<!tpu.dma_semaphore, #tpu.memory_space<semaphore_mem>>) src(%dma_wait3A_79 : memref<224x128xf32, #tpu.memory_space<vmem_shared>>) dst(%dma_wait3A_77 : memref<224x128xf32, #tpu.memory_space<hbm>>)
        tpu.yield
      }) : () -> ()
    } else {
    }
    %barrier3A_33 = arith.constant 0 : index
    tpu.barrier barrier_id(%barrier3A_33)
    %mul3A_34 = arith.constant 1568 : i32
    %mul3A_35 = arith.muli %arg0, %mul3A_34 : i32
    %lt3A_36 = arith.constant 7 : i32
    %lt3A_37 = arith.cmpi slt, %arg1, %lt3A_36 : i32
    %convert_element_type3A_38 = arith.extui %lt3A_37 : i1 to i32
    %cond3A_39 = arith.constant 0 : i32
    %cond3A_40 = arith.cmpi ne, %convert_element_type3A_38, %cond3A_39 : i32
    scf.if %cond3A_40 {
      %mul3A_69 = arith.constant 224 : i32
      %mul3A_70 = arith.muli %arg1, %mul3A_69 : i32
      "tpu.region"() ({
        %run_scoped3A = tpu.sem_alloc : memref<!tpu.dma_semaphore, #tpu.memory_space<semaphore_mem>>
        %dma_start3A = arith.constant 0 : i32
        %dma_start3A_75 = tpu.memref_slice %arg15[%mul3A_70, %dma_start3A] : memref<1576x128xf32, #tpu.memory_space<vmem_shared>> -> memref<112x128xf32, #tpu.memory_space<vmem_shared>>
        %dma_start3A_76 = arith.constant 0 : i32
        %dma_start3A_77 = tpu.memref_slice %arg15[%mul3A_70, %dma_start3A_76] : memref<1576x128xf32, #tpu.memory_space<vmem_shared>> -> memref<112x128xf32, #tpu.memory_space<vmem_shared>>
        tpu.enqueue_dma source(%arg14 : memref<112x128xf32, #tpu.memory_space<vmem>>) target(%dma_start3A_77 : memref<112x128xf32, #tpu.memory_space<vmem_shared>>) target_semaphore(%run_scoped3A : memref<!tpu.dma_semaphore, #tpu.memory_space<semaphore_mem>>)
        %dma_wait3A = arith.constant 0 : i32
        %dma_wait3A_78 = tpu.memref_slice %arg15[%mul3A_70, %dma_wait3A] : memref<1576x128xf32, #tpu.memory_space<vmem_shared>> -> memref<112x128xf32, #tpu.memory_space<vmem_shared>>
        %dma_wait3A_79 = arith.constant 0 : i32
        %dma_wait3A_80 = tpu.memref_slice %arg15[%mul3A_70, %dma_wait3A_79] : memref<1576x128xf32, #tpu.memory_space<vmem_shared>> -> memref<112x128xf32, #tpu.memory_space<vmem_shared>>
        tpu.wait_dma2 semaphore(%run_scoped3A : memref<!tpu.dma_semaphore, #tpu.memory_space<semaphore_mem>>) src(%arg14 : memref<112x128xf32, #tpu.memory_space<vmem>>) dst(%dma_wait3A_80 : memref<112x128xf32, #tpu.memory_space<vmem_shared>>)
        tpu.yield
      }) : () -> ()
      %mul3A_71 = arith.constant 224 : i32
      %mul3A_72 = arith.muli %arg1, %mul3A_71 : i32
      %add3A_73 = arith.constant 112 : i32
      %add3A_74 = arith.addi %mul3A_72, %add3A_73 : i32
      "tpu.region"() ({
        %run_scoped3A = tpu.sem_alloc : memref<!tpu.dma_semaphore, #tpu.memory_space<semaphore_mem>>
        %dma_start3A = arith.constant 0 : i32
        %dma_start3A_75 = tpu.memref_slice %arg15[%add3A_74, %dma_start3A] : memref<1576x128xf32, #tpu.memory_space<vmem_shared>> -> memref<112x128xf32, #tpu.memory_space<vmem_shared>>
        %dma_start3A_76 = arith.constant 0 : i32
        %dma_start3A_77 = tpu.memref_slice %arg15[%add3A_74, %dma_start3A_76] : memref<1576x128xf32, #tpu.memory_space<vmem_shared>> -> memref<112x128xf32, #tpu.memory_space<vmem_shared>>
        tpu.enqueue_dma source(%arg14 : memref<112x128xf32, #tpu.memory_space<vmem>>) target(%dma_start3A_77 : memref<112x128xf32, #tpu.memory_space<vmem_shared>>) target_semaphore(%run_scoped3A : memref<!tpu.dma_semaphore, #tpu.memory_space<semaphore_mem>>)
        %dma_wait3A = arith.constant 0 : i32
        %dma_wait3A_78 = tpu.memref_slice %arg15[%add3A_74, %dma_wait3A] : memref<1576x128xf32, #tpu.memory_space<vmem_shared>> -> memref<112x128xf32, #tpu.memory_space<vmem_shared>>
        %dma_wait3A_79 = arith.constant 0 : i32
        %dma_wait3A_80 = tpu.memref_slice %arg15[%add3A_74, %dma_wait3A_79] : memref<1576x128xf32, #tpu.memory_space<vmem_shared>> -> memref<112x128xf32, #tpu.memory_space<vmem_shared>>
        tpu.wait_dma2 semaphore(%run_scoped3A : memref<!tpu.dma_semaphore, #tpu.memory_space<semaphore_mem>>) src(%arg14 : memref<112x128xf32, #tpu.memory_space<vmem>>) dst(%dma_wait3A_80 : memref<112x128xf32, #tpu.memory_space<vmem_shared>>)
        tpu.yield
      }) : () -> ()
    } else {
    }
    %barrier3A_41 = arith.constant 0 : index
    tpu.barrier barrier_id(%barrier3A_41)
    %add3A_42 = arith.constant 0 : i32
    %add3A_43 = arith.addi %arg1, %add3A_42 : i32
    %lt3A_44 = arith.constant 3125 : i32
    %lt3A_45 = arith.cmpi slt, %add3A_43, %lt3A_44 : i32
    %convert_element_type3A_46 = arith.extui %lt3A_45 : i1 to i32
    %cond3A_47 = arith.constant 0 : i32
    %cond3A_48 = arith.cmpi ne, %convert_element_type3A_46, %cond3A_47 : i32
    scf.if %cond3A_48 {
      %mul3A_69 = arith.constant 96 : i32
      %mul3A_70 = arith.muli %add3A_43, %mul3A_69 : i32
      %dma_start3A = tpu.memref_slice %arg5[%mul3A_70] : memref<300000xi32, #tpu.memory_space<hbm>> -> memref<96xi32, #tpu.memory_space<hbm>>
      %dma_start3A_71 = tpu.memref_slice %arg5[%mul3A_70] : memref<300000xi32, #tpu.memory_space<hbm>> -> memref<96xi32, #tpu.memory_space<hbm>>
      tpu.enqueue_dma source(%dma_start3A_71 : memref<96xi32, #tpu.memory_space<hbm>>) target(%arg8 : memref<96xi32, #tpu.memory_space<vmem>>) target_semaphore(%arg16 : memref<!tpu.dma_semaphore, #tpu.memory_space<semaphore_mem>>)
      %dma_start3A_72 = arith.constant 0 : i32
      %dma_start3A_73 = tpu.memref_slice %arg4[%mul3A_70, %dma_start3A_72] : memref<300000x128xf32, #tpu.memory_space<hbm>> -> memref<96x128xf32, #tpu.memory_space<hbm>>
      %dma_start3A_74 = arith.constant 0 : i32
      %dma_start3A_75 = tpu.memref_slice %arg4[%mul3A_70, %dma_start3A_74] : memref<300000x128xf32, #tpu.memory_space<hbm>> -> memref<96x128xf32, #tpu.memory_space<hbm>>
      tpu.enqueue_dma source(%dma_start3A_75 : memref<96x128xf32, #tpu.memory_space<hbm>>) target(%arg12 : memref<96x128xf32, #tpu.memory_space<vmem>>) target_semaphore(%arg16 : memref<!tpu.dma_semaphore, #tpu.memory_space<semaphore_mem>>)
    } else {
    }
    %add3A_49 = arith.constant 16 : i32
    %add3A_50 = arith.addi %arg1, %add3A_49 : i32
    %lt3A_51 = arith.constant 3125 : i32
    %lt3A_52 = arith.cmpi slt, %add3A_50, %lt3A_51 : i32
    %convert_element_type3A_53 = arith.extui %lt3A_52 : i1 to i32
    %cond3A_54 = arith.constant 0 : i32
    %cond3A_55 = arith.cmpi ne, %convert_element_type3A_53, %cond3A_54 : i32
    scf.if %cond3A_55 {
      %mul3A_69 = arith.constant 96 : i32
      %mul3A_70 = arith.muli %add3A_50, %mul3A_69 : i32
      %dma_start3A = tpu.memref_slice %arg5[%mul3A_70] : memref<300000xi32, #tpu.memory_space<hbm>> -> memref<96xi32, #tpu.memory_space<hbm>>
      %dma_start3A_71 = tpu.memref_slice %arg5[%mul3A_70] : memref<300000xi32, #tpu.memory_space<hbm>> -> memref<96xi32, #tpu.memory_space<hbm>>
      tpu.enqueue_dma source(%dma_start3A_71 : memref<96xi32, #tpu.memory_space<hbm>>) target(%arg9 : memref<96xi32, #tpu.memory_space<vmem>>) target_semaphore(%arg17 : memref<!tpu.dma_semaphore, #tpu.memory_space<semaphore_mem>>)
      %dma_start3A_72 = arith.constant 0 : i32
      %dma_start3A_73 = tpu.memref_slice %arg4[%mul3A_70, %dma_start3A_72] : memref<300000x128xf32, #tpu.memory_space<hbm>> -> memref<96x128xf32, #tpu.memory_space<hbm>>
      %dma_start3A_74 = arith.constant 0 : i32
      %dma_start3A_75 = tpu.memref_slice %arg4[%mul3A_70, %dma_start3A_74] : memref<300000x128xf32, #tpu.memory_space<hbm>> -> memref<96x128xf32, #tpu.memory_space<hbm>>
      tpu.enqueue_dma source(%dma_start3A_75 : memref<96x128xf32, #tpu.memory_space<hbm>>) target(%arg13 : memref<96x128xf32, #tpu.memory_space<vmem>>) target_semaphore(%arg17 : memref<!tpu.dma_semaphore, #tpu.memory_space<semaphore_mem>>)
    } else {
    }
    %scan3A_56 = arith.constant 0 : i32
    %scan3A_57 = arith.constant 0 : i32
    %scan3A_58 = arith.constant 98 : i32
    %scan3A_59 = arith.addi %scan3A_57, %scan3A_58 : i32
    %scan3A_60 = arith.constant 1 : i32
    scf.for %scan3A_69 = %scan3A_57 to %scan3A_59 step %scan3A_60  : i32 {
      %mul3A_70 = arith.constant 2 : i32
      %mul3A_71 = arith.muli %scan3A_69, %mul3A_70 : i32
      %mul3A_72 = arith.constant 16 : i32
      %mul3A_73 = arith.muli %mul3A_71, %mul3A_72 : i32
      %add3A_74 = arith.addi %arg1, %mul3A_73 : i32
      %lt3A_75 = arith.constant 3125 : i32
      %lt3A_76 = arith.cmpi slt, %add3A_74, %lt3A_75 : i32
      %convert_element_type3A_77 = arith.extui %lt3A_76 : i1 to i32
      %cond3A_78 = arith.constant 0 : i32
      %cond3A_79 = arith.cmpi ne, %convert_element_type3A_77, %cond3A_78 : i32
      scf.if %cond3A_79 {
        %mul3A_110 = arith.constant 96 : i32
        %mul3A_111 = arith.muli %add3A_74, %mul3A_110 : i32
        %dma_wait3A = tpu.memref_slice %arg5[%mul3A_111] : memref<300000xi32, #tpu.memory_space<hbm>> -> memref<96xi32, #tpu.memory_space<hbm>>
        %dma_wait3A_112 = tpu.memref_slice %arg5[%mul3A_111] : memref<300000xi32, #tpu.memory_space<hbm>> -> memref<96xi32, #tpu.memory_space<hbm>>
        tpu.wait_dma2 semaphore(%arg16 : memref<!tpu.dma_semaphore, #tpu.memory_space<semaphore_mem>>) src(%dma_wait3A_112 : memref<96xi32, #tpu.memory_space<hbm>>) dst(%arg8 : memref<96xi32, #tpu.memory_space<vmem>>)
        %dma_wait3A_113 = arith.constant 0 : i32
        %dma_wait3A_114 = tpu.memref_slice %arg4[%mul3A_111, %dma_wait3A_113] : memref<300000x128xf32, #tpu.memory_space<hbm>> -> memref<96x128xf32, #tpu.memory_space<hbm>>
        %dma_wait3A_115 = arith.constant 0 : i32
        %dma_wait3A_116 = tpu.memref_slice %arg4[%mul3A_111, %dma_wait3A_115] : memref<300000x128xf32, #tpu.memory_space<hbm>> -> memref<96x128xf32, #tpu.memory_space<hbm>>
        tpu.wait_dma2 semaphore(%arg16 : memref<!tpu.dma_semaphore, #tpu.memory_space<semaphore_mem>>) src(%dma_wait3A_116 : memref<96x128xf32, #tpu.memory_space<hbm>>) dst(%arg12 : memref<96x128xf32, #tpu.memory_space<vmem>>)
        %get3A = arith.constant 0 : index
        %get3A_117 = tpu.vector_load %arg8[%get3A] {strides = array<i32>} : memref<96xi32, #tpu.memory_space<vmem>>, vector<16xi32>,
        %get3A_118 = vector.shape_cast %get3A_117 : vector<16xi32> to vector<16xi32>
        %shift_right_logical3A = arith.constant 4 : i32
        %shift_right_logical3A_119 = vector.broadcast %shift_right_logical3A : i32 to vector<16xi32>
        %shift_right_logical3A_120 = arith.shrui %get3A_118, %shift_right_logical3A_119 : vector<16xi32>
        %ge3A = vector.broadcast %mul3A_35 : i32 to vector<16xi32>
        %ge3A_121 = arith.cmpi sge, %shift_right_logical3A_120, %ge3A : vector<16xi32>
        %add3A_122 = arith.constant 1568 : i32
        %add3A_123 = arith.addi %mul3A_35, %add3A_122 : i32
        %lt3A_124 = vector.broadcast %add3A_123 : i32 to vector<16xi32>
        %lt3A_125 = arith.cmpi slt, %shift_right_logical3A_120, %lt3A_124 : vector<16xi32>
        %and3A = arith.andi %ge3A_121, %lt3A_125 : vector<16xi1>
        %sub3A = vector.broadcast %mul3A_35 : i32 to vector<16xi32>
        %sub3A_126 = arith.subi %shift_right_logical3A_120, %sub3A : vector<16xi32>
        %jit3A = arith.constant 1568 : i32
        %broadcast_in_dim3A = vector.broadcast %jit3A : i32 to vector<16xi32>
        %select_n3A = arith.select %and3A, %sub3A_126, %broadcast_in_dim3A : vector<16xi1>, vector<16xi32>
        %swap3A = arith.constant 0 : index
        %swap3A_127 = tpu.vector_load %arg10[%swap3A] {strides = array<i32>} : memref<96xi32, #tpu.memory_space<vmem>>, vector<16xi32>,
        %swap3A_128 = vector.shape_cast %swap3A_127 : vector<16xi32> to vector<16xi32>
        %swap3A_129 = vector.shape_cast %select_n3A : vector<16xi32> to vector<16xi32>
        tpu.vector_store %arg10[%swap3A], %swap3A_129 {strides = array<i32>} : memref<96xi32, #tpu.memory_space<vmem>>, vector<16xi32>,
        %get3A_130 = arith.constant 16 : index
        %get3A_131 = tpu.vector_load %arg8[%get3A_130] {strides = array<i32>} : memref<96xi32, #tpu.memory_space<vmem>>, vector<16xi32>,
        %get3A_132 = vector.shape_cast %get3A_131 : vector<16xi32> to vector<16xi32>
        %shift_right_logical3A_133 = arith.constant 4 : i32
        %shift_right_logical3A_134 = vector.broadcast %shift_right_logical3A_133 : i32 to vector<16xi32>
        %shift_right_logical3A_135 = arith.shrui %get3A_132, %shift_right_logical3A_134 : vector<16xi32>
        %ge3A_136 = vector.broadcast %mul3A_35 : i32 to vector<16xi32>
        %ge3A_137 = arith.cmpi sge, %shift_right_logical3A_135, %ge3A_136 : vector<16xi32>
        %add3A_138 = arith.constant 1568 : i32
        %add3A_139 = arith.addi %mul3A_35, %add3A_138 : i32
        %lt3A_140 = vector.broadcast %add3A_139 : i32 to vector<16xi32>
        %lt3A_141 = arith.cmpi slt, %shift_right_logical3A_135, %lt3A_140 : vector<16xi32>
        %and3A_142 = arith.andi %ge3A_137, %lt3A_141 : vector<16xi1>
        %sub3A_143 = vector.broadcast %mul3A_35 : i32 to vector<16xi32>
        %sub3A_144 = arith.subi %shift_right_logical3A_135, %sub3A_143 : vector<16xi32>
        %jit3A_145 = arith.constant 1568 : i32
        %broadcast_in_dim3A_146 = vector.broadcast %jit3A_145 : i32 to vector<16xi32>
        %select_n3A_147 = arith.select %and3A_142, %sub3A_144, %broadcast_in_dim3A_146 : vector<16xi1>, vector<16xi32>
        %swap3A_148 = arith.constant 16 : index
        %swap3A_149 = tpu.vector_load %arg10[%swap3A_148] {strides = array<i32>} : memref<96xi32, #tpu.memory_space<vmem>>, vector<16xi32>,
        %swap3A_150 = vector.shape_cast %swap3A_149 : vector<16xi32> to vector<16xi32>
        %swap3A_151 = vector.shape_cast %select_n3A_147 : vector<16xi32> to vector<16xi32>
        tpu.vector_store %arg10[%swap3A_148], %swap3A_151 {strides = array<i32>} : memref<96xi32, #tpu.memory_space<vmem>>, vector<16xi32>,
        %get3A_152 = arith.constant 32 : index
        %get3A_153 = tpu.vector_load %arg8[%get3A_152] {strides = array<i32>} : memref<96xi32, #tpu.memory_space<vmem>>, vector<16xi32>,
        %get3A_154 = vector.shape_cast %get3A_153 : vector<16xi32> to vector<16xi32>
        %shift_right_logical3A_155 = arith.constant 4 : i32
        %shift_right_logical3A_156 = vector.broadcast %shift_right_logical3A_155 : i32 to vector<16xi32>
        %shift_right_logical3A_157 = arith.shrui %get3A_154, %shift_right_logical3A_156 : vector<16xi32>
        %ge3A_158 = vector.broadcast %mul3A_35 : i32 to vector<16xi32>
        %ge3A_159 = arith.cmpi sge, %shift_right_logical3A_157, %ge3A_158 : vector<16xi32>
        %add3A_160 = arith.constant 1568 : i32
        %add3A_161 = arith.addi %mul3A_35, %add3A_160 : i32
        %lt3A_162 = vector.broadcast %add3A_161 : i32 to vector<16xi32>
        %lt3A_163 = arith.cmpi slt, %shift_right_logical3A_157, %lt3A_162 : vector<16xi32>
        %and3A_164 = arith.andi %ge3A_159, %lt3A_163 : vector<16xi1>
        %sub3A_165 = vector.broadcast %mul3A_35 : i32 to vector<16xi32>
        %sub3A_166 = arith.subi %shift_right_logical3A_157, %sub3A_165 : vector<16xi32>
        %jit3A_167 = arith.constant 1568 : i32
        %broadcast_in_dim3A_168 = vector.broadcast %jit3A_167 : i32 to vector<16xi32>
        %select_n3A_169 = arith.select %and3A_164, %sub3A_166, %broadcast_in_dim3A_168 : vector<16xi1>, vector<16xi32>
        %swap3A_170 = arith.constant 32 : index
        %swap3A_171 = tpu.vector_load %arg10[%swap3A_170] {strides = array<i32>} : memref<96xi32, #tpu.memory_space<vmem>>, vector<16xi32>,
        %swap3A_172 = vector.shape_cast %swap3A_171 : vector<16xi32> to vector<16xi32>
        %swap3A_173 = vector.shape_cast %select_n3A_169 : vector<16xi32> to vector<16xi32>
        tpu.vector_store %arg10[%swap3A_170], %swap3A_173 {strides = array<i32>} : memref<96xi32, #tpu.memory_space<vmem>>, vector<16xi32>,
        %get3A_174 = arith.constant 48 : index
        %get3A_175 = tpu.vector_load %arg8[%get3A_174] {strides = array<i32>} : memref<96xi32, #tpu.memory_space<vmem>>, vector<16xi32>,
        %get3A_176 = vector.shape_cast %get3A_175 : vector<16xi32> to vector<16xi32>
        %shift_right_logical3A_177 = arith.constant 4 : i32
        %shift_right_logical3A_178 = vector.broadcast %shift_right_logical3A_177 : i32 to vector<16xi32>
        %shift_right_logical3A_179 = arith.shrui %get3A_176, %shift_right_logical3A_178 : vector<16xi32>
        %ge3A_180 = vector.broadcast %mul3A_35 : i32 to vector<16xi32>
        %ge3A_181 = arith.cmpi sge, %shift_right_logical3A_179, %ge3A_180 : vector<16xi32>
        %add3A_182 = arith.constant 1568 : i32
        %add3A_183 = arith.addi %mul3A_35, %add3A_182 : i32
        %lt3A_184 = vector.broadcast %add3A_183 : i32 to vector<16xi32>
        %lt3A_185 = arith.cmpi slt, %shift_right_logical3A_179, %lt3A_184 : vector<16xi32>
        %and3A_186 = arith.andi %ge3A_181, %lt3A_185 : vector<16xi1>
        %sub3A_187 = vector.broadcast %mul3A_35 : i32 to vector<16xi32>
        %sub3A_188 = arith.subi %shift_right_logical3A_179, %sub3A_187 : vector<16xi32>
        %jit3A_189 = arith.constant 1568 : i32
        %broadcast_in_dim3A_190 = vector.broadcast %jit3A_189 : i32 to vector<16xi32>
        %select_n3A_191 = arith.select %and3A_186, %sub3A_188, %broadcast_in_dim3A_190 : vector<16xi1>, vector<16xi32>
        %swap3A_192 = arith.constant 48 : index
        %swap3A_193 = tpu.vector_load %arg10[%swap3A_192] {strides = array<i32>} : memref<96xi32, #tpu.memory_space<vmem>>, vector<16xi32>,
        %swap3A_194 = vector.shape_cast %swap3A_193 : vector<16xi32> to vector<16xi32>
        %swap3A_195 = vector.shape_cast %select_n3A_191 : vector<16xi32> to vector<16xi32>
        tpu.vector_store %arg10[%swap3A_192], %swap3A_195 {strides = array<i32>} : memref<96xi32, #tpu.memory_space<vmem>>, vector<16xi32>,
        %get3A_196 = arith.constant 64 : index
        %get3A_197 = tpu.vector_load %arg8[%get3A_196] {strides = array<i32>} : memref<96xi32, #tpu.memory_space<vmem>>, vector<16xi32>,
        %get3A_198 = vector.shape_cast %get3A_197 : vector<16xi32> to vector<16xi32>
        %shift_right_logical3A_199 = arith.constant 4 : i32
        %shift_right_logical3A_200 = vector.broadcast %shift_right_logical3A_199 : i32 to vector<16xi32>
        %shift_right_logical3A_201 = arith.shrui %get3A_198, %shift_right_logical3A_200 : vector<16xi32>
        %ge3A_202 = vector.broadcast %mul3A_35 : i32 to vector<16xi32>
        %ge3A_203 = arith.cmpi sge, %shift_right_logical3A_201, %ge3A_202 : vector<16xi32>
        %add3A_204 = arith.constant 1568 : i32
        %add3A_205 = arith.addi %mul3A_35, %add3A_204 : i32
        %lt3A_206 = vector.broadcast %add3A_205 : i32 to vector<16xi32>
        %lt3A_207 = arith.cmpi slt, %shift_right_logical3A_201, %lt3A_206 : vector<16xi32>
        %and3A_208 = arith.andi %ge3A_203, %lt3A_207 : vector<16xi1>
        %sub3A_209 = vector.broadcast %mul3A_35 : i32 to vector<16xi32>
        %sub3A_210 = arith.subi %shift_right_logical3A_201, %sub3A_209 : vector<16xi32>
        %jit3A_211 = arith.constant 1568 : i32
        %broadcast_in_dim3A_212 = vector.broadcast %jit3A_211 : i32 to vector<16xi32>
        %select_n3A_213 = arith.select %and3A_208, %sub3A_210, %broadcast_in_dim3A_212 : vector<16xi1>, vector<16xi32>
        %swap3A_214 = arith.constant 64 : index
        %swap3A_215 = tpu.vector_load %arg10[%swap3A_214] {strides = array<i32>} : memref<96xi32, #tpu.memory_space<vmem>>, vector<16xi32>,
        %swap3A_216 = vector.shape_cast %swap3A_215 : vector<16xi32> to vector<16xi32>
        %swap3A_217 = vector.shape_cast %select_n3A_213 : vector<16xi32> to vector<16xi32>
        tpu.vector_store %arg10[%swap3A_214], %swap3A_217 {strides = array<i32>} : memref<96xi32, #tpu.memory_space<vmem>>, vector<16xi32>,
        %get3A_218 = arith.constant 80 : index
        %get3A_219 = tpu.vector_load %arg8[%get3A_218] {strides = array<i32>} : memref<96xi32, #tpu.memory_space<vmem>>, vector<16xi32>,
        %get3A_220 = vector.shape_cast %get3A_219 : vector<16xi32> to vector<16xi32>
        %shift_right_logical3A_221 = arith.constant 4 : i32
        %shift_right_logical3A_222 = vector.broadcast %shift_right_logical3A_221 : i32 to vector<16xi32>
        %shift_right_logical3A_223 = arith.shrui %get3A_220, %shift_right_logical3A_222 : vector<16xi32>
        %ge3A_224 = vector.broadcast %mul3A_35 : i32 to vector<16xi32>
        %ge3A_225 = arith.cmpi sge, %shift_right_logical3A_223, %ge3A_224 : vector<16xi32>
        %add3A_226 = arith.constant 1568 : i32
        %add3A_227 = arith.addi %mul3A_35, %add3A_226 : i32
        %lt3A_228 = vector.broadcast %add3A_227 : i32 to vector<16xi32>
        %lt3A_229 = arith.cmpi slt, %shift_right_logical3A_223, %lt3A_228 : vector<16xi32>
        %and3A_230 = arith.andi %ge3A_225, %lt3A_229 : vector<16xi1>
        %sub3A_231 = vector.broadcast %mul3A_35 : i32 to vector<16xi32>
        %sub3A_232 = arith.subi %shift_right_logical3A_223, %sub3A_231 : vector<16xi32>
        %jit3A_233 = arith.constant 1568 : i32
        %broadcast_in_dim3A_234 = vector.broadcast %jit3A_233 : i32 to vector<16xi32>
        %select_n3A_235 = arith.select %and3A_230, %sub3A_232, %broadcast_in_dim3A_234 : vector<16xi1>, vector<16xi32>
        %swap3A_236 = arith.constant 80 : index
        %swap3A_237 = tpu.vector_load %arg10[%swap3A_236] {strides = array<i32>} : memref<96xi32, #tpu.memory_space<vmem>>, vector<16xi32>,
        %swap3A_238 = vector.shape_cast %swap3A_237 : vector<16xi32> to vector<16xi32>
        %swap3A_239 = vector.shape_cast %select_n3A_235 : vector<16xi32> to vector<16xi32>
        tpu.vector_store %arg10[%swap3A_236], %swap3A_239 {strides = array<i32>} : memref<96xi32, #tpu.memory_space<vmem>>, vector<16xi32>,
        "tpu.region"() ({
          %run_scoped3A = tpu.sem_alloc : memref<!tpu.dma_semaphore, #tpu.memory_space<semaphore_mem>>
          %dma_start3A = arith.constant 0 : i32
          %dma_start3A_240 = arith.constant 0 : i32
          %dma_start3A_241 = tpu.memref_slice %arg15[%dma_start3A, %dma_start3A_240] : memref<1576x128xf32, #tpu.memory_space<vmem_shared>> -> memref<1576x128xf32, #tpu.memory_space<vmem_shared>>
          tpu.enqueue_indirect_dma source(%arg12 : memref<96x128xf32, #tpu.memory_space<vmem>>) target(%dma_start3A_241 : memref<1576x128xf32, #tpu.memory_space<vmem_shared>>) offsets(%arg10 : memref<96xi32, #tpu.memory_space<vmem>>) semaphore(%run_scoped3A : memref<!tpu.dma_semaphore, #tpu.memory_space<semaphore_mem>>) {add = true}
          %dma_wait3A_242 = arith.constant 0 : i32
          %dma_wait3A_243 = arith.constant 0 : i32
          %dma_wait3A_244 = tpu.memref_slice %arg15[%dma_wait3A_242, %dma_wait3A_243] : memref<1576x128xf32, #tpu.memory_space<vmem_shared>> -> memref<1576x128xf32, #tpu.memory_space<vmem_shared>>
          tpu.wait_indirect_dma semaphore(%run_scoped3A : memref<!tpu.dma_semaphore, #tpu.memory_space<semaphore_mem>>) src(%arg12 : memref<96x128xf32, #tpu.memory_space<vmem>>) dst(%dma_wait3A_244 : memref<1576x128xf32, #tpu.memory_space<vmem_shared>>)
          tpu.yield
        }) : () -> ()
      } else {
      }
      %add3A_80 = arith.constant 2 : i32
      %add3A_81 = arith.addi %mul3A_71, %add3A_80 : i32
      %mul3A_82 = arith.constant 16 : i32
      %mul3A_83 = arith.muli %add3A_81, %mul3A_82 : i32
      %add3A_84 = arith.addi %arg1, %mul3A_83 : i32
      %lt3A_85 = arith.constant 3125 : i32
      %lt3A_86 = arith.cmpi slt, %add3A_84, %lt3A_85 : i32
      %convert_element_type3A_87 = arith.extui %lt3A_86 : i1 to i32
      %cond3A_88 = arith.constant 0 : i32
      %cond3A_89 = arith.cmpi ne, %convert_element_type3A_87, %cond3A_88 : i32
      scf.if %cond3A_89 {
        %mul3A_110 = arith.constant 96 : i32
        %mul3A_111 = arith.muli %add3A_84, %mul3A_110 : i32
        %dma_start3A = tpu.memref_slice %arg5[%mul3A_111] : memref<300000xi32, #tpu.memory_space<hbm>> -> memref<96xi32, #tpu.memory_space<hbm>>
        %dma_start3A_112 = tpu.memref_slice %arg5[%mul3A_111] : memref<300000xi32, #tpu.memory_space<hbm>> -> memref<96xi32, #tpu.memory_space<hbm>>
        tpu.enqueue_dma source(%dma_start3A_112 : memref<96xi32, #tpu.memory_space<hbm>>) target(%arg8 : memref<96xi32, #tpu.memory_space<vmem>>) target_semaphore(%arg16 : memref<!tpu.dma_semaphore, #tpu.memory_space<semaphore_mem>>)
        %dma_start3A_113 = arith.constant 0 : i32
        %dma_start3A_114 = tpu.memref_slice %arg4[%mul3A_111, %dma_start3A_113] : memref<300000x128xf32, #tpu.memory_space<hbm>> -> memref<96x128xf32, #tpu.memory_space<hbm>>
        %dma_start3A_115 = arith.constant 0 : i32
        %dma_start3A_116 = tpu.memref_slice %arg4[%mul3A_111, %dma_start3A_115] : memref<300000x128xf32, #tpu.memory_space<hbm>> -> memref<96x128xf32, #tpu.memory_space<hbm>>
        tpu.enqueue_dma source(%dma_start3A_116 : memref<96x128xf32, #tpu.memory_space<hbm>>) target(%arg12 : memref<96x128xf32, #tpu.memory_space<vmem>>) target_semaphore(%arg16 : memref<!tpu.dma_semaphore, #tpu.memory_space<semaphore_mem>>)
      } else {
      }
      %add3A_90 = arith.constant 1 : i32
      %add3A_91 = arith.addi %mul3A_71, %add3A_90 : i32
      %mul3A_92 = arith.constant 16 : i32
      %mul3A_93 = arith.muli %add3A_91, %mul3A_92 : i32
      %add3A_94 = arith.addi %arg1, %mul3A_93 : i32
      %lt3A_95 = arith.constant 3125 : i32
      %lt3A_96 = arith.cmpi slt, %add3A_94, %lt3A_95 : i32
      %convert_element_type3A_97 = arith.extui %lt3A_96 : i1 to i32
      %cond3A_98 = arith.constant 0 : i32
      %cond3A_99 = arith.cmpi ne, %convert_element_type3A_97, %cond3A_98 : i32
      scf.if %cond3A_99 {
        %mul3A_110 = arith.constant 96 : i32
        %mul3A_111 = arith.muli %add3A_94, %mul3A_110 : i32
        %dma_wait3A = tpu.memref_slice %arg5[%mul3A_111] : memref<300000xi32, #tpu.memory_space<hbm>> -> memref<96xi32, #tpu.memory_space<hbm>>
        %dma_wait3A_112 = tpu.memref_slice %arg5[%mul3A_111] : memref<300000xi32, #tpu.memory_space<hbm>> -> memref<96xi32, #tpu.memory_space<hbm>>
        tpu.wait_dma2 semaphore(%arg17 : memref<!tpu.dma_semaphore, #tpu.memory_space<semaphore_mem>>) src(%dma_wait3A_112 : memref<96xi32, #tpu.memory_space<hbm>>) dst(%arg9 : memref<96xi32, #tpu.memory_space<vmem>>)
        %dma_wait3A_113 = arith.constant 0 : i32
        %dma_wait3A_114 = tpu.memref_slice %arg4[%mul3A_111, %dma_wait3A_113] : memref<300000x128xf32, #tpu.memory_space<hbm>> -> memref<96x128xf32, #tpu.memory_space<hbm>>
        %dma_wait3A_115 = arith.constant 0 : i32
        %dma_wait3A_116 = tpu.memref_slice %arg4[%mul3A_111, %dma_wait3A_115] : memref<300000x128xf32, #tpu.memory_space<hbm>> -> memref<96x128xf32, #tpu.memory_space<hbm>>
        tpu.wait_dma2 semaphore(%arg17 : memref<!tpu.dma_semaphore, #tpu.memory_space<semaphore_mem>>) src(%dma_wait3A_116 : memref<96x128xf32, #tpu.memory_space<hbm>>) dst(%arg13 : memref<96x128xf32, #tpu.memory_space<vmem>>)
        %get3A = arith.constant 0 : index
        %get3A_117 = tpu.vector_load %arg9[%get3A] {strides = array<i32>} : memref<96xi32, #tpu.memory_space<vmem>>, vector<16xi32>,
        %get3A_118 = vector.shape_cast %get3A_117 : vector<16xi32> to vector<16xi32>
        %shift_right_logical3A = arith.constant 4 : i32
        %shift_right_logical3A_119 = vector.broadcast %shift_right_logical3A : i32 to vector<16xi32>
        %shift_right_logical3A_120 = arith.shrui %get3A_118, %shift_right_logical3A_119 : vector<16xi32>
        %ge3A = vector.broadcast %mul3A_35 : i32 to vector<16xi32>
        %ge3A_121 = arith.cmpi sge, %shift_right_logical3A_120, %ge3A : vector<16xi32>
        %add3A_122 = arith.constant 1568 : i32
        %add3A_123 = arith.addi %mul3A_35, %add3A_122 : i32
        %lt3A_124 = vector.broadcast %add3A_123 : i32 to vector<16xi32>
        %lt3A_125 = arith.cmpi slt, %shift_right_logical3A_120, %lt3A_124 : vector<16xi32>
        %and3A = arith.andi %ge3A_121, %lt3A_125 : vector<16xi1>
        %sub3A = vector.broadcast %mul3A_35 : i32 to vector<16xi32>
        %sub3A_126 = arith.subi %shift_right_logical3A_120, %sub3A : vector<16xi32>
        %jit3A = arith.constant 1568 : i32
        %broadcast_in_dim3A = vector.broadcast %jit3A : i32 to vector<16xi32>
        %select_n3A = arith.select %and3A, %sub3A_126, %broadcast_in_dim3A : vector<16xi1>, vector<16xi32>
        %swap3A = arith.constant 0 : index
        %swap3A_127 = tpu.vector_load %arg11[%swap3A] {strides = array<i32>} : memref<96xi32, #tpu.memory_space<vmem>>, vector<16xi32>,
        %swap3A_128 = vector.shape_cast %swap3A_127 : vector<16xi32> to vector<16xi32>
        %swap3A_129 = vector.shape_cast %select_n3A : vector<16xi32> to vector<16xi32>
        tpu.vector_store %arg11[%swap3A], %swap3A_129 {strides = array<i32>} : memref<96xi32, #tpu.memory_space<vmem>>, vector<16xi32>,
        %get3A_130 = arith.constant 16 : index
        %get3A_131 = tpu.vector_load %arg9[%get3A_130] {strides = array<i32>} : memref<96xi32, #tpu.memory_space<vmem>>, vector<16xi32>,
        %get3A_132 = vector.shape_cast %get3A_131 : vector<16xi32> to vector<16xi32>
        %shift_right_logical3A_133 = arith.constant 4 : i32
        %shift_right_logical3A_134 = vector.broadcast %shift_right_logical3A_133 : i32 to vector<16xi32>
        %shift_right_logical3A_135 = arith.shrui %get3A_132, %shift_right_logical3A_134 : vector<16xi32>
        %ge3A_136 = vector.broadcast %mul3A_35 : i32 to vector<16xi32>
        %ge3A_137 = arith.cmpi sge, %shift_right_logical3A_135, %ge3A_136 : vector<16xi32>
        %add3A_138 = arith.constant 1568 : i32
        %add3A_139 = arith.addi %mul3A_35, %add3A_138 : i32
        %lt3A_140 = vector.broadcast %add3A_139 : i32 to vector<16xi32>
        %lt3A_141 = arith.cmpi slt, %shift_right_logical3A_135, %lt3A_140 : vector<16xi32>
        %and3A_142 = arith.andi %ge3A_137, %lt3A_141 : vector<16xi1>
        %sub3A_143 = vector.broadcast %mul3A_35 : i32 to vector<16xi32>
        %sub3A_144 = arith.subi %shift_right_logical3A_135, %sub3A_143 : vector<16xi32>
        %jit3A_145 = arith.constant 1568 : i32
        %broadcast_in_dim3A_146 = vector.broadcast %jit3A_145 : i32 to vector<16xi32>
        %select_n3A_147 = arith.select %and3A_142, %sub3A_144, %broadcast_in_dim3A_146 : vector<16xi1>, vector<16xi32>
        %swap3A_148 = arith.constant 16 : index
        %swap3A_149 = tpu.vector_load %arg11[%swap3A_148] {strides = array<i32>} : memref<96xi32, #tpu.memory_space<vmem>>, vector<16xi32>,
        %swap3A_150 = vector.shape_cast %swap3A_149 : vector<16xi32> to vector<16xi32>
        %swap3A_151 = vector.shape_cast %select_n3A_147 : vector<16xi32> to vector<16xi32>
        tpu.vector_store %arg11[%swap3A_148], %swap3A_151 {strides = array<i32>} : memref<96xi32, #tpu.memory_space<vmem>>, vector<16xi32>,
        %get3A_152 = arith.constant 32 : index
        %get3A_153 = tpu.vector_load %arg9[%get3A_152] {strides = array<i32>} : memref<96xi32, #tpu.memory_space<vmem>>, vector<16xi32>,
        %get3A_154 = vector.shape_cast %get3A_153 : vector<16xi32> to vector<16xi32>
        %shift_right_logical3A_155 = arith.constant 4 : i32
        %shift_right_logical3A_156 = vector.broadcast %shift_right_logical3A_155 : i32 to vector<16xi32>
        %shift_right_logical3A_157 = arith.shrui %get3A_154, %shift_right_logical3A_156 : vector<16xi32>
        %ge3A_158 = vector.broadcast %mul3A_35 : i32 to vector<16xi32>
        %ge3A_159 = arith.cmpi sge, %shift_right_logical3A_157, %ge3A_158 : vector<16xi32>
        %add3A_160 = arith.constant 1568 : i32
        %add3A_161 = arith.addi %mul3A_35, %add3A_160 : i32
        %lt3A_162 = vector.broadcast %add3A_161 : i32 to vector<16xi32>
        %lt3A_163 = arith.cmpi slt, %shift_right_logical3A_157, %lt3A_162 : vector<16xi32>
        %and3A_164 = arith.andi %ge3A_159, %lt3A_163 : vector<16xi1>
        %sub3A_165 = vector.broadcast %mul3A_35 : i32 to vector<16xi32>
        %sub3A_166 = arith.subi %shift_right_logical3A_157, %sub3A_165 : vector<16xi32>
        %jit3A_167 = arith.constant 1568 : i32
        %broadcast_in_dim3A_168 = vector.broadcast %jit3A_167 : i32 to vector<16xi32>
        %select_n3A_169 = arith.select %and3A_164, %sub3A_166, %broadcast_in_dim3A_168 : vector<16xi1>, vector<16xi32>
        %swap3A_170 = arith.constant 32 : index
        %swap3A_171 = tpu.vector_load %arg11[%swap3A_170] {strides = array<i32>} : memref<96xi32, #tpu.memory_space<vmem>>, vector<16xi32>,
        %swap3A_172 = vector.shape_cast %swap3A_171 : vector<16xi32> to vector<16xi32>
        %swap3A_173 = vector.shape_cast %select_n3A_169 : vector<16xi32> to vector<16xi32>
        tpu.vector_store %arg11[%swap3A_170], %swap3A_173 {strides = array<i32>} : memref<96xi32, #tpu.memory_space<vmem>>, vector<16xi32>,
        %get3A_174 = arith.constant 48 : index
        %get3A_175 = tpu.vector_load %arg9[%get3A_174] {strides = array<i32>} : memref<96xi32, #tpu.memory_space<vmem>>, vector<16xi32>,
        %get3A_176 = vector.shape_cast %get3A_175 : vector<16xi32> to vector<16xi32>
        %shift_right_logical3A_177 = arith.constant 4 : i32
        %shift_right_logical3A_178 = vector.broadcast %shift_right_logical3A_177 : i32 to vector<16xi32>
        %shift_right_logical3A_179 = arith.shrui %get3A_176, %shift_right_logical3A_178 : vector<16xi32>
        %ge3A_180 = vector.broadcast %mul3A_35 : i32 to vector<16xi32>
        %ge3A_181 = arith.cmpi sge, %shift_right_logical3A_179, %ge3A_180 : vector<16xi32>
        %add3A_182 = arith.constant 1568 : i32
        %add3A_183 = arith.addi %mul3A_35, %add3A_182 : i32
        %lt3A_184 = vector.broadcast %add3A_183 : i32 to vector<16xi32>
        %lt3A_185 = arith.cmpi slt, %shift_right_logical3A_179, %lt3A_184 : vector<16xi32>
        %and3A_186 = arith.andi %ge3A_181, %lt3A_185 : vector<16xi1>
        %sub3A_187 = vector.broadcast %mul3A_35 : i32 to vector<16xi32>
        %sub3A_188 = arith.subi %shift_right_logical3A_179, %sub3A_187 : vector<16xi32>
        %jit3A_189 = arith.constant 1568 : i32
        %broadcast_in_dim3A_190 = vector.broadcast %jit3A_189 : i32 to vector<16xi32>
        %select_n3A_191 = arith.select %and3A_186, %sub3A_188, %broadcast_in_dim3A_190 : vector<16xi1>, vector<16xi32>
        %swap3A_192 = arith.constant 48 : index
        %swap3A_193 = tpu.vector_load %arg11[%swap3A_192] {strides = array<i32>} : memref<96xi32, #tpu.memory_space<vmem>>, vector<16xi32>,
        %swap3A_194 = vector.shape_cast %swap3A_193 : vector<16xi32> to vector<16xi32>
        %swap3A_195 = vector.shape_cast %select_n3A_191 : vector<16xi32> to vector<16xi32>
        tpu.vector_store %arg11[%swap3A_192], %swap3A_195 {strides = array<i32>} : memref<96xi32, #tpu.memory_space<vmem>>, vector<16xi32>,
        %get3A_196 = arith.constant 64 : index
        %get3A_197 = tpu.vector_load %arg9[%get3A_196] {strides = array<i32>} : memref<96xi32, #tpu.memory_space<vmem>>, vector<16xi32>,
        %get3A_198 = vector.shape_cast %get3A_197 : vector<16xi32> to vector<16xi32>
        %shift_right_logical3A_199 = arith.constant 4 : i32
        %shift_right_logical3A_200 = vector.broadcast %shift_right_logical3A_199 : i32 to vector<16xi32>
        %shift_right_logical3A_201 = arith.shrui %get3A_198, %shift_right_logical3A_200 : vector<16xi32>
        %ge3A_202 = vector.broadcast %mul3A_35 : i32 to vector<16xi32>
        %ge3A_203 = arith.cmpi sge, %shift_right_logical3A_201, %ge3A_202 : vector<16xi32>
        %add3A_204 = arith.constant 1568 : i32
        %add3A_205 = arith.addi %mul3A_35, %add3A_204 : i32
        %lt3A_206 = vector.broadcast %add3A_205 : i32 to vector<16xi32>
        %lt3A_207 = arith.cmpi slt, %shift_right_logical3A_201, %lt3A_206 : vector<16xi32>
        %and3A_208 = arith.andi %ge3A_203, %lt3A_207 : vector<16xi1>
        %sub3A_209 = vector.broadcast %mul3A_35 : i32 to vector<16xi32>
        %sub3A_210 = arith.subi %shift_right_logical3A_201, %sub3A_209 : vector<16xi32>
        %jit3A_211 = arith.constant 1568 : i32
        %broadcast_in_dim3A_212 = vector.broadcast %jit3A_211 : i32 to vector<16xi32>
        %select_n3A_213 = arith.select %and3A_208, %sub3A_210, %broadcast_in_dim3A_212 : vector<16xi1>, vector<16xi32>
        %swap3A_214 = arith.constant 64 : index
        %swap3A_215 = tpu.vector_load %arg11[%swap3A_214] {strides = array<i32>} : memref<96xi32, #tpu.memory_space<vmem>>, vector<16xi32>,
        %swap3A_216 = vector.shape_cast %swap3A_215 : vector<16xi32> to vector<16xi32>
        %swap3A_217 = vector.shape_cast %select_n3A_213 : vector<16xi32> to vector<16xi32>
        tpu.vector_store %arg11[%swap3A_214], %swap3A_217 {strides = array<i32>} : memref<96xi32, #tpu.memory_space<vmem>>, vector<16xi32>,
        %get3A_218 = arith.constant 80 : index
        %get3A_219 = tpu.vector_load %arg9[%get3A_218] {strides = array<i32>} : memref<96xi32, #tpu.memory_space<vmem>>, vector<16xi32>,
        %get3A_220 = vector.shape_cast %get3A_219 : vector<16xi32> to vector<16xi32>
        %shift_right_logical3A_221 = arith.constant 4 : i32
        %shift_right_logical3A_222 = vector.broadcast %shift_right_logical3A_221 : i32 to vector<16xi32>
        %shift_right_logical3A_223 = arith.shrui %get3A_220, %shift_right_logical3A_222 : vector<16xi32>
        %ge3A_224 = vector.broadcast %mul3A_35 : i32 to vector<16xi32>
        %ge3A_225 = arith.cmpi sge, %shift_right_logical3A_223, %ge3A_224 : vector<16xi32>
        %add3A_226 = arith.constant 1568 : i32
        %add3A_227 = arith.addi %mul3A_35, %add3A_226 : i32
        %lt3A_228 = vector.broadcast %add3A_227 : i32 to vector<16xi32>
        %lt3A_229 = arith.cmpi slt, %shift_right_logical3A_223, %lt3A_228 : vector<16xi32>
        %and3A_230 = arith.andi %ge3A_225, %lt3A_229 : vector<16xi1>
        %sub3A_231 = vector.broadcast %mul3A_35 : i32 to vector<16xi32>
        %sub3A_232 = arith.subi %shift_right_logical3A_223, %sub3A_231 : vector<16xi32>
        %jit3A_233 = arith.constant 1568 : i32
        %broadcast_in_dim3A_234 = vector.broadcast %jit3A_233 : i32 to vector<16xi32>
        %select_n3A_235 = arith.select %and3A_230, %sub3A_232, %broadcast_in_dim3A_234 : vector<16xi1>, vector<16xi32>
        %swap3A_236 = arith.constant 80 : index
        %swap3A_237 = tpu.vector_load %arg11[%swap3A_236] {strides = array<i32>} : memref<96xi32, #tpu.memory_space<vmem>>, vector<16xi32>,
        %swap3A_238 = vector.shape_cast %swap3A_237 : vector<16xi32> to vector<16xi32>
        %swap3A_239 = vector.shape_cast %select_n3A_235 : vector<16xi32> to vector<16xi32>
        tpu.vector_store %arg11[%swap3A_236], %swap3A_239 {strides = array<i32>} : memref<96xi32, #tpu.memory_space<vmem>>, vector<16xi32>,
        "tpu.region"() ({
          %run_scoped3A = tpu.sem_alloc : memref<!tpu.dma_semaphore, #tpu.memory_space<semaphore_mem>>
          %dma_start3A = arith.constant 0 : i32
          %dma_start3A_240 = arith.constant 0 : i32
          %dma_start3A_241 = tpu.memref_slice %arg15[%dma_start3A, %dma_start3A_240] : memref<1576x128xf32, #tpu.memory_space<vmem_shared>> -> memref<1576x128xf32, #tpu.memory_space<vmem_shared>>
          tpu.enqueue_indirect_dma source(%arg13 : memref<96x128xf32, #tpu.memory_space<vmem>>) target(%dma_start3A_241 : memref<1576x128xf32, #tpu.memory_space<vmem_shared>>) offsets(%arg11 : memref<96xi32, #tpu.memory_space<vmem>>) semaphore(%run_scoped3A : memref<!tpu.dma_semaphore, #tpu.memory_space<semaphore_mem>>) {add = true}
          %dma_wait3A_242 = arith.constant 0 : i32
          %dma_wait3A_243 = arith.constant 0 : i32
          %dma_wait3A_244 = tpu.memref_slice %arg15[%dma_wait3A_242, %dma_wait3A_243] : memref<1576x128xf32, #tpu.memory_space<vmem_shared>> -> memref<1576x128xf32, #tpu.memory_space<vmem_shared>>
          tpu.wait_indirect_dma semaphore(%run_scoped3A : memref<!tpu.dma_semaphore, #tpu.memory_space<semaphore_mem>>) src(%arg13 : memref<96x128xf32, #tpu.memory_space<vmem>>) dst(%dma_wait3A_244 : memref<1576x128xf32, #tpu.memory_space<vmem_shared>>)
          tpu.yield
        }) : () -> ()
      } else {
      }
      %add3A_100 = arith.constant 3 : i32
      %add3A_101 = arith.addi %mul3A_71, %add3A_100 : i32
      %mul3A_102 = arith.constant 16 : i32
      %mul3A_103 = arith.muli %add3A_101, %mul3A_102 : i32
      %add3A_104 = arith.addi %arg1, %mul3A_103 : i32
      %lt3A_105 = arith.constant 3125 : i32
      %lt3A_106 = arith.cmpi slt, %add3A_104, %lt3A_105 : i32
      %convert_element_type3A_107 = arith.extui %lt3A_106 : i1 to i32
      %cond3A_108 = arith.constant 0 : i32
      %cond3A_109 = arith.cmpi ne, %convert_element_type3A_107, %cond3A_108 : i32
      scf.if %cond3A_109 {
        %mul3A_110 = arith.constant 96 : i32
        %mul3A_111 = arith.muli %add3A_104, %mul3A_110 : i32
        %dma_start3A = tpu.memref_slice %arg5[%mul3A_111] : memref<300000xi32, #tpu.memory_space<hbm>> -> memref<96xi32, #tpu.memory_space<hbm>>
        %dma_start3A_112 = tpu.memref_slice %arg5[%mul3A_111] : memref<300000xi32, #tpu.memory_space<hbm>> -> memref<96xi32, #tpu.memory_space<hbm>>
        tpu.enqueue_dma source(%dma_start3A_112 : memref<96xi32, #tpu.memory_space<hbm>>) target(%arg9 : memref<96xi32, #tpu.memory_space<vmem>>) target_semaphore(%arg17 : memref<!tpu.dma_semaphore, #tpu.memory_space<semaphore_mem>>)
        %dma_start3A_113 = arith.constant 0 : i32
        %dma_start3A_114 = tpu.memref_slice %arg4[%mul3A_111, %dma_start3A_113] : memref<300000x128xf32, #tpu.memory_space<hbm>> -> memref<96x128xf32, #tpu.memory_space<hbm>>
        %dma_start3A_115 = arith.constant 0 : i32
        %dma_start3A_116 = tpu.memref_slice %arg4[%mul3A_111, %dma_start3A_115] : memref<300000x128xf32, #tpu.memory_space<hbm>> -> memref<96x128xf32, #tpu.memory_space<hbm>>
        tpu.enqueue_dma source(%dma_start3A_116 : memref<96x128xf32, #tpu.memory_space<hbm>>) target(%arg13 : memref<96x128xf32, #tpu.memory_space<vmem>>) target_semaphore(%arg17 : memref<!tpu.dma_semaphore, #tpu.memory_space<semaphore_mem>>)
      } else {
      }
    }
    %scan3A_61 = arith.constant 98 : i32
    %barrier3A_62 = arith.constant 0 : index
    tpu.barrier barrier_id(%barrier3A_62)
    %lt3A_63 = arith.constant 7 : i32
    %lt3A_64 = arith.cmpi slt, %arg1, %lt3A_63 : i32
    %convert_element_type3A_65 = arith.extui %lt3A_64 : i1 to i32
    %cond3A_66 = arith.constant 0 : i32
    %cond3A_67 = arith.cmpi ne, %convert_element_type3A_65, %cond3A_66 : i32
    scf.if %cond3A_67 {
      %mul3A_69 = arith.constant 224 : i32
      %mul3A_70 = arith.muli %arg1, %mul3A_69 : i32
      %mul3A_71 = arith.constant 224 : i32
      %mul3A_72 = arith.muli %arg1, %mul3A_71 : i32
      %add3A_73 = arith.addi %mul3A_35, %mul3A_72 : i32
      "tpu.region"() ({
        %run_scoped3A = tpu.sem_alloc : memref<!tpu.dma_semaphore, #tpu.memory_space<semaphore_mem>>
        %dma_start3A = arith.constant 0 : i32
        %dma_start3A_74 = tpu.memref_slice %arg7[%add3A_73, %dma_start3A] : memref<3136x128xf32, #tpu.memory_space<hbm>> -> memref<224x128xf32, #tpu.memory_space<hbm>>
        %dma_start3A_75 = arith.constant 0 : i32
        %dma_start3A_76 = tpu.memref_slice %arg15[%mul3A_70, %dma_start3A_75] : memref<1576x128xf32, #tpu.memory_space<vmem_shared>> -> memref<224x128xf32, #tpu.memory_space<vmem_shared>>
        tpu.enqueue_dma source(%dma_start3A_76 : memref<224x128xf32, #tpu.memory_space<vmem_shared>>) target(%dma_start3A_74 : memref<224x128xf32, #tpu.memory_space<hbm>>) target_semaphore(%run_scoped3A : memref<!tpu.dma_semaphore, #tpu.memory_space<semaphore_mem>>)
        %dma_wait3A = arith.constant 0 : i32
        %dma_wait3A_77 = tpu.memref_slice %arg7[%add3A_73, %dma_wait3A] : memref<3136x128xf32, #tpu.memory_space<hbm>> -> memref<224x128xf32, #tpu.memory_space<hbm>>
        %dma_wait3A_78 = arith.constant 0 : i32
        %dma_wait3A_79 = tpu.memref_slice %arg15[%mul3A_70, %dma_wait3A_78] : memref<1576x128xf32, #tpu.memory_space<vmem_shared>> -> memref<224x128xf32, #tpu.memory_space<vmem_shared>>
        tpu.wait_dma2 semaphore(%run_scoped3A : memref<!tpu.dma_semaphore, #tpu.memory_space<semaphore_mem>>) src(%dma_wait3A_79 : memref<224x128xf32, #tpu.memory_space<vmem_shared>>) dst(%dma_wait3A_77 : memref<224x128xf32, #tpu.memory_space<hbm>>)
        tpu.yield
      }) : () -> ()
    } else {
    }
    %barrier3A_68 = arith.constant 0 : index
    tpu.barrier barrier_id(%barrier3A_68)
    return
  }
}

#map = affine_map<(d0, d1) -> (0, 0)>
#map1 = affine_map<(d0, d1) -> (0)>
module attributes {stable_mosaic.version = 14 : i64} {
  func.func @body(%arg0: i32, %arg1: i32, %arg2: memref<50000x128xf32, #tpu.memory_space<hbm>>, %arg3: memref<50000x128xf32, #tpu.memory_space<hbm>>, %arg4: memref<50000x128xf32, #tpu.memory_space<hbm>>, %arg5: memref<50000x128xf32, #tpu.memory_space<hbm>>, %arg6: memref<50000x128xf32, #tpu.memory_space<hbm>>, %arg7: memref<300000xi32, #tpu.memory_space<hbm>>, %arg8: memref<300000xi32, #tpu.memory_space<hbm>>, %arg9: memref<300000xi32, #tpu.memory_space<hbm>>, %arg10: memref<300000xi32, #tpu.memory_space<hbm>>, %arg11: memref<300000x128xf32, #tpu.memory_space<hbm>>, %arg12: memref<300000x128xf32, #tpu.memory_space<hbm>>, %arg13: memref<300000x128xf32, #tpu.memory_space<hbm>>, %arg14: memref<300000x128xf32, #tpu.memory_space<hbm>>, %arg15: memref<300000x128xf32, #tpu.memory_space<hbm>>, %arg16: memref<300000x128xf32, #tpu.memory_space<hbm>>, %arg17: memref<600xi32, #tpu.memory_space<vmem>>, %arg18: memref<600x128xf32, #tpu.memory_space<vmem>>, %arg19: memref<!tpu.dma_semaphore, #tpu.memory_space<semaphore_mem>>) attributes {dimension_semantics = [#tpu.dimension_semantics<core_parallel>, #tpu.dimension_semantics<subcore_parallel>], iteration_bounds = array<i64: 2, 16>, scalar_prefetch = 0 : i64, scratch_operands = 3 : i64, tpu.core_type = #tpu.core_type<sc_vector_subcore>, window_params = [{transform_indices = #map}, {transform_indices = #map}, {transform_indices = #map}, {transform_indices = #map}, {transform_indices = #map}, {transform_indices = #map1}, {transform_indices = #map1}, {transform_indices = #map1}, {transform_indices = #map1}, {transform_indices = #map}, {transform_indices = #map}, {transform_indices = #map}, {transform_indices = #map}, {transform_indices = #map}, {transform_indices = #map}]} {
    %mul3A = arith.constant 2 : i32
    %mul3A_0 = arith.muli %arg1, %mul3A : i32
    %add3A = arith.addi %mul3A_0, %arg0 : i32
    %scan3A = arith.constant 0 : i32
    %scan3A_1 = arith.constant 0 : i32
    %scan3A_2 = arith.constant 16 : i32
    %scan3A_3 = arith.addi %scan3A_1, %scan3A_2 : i32
    %scan3A_4 = arith.constant 1 : i32
    scf.for %scan3A_6 = %scan3A_1 to %scan3A_3 step %scan3A_4  : i32 {
      %mul3A_7 = arith.constant 32 : i32
      %mul3A_8 = arith.muli %scan3A_6, %mul3A_7 : i32
      %add3A_9 = arith.addi %add3A, %mul3A_8 : i32
      %lt3A = arith.constant 500 : i32
      %lt3A_10 = arith.cmpi slt, %add3A_9, %lt3A : i32
      %convert_element_type3A = arith.extui %lt3A_10 : i1 to i32
      %cond3A = arith.constant 0 : i32
      %cond3A_11 = arith.cmpi ne, %convert_element_type3A, %cond3A : i32
      scf.if %cond3A_11 {
        %mul3A_12 = arith.constant 600 : i32
        %mul3A_13 = arith.muli %add3A_9, %mul3A_12 : i32
        "tpu.region"() ({
          %run_scoped3A = tpu.sem_alloc : memref<!tpu.dma_semaphore, #tpu.memory_space<semaphore_mem>>
          %dma_start3A_48 = tpu.memref_slice %arg7[%mul3A_13] : memref<300000xi32, #tpu.memory_space<hbm>> -> memref<600xi32, #tpu.memory_space<hbm>>
          %dma_start3A_49 = tpu.memref_slice %arg7[%mul3A_13] : memref<300000xi32, #tpu.memory_space<hbm>> -> memref<600xi32, #tpu.memory_space<hbm>>
          tpu.enqueue_dma source(%dma_start3A_49 : memref<600xi32, #tpu.memory_space<hbm>>) target(%arg17 : memref<600xi32, #tpu.memory_space<vmem>>) target_semaphore(%run_scoped3A : memref<!tpu.dma_semaphore, #tpu.memory_space<semaphore_mem>>)
          %dma_wait3A_50 = tpu.memref_slice %arg7[%mul3A_13] : memref<300000xi32, #tpu.memory_space<hbm>> -> memref<600xi32, #tpu.memory_space<hbm>>
          %dma_wait3A_51 = tpu.memref_slice %arg7[%mul3A_13] : memref<300000xi32, #tpu.memory_space<hbm>> -> memref<600xi32, #tpu.memory_space<hbm>>
          tpu.wait_dma2 semaphore(%run_scoped3A : memref<!tpu.dma_semaphore, #tpu.memory_space<semaphore_mem>>) src(%dma_wait3A_51 : memref<600xi32, #tpu.memory_space<hbm>>) dst(%arg17 : memref<600xi32, #tpu.memory_space<vmem>>)
          tpu.yield
        }) : () -> ()
        %dma_start3A = arith.constant 0 : i32
        %dma_start3A_14 = arith.constant 0 : i32
        %dma_start3A_15 = tpu.memref_slice %arg2[%dma_start3A, %dma_start3A_14] : memref<50000x128xf32, #tpu.memory_space<hbm>> -> memref<50000x128xf32, #tpu.memory_space<hbm>>
        tpu.enqueue_indirect_dma source(%dma_start3A_15 : memref<50000x128xf32, #tpu.memory_space<hbm>>) target(%arg18 : memref<600x128xf32, #tpu.memory_space<vmem>>) offsets(%arg17 : memref<600xi32, #tpu.memory_space<vmem>>) semaphore(%arg19 : memref<!tpu.dma_semaphore, #tpu.memory_space<semaphore_mem>>)
        %dma_wait3A = arith.constant 0 : i32
        %dma_wait3A_16 = arith.constant 0 : i32
        %dma_wait3A_17 = tpu.memref_slice %arg2[%dma_wait3A, %dma_wait3A_16] : memref<50000x128xf32, #tpu.memory_space<hbm>> -> memref<50000x128xf32, #tpu.memory_space<hbm>>
        tpu.wait_indirect_dma semaphore(%arg19 : memref<!tpu.dma_semaphore, #tpu.memory_space<semaphore_mem>>) src(%dma_wait3A_17 : memref<50000x128xf32, #tpu.memory_space<hbm>>) dst(%arg18 : memref<600x128xf32, #tpu.memory_space<vmem>>)
        "tpu.region"() ({
          %run_scoped3A = tpu.sem_alloc : memref<!tpu.dma_semaphore, #tpu.memory_space<semaphore_mem>>
          %dma_start3A_48 = arith.constant 0 : i32
          %dma_start3A_49 = tpu.memref_slice %arg11[%mul3A_13, %dma_start3A_48] : memref<300000x128xf32, #tpu.memory_space<hbm>> -> memref<600x128xf32, #tpu.memory_space<hbm>>
          %dma_start3A_50 = arith.constant 0 : i32
          %dma_start3A_51 = tpu.memref_slice %arg11[%mul3A_13, %dma_start3A_50] : memref<300000x128xf32, #tpu.memory_space<hbm>> -> memref<600x128xf32, #tpu.memory_space<hbm>>
          tpu.enqueue_dma source(%arg18 : memref<600x128xf32, #tpu.memory_space<vmem>>) target(%dma_start3A_51 : memref<600x128xf32, #tpu.memory_space<hbm>>) target_semaphore(%run_scoped3A : memref<!tpu.dma_semaphore, #tpu.memory_space<semaphore_mem>>)
          %dma_wait3A_52 = arith.constant 0 : i32
          %dma_wait3A_53 = tpu.memref_slice %arg11[%mul3A_13, %dma_wait3A_52] : memref<300000x128xf32, #tpu.memory_space<hbm>> -> memref<600x128xf32, #tpu.memory_space<hbm>>
          %dma_wait3A_54 = arith.constant 0 : i32
          %dma_wait3A_55 = tpu.memref_slice %arg11[%mul3A_13, %dma_wait3A_54] : memref<300000x128xf32, #tpu.memory_space<hbm>> -> memref<600x128xf32, #tpu.memory_space<hbm>>
          tpu.wait_dma2 semaphore(%run_scoped3A : memref<!tpu.dma_semaphore, #tpu.memory_space<semaphore_mem>>) src(%arg18 : memref<600x128xf32, #tpu.memory_space<vmem>>) dst(%dma_wait3A_55 : memref<600x128xf32, #tpu.memory_space<hbm>>)
          tpu.yield
        }) : () -> ()
        %dma_start3A_18 = arith.constant 0 : i32
        %dma_start3A_19 = arith.constant 0 : i32
        %dma_start3A_20 = tpu.memref_slice %arg4[%dma_start3A_18, %dma_start3A_19] : memref<50000x128xf32, #tpu.memory_space<hbm>> -> memref<50000x128xf32, #tpu.memory_space<hbm>>
        tpu.enqueue_indirect_dma source(%dma_start3A_20 : memref<50000x128xf32, #tpu.memory_space<hbm>>) target(%arg18 : memref<600x128xf32, #tpu.memory_space<vmem>>) offsets(%arg17 : memref<600xi32, #tpu.memory_space<vmem>>) semaphore(%arg19 : memref<!tpu.dma_semaphore, #tpu.memory_space<semaphore_mem>>)
        %dma_wait3A_21 = arith.constant 0 : i32
        %dma_wait3A_22 = arith.constant 0 : i32
        %dma_wait3A_23 = tpu.memref_slice %arg4[%dma_wait3A_21, %dma_wait3A_22] : memref<50000x128xf32, #tpu.memory_space<hbm>> -> memref<50000x128xf32, #tpu.memory_space<hbm>>
        tpu.wait_indirect_dma semaphore(%arg19 : memref<!tpu.dma_semaphore, #tpu.memory_space<semaphore_mem>>) src(%dma_wait3A_23 : memref<50000x128xf32, #tpu.memory_space<hbm>>) dst(%arg18 : memref<600x128xf32, #tpu.memory_space<vmem>>)
        "tpu.region"() ({
          %run_scoped3A = tpu.sem_alloc : memref<!tpu.dma_semaphore, #tpu.memory_space<semaphore_mem>>
          %dma_start3A_48 = arith.constant 0 : i32
          %dma_start3A_49 = tpu.memref_slice %arg13[%mul3A_13, %dma_start3A_48] : memref<300000x128xf32, #tpu.memory_space<hbm>> -> memref<600x128xf32, #tpu.memory_space<hbm>>
          %dma_start3A_50 = arith.constant 0 : i32
          %dma_start3A_51 = tpu.memref_slice %arg13[%mul3A_13, %dma_start3A_50] : memref<300000x128xf32, #tpu.memory_space<hbm>> -> memref<600x128xf32, #tpu.memory_space<hbm>>
          tpu.enqueue_dma source(%arg18 : memref<600x128xf32, #tpu.memory_space<vmem>>) target(%dma_start3A_51 : memref<600x128xf32, #tpu.memory_space<hbm>>) target_semaphore(%run_scoped3A : memref<!tpu.dma_semaphore, #tpu.memory_space<semaphore_mem>>)
          %dma_wait3A_52 = arith.constant 0 : i32
          %dma_wait3A_53 = tpu.memref_slice %arg13[%mul3A_13, %dma_wait3A_52] : memref<300000x128xf32, #tpu.memory_space<hbm>> -> memref<600x128xf32, #tpu.memory_space<hbm>>
          %dma_wait3A_54 = arith.constant 0 : i32
          %dma_wait3A_55 = tpu.memref_slice %arg13[%mul3A_13, %dma_wait3A_54] : memref<300000x128xf32, #tpu.memory_space<hbm>> -> memref<600x128xf32, #tpu.memory_space<hbm>>
          tpu.wait_dma2 semaphore(%run_scoped3A : memref<!tpu.dma_semaphore, #tpu.memory_space<semaphore_mem>>) src(%arg18 : memref<600x128xf32, #tpu.memory_space<vmem>>) dst(%dma_wait3A_55 : memref<600x128xf32, #tpu.memory_space<hbm>>)
          tpu.yield
        }) : () -> ()
        "tpu.region"() ({
          %run_scoped3A = tpu.sem_alloc : memref<!tpu.dma_semaphore, #tpu.memory_space<semaphore_mem>>
          %dma_start3A_48 = tpu.memref_slice %arg8[%mul3A_13] : memref<300000xi32, #tpu.memory_space<hbm>> -> memref<600xi32, #tpu.memory_space<hbm>>
          %dma_start3A_49 = tpu.memref_slice %arg8[%mul3A_13] : memref<300000xi32, #tpu.memory_space<hbm>> -> memref<600xi32, #tpu.memory_space<hbm>>
          tpu.enqueue_dma source(%dma_start3A_49 : memref<600xi32, #tpu.memory_space<hbm>>) target(%arg17 : memref<600xi32, #tpu.memory_space<vmem>>) target_semaphore(%run_scoped3A : memref<!tpu.dma_semaphore, #tpu.memory_space<semaphore_mem>>)
          %dma_wait3A_50 = tpu.memref_slice %arg8[%mul3A_13] : memref<300000xi32, #tpu.memory_space<hbm>> -> memref<600xi32, #tpu.memory_space<hbm>>
          %dma_wait3A_51 = tpu.memref_slice %arg8[%mul3A_13] : memref<300000xi32, #tpu.memory_space<hbm>> -> memref<600xi32, #tpu.memory_space<hbm>>
          tpu.wait_dma2 semaphore(%run_scoped3A : memref<!tpu.dma_semaphore, #tpu.memory_space<semaphore_mem>>) src(%dma_wait3A_51 : memref<600xi32, #tpu.memory_space<hbm>>) dst(%arg17 : memref<600xi32, #tpu.memory_space<vmem>>)
          tpu.yield
        }) : () -> ()
        %dma_start3A_24 = arith.constant 0 : i32
        %dma_start3A_25 = arith.constant 0 : i32
        %dma_start3A_26 = tpu.memref_slice %arg3[%dma_start3A_24, %dma_start3A_25] : memref<50000x128xf32, #tpu.memory_space<hbm>> -> memref<50000x128xf32, #tpu.memory_space<hbm>>
        tpu.enqueue_indirect_dma source(%dma_start3A_26 : memref<50000x128xf32, #tpu.memory_space<hbm>>) target(%arg18 : memref<600x128xf32, #tpu.memory_space<vmem>>) offsets(%arg17 : memref<600xi32, #tpu.memory_space<vmem>>) semaphore(%arg19 : memref<!tpu.dma_semaphore, #tpu.memory_space<semaphore_mem>>)
        %dma_wait3A_27 = arith.constant 0 : i32
        %dma_wait3A_28 = arith.constant 0 : i32
        %dma_wait3A_29 = tpu.memref_slice %arg3[%dma_wait3A_27, %dma_wait3A_28] : memref<50000x128xf32, #tpu.memory_space<hbm>> -> memref<50000x128xf32, #tpu.memory_space<hbm>>
        tpu.wait_indirect_dma semaphore(%arg19 : memref<!tpu.dma_semaphore, #tpu.memory_space<semaphore_mem>>) src(%dma_wait3A_29 : memref<50000x128xf32, #tpu.memory_space<hbm>>) dst(%arg18 : memref<600x128xf32, #tpu.memory_space<vmem>>)
        "tpu.region"() ({
          %run_scoped3A = tpu.sem_alloc : memref<!tpu.dma_semaphore, #tpu.memory_space<semaphore_mem>>
          %dma_start3A_48 = arith.constant 0 : i32
          %dma_start3A_49 = tpu.memref_slice %arg12[%mul3A_13, %dma_start3A_48] : memref<300000x128xf32, #tpu.memory_space<hbm>> -> memref<600x128xf32, #tpu.memory_space<hbm>>
          %dma_start3A_50 = arith.constant 0 : i32
          %dma_start3A_51 = tpu.memref_slice %arg12[%mul3A_13, %dma_start3A_50] : memref<300000x128xf32, #tpu.memory_space<hbm>> -> memref<600x128xf32, #tpu.memory_space<hbm>>
          tpu.enqueue_dma source(%arg18 : memref<600x128xf32, #tpu.memory_space<vmem>>) target(%dma_start3A_51 : memref<600x128xf32, #tpu.memory_space<hbm>>) target_semaphore(%run_scoped3A : memref<!tpu.dma_semaphore, #tpu.memory_space<semaphore_mem>>)
          %dma_wait3A_52 = arith.constant 0 : i32
          %dma_wait3A_53 = tpu.memref_slice %arg12[%mul3A_13, %dma_wait3A_52] : memref<300000x128xf32, #tpu.memory_space<hbm>> -> memref<600x128xf32, #tpu.memory_space<hbm>>
          %dma_wait3A_54 = arith.constant 0 : i32
          %dma_wait3A_55 = tpu.memref_slice %arg12[%mul3A_13, %dma_wait3A_54] : memref<300000x128xf32, #tpu.memory_space<hbm>> -> memref<600x128xf32, #tpu.memory_space<hbm>>
          tpu.wait_dma2 semaphore(%run_scoped3A : memref<!tpu.dma_semaphore, #tpu.memory_space<semaphore_mem>>) src(%arg18 : memref<600x128xf32, #tpu.memory_space<vmem>>) dst(%dma_wait3A_55 : memref<600x128xf32, #tpu.memory_space<hbm>>)
          tpu.yield
        }) : () -> ()
        "tpu.region"() ({
          %run_scoped3A = tpu.sem_alloc : memref<!tpu.dma_semaphore, #tpu.memory_space<semaphore_mem>>
          %dma_start3A_48 = tpu.memref_slice %arg9[%mul3A_13] : memref<300000xi32, #tpu.memory_space<hbm>> -> memref<600xi32, #tpu.memory_space<hbm>>
          %dma_start3A_49 = tpu.memref_slice %arg9[%mul3A_13] : memref<300000xi32, #tpu.memory_space<hbm>> -> memref<600xi32, #tpu.memory_space<hbm>>
          tpu.enqueue_dma source(%dma_start3A_49 : memref<600xi32, #tpu.memory_space<hbm>>) target(%arg17 : memref<600xi32, #tpu.memory_space<vmem>>) target_semaphore(%run_scoped3A : memref<!tpu.dma_semaphore, #tpu.memory_space<semaphore_mem>>)
          %dma_wait3A_50 = tpu.memref_slice %arg9[%mul3A_13] : memref<300000xi32, #tpu.memory_space<hbm>> -> memref<600xi32, #tpu.memory_space<hbm>>
          %dma_wait3A_51 = tpu.memref_slice %arg9[%mul3A_13] : memref<300000xi32, #tpu.memory_space<hbm>> -> memref<600xi32, #tpu.memory_space<hbm>>
          tpu.wait_dma2 semaphore(%run_scoped3A : memref<!tpu.dma_semaphore, #tpu.memory_space<semaphore_mem>>) src(%dma_wait3A_51 : memref<600xi32, #tpu.memory_space<hbm>>) dst(%arg17 : memref<600xi32, #tpu.memory_space<vmem>>)
          tpu.yield
        }) : () -> ()
        %dma_start3A_30 = arith.constant 0 : i32
        %dma_start3A_31 = arith.constant 0 : i32
        %dma_start3A_32 = tpu.memref_slice %arg5[%dma_start3A_30, %dma_start3A_31] : memref<50000x128xf32, #tpu.memory_space<hbm>> -> memref<50000x128xf32, #tpu.memory_space<hbm>>
        tpu.enqueue_indirect_dma source(%dma_start3A_32 : memref<50000x128xf32, #tpu.memory_space<hbm>>) target(%arg18 : memref<600x128xf32, #tpu.memory_space<vmem>>) offsets(%arg17 : memref<600xi32, #tpu.memory_space<vmem>>) semaphore(%arg19 : memref<!tpu.dma_semaphore, #tpu.memory_space<semaphore_mem>>)
        %dma_wait3A_33 = arith.constant 0 : i32
        %dma_wait3A_34 = arith.constant 0 : i32
        %dma_wait3A_35 = tpu.memref_slice %arg5[%dma_wait3A_33, %dma_wait3A_34] : memref<50000x128xf32, #tpu.memory_space<hbm>> -> memref<50000x128xf32, #tpu.memory_space<hbm>>
        tpu.wait_indirect_dma semaphore(%arg19 : memref<!tpu.dma_semaphore, #tpu.memory_space<semaphore_mem>>) src(%dma_wait3A_35 : memref<50000x128xf32, #tpu.memory_space<hbm>>) dst(%arg18 : memref<600x128xf32, #tpu.memory_space<vmem>>)
        "tpu.region"() ({
          %run_scoped3A = tpu.sem_alloc : memref<!tpu.dma_semaphore, #tpu.memory_space<semaphore_mem>>
          %dma_start3A_48 = arith.constant 0 : i32
          %dma_start3A_49 = tpu.memref_slice %arg14[%mul3A_13, %dma_start3A_48] : memref<300000x128xf32, #tpu.memory_space<hbm>> -> memref<600x128xf32, #tpu.memory_space<hbm>>
          %dma_start3A_50 = arith.constant 0 : i32
          %dma_start3A_51 = tpu.memref_slice %arg14[%mul3A_13, %dma_start3A_50] : memref<300000x128xf32, #tpu.memory_space<hbm>> -> memref<600x128xf32, #tpu.memory_space<hbm>>
          tpu.enqueue_dma source(%arg18 : memref<600x128xf32, #tpu.memory_space<vmem>>) target(%dma_start3A_51 : memref<600x128xf32, #tpu.memory_space<hbm>>) target_semaphore(%run_scoped3A : memref<!tpu.dma_semaphore, #tpu.memory_space<semaphore_mem>>)
          %dma_wait3A_52 = arith.constant 0 : i32
          %dma_wait3A_53 = tpu.memref_slice %arg14[%mul3A_13, %dma_wait3A_52] : memref<300000x128xf32, #tpu.memory_space<hbm>> -> memref<600x128xf32, #tpu.memory_space<hbm>>
          %dma_wait3A_54 = arith.constant 0 : i32
          %dma_wait3A_55 = tpu.memref_slice %arg14[%mul3A_13, %dma_wait3A_54] : memref<300000x128xf32, #tpu.memory_space<hbm>> -> memref<600x128xf32, #tpu.memory_space<hbm>>
          tpu.wait_dma2 semaphore(%run_scoped3A : memref<!tpu.dma_semaphore, #tpu.memory_space<semaphore_mem>>) src(%arg18 : memref<600x128xf32, #tpu.memory_space<vmem>>) dst(%dma_wait3A_55 : memref<600x128xf32, #tpu.memory_space<hbm>>)
          tpu.yield
        }) : () -> ()
        %dma_start3A_36 = arith.constant 0 : i32
        %dma_start3A_37 = arith.constant 0 : i32
        %dma_start3A_38 = tpu.memref_slice %arg6[%dma_start3A_36, %dma_start3A_37] : memref<50000x128xf32, #tpu.memory_space<hbm>> -> memref<50000x128xf32, #tpu.memory_space<hbm>>
        tpu.enqueue_indirect_dma source(%dma_start3A_38 : memref<50000x128xf32, #tpu.memory_space<hbm>>) target(%arg18 : memref<600x128xf32, #tpu.memory_space<vmem>>) offsets(%arg17 : memref<600xi32, #tpu.memory_space<vmem>>) semaphore(%arg19 : memref<!tpu.dma_semaphore, #tpu.memory_space<semaphore_mem>>)
        %dma_wait3A_39 = arith.constant 0 : i32
        %dma_wait3A_40 = arith.constant 0 : i32
        %dma_wait3A_41 = tpu.memref_slice %arg6[%dma_wait3A_39, %dma_wait3A_40] : memref<50000x128xf32, #tpu.memory_space<hbm>> -> memref<50000x128xf32, #tpu.memory_space<hbm>>
        tpu.wait_indirect_dma semaphore(%arg19 : memref<!tpu.dma_semaphore, #tpu.memory_space<semaphore_mem>>) src(%dma_wait3A_41 : memref<50000x128xf32, #tpu.memory_space<hbm>>) dst(%arg18 : memref<600x128xf32, #tpu.memory_space<vmem>>)
        "tpu.region"() ({
          %run_scoped3A = tpu.sem_alloc : memref<!tpu.dma_semaphore, #tpu.memory_space<semaphore_mem>>
          %dma_start3A_48 = arith.constant 0 : i32
          %dma_start3A_49 = tpu.memref_slice %arg16[%mul3A_13, %dma_start3A_48] : memref<300000x128xf32, #tpu.memory_space<hbm>> -> memref<600x128xf32, #tpu.memory_space<hbm>>
          %dma_start3A_50 = arith.constant 0 : i32
          %dma_start3A_51 = tpu.memref_slice %arg16[%mul3A_13, %dma_start3A_50] : memref<300000x128xf32, #tpu.memory_space<hbm>> -> memref<600x128xf32, #tpu.memory_space<hbm>>
          tpu.enqueue_dma source(%arg18 : memref<600x128xf32, #tpu.memory_space<vmem>>) target(%dma_start3A_51 : memref<600x128xf32, #tpu.memory_space<hbm>>) target_semaphore(%run_scoped3A : memref<!tpu.dma_semaphore, #tpu.memory_space<semaphore_mem>>)
          %dma_wait3A_52 = arith.constant 0 : i32
          %dma_wait3A_53 = tpu.memref_slice %arg16[%mul3A_13, %dma_wait3A_52] : memref<300000x128xf32, #tpu.memory_space<hbm>> -> memref<600x128xf32, #tpu.memory_space<hbm>>
          %dma_wait3A_54 = arith.constant 0 : i32
          %dma_wait3A_55 = tpu.memref_slice %arg16[%mul3A_13, %dma_wait3A_54] : memref<300000x128xf32, #tpu.memory_space<hbm>> -> memref<600x128xf32, #tpu.memory_space<hbm>>
          tpu.wait_dma2 semaphore(%run_scoped3A : memref<!tpu.dma_semaphore, #tpu.memory_space<semaphore_mem>>) src(%arg18 : memref<600x128xf32, #tpu.memory_space<vmem>>) dst(%dma_wait3A_55 : memref<600x128xf32, #tpu.memory_space<hbm>>)
          tpu.yield
        }) : () -> ()
        "tpu.region"() ({
          %run_scoped3A = tpu.sem_alloc : memref<!tpu.dma_semaphore, #tpu.memory_space<semaphore_mem>>
          %dma_start3A_48 = tpu.memref_slice %arg10[%mul3A_13] : memref<300000xi32, #tpu.memory_space<hbm>> -> memref<600xi32, #tpu.memory_space<hbm>>
          %dma_start3A_49 = tpu.memref_slice %arg10[%mul3A_13] : memref<300000xi32, #tpu.memory_space<hbm>> -> memref<600xi32, #tpu.memory_space<hbm>>
          tpu.enqueue_dma source(%dma_start3A_49 : memref<600xi32, #tpu.memory_space<hbm>>) target(%arg17 : memref<600xi32, #tpu.memory_space<vmem>>) target_semaphore(%run_scoped3A : memref<!tpu.dma_semaphore, #tpu.memory_space<semaphore_mem>>)
          %dma_wait3A_50 = tpu.memref_slice %arg10[%mul3A_13] : memref<300000xi32, #tpu.memory_space<hbm>> -> memref<600xi32, #tpu.memory_space<hbm>>
          %dma_wait3A_51 = tpu.memref_slice %arg10[%mul3A_13] : memref<300000xi32, #tpu.memory_space<hbm>> -> memref<600xi32, #tpu.memory_space<hbm>>
          tpu.wait_dma2 semaphore(%run_scoped3A : memref<!tpu.dma_semaphore, #tpu.memory_space<semaphore_mem>>) src(%dma_wait3A_51 : memref<600xi32, #tpu.memory_space<hbm>>) dst(%arg17 : memref<600xi32, #tpu.memory_space<vmem>>)
          tpu.yield
        }) : () -> ()
        %dma_start3A_42 = arith.constant 0 : i32
        %dma_start3A_43 = arith.constant 0 : i32
        %dma_start3A_44 = tpu.memref_slice %arg3[%dma_start3A_42, %dma_start3A_43] : memref<50000x128xf32, #tpu.memory_space<hbm>> -> memref<50000x128xf32, #tpu.memory_space<hbm>>
        tpu.enqueue_indirect_dma source(%dma_start3A_44 : memref<50000x128xf32, #tpu.memory_space<hbm>>) target(%arg18 : memref<600x128xf32, #tpu.memory_space<vmem>>) offsets(%arg17 : memref<600xi32, #tpu.memory_space<vmem>>) semaphore(%arg19 : memref<!tpu.dma_semaphore, #tpu.memory_space<semaphore_mem>>)
        %dma_wait3A_45 = arith.constant 0 : i32
        %dma_wait3A_46 = arith.constant 0 : i32
        %dma_wait3A_47 = tpu.memref_slice %arg3[%dma_wait3A_45, %dma_wait3A_46] : memref<50000x128xf32, #tpu.memory_space<hbm>> -> memref<50000x128xf32, #tpu.memory_space<hbm>>
        tpu.wait_indirect_dma semaphore(%arg19 : memref<!tpu.dma_semaphore, #tpu.memory_space<semaphore_mem>>) src(%dma_wait3A_47 : memref<50000x128xf32, #tpu.memory_space<hbm>>) dst(%arg18 : memref<600x128xf32, #tpu.memory_space<vmem>>)
        "tpu.region"() ({
          %run_scoped3A = tpu.sem_alloc : memref<!tpu.dma_semaphore, #tpu.memory_space<semaphore_mem>>
          %dma_start3A_48 = arith.constant 0 : i32
          %dma_start3A_49 = tpu.memref_slice %arg15[%mul3A_13, %dma_start3A_48] : memref<300000x128xf32, #tpu.memory_space<hbm>> -> memref<600x128xf32, #tpu.memory_space<hbm>>
          %dma_start3A_50 = arith.constant 0 : i32
          %dma_start3A_51 = tpu.memref_slice %arg15[%mul3A_13, %dma_start3A_50] : memref<300000x128xf32, #tpu.memory_space<hbm>> -> memref<600x128xf32, #tpu.memory_space<hbm>>
          tpu.enqueue_dma source(%arg18 : memref<600x128xf32, #tpu.memory_space<vmem>>) target(%dma_start3A_51 : memref<600x128xf32, #tpu.memory_space<hbm>>) target_semaphore(%run_scoped3A : memref<!tpu.dma_semaphore, #tpu.memory_space<semaphore_mem>>)
          %dma_wait3A_52 = arith.constant 0 : i32
          %dma_wait3A_53 = tpu.memref_slice %arg15[%mul3A_13, %dma_wait3A_52] : memref<300000x128xf32, #tpu.memory_space<hbm>> -> memref<600x128xf32, #tpu.memory_space<hbm>>
          %dma_wait3A_54 = arith.constant 0 : i32
          %dma_wait3A_55 = tpu.memref_slice %arg15[%mul3A_13, %dma_wait3A_54] : memref<300000x128xf32, #tpu.memory_space<hbm>> -> memref<600x128xf32, #tpu.memory_space<hbm>>
          tpu.wait_dma2 semaphore(%run_scoped3A : memref<!tpu.dma_semaphore, #tpu.memory_space<semaphore_mem>>) src(%arg18 : memref<600x128xf32, #tpu.memory_space<vmem>>) dst(%dma_wait3A_55 : memref<600x128xf32, #tpu.memory_space<hbm>>)
          tpu.yield
        }) : () -> ()
      } else {
      }
    }
    %scan3A_5 = arith.constant 16 : i32
    return
  }
}

#map = affine_map<(d0, d1) -> (0, 0)>
#map1 = affine_map<(d0, d1) -> (0)>
module attributes {stable_mosaic.version = 14 : i64} {
  func.func @body_wv(%arg0: i32, %arg1: i32, %arg2: memref<300000x128xf32, #tpu.memory_space<hbm>>, %arg3: memref<300000xi32, #tpu.memory_space<hbm>>, %arg4: memref<300000x128xf32, #tpu.memory_space<hbm>>, %arg5: memref<300000xi32, #tpu.memory_space<hbm>>, %arg6: memref<50176x128xf32, #tpu.memory_space<hbm>>, %arg7: memref<50176x128xf32, #tpu.memory_space<hbm>>, %arg8: memref<96xi32, #tpu.memory_space<vmem>>, %arg9: memref<96xi32, #tpu.memory_space<vmem>>, %arg10: memref<96x128xf32, #tpu.memory_space<vmem>>, %arg11: memref<112x128xf32, #tpu.memory_space<vmem>>, %arg12: memref<12552x128xf32, #tpu.memory_space<vmem_shared>>) attributes {dimension_semantics = [#tpu.dimension_semantics<core_parallel>, #tpu.dimension_semantics<subcore_parallel>], iteration_bounds = array<i64: 2, 16>, scalar_prefetch = 0 : i64, scratch_operands = 5 : i64, tpu.core_type = #tpu.core_type<sc_vector_subcore>, window_params = [{transform_indices = #map}, {transform_indices = #map1}, {transform_indices = #map}, {transform_indices = #map1}, {transform_indices = #map}, {transform_indices = #map}]} {
    %scan3A = arith.constant 0 : i32
    %scan3A_0 = arith.constant 0 : i32
    %scan3A_1 = arith.constant 112 : i32
    %scan3A_2 = arith.addi %scan3A_0, %scan3A_1 : i32
    %scan3A_3 = arith.constant 1 : i32
    scf.for %scan3A_122 = %scan3A_0 to %scan3A_2 step %scan3A_3  : i32 {
      %broadcast_in_dim3A = arith.constant 0.000000e+00 : f32
      %broadcast_in_dim3A_123 = vector.broadcast %broadcast_in_dim3A : f32 to vector<16xf32>
      %swap3A = arith.index_cast %scan3A_122 : i32 to index
      %swap3A_124 = arith.constant 0 : index
      %swap3A_125 = tpu.vector_load %arg11[%swap3A, %swap3A_124] {strides = array<i32>} : memref<112x128xf32, #tpu.memory_space<vmem>>, vector<1x16xf32>,
      %swap3A_126 = vector.shape_cast %swap3A_125 : vector<1x16xf32> to vector<16xf32>
      %swap3A_127 = vector.shape_cast %broadcast_in_dim3A_123 : vector<16xf32> to vector<1x16xf32>
      tpu.vector_store %arg11[%swap3A, %swap3A_124], %swap3A_127 {strides = array<i32>} : memref<112x128xf32, #tpu.memory_space<vmem>>, vector<1x16xf32>,
      %broadcast_in_dim3A_128 = arith.constant 0.000000e+00 : f32
      %broadcast_in_dim3A_129 = vector.broadcast %broadcast_in_dim3A_128 : f32 to vector<16xf32>
      %swap3A_130 = arith.index_cast %scan3A_122 : i32 to index
      %swap3A_131 = arith.constant 16 : index
      %swap3A_132 = tpu.vector_load %arg11[%swap3A_130, %swap3A_131] {strides = array<i32>} : memref<112x128xf32, #tpu.memory_space<vmem>>, vector<1x16xf32>,
      %swap3A_133 = vector.shape_cast %swap3A_132 : vector<1x16xf32> to vector<16xf32>
      %swap3A_134 = vector.shape_cast %broadcast_in_dim3A_129 : vector<16xf32> to vector<1x16xf32>
      tpu.vector_store %arg11[%swap3A_130, %swap3A_131], %swap3A_134 {strides = array<i32>} : memref<112x128xf32, #tpu.memory_space<vmem>>, vector<1x16xf32>,
      %broadcast_in_dim3A_135 = arith.constant 0.000000e+00 : f32
      %broadcast_in_dim3A_136 = vector.broadcast %broadcast_in_dim3A_135 : f32 to vector<16xf32>
      %swap3A_137 = arith.index_cast %scan3A_122 : i32 to index
      %swap3A_138 = arith.constant 32 : index
      %swap3A_139 = tpu.vector_load %arg11[%swap3A_137, %swap3A_138] {strides = array<i32>} : memref<112x128xf32, #tpu.memory_space<vmem>>, vector<1x16xf32>,
      %swap3A_140 = vector.shape_cast %swap3A_139 : vector<1x16xf32> to vector<16xf32>
      %swap3A_141 = vector.shape_cast %broadcast_in_dim3A_136 : vector<16xf32> to vector<1x16xf32>
      tpu.vector_store %arg11[%swap3A_137, %swap3A_138], %swap3A_141 {strides = array<i32>} : memref<112x128xf32, #tpu.memory_space<vmem>>, vector<1x16xf32>,
      %broadcast_in_dim3A_142 = arith.constant 0.000000e+00 : f32
      %broadcast_in_dim3A_143 = vector.broadcast %broadcast_in_dim3A_142 : f32 to vector<16xf32>
      %swap3A_144 = arith.index_cast %scan3A_122 : i32 to index
      %swap3A_145 = arith.constant 48 : index
      %swap3A_146 = tpu.vector_load %arg11[%swap3A_144, %swap3A_145] {strides = array<i32>} : memref<112x128xf32, #tpu.memory_space<vmem>>, vector<1x16xf32>,
      %swap3A_147 = vector.shape_cast %swap3A_146 : vector<1x16xf32> to vector<16xf32>
      %swap3A_148 = vector.shape_cast %broadcast_in_dim3A_143 : vector<16xf32> to vector<1x16xf32>
      tpu.vector_store %arg11[%swap3A_144, %swap3A_145], %swap3A_148 {strides = array<i32>} : memref<112x128xf32, #tpu.memory_space<vmem>>, vector<1x16xf32>,
      %broadcast_in_dim3A_149 = arith.constant 0.000000e+00 : f32
      %broadcast_in_dim3A_150 = vector.broadcast %broadcast_in_dim3A_149 : f32 to vector<16xf32>
      %swap3A_151 = arith.index_cast %scan3A_122 : i32 to index
      %swap3A_152 = arith.constant 64 : index
      %swap3A_153 = tpu.vector_load %arg11[%swap3A_151, %swap3A_152] {strides = array<i32>} : memref<112x128xf32, #tpu.memory_space<vmem>>, vector<1x16xf32>,
      %swap3A_154 = vector.shape_cast %swap3A_153 : vector<1x16xf32> to vector<16xf32>
      %swap3A_155 = vector.shape_cast %broadcast_in_dim3A_150 : vector<16xf32> to vector<1x16xf32>
      tpu.vector_store %arg11[%swap3A_151, %swap3A_152], %swap3A_155 {strides = array<i32>} : memref<112x128xf32, #tpu.memory_space<vmem>>, vector<1x16xf32>,
      %broadcast_in_dim3A_156 = arith.constant 0.000000e+00 : f32
      %broadcast_in_dim3A_157 = vector.broadcast %broadcast_in_dim3A_156 : f32 to vector<16xf32>
      %swap3A_158 = arith.index_cast %scan3A_122 : i32 to index
      %swap3A_159 = arith.constant 80 : index
      %swap3A_160 = tpu.vector_load %arg11[%swap3A_158, %swap3A_159] {strides = array<i32>} : memref<112x128xf32, #tpu.memory_space<vmem>>, vector<1x16xf32>,
      %swap3A_161 = vector.shape_cast %swap3A_160 : vector<1x16xf32> to vector<16xf32>
      %swap3A_162 = vector.shape_cast %broadcast_in_dim3A_157 : vector<16xf32> to vector<1x16xf32>
      tpu.vector_store %arg11[%swap3A_158, %swap3A_159], %swap3A_162 {strides = array<i32>} : memref<112x128xf32, #tpu.memory_space<vmem>>, vector<1x16xf32>,
      %broadcast_in_dim3A_163 = arith.constant 0.000000e+00 : f32
      %broadcast_in_dim3A_164 = vector.broadcast %broadcast_in_dim3A_163 : f32 to vector<16xf32>
      %swap3A_165 = arith.index_cast %scan3A_122 : i32 to index
      %swap3A_166 = arith.constant 96 : index
      %swap3A_167 = tpu.vector_load %arg11[%swap3A_165, %swap3A_166] {strides = array<i32>} : memref<112x128xf32, #tpu.memory_space<vmem>>, vector<1x16xf32>,
      %swap3A_168 = vector.shape_cast %swap3A_167 : vector<1x16xf32> to vector<16xf32>
      %swap3A_169 = vector.shape_cast %broadcast_in_dim3A_164 : vector<16xf32> to vector<1x16xf32>
      tpu.vector_store %arg11[%swap3A_165, %swap3A_166], %swap3A_169 {strides = array<i32>} : memref<112x128xf32, #tpu.memory_space<vmem>>, vector<1x16xf32>,
      %broadcast_in_dim3A_170 = arith.constant 0.000000e+00 : f32
      %broadcast_in_dim3A_171 = vector.broadcast %broadcast_in_dim3A_170 : f32 to vector<16xf32>
      %swap3A_172 = arith.index_cast %scan3A_122 : i32 to index
      %swap3A_173 = arith.constant 112 : index
      %swap3A_174 = tpu.vector_load %arg11[%swap3A_172, %swap3A_173] {strides = array<i32>} : memref<112x128xf32, #tpu.memory_space<vmem>>, vector<1x16xf32>,
      %swap3A_175 = vector.shape_cast %swap3A_174 : vector<1x16xf32> to vector<16xf32>
      %swap3A_176 = vector.shape_cast %broadcast_in_dim3A_171 : vector<16xf32> to vector<1x16xf32>
      tpu.vector_store %arg11[%swap3A_172, %swap3A_173], %swap3A_176 {strides = array<i32>} : memref<112x128xf32, #tpu.memory_space<vmem>>, vector<1x16xf32>,
    }
    %scan3A_4 = arith.constant 112 : i32
    %add3A = arith.constant 0 : i32
    %add3A_5 = arith.addi %add3A, %arg0 : i32
    %mul3A = arith.constant 12544 : i32
    %mul3A_6 = arith.muli %add3A_5, %mul3A : i32
    %mul3A_7 = arith.constant 784 : i32
    %mul3A_8 = arith.muli %arg1, %mul3A_7 : i32
    %add3A_9 = arith.constant 0 : i32
    %add3A_10 = arith.addi %mul3A_8, %add3A_9 : i32
    "tpu.region"() ({
      %run_scoped3A = tpu.sem_alloc : memref<!tpu.dma_semaphore, #tpu.memory_space<semaphore_mem>>
      %dma_start3A = arith.constant 0 : i32
      %dma_start3A_122 = tpu.memref_slice %arg12[%add3A_10, %dma_start3A] : memref<12552x128xf32, #tpu.memory_space<vmem_shared>> -> memref<112x128xf32, #tpu.memory_space<vmem_shared>>
      %dma_start3A_123 = arith.constant 0 : i32
      %dma_start3A_124 = tpu.memref_slice %arg12[%add3A_10, %dma_start3A_123] : memref<12552x128xf32, #tpu.memory_space<vmem_shared>> -> memref<112x128xf32, #tpu.memory_space<vmem_shared>>
      tpu.enqueue_dma source(%arg11 : memref<112x128xf32, #tpu.memory_space<vmem>>) target(%dma_start3A_124 : memref<112x128xf32, #tpu.memory_space<vmem_shared>>) target_semaphore(%run_scoped3A : memref<!tpu.dma_semaphore, #tpu.memory_space<semaphore_mem>>)
      %dma_wait3A = arith.constant 0 : i32
      %dma_wait3A_125 = tpu.memref_slice %arg12[%add3A_10, %dma_wait3A] : memref<12552x128xf32, #tpu.memory_space<vmem_shared>> -> memref<112x128xf32, #tpu.memory_space<vmem_shared>>
      %dma_wait3A_126 = arith.constant 0 : i32
      %dma_wait3A_127 = tpu.memref_slice %arg12[%add3A_10, %dma_wait3A_126] : memref<12552x128xf32, #tpu.memory_space<vmem_shared>> -> memref<112x128xf32, #tpu.memory_space<vmem_shared>>
      tpu.wait_dma2 semaphore(%run_scoped3A : memref<!tpu.dma_semaphore, #tpu.memory_space<semaphore_mem>>) src(%arg11 : memref<112x128xf32, #tpu.memory_space<vmem>>) dst(%dma_wait3A_127 : memref<112x128xf32, #tpu.memory_space<vmem_shared>>)
      tpu.yield
    }) : () -> ()
    %add3A_11 = arith.constant 112 : i32
    %add3A_12 = arith.addi %mul3A_8, %add3A_11 : i32
    "tpu.region"() ({
      %run_scoped3A = tpu.sem_alloc : memref<!tpu.dma_semaphore, #tpu.memory_space<semaphore_mem>>
      %dma_start3A = arith.constant 0 : i32
      %dma_start3A_122 = tpu.memref_slice %arg12[%add3A_12, %dma_start3A] : memref<12552x128xf32, #tpu.memory_space<vmem_shared>> -> memref<112x128xf32, #tpu.memory_space<vmem_shared>>
      %dma_start3A_123 = arith.constant 0 : i32
      %dma_start3A_124 = tpu.memref_slice %arg12[%add3A_12, %dma_start3A_123] : memref<12552x128xf32, #tpu.memory_space<vmem_shared>> -> memref<112x128xf32, #tpu.memory_space<vmem_shared>>
      tpu.enqueue_dma source(%arg11 : memref<112x128xf32, #tpu.memory_space<vmem>>) target(%dma_start3A_124 : memref<112x128xf32, #tpu.memory_space<vmem_shared>>) target_semaphore(%run_scoped3A : memref<!tpu.dma_semaphore, #tpu.memory_space<semaphore_mem>>)
      %dma_wait3A = arith.constant 0 : i32
      %dma_wait3A_125 = tpu.memref_slice %arg12[%add3A_12, %dma_wait3A] : memref<12552x128xf32, #tpu.memory_space<vmem_shared>> -> memref<112x128xf32, #tpu.memory_space<vmem_shared>>
      %dma_wait3A_126 = arith.constant 0 : i32
      %dma_wait3A_127 = tpu.memref_slice %arg12[%add3A_12, %dma_wait3A_126] : memref<12552x128xf32, #tpu.memory_space<vmem_shared>> -> memref<112x128xf32, #tpu.memory_space<vmem_shared>>
      tpu.wait_dma2 semaphore(%run_scoped3A : memref<!tpu.dma_semaphore, #tpu.memory_space<semaphore_mem>>) src(%arg11 : memref<112x128xf32, #tpu.memory_space<vmem>>) dst(%dma_wait3A_127 : memref<112x128xf32, #tpu.memory_space<vmem_shared>>)
      tpu.yield
    }) : () -> ()
    %add3A_13 = arith.constant 224 : i32
    %add3A_14 = arith.addi %mul3A_8, %add3A_13 : i32
    "tpu.region"() ({
      %run_scoped3A = tpu.sem_alloc : memref<!tpu.dma_semaphore, #tpu.memory_space<semaphore_mem>>
      %dma_start3A = arith.constant 0 : i32
      %dma_start3A_122 = tpu.memref_slice %arg12[%add3A_14, %dma_start3A] : memref<12552x128xf32, #tpu.memory_space<vmem_shared>> -> memref<112x128xf32, #tpu.memory_space<vmem_shared>>
      %dma_start3A_123 = arith.constant 0 : i32
      %dma_start3A_124 = tpu.memref_slice %arg12[%add3A_14, %dma_start3A_123] : memref<12552x128xf32, #tpu.memory_space<vmem_shared>> -> memref<112x128xf32, #tpu.memory_space<vmem_shared>>
      tpu.enqueue_dma source(%arg11 : memref<112x128xf32, #tpu.memory_space<vmem>>) target(%dma_start3A_124 : memref<112x128xf32, #tpu.memory_space<vmem_shared>>) target_semaphore(%run_scoped3A : memref<!tpu.dma_semaphore, #tpu.memory_space<semaphore_mem>>)
      %dma_wait3A = arith.constant 0 : i32
      %dma_wait3A_125 = tpu.memref_slice %arg12[%add3A_14, %dma_wait3A] : memref<12552x128xf32, #tpu.memory_space<vmem_shared>> -> memref<112x128xf32, #tpu.memory_space<vmem_shared>>
      %dma_wait3A_126 = arith.constant 0 : i32
      %dma_wait3A_127 = tpu.memref_slice %arg12[%add3A_14, %dma_wait3A_126] : memref<12552x128xf32, #tpu.memory_space<vmem_shared>> -> memref<112x128xf32, #tpu.memory_space<vmem_shared>>
      tpu.wait_dma2 semaphore(%run_scoped3A : memref<!tpu.dma_semaphore, #tpu.memory_space<semaphore_mem>>) src(%arg11 : memref<112x128xf32, #tpu.memory_space<vmem>>) dst(%dma_wait3A_127 : memref<112x128xf32, #tpu.memory_space<vmem_shared>>)
      tpu.yield
    }) : () -> ()
    %add3A_15 = arith.constant 336 : i32
    %add3A_16 = arith.addi %mul3A_8, %add3A_15 : i32
    "tpu.region"() ({
      %run_scoped3A = tpu.sem_alloc : memref<!tpu.dma_semaphore, #tpu.memory_space<semaphore_mem>>
      %dma_start3A = arith.constant 0 : i32
      %dma_start3A_122 = tpu.memref_slice %arg12[%add3A_16, %dma_start3A] : memref<12552x128xf32, #tpu.memory_space<vmem_shared>> -> memref<112x128xf32, #tpu.memory_space<vmem_shared>>
      %dma_start3A_123 = arith.constant 0 : i32
      %dma_start3A_124 = tpu.memref_slice %arg12[%add3A_16, %dma_start3A_123] : memref<12552x128xf32, #tpu.memory_space<vmem_shared>> -> memref<112x128xf32, #tpu.memory_space<vmem_shared>>
      tpu.enqueue_dma source(%arg11 : memref<112x128xf32, #tpu.memory_space<vmem>>) target(%dma_start3A_124 : memref<112x128xf32, #tpu.memory_space<vmem_shared>>) target_semaphore(%run_scoped3A : memref<!tpu.dma_semaphore, #tpu.memory_space<semaphore_mem>>)
      %dma_wait3A = arith.constant 0 : i32
      %dma_wait3A_125 = tpu.memref_slice %arg12[%add3A_16, %dma_wait3A] : memref<12552x128xf32, #tpu.memory_space<vmem_shared>> -> memref<112x128xf32, #tpu.memory_space<vmem_shared>>
      %dma_wait3A_126 = arith.constant 0 : i32
      %dma_wait3A_127 = tpu.memref_slice %arg12[%add3A_16, %dma_wait3A_126] : memref<12552x128xf32, #tpu.memory_space<vmem_shared>> -> memref<112x128xf32, #tpu.memory_space<vmem_shared>>
      tpu.wait_dma2 semaphore(%run_scoped3A : memref<!tpu.dma_semaphore, #tpu.memory_space<semaphore_mem>>) src(%arg11 : memref<112x128xf32, #tpu.memory_space<vmem>>) dst(%dma_wait3A_127 : memref<112x128xf32, #tpu.memory_space<vmem_shared>>)
      tpu.yield
    }) : () -> ()
    %add3A_17 = arith.constant 448 : i32
    %add3A_18 = arith.addi %mul3A_8, %add3A_17 : i32
    "tpu.region"() ({
      %run_scoped3A = tpu.sem_alloc : memref<!tpu.dma_semaphore, #tpu.memory_space<semaphore_mem>>
      %dma_start3A = arith.constant 0 : i32
      %dma_start3A_122 = tpu.memref_slice %arg12[%add3A_18, %dma_start3A] : memref<12552x128xf32, #tpu.memory_space<vmem_shared>> -> memref<112x128xf32, #tpu.memory_space<vmem_shared>>
      %dma_start3A_123 = arith.constant 0 : i32
      %dma_start3A_124 = tpu.memref_slice %arg12[%add3A_18, %dma_start3A_123] : memref<12552x128xf32, #tpu.memory_space<vmem_shared>> -> memref<112x128xf32, #tpu.memory_space<vmem_shared>>
      tpu.enqueue_dma source(%arg11 : memref<112x128xf32, #tpu.memory_space<vmem>>) target(%dma_start3A_124 : memref<112x128xf32, #tpu.memory_space<vmem_shared>>) target_semaphore(%run_scoped3A : memref<!tpu.dma_semaphore, #tpu.memory_space<semaphore_mem>>)
      %dma_wait3A = arith.constant 0 : i32
      %dma_wait3A_125 = tpu.memref_slice %arg12[%add3A_18, %dma_wait3A] : memref<12552x128xf32, #tpu.memory_space<vmem_shared>> -> memref<112x128xf32, #tpu.memory_space<vmem_shared>>
      %dma_wait3A_126 = arith.constant 0 : i32
      %dma_wait3A_127 = tpu.memref_slice %arg12[%add3A_18, %dma_wait3A_126] : memref<12552x128xf32, #tpu.memory_space<vmem_shared>> -> memref<112x128xf32, #tpu.memory_space<vmem_shared>>
      tpu.wait_dma2 semaphore(%run_scoped3A : memref<!tpu.dma_semaphore, #tpu.memory_space<semaphore_mem>>) src(%arg11 : memref<112x128xf32, #tpu.memory_space<vmem>>) dst(%dma_wait3A_127 : memref<112x128xf32, #tpu.memory_space<vmem_shared>>)
      tpu.yield
    }) : () -> ()
    %add3A_19 = arith.constant 560 : i32
    %add3A_20 = arith.addi %mul3A_8, %add3A_19 : i32
    "tpu.region"() ({
      %run_scoped3A = tpu.sem_alloc : memref<!tpu.dma_semaphore, #tpu.memory_space<semaphore_mem>>
      %dma_start3A = arith.constant 0 : i32
      %dma_start3A_122 = tpu.memref_slice %arg12[%add3A_20, %dma_start3A] : memref<12552x128xf32, #tpu.memory_space<vmem_shared>> -> memref<112x128xf32, #tpu.memory_space<vmem_shared>>
      %dma_start3A_123 = arith.constant 0 : i32
      %dma_start3A_124 = tpu.memref_slice %arg12[%add3A_20, %dma_start3A_123] : memref<12552x128xf32, #tpu.memory_space<vmem_shared>> -> memref<112x128xf32, #tpu.memory_space<vmem_shared>>
      tpu.enqueue_dma source(%arg11 : memref<112x128xf32, #tpu.memory_space<vmem>>) target(%dma_start3A_124 : memref<112x128xf32, #tpu.memory_space<vmem_shared>>) target_semaphore(%run_scoped3A : memref<!tpu.dma_semaphore, #tpu.memory_space<semaphore_mem>>)
      %dma_wait3A = arith.constant 0 : i32
      %dma_wait3A_125 = tpu.memref_slice %arg12[%add3A_20, %dma_wait3A] : memref<12552x128xf32, #tpu.memory_space<vmem_shared>> -> memref<112x128xf32, #tpu.memory_space<vmem_shared>>
      %dma_wait3A_126 = arith.constant 0 : i32
      %dma_wait3A_127 = tpu.memref_slice %arg12[%add3A_20, %dma_wait3A_126] : memref<12552x128xf32, #tpu.memory_space<vmem_shared>> -> memref<112x128xf32, #tpu.memory_space<vmem_shared>>
      tpu.wait_dma2 semaphore(%run_scoped3A : memref<!tpu.dma_semaphore, #tpu.memory_space<semaphore_mem>>) src(%arg11 : memref<112x128xf32, #tpu.memory_space<vmem>>) dst(%dma_wait3A_127 : memref<112x128xf32, #tpu.memory_space<vmem_shared>>)
      tpu.yield
    }) : () -> ()
    %add3A_21 = arith.constant 672 : i32
    %add3A_22 = arith.addi %mul3A_8, %add3A_21 : i32
    "tpu.region"() ({
      %run_scoped3A = tpu.sem_alloc : memref<!tpu.dma_semaphore, #tpu.memory_space<semaphore_mem>>
      %dma_start3A = arith.constant 0 : i32
      %dma_start3A_122 = tpu.memref_slice %arg12[%add3A_22, %dma_start3A] : memref<12552x128xf32, #tpu.memory_space<vmem_shared>> -> memref<112x128xf32, #tpu.memory_space<vmem_shared>>
      %dma_start3A_123 = arith.constant 0 : i32
      %dma_start3A_124 = tpu.memref_slice %arg12[%add3A_22, %dma_start3A_123] : memref<12552x128xf32, #tpu.memory_space<vmem_shared>> -> memref<112x128xf32, #tpu.memory_space<vmem_shared>>
      tpu.enqueue_dma source(%arg11 : memref<112x128xf32, #tpu.memory_space<vmem>>) target(%dma_start3A_124 : memref<112x128xf32, #tpu.memory_space<vmem_shared>>) target_semaphore(%run_scoped3A : memref<!tpu.dma_semaphore, #tpu.memory_space<semaphore_mem>>)
      %dma_wait3A = arith.constant 0 : i32
      %dma_wait3A_125 = tpu.memref_slice %arg12[%add3A_22, %dma_wait3A] : memref<12552x128xf32, #tpu.memory_space<vmem_shared>> -> memref<112x128xf32, #tpu.memory_space<vmem_shared>>
      %dma_wait3A_126 = arith.constant 0 : i32
      %dma_wait3A_127 = tpu.memref_slice %arg12[%add3A_22, %dma_wait3A_126] : memref<12552x128xf32, #tpu.memory_space<vmem_shared>> -> memref<112x128xf32, #tpu.memory_space<vmem_shared>>
      tpu.wait_dma2 semaphore(%run_scoped3A : memref<!tpu.dma_semaphore, #tpu.memory_space<semaphore_mem>>) src(%arg11 : memref<112x128xf32, #tpu.memory_space<vmem>>) dst(%dma_wait3A_127 : memref<112x128xf32, #tpu.memory_space<vmem_shared>>)
      tpu.yield
    }) : () -> ()
    %barrier3A = arith.constant 0 : index
    tpu.barrier barrier_id(%barrier3A)
    %scan3A_23 = arith.constant 0 : i32
    %scan3A_24 = arith.constant 0 : i32
    %scan3A_25 = arith.constant 196 : i32
    %scan3A_26 = arith.addi %scan3A_24, %scan3A_25 : i32
    %scan3A_27 = arith.constant 1 : i32
    scf.for %scan3A_122 = %scan3A_24 to %scan3A_26 step %scan3A_27  : i32 {
      %mul3A_123 = arith.constant 16 : i32
      %mul3A_124 = arith.muli %scan3A_122, %mul3A_123 : i32
      %add3A_125 = arith.addi %arg1, %mul3A_124 : i32
      %lt3A = arith.constant 3125 : i32
      %lt3A_126 = arith.cmpi slt, %add3A_125, %lt3A : i32
      %convert_element_type3A = arith.extui %lt3A_126 : i1 to i32
      %cond3A = arith.constant 0 : i32
      %cond3A_127 = arith.cmpi ne, %convert_element_type3A, %cond3A : i32
      scf.if %cond3A_127 {
        %mul3A_128 = arith.constant 96 : i32
        %mul3A_129 = arith.muli %add3A_125, %mul3A_128 : i32
        "tpu.region"() ({
          %run_scoped3A = tpu.sem_alloc : memref<!tpu.dma_semaphore, #tpu.memory_space<semaphore_mem>>
          %dma_start3A = tpu.memref_slice %arg3[%mul3A_129] : memref<300000xi32, #tpu.memory_space<hbm>> -> memref<96xi32, #tpu.memory_space<hbm>>
          %dma_start3A_236 = tpu.memref_slice %arg3[%mul3A_129] : memref<300000xi32, #tpu.memory_space<hbm>> -> memref<96xi32, #tpu.memory_space<hbm>>
          tpu.enqueue_dma source(%dma_start3A_236 : memref<96xi32, #tpu.memory_space<hbm>>) target(%arg8 : memref<96xi32, #tpu.memory_space<vmem>>) target_semaphore(%run_scoped3A : memref<!tpu.dma_semaphore, #tpu.memory_space<semaphore_mem>>)
          %dma_wait3A = tpu.memref_slice %arg3[%mul3A_129] : memref<300000xi32, #tpu.memory_space<hbm>> -> memref<96xi32, #tpu.memory_space<hbm>>
          %dma_wait3A_237 = tpu.memref_slice %arg3[%mul3A_129] : memref<300000xi32, #tpu.memory_space<hbm>> -> memref<96xi32, #tpu.memory_space<hbm>>
          tpu.wait_dma2 semaphore(%run_scoped3A : memref<!tpu.dma_semaphore, #tpu.memory_space<semaphore_mem>>) src(%dma_wait3A_237 : memref<96xi32, #tpu.memory_space<hbm>>) dst(%arg8 : memref<96xi32, #tpu.memory_space<vmem>>)
          tpu.yield
        }) : () -> ()
        %get3A = arith.constant 0 : index
        %get3A_130 = tpu.vector_load %arg8[%get3A] {strides = array<i32>} : memref<96xi32, #tpu.memory_space<vmem>>, vector<16xi32>,
        %get3A_131 = vector.shape_cast %get3A_130 : vector<16xi32> to vector<16xi32>
        %ge3A = vector.broadcast %mul3A_6 : i32 to vector<16xi32>
        %ge3A_132 = arith.cmpi sge, %get3A_131, %ge3A : vector<16xi32>
        %add3A_133 = arith.constant 12544 : i32
        %add3A_134 = arith.addi %mul3A_6, %add3A_133 : i32
        %lt3A_135 = vector.broadcast %add3A_134 : i32 to vector<16xi32>
        %lt3A_136 = arith.cmpi slt, %get3A_131, %lt3A_135 : vector<16xi32>
        %and3A = arith.andi %ge3A_132, %lt3A_136 : vector<16xi1>
        %sub3A = vector.broadcast %mul3A_6 : i32 to vector<16xi32>
        %sub3A_137 = arith.subi %get3A_131, %sub3A : vector<16xi32>
        %jit3A = arith.constant 12544 : i32
        %broadcast_in_dim3A = vector.broadcast %jit3A : i32 to vector<16xi32>
        %select_n3A = arith.select %and3A, %sub3A_137, %broadcast_in_dim3A : vector<16xi1>, vector<16xi32>
        %swap3A = arith.constant 0 : index
        %swap3A_138 = tpu.vector_load %arg9[%swap3A] {strides = array<i32>} : memref<96xi32, #tpu.memory_space<vmem>>, vector<16xi32>,
        %swap3A_139 = vector.shape_cast %swap3A_138 : vector<16xi32> to vector<16xi32>
        %swap3A_140 = vector.shape_cast %select_n3A : vector<16xi32> to vector<16xi32>
        tpu.vector_store %arg9[%swap3A], %swap3A_140 {strides = array<i32>} : memref<96xi32, #tpu.memory_space<vmem>>, vector<16xi32>,
        %get3A_141 = arith.constant 16 : index
        %get3A_142 = tpu.vector_load %arg8[%get3A_141] {strides = array<i32>} : memref<96xi32, #tpu.memory_space<vmem>>, vector<16xi32>,
        %get3A_143 = vector.shape_cast %get3A_142 : vector<16xi32> to vector<16xi32>
        %ge3A_144 = vector.broadcast %mul3A_6 : i32 to vector<16xi32>
        %ge3A_145 = arith.cmpi sge, %get3A_143, %ge3A_144 : vector<16xi32>
        %add3A_146 = arith.constant 12544 : i32
        %add3A_147 = arith.addi %mul3A_6, %add3A_146 : i32
        %lt3A_148 = vector.broadcast %add3A_147 : i32 to vector<16xi32>
        %lt3A_149 = arith.cmpi slt, %get3A_143, %lt3A_148 : vector<16xi32>
        %and3A_150 = arith.andi %ge3A_145, %lt3A_149 : vector<16xi1>
        %sub3A_151 = vector.broadcast %mul3A_6 : i32 to vector<16xi32>
        %sub3A_152 = arith.subi %get3A_143, %sub3A_151 : vector<16xi32>
        %jit3A_153 = arith.constant 12544 : i32
        %broadcast_in_dim3A_154 = vector.broadcast %jit3A_153 : i32 to vector<16xi32>
        %select_n3A_155 = arith.select %and3A_150, %sub3A_152, %broadcast_in_dim3A_154 : vector<16xi1>, vector<16xi32>
        %swap3A_156 = arith.constant 16 : index
        %swap3A_157 = tpu.vector_load %arg9[%swap3A_156] {strides = array<i32>} : memref<96xi32, #tpu.memory_space<vmem>>, vector<16xi32>,
        %swap3A_158 = vector.shape_cast %swap3A_157 : vector<16xi32> to vector<16xi32>
        %swap3A_159 = vector.shape_cast %select_n3A_155 : vector<16xi32> to vector<16xi32>
        tpu.vector_store %arg9[%swap3A_156], %swap3A_159 {strides = array<i32>} : memref<96xi32, #tpu.memory_space<vmem>>, vector<16xi32>,
        %get3A_160 = arith.constant 32 : index
        %get3A_161 = tpu.vector_load %arg8[%get3A_160] {strides = array<i32>} : memref<96xi32, #tpu.memory_space<vmem>>, vector<16xi32>,
        %get3A_162 = vector.shape_cast %get3A_161 : vector<16xi32> to vector<16xi32>
        %ge3A_163 = vector.broadcast %mul3A_6 : i32 to vector<16xi32>
        %ge3A_164 = arith.cmpi sge, %get3A_162, %ge3A_163 : vector<16xi32>
        %add3A_165 = arith.constant 12544 : i32
        %add3A_166 = arith.addi %mul3A_6, %add3A_165 : i32
        %lt3A_167 = vector.broadcast %add3A_166 : i32 to vector<16xi32>
        %lt3A_168 = arith.cmpi slt, %get3A_162, %lt3A_167 : vector<16xi32>
        %and3A_169 = arith.andi %ge3A_164, %lt3A_168 : vector<16xi1>
        %sub3A_170 = vector.broadcast %mul3A_6 : i32 to vector<16xi32>
        %sub3A_171 = arith.subi %get3A_162, %sub3A_170 : vector<16xi32>
        %jit3A_172 = arith.constant 12544 : i32
        %broadcast_in_dim3A_173 = vector.broadcast %jit3A_172 : i32 to vector<16xi32>
        %select_n3A_174 = arith.select %and3A_169, %sub3A_171, %broadcast_in_dim3A_173 : vector<16xi1>, vector<16xi32>
        %swap3A_175 = arith.constant 32 : index
        %swap3A_176 = tpu.vector_load %arg9[%swap3A_175] {strides = array<i32>} : memref<96xi32, #tpu.memory_space<vmem>>, vector<16xi32>,
        %swap3A_177 = vector.shape_cast %swap3A_176 : vector<16xi32> to vector<16xi32>
        %swap3A_178 = vector.shape_cast %select_n3A_174 : vector<16xi32> to vector<16xi32>
        tpu.vector_store %arg9[%swap3A_175], %swap3A_178 {strides = array<i32>} : memref<96xi32, #tpu.memory_space<vmem>>, vector<16xi32>,
        %get3A_179 = arith.constant 48 : index
        %get3A_180 = tpu.vector_load %arg8[%get3A_179] {strides = array<i32>} : memref<96xi32, #tpu.memory_space<vmem>>, vector<16xi32>,
        %get3A_181 = vector.shape_cast %get3A_180 : vector<16xi32> to vector<16xi32>
        %ge3A_182 = vector.broadcast %mul3A_6 : i32 to vector<16xi32>
        %ge3A_183 = arith.cmpi sge, %get3A_181, %ge3A_182 : vector<16xi32>
        %add3A_184 = arith.constant 12544 : i32
        %add3A_185 = arith.addi %mul3A_6, %add3A_184 : i32
        %lt3A_186 = vector.broadcast %add3A_185 : i32 to vector<16xi32>
        %lt3A_187 = arith.cmpi slt, %get3A_181, %lt3A_186 : vector<16xi32>
        %and3A_188 = arith.andi %ge3A_183, %lt3A_187 : vector<16xi1>
        %sub3A_189 = vector.broadcast %mul3A_6 : i32 to vector<16xi32>
        %sub3A_190 = arith.subi %get3A_181, %sub3A_189 : vector<16xi32>
        %jit3A_191 = arith.constant 12544 : i32
        %broadcast_in_dim3A_192 = vector.broadcast %jit3A_191 : i32 to vector<16xi32>
        %select_n3A_193 = arith.select %and3A_188, %sub3A_190, %broadcast_in_dim3A_192 : vector<16xi1>, vector<16xi32>
        %swap3A_194 = arith.constant 48 : index
        %swap3A_195 = tpu.vector_load %arg9[%swap3A_194] {strides = array<i32>} : memref<96xi32, #tpu.memory_space<vmem>>, vector<16xi32>,
        %swap3A_196 = vector.shape_cast %swap3A_195 : vector<16xi32> to vector<16xi32>
        %swap3A_197 = vector.shape_cast %select_n3A_193 : vector<16xi32> to vector<16xi32>
        tpu.vector_store %arg9[%swap3A_194], %swap3A_197 {strides = array<i32>} : memref<96xi32, #tpu.memory_space<vmem>>, vector<16xi32>,
        %get3A_198 = arith.constant 64 : index
        %get3A_199 = tpu.vector_load %arg8[%get3A_198] {strides = array<i32>} : memref<96xi32, #tpu.memory_space<vmem>>, vector<16xi32>,
        %get3A_200 = vector.shape_cast %get3A_199 : vector<16xi32> to vector<16xi32>
        %ge3A_201 = vector.broadcast %mul3A_6 : i32 to vector<16xi32>
        %ge3A_202 = arith.cmpi sge, %get3A_200, %ge3A_201 : vector<16xi32>
        %add3A_203 = arith.constant 12544 : i32
        %add3A_204 = arith.addi %mul3A_6, %add3A_203 : i32
        %lt3A_205 = vector.broadcast %add3A_204 : i32 to vector<16xi32>
        %lt3A_206 = arith.cmpi slt, %get3A_200, %lt3A_205 : vector<16xi32>
        %and3A_207 = arith.andi %ge3A_202, %lt3A_206 : vector<16xi1>
        %sub3A_208 = vector.broadcast %mul3A_6 : i32 to vector<16xi32>
        %sub3A_209 = arith.subi %get3A_200, %sub3A_208 : vector<16xi32>
        %jit3A_210 = arith.constant 12544 : i32
        %broadcast_in_dim3A_211 = vector.broadcast %jit3A_210 : i32 to vector<16xi32>
        %select_n3A_212 = arith.select %and3A_207, %sub3A_209, %broadcast_in_dim3A_211 : vector<16xi1>, vector<16xi32>
        %swap3A_213 = arith.constant 64 : index
        %swap3A_214 = tpu.vector_load %arg9[%swap3A_213] {strides = array<i32>} : memref<96xi32, #tpu.memory_space<vmem>>, vector<16xi32>,
        %swap3A_215 = vector.shape_cast %swap3A_214 : vector<16xi32> to vector<16xi32>
        %swap3A_216 = vector.shape_cast %select_n3A_212 : vector<16xi32> to vector<16xi32>
        tpu.vector_store %arg9[%swap3A_213], %swap3A_216 {strides = array<i32>} : memref<96xi32, #tpu.memory_space<vmem>>, vector<16xi32>,
        %get3A_217 = arith.constant 80 : index
        %get3A_218 = tpu.vector_load %arg8[%get3A_217] {strides = array<i32>} : memref<96xi32, #tpu.memory_space<vmem>>, vector<16xi32>,
        %get3A_219 = vector.shape_cast %get3A_218 : vector<16xi32> to vector<16xi32>
        %ge3A_220 = vector.broadcast %mul3A_6 : i32 to vector<16xi32>
        %ge3A_221 = arith.cmpi sge, %get3A_219, %ge3A_220 : vector<16xi32>
        %add3A_222 = arith.constant 12544 : i32
        %add3A_223 = arith.addi %mul3A_6, %add3A_222 : i32
        %lt3A_224 = vector.broadcast %add3A_223 : i32 to vector<16xi32>
        %lt3A_225 = arith.cmpi slt, %get3A_219, %lt3A_224 : vector<16xi32>
        %and3A_226 = arith.andi %ge3A_221, %lt3A_225 : vector<16xi1>
        %sub3A_227 = vector.broadcast %mul3A_6 : i32 to vector<16xi32>
        %sub3A_228 = arith.subi %get3A_219, %sub3A_227 : vector<16xi32>
        %jit3A_229 = arith.constant 12544 : i32
        %broadcast_in_dim3A_230 = vector.broadcast %jit3A_229 : i32 to vector<16xi32>
        %select_n3A_231 = arith.select %and3A_226, %sub3A_228, %broadcast_in_dim3A_230 : vector<16xi1>, vector<16xi32>
        %swap3A_232 = arith.constant 80 : index
        %swap3A_233 = tpu.vector_load %arg9[%swap3A_232] {strides = array<i32>} : memref<96xi32, #tpu.memory_space<vmem>>, vector<16xi32>,
        %swap3A_234 = vector.shape_cast %swap3A_233 : vector<16xi32> to vector<16xi32>
        %swap3A_235 = vector.shape_cast %select_n3A_231 : vector<16xi32> to vector<16xi32>
        tpu.vector_store %arg9[%swap3A_232], %swap3A_235 {strides = array<i32>} : memref<96xi32, #tpu.memory_space<vmem>>, vector<16xi32>,
        "tpu.region"() ({
          %run_scoped3A = tpu.sem_alloc : memref<!tpu.dma_semaphore, #tpu.memory_space<semaphore_mem>>
          %dma_start3A = arith.constant 0 : i32
          %dma_start3A_236 = tpu.memref_slice %arg2[%mul3A_129, %dma_start3A] : memref<300000x128xf32, #tpu.memory_space<hbm>> -> memref<96x128xf32, #tpu.memory_space<hbm>>
          %dma_start3A_237 = arith.constant 0 : i32
          %dma_start3A_238 = tpu.memref_slice %arg2[%mul3A_129, %dma_start3A_237] : memref<300000x128xf32, #tpu.memory_space<hbm>> -> memref<96x128xf32, #tpu.memory_space<hbm>>
          tpu.enqueue_dma source(%dma_start3A_238 : memref<96x128xf32, #tpu.memory_space<hbm>>) target(%arg10 : memref<96x128xf32, #tpu.memory_space<vmem>>) target_semaphore(%run_scoped3A : memref<!tpu.dma_semaphore, #tpu.memory_space<semaphore_mem>>)
          %dma_wait3A = arith.constant 0 : i32
          %dma_wait3A_239 = tpu.memref_slice %arg2[%mul3A_129, %dma_wait3A] : memref<300000x128xf32, #tpu.memory_space<hbm>> -> memref<96x128xf32, #tpu.memory_space<hbm>>
          %dma_wait3A_240 = arith.constant 0 : i32
          %dma_wait3A_241 = tpu.memref_slice %arg2[%mul3A_129, %dma_wait3A_240] : memref<300000x128xf32, #tpu.memory_space<hbm>> -> memref<96x128xf32, #tpu.memory_space<hbm>>
          tpu.wait_dma2 semaphore(%run_scoped3A : memref<!tpu.dma_semaphore, #tpu.memory_space<semaphore_mem>>) src(%dma_wait3A_241 : memref<96x128xf32, #tpu.memory_space<hbm>>) dst(%arg10 : memref<96x128xf32, #tpu.memory_space<vmem>>)
          tpu.yield
        }) : () -> ()
        "tpu.region"() ({
          %run_scoped3A = tpu.sem_alloc : memref<!tpu.dma_semaphore, #tpu.memory_space<semaphore_mem>>
          %dma_start3A = arith.constant 0 : i32
          %dma_start3A_236 = arith.constant 0 : i32
          %dma_start3A_237 = tpu.memref_slice %arg12[%dma_start3A, %dma_start3A_236] : memref<12552x128xf32, #tpu.memory_space<vmem_shared>> -> memref<12552x128xf32, #tpu.memory_space<vmem_shared>>
          tpu.enqueue_indirect_dma source(%arg10 : memref<96x128xf32, #tpu.memory_space<vmem>>) target(%dma_start3A_237 : memref<12552x128xf32, #tpu.memory_space<vmem_shared>>) offsets(%arg9 : memref<96xi32, #tpu.memory_space<vmem>>) semaphore(%run_scoped3A : memref<!tpu.dma_semaphore, #tpu.memory_space<semaphore_mem>>) {add = true}
          %dma_wait3A = arith.constant 0 : i32
          %dma_wait3A_238 = arith.constant 0 : i32
          %dma_wait3A_239 = tpu.memref_slice %arg12[%dma_wait3A, %dma_wait3A_238] : memref<12552x128xf32, #tpu.memory_space<vmem_shared>> -> memref<12552x128xf32, #tpu.memory_space<vmem_shared>>
          tpu.wait_indirect_dma semaphore(%run_scoped3A : memref<!tpu.dma_semaphore, #tpu.memory_space<semaphore_mem>>) src(%arg10 : memref<96x128xf32, #tpu.memory_space<vmem>>) dst(%dma_wait3A_239 : memref<12552x128xf32, #tpu.memory_space<vmem_shared>>)
          tpu.yield
        }) : () -> ()
      } else {
      }
    }
    %scan3A_28 = arith.constant 196 : i32
    %barrier3A_29 = arith.constant 0 : index
    tpu.barrier barrier_id(%barrier3A_29)
    %add3A_30 = arith.addi %mul3A_6, %mul3A_8 : i32
    "tpu.region"() ({
      %run_scoped3A = tpu.sem_alloc : memref<!tpu.dma_semaphore, #tpu.memory_space<semaphore_mem>>
      %dma_start3A = arith.constant 0 : i32
      %dma_start3A_122 = tpu.memref_slice %arg6[%add3A_30, %dma_start3A] : memref<50176x128xf32, #tpu.memory_space<hbm>> -> memref<784x128xf32, #tpu.memory_space<hbm>>
      %dma_start3A_123 = arith.constant 0 : i32
      %dma_start3A_124 = tpu.memref_slice %arg12[%mul3A_8, %dma_start3A_123] : memref<12552x128xf32, #tpu.memory_space<vmem_shared>> -> memref<784x128xf32, #tpu.memory_space<vmem_shared>>
      tpu.enqueue_dma source(%dma_start3A_124 : memref<784x128xf32, #tpu.memory_space<vmem_shared>>) target(%dma_start3A_122 : memref<784x128xf32, #tpu.memory_space<hbm>>) target_semaphore(%run_scoped3A : memref<!tpu.dma_semaphore, #tpu.memory_space<semaphore_mem>>)
      %dma_wait3A = arith.constant 0 : i32
      %dma_wait3A_125 = tpu.memref_slice %arg6[%add3A_30, %dma_wait3A] : memref<50176x128xf32, #tpu.memory_space<hbm>> -> memref<784x128xf32, #tpu.memory_space<hbm>>
      %dma_wait3A_126 = arith.constant 0 : i32
      %dma_wait3A_127 = tpu.memref_slice %arg12[%mul3A_8, %dma_wait3A_126] : memref<12552x128xf32, #tpu.memory_space<vmem_shared>> -> memref<784x128xf32, #tpu.memory_space<vmem_shared>>
      tpu.wait_dma2 semaphore(%run_scoped3A : memref<!tpu.dma_semaphore, #tpu.memory_space<semaphore_mem>>) src(%dma_wait3A_127 : memref<784x128xf32, #tpu.memory_space<vmem_shared>>) dst(%dma_wait3A_125 : memref<784x128xf32, #tpu.memory_space<hbm>>)
      tpu.yield
    }) : () -> ()
    %barrier3A_31 = arith.constant 0 : index
    tpu.barrier barrier_id(%barrier3A_31)
    %add3A_32 = arith.constant 2 : i32
    %add3A_33 = arith.addi %add3A_32, %arg0 : i32
    %mul3A_34 = arith.constant 12544 : i32
    %mul3A_35 = arith.muli %add3A_33, %mul3A_34 : i32
    %mul3A_36 = arith.constant 784 : i32
    %mul3A_37 = arith.muli %arg1, %mul3A_36 : i32
    %add3A_38 = arith.constant 0 : i32
    %add3A_39 = arith.addi %mul3A_37, %add3A_38 : i32
    "tpu.region"() ({
      %run_scoped3A = tpu.sem_alloc : memref<!tpu.dma_semaphore, #tpu.memory_space<semaphore_mem>>
      %dma_start3A = arith.constant 0 : i32
      %dma_start3A_122 = tpu.memref_slice %arg12[%add3A_39, %dma_start3A] : memref<12552x128xf32, #tpu.memory_space<vmem_shared>> -> memref<112x128xf32, #tpu.memory_space<vmem_shared>>
      %dma_start3A_123 = arith.constant 0 : i32
      %dma_start3A_124 = tpu.memref_slice %arg12[%add3A_39, %dma_start3A_123] : memref<12552x128xf32, #tpu.memory_space<vmem_shared>> -> memref<112x128xf32, #tpu.memory_space<vmem_shared>>
      tpu.enqueue_dma source(%arg11 : memref<112x128xf32, #tpu.memory_space<vmem>>) target(%dma_start3A_124 : memref<112x128xf32, #tpu.memory_space<vmem_shared>>) target_semaphore(%run_scoped3A : memref<!tpu.dma_semaphore, #tpu.memory_space<semaphore_mem>>)
      %dma_wait3A = arith.constant 0 : i32
      %dma_wait3A_125 = tpu.memref_slice %arg12[%add3A_39, %dma_wait3A] : memref<12552x128xf32, #tpu.memory_space<vmem_shared>> -> memref<112x128xf32, #tpu.memory_space<vmem_shared>>
      %dma_wait3A_126 = arith.constant 0 : i32
      %dma_wait3A_127 = tpu.memref_slice %arg12[%add3A_39, %dma_wait3A_126] : memref<12552x128xf32, #tpu.memory_space<vmem_shared>> -> memref<112x128xf32, #tpu.memory_space<vmem_shared>>
      tpu.wait_dma2 semaphore(%run_scoped3A : memref<!tpu.dma_semaphore, #tpu.memory_space<semaphore_mem>>) src(%arg11 : memref<112x128xf32, #tpu.memory_space<vmem>>) dst(%dma_wait3A_127 : memref<112x128xf32, #tpu.memory_space<vmem_shared>>)
      tpu.yield
    }) : () -> ()
    %add3A_40 = arith.constant 112 : i32
    %add3A_41 = arith.addi %mul3A_37, %add3A_40 : i32
    "tpu.region"() ({
      %run_scoped3A = tpu.sem_alloc : memref<!tpu.dma_semaphore, #tpu.memory_space<semaphore_mem>>
      %dma_start3A = arith.constant 0 : i32
      %dma_start3A_122 = tpu.memref_slice %arg12[%add3A_41, %dma_start3A] : memref<12552x128xf32, #tpu.memory_space<vmem_shared>> -> memref<112x128xf32, #tpu.memory_space<vmem_shared>>
      %dma_start3A_123 = arith.constant 0 : i32
      %dma_start3A_124 = tpu.memref_slice %arg12[%add3A_41, %dma_start3A_123] : memref<12552x128xf32, #tpu.memory_space<vmem_shared>> -> memref<112x128xf32, #tpu.memory_space<vmem_shared>>
      tpu.enqueue_dma source(%arg11 : memref<112x128xf32, #tpu.memory_space<vmem>>) target(%dma_start3A_124 : memref<112x128xf32, #tpu.memory_space<vmem_shared>>) target_semaphore(%run_scoped3A : memref<!tpu.dma_semaphore, #tpu.memory_space<semaphore_mem>>)
      %dma_wait3A = arith.constant 0 : i32
      %dma_wait3A_125 = tpu.memref_slice %arg12[%add3A_41, %dma_wait3A] : memref<12552x128xf32, #tpu.memory_space<vmem_shared>> -> memref<112x128xf32, #tpu.memory_space<vmem_shared>>
      %dma_wait3A_126 = arith.constant 0 : i32
      %dma_wait3A_127 = tpu.memref_slice %arg12[%add3A_41, %dma_wait3A_126] : memref<12552x128xf32, #tpu.memory_space<vmem_shared>> -> memref<112x128xf32, #tpu.memory_space<vmem_shared>>
      tpu.wait_dma2 semaphore(%run_scoped3A : memref<!tpu.dma_semaphore, #tpu.memory_space<semaphore_mem>>) src(%arg11 : memref<112x128xf32, #tpu.memory_space<vmem>>) dst(%dma_wait3A_127 : memref<112x128xf32, #tpu.memory_space<vmem_shared>>)
      tpu.yield
    }) : () -> ()
    %add3A_42 = arith.constant 224 : i32
    %add3A_43 = arith.addi %mul3A_37, %add3A_42 : i32
    "tpu.region"() ({
      %run_scoped3A = tpu.sem_alloc : memref<!tpu.dma_semaphore, #tpu.memory_space<semaphore_mem>>
      %dma_start3A = arith.constant 0 : i32
      %dma_start3A_122 = tpu.memref_slice %arg12[%add3A_43, %dma_start3A] : memref<12552x128xf32, #tpu.memory_space<vmem_shared>> -> memref<112x128xf32, #tpu.memory_space<vmem_shared>>
      %dma_start3A_123 = arith.constant 0 : i32
      %dma_start3A_124 = tpu.memref_slice %arg12[%add3A_43, %dma_start3A_123] : memref<12552x128xf32, #tpu.memory_space<vmem_shared>> -> memref<112x128xf32, #tpu.memory_space<vmem_shared>>
      tpu.enqueue_dma source(%arg11 : memref<112x128xf32, #tpu.memory_space<vmem>>) target(%dma_start3A_124 : memref<112x128xf32, #tpu.memory_space<vmem_shared>>) target_semaphore(%run_scoped3A : memref<!tpu.dma_semaphore, #tpu.memory_space<semaphore_mem>>)
      %dma_wait3A = arith.constant 0 : i32
      %dma_wait3A_125 = tpu.memref_slice %arg12[%add3A_43, %dma_wait3A] : memref<12552x128xf32, #tpu.memory_space<vmem_shared>> -> memref<112x128xf32, #tpu.memory_space<vmem_shared>>
      %dma_wait3A_126 = arith.constant 0 : i32
      %dma_wait3A_127 = tpu.memref_slice %arg12[%add3A_43, %dma_wait3A_126] : memref<12552x128xf32, #tpu.memory_space<vmem_shared>> -> memref<112x128xf32, #tpu.memory_space<vmem_shared>>
      tpu.wait_dma2 semaphore(%run_scoped3A : memref<!tpu.dma_semaphore, #tpu.memory_space<semaphore_mem>>) src(%arg11 : memref<112x128xf32, #tpu.memory_space<vmem>>) dst(%dma_wait3A_127 : memref<112x128xf32, #tpu.memory_space<vmem_shared>>)
      tpu.yield
    }) : () -> ()
    %add3A_44 = arith.constant 336 : i32
    %add3A_45 = arith.addi %mul3A_37, %add3A_44 : i32
    "tpu.region"() ({
      %run_scoped3A = tpu.sem_alloc : memref<!tpu.dma_semaphore, #tpu.memory_space<semaphore_mem>>
      %dma_start3A = arith.constant 0 : i32
      %dma_start3A_122 = tpu.memref_slice %arg12[%add3A_45, %dma_start3A] : memref<12552x128xf32, #tpu.memory_space<vmem_shared>> -> memref<112x128xf32, #tpu.memory_space<vmem_shared>>
      %dma_start3A_123 = arith.constant 0 : i32
      %dma_start3A_124 = tpu.memref_slice %arg12[%add3A_45, %dma_start3A_123] : memref<12552x128xf32, #tpu.memory_space<vmem_shared>> -> memref<112x128xf32, #tpu.memory_space<vmem_shared>>
      tpu.enqueue_dma source(%arg11 : memref<112x128xf32, #tpu.memory_space<vmem>>) target(%dma_start3A_124 : memref<112x128xf32, #tpu.memory_space<vmem_shared>>) target_semaphore(%run_scoped3A : memref<!tpu.dma_semaphore, #tpu.memory_space<semaphore_mem>>)
      %dma_wait3A = arith.constant 0 : i32
      %dma_wait3A_125 = tpu.memref_slice %arg12[%add3A_45, %dma_wait3A] : memref<12552x128xf32, #tpu.memory_space<vmem_shared>> -> memref<112x128xf32, #tpu.memory_space<vmem_shared>>
      %dma_wait3A_126 = arith.constant 0 : i32
      %dma_wait3A_127 = tpu.memref_slice %arg12[%add3A_45, %dma_wait3A_126] : memref<12552x128xf32, #tpu.memory_space<vmem_shared>> -> memref<112x128xf32, #tpu.memory_space<vmem_shared>>
      tpu.wait_dma2 semaphore(%run_scoped3A : memref<!tpu.dma_semaphore, #tpu.memory_space<semaphore_mem>>) src(%arg11 : memref<112x128xf32, #tpu.memory_space<vmem>>) dst(%dma_wait3A_127 : memref<112x128xf32, #tpu.memory_space<vmem_shared>>)
      tpu.yield
    }) : () -> ()
    %add3A_46 = arith.constant 448 : i32
    %add3A_47 = arith.addi %mul3A_37, %add3A_46 : i32
    "tpu.region"() ({
      %run_scoped3A = tpu.sem_alloc : memref<!tpu.dma_semaphore, #tpu.memory_space<semaphore_mem>>
      %dma_start3A = arith.constant 0 : i32
      %dma_start3A_122 = tpu.memref_slice %arg12[%add3A_47, %dma_start3A] : memref<12552x128xf32, #tpu.memory_space<vmem_shared>> -> memref<112x128xf32, #tpu.memory_space<vmem_shared>>
      %dma_start3A_123 = arith.constant 0 : i32
      %dma_start3A_124 = tpu.memref_slice %arg12[%add3A_47, %dma_start3A_123] : memref<12552x128xf32, #tpu.memory_space<vmem_shared>> -> memref<112x128xf32, #tpu.memory_space<vmem_shared>>
      tpu.enqueue_dma source(%arg11 : memref<112x128xf32, #tpu.memory_space<vmem>>) target(%dma_start3A_124 : memref<112x128xf32, #tpu.memory_space<vmem_shared>>) target_semaphore(%run_scoped3A : memref<!tpu.dma_semaphore, #tpu.memory_space<semaphore_mem>>)
      %dma_wait3A = arith.constant 0 : i32
      %dma_wait3A_125 = tpu.memref_slice %arg12[%add3A_47, %dma_wait3A] : memref<12552x128xf32, #tpu.memory_space<vmem_shared>> -> memref<112x128xf32, #tpu.memory_space<vmem_shared>>
      %dma_wait3A_126 = arith.constant 0 : i32
      %dma_wait3A_127 = tpu.memref_slice %arg12[%add3A_47, %dma_wait3A_126] : memref<12552x128xf32, #tpu.memory_space<vmem_shared>> -> memref<112x128xf32, #tpu.memory_space<vmem_shared>>
      tpu.wait_dma2 semaphore(%run_scoped3A : memref<!tpu.dma_semaphore, #tpu.memory_space<semaphore_mem>>) src(%arg11 : memref<112x128xf32, #tpu.memory_space<vmem>>) dst(%dma_wait3A_127 : memref<112x128xf32, #tpu.memory_space<vmem_shared>>)
      tpu.yield
    }) : () -> ()
    %add3A_48 = arith.constant 560 : i32
    %add3A_49 = arith.addi %mul3A_37, %add3A_48 : i32
    "tpu.region"() ({
      %run_scoped3A = tpu.sem_alloc : memref<!tpu.dma_semaphore, #tpu.memory_space<semaphore_mem>>
      %dma_start3A = arith.constant 0 : i32
      %dma_start3A_122 = tpu.memref_slice %arg12[%add3A_49, %dma_start3A] : memref<12552x128xf32, #tpu.memory_space<vmem_shared>> -> memref<112x128xf32, #tpu.memory_space<vmem_shared>>
      %dma_start3A_123 = arith.constant 0 : i32
      %dma_start3A_124 = tpu.memref_slice %arg12[%add3A_49, %dma_start3A_123] : memref<12552x128xf32, #tpu.memory_space<vmem_shared>> -> memref<112x128xf32, #tpu.memory_space<vmem_shared>>
      tpu.enqueue_dma source(%arg11 : memref<112x128xf32, #tpu.memory_space<vmem>>) target(%dma_start3A_124 : memref<112x128xf32, #tpu.memory_space<vmem_shared>>) target_semaphore(%run_scoped3A : memref<!tpu.dma_semaphore, #tpu.memory_space<semaphore_mem>>)
      %dma_wait3A = arith.constant 0 : i32
      %dma_wait3A_125 = tpu.memref_slice %arg12[%add3A_49, %dma_wait3A] : memref<12552x128xf32, #tpu.memory_space<vmem_shared>> -> memref<112x128xf32, #tpu.memory_space<vmem_shared>>
      %dma_wait3A_126 = arith.constant 0 : i32
      %dma_wait3A_127 = tpu.memref_slice %arg12[%add3A_49, %dma_wait3A_126] : memref<12552x128xf32, #tpu.memory_space<vmem_shared>> -> memref<112x128xf32, #tpu.memory_space<vmem_shared>>
      tpu.wait_dma2 semaphore(%run_scoped3A : memref<!tpu.dma_semaphore, #tpu.memory_space<semaphore_mem>>) src(%arg11 : memref<112x128xf32, #tpu.memory_space<vmem>>) dst(%dma_wait3A_127 : memref<112x128xf32, #tpu.memory_space<vmem_shared>>)
      tpu.yield
    }) : () -> ()
    %add3A_50 = arith.constant 672 : i32
    %add3A_51 = arith.addi %mul3A_37, %add3A_50 : i32
    "tpu.region"() ({
      %run_scoped3A = tpu.sem_alloc : memref<!tpu.dma_semaphore, #tpu.memory_space<semaphore_mem>>
      %dma_start3A = arith.constant 0 : i32
      %dma_start3A_122 = tpu.memref_slice %arg12[%add3A_51, %dma_start3A] : memref<12552x128xf32, #tpu.memory_space<vmem_shared>> -> memref<112x128xf32, #tpu.memory_space<vmem_shared>>
      %dma_start3A_123 = arith.constant 0 : i32
      %dma_start3A_124 = tpu.memref_slice %arg12[%add3A_51, %dma_start3A_123] : memref<12552x128xf32, #tpu.memory_space<vmem_shared>> -> memref<112x128xf32, #tpu.memory_space<vmem_shared>>
      tpu.enqueue_dma source(%arg11 : memref<112x128xf32, #tpu.memory_space<vmem>>) target(%dma_start3A_124 : memref<112x128xf32, #tpu.memory_space<vmem_shared>>) target_semaphore(%run_scoped3A : memref<!tpu.dma_semaphore, #tpu.memory_space<semaphore_mem>>)
      %dma_wait3A = arith.constant 0 : i32
      %dma_wait3A_125 = tpu.memref_slice %arg12[%add3A_51, %dma_wait3A] : memref<12552x128xf32, #tpu.memory_space<vmem_shared>> -> memref<112x128xf32, #tpu.memory_space<vmem_shared>>
      %dma_wait3A_126 = arith.constant 0 : i32
      %dma_wait3A_127 = tpu.memref_slice %arg12[%add3A_51, %dma_wait3A_126] : memref<12552x128xf32, #tpu.memory_space<vmem_shared>> -> memref<112x128xf32, #tpu.memory_space<vmem_shared>>
      tpu.wait_dma2 semaphore(%run_scoped3A : memref<!tpu.dma_semaphore, #tpu.memory_space<semaphore_mem>>) src(%arg11 : memref<112x128xf32, #tpu.memory_space<vmem>>) dst(%dma_wait3A_127 : memref<112x128xf32, #tpu.memory_space<vmem_shared>>)
      tpu.yield
    }) : () -> ()
    %barrier3A_52 = arith.constant 0 : index
    tpu.barrier barrier_id(%barrier3A_52)
    %scan3A_53 = arith.constant 0 : i32
    %scan3A_54 = arith.constant 0 : i32
    %scan3A_55 = arith.constant 196 : i32
    %scan3A_56 = arith.addi %scan3A_54, %scan3A_55 : i32
    %scan3A_57 = arith.constant 1 : i32
    scf.for %scan3A_122 = %scan3A_54 to %scan3A_56 step %scan3A_57  : i32 {
      %mul3A_123 = arith.constant 16 : i32
      %mul3A_124 = arith.muli %scan3A_122, %mul3A_123 : i32
      %add3A_125 = arith.addi %arg1, %mul3A_124 : i32
      %lt3A = arith.constant 3125 : i32
      %lt3A_126 = arith.cmpi slt, %add3A_125, %lt3A : i32
      %convert_element_type3A = arith.extui %lt3A_126 : i1 to i32
      %cond3A = arith.constant 0 : i32
      %cond3A_127 = arith.cmpi ne, %convert_element_type3A, %cond3A : i32
      scf.if %cond3A_127 {
        %mul3A_128 = arith.constant 96 : i32
        %mul3A_129 = arith.muli %add3A_125, %mul3A_128 : i32
        "tpu.region"() ({
          %run_scoped3A = tpu.sem_alloc : memref<!tpu.dma_semaphore, #tpu.memory_space<semaphore_mem>>
          %dma_start3A = tpu.memref_slice %arg3[%mul3A_129] : memref<300000xi32, #tpu.memory_space<hbm>> -> memref<96xi32, #tpu.memory_space<hbm>>
          %dma_start3A_236 = tpu.memref_slice %arg3[%mul3A_129] : memref<300000xi32, #tpu.memory_space<hbm>> -> memref<96xi32, #tpu.memory_space<hbm>>
          tpu.enqueue_dma source(%dma_start3A_236 : memref<96xi32, #tpu.memory_space<hbm>>) target(%arg8 : memref<96xi32, #tpu.memory_space<vmem>>) target_semaphore(%run_scoped3A : memref<!tpu.dma_semaphore, #tpu.memory_space<semaphore_mem>>)
          %dma_wait3A = tpu.memref_slice %arg3[%mul3A_129] : memref<300000xi32, #tpu.memory_space<hbm>> -> memref<96xi32, #tpu.memory_space<hbm>>
          %dma_wait3A_237 = tpu.memref_slice %arg3[%mul3A_129] : memref<300000xi32, #tpu.memory_space<hbm>> -> memref<96xi32, #tpu.memory_space<hbm>>
          tpu.wait_dma2 semaphore(%run_scoped3A : memref<!tpu.dma_semaphore, #tpu.memory_space<semaphore_mem>>) src(%dma_wait3A_237 : memref<96xi32, #tpu.memory_space<hbm>>) dst(%arg8 : memref<96xi32, #tpu.memory_space<vmem>>)
          tpu.yield
        }) : () -> ()
        %get3A = arith.constant 0 : index
        %get3A_130 = tpu.vector_load %arg8[%get3A] {strides = array<i32>} : memref<96xi32, #tpu.memory_space<vmem>>, vector<16xi32>,
        %get3A_131 = vector.shape_cast %get3A_130 : vector<16xi32> to vector<16xi32>
        %ge3A = vector.broadcast %mul3A_35 : i32 to vector<16xi32>
        %ge3A_132 = arith.cmpi sge, %get3A_131, %ge3A : vector<16xi32>
        %add3A_133 = arith.constant 12544 : i32
        %add3A_134 = arith.addi %mul3A_35, %add3A_133 : i32
        %lt3A_135 = vector.broadcast %add3A_134 : i32 to vector<16xi32>
        %lt3A_136 = arith.cmpi slt, %get3A_131, %lt3A_135 : vector<16xi32>
        %and3A = arith.andi %ge3A_132, %lt3A_136 : vector<16xi1>
        %sub3A = vector.broadcast %mul3A_35 : i32 to vector<16xi32>
        %sub3A_137 = arith.subi %get3A_131, %sub3A : vector<16xi32>
        %jit3A = arith.constant 12544 : i32
        %broadcast_in_dim3A = vector.broadcast %jit3A : i32 to vector<16xi32>
        %select_n3A = arith.select %and3A, %sub3A_137, %broadcast_in_dim3A : vector<16xi1>, vector<16xi32>
        %swap3A = arith.constant 0 : index
        %swap3A_138 = tpu.vector_load %arg9[%swap3A] {strides = array<i32>} : memref<96xi32, #tpu.memory_space<vmem>>, vector<16xi32>,
        %swap3A_139 = vector.shape_cast %swap3A_138 : vector<16xi32> to vector<16xi32>
        %swap3A_140 = vector.shape_cast %select_n3A : vector<16xi32> to vector<16xi32>
        tpu.vector_store %arg9[%swap3A], %swap3A_140 {strides = array<i32>} : memref<96xi32, #tpu.memory_space<vmem>>, vector<16xi32>,
        %get3A_141 = arith.constant 16 : index
        %get3A_142 = tpu.vector_load %arg8[%get3A_141] {strides = array<i32>} : memref<96xi32, #tpu.memory_space<vmem>>, vector<16xi32>,
        %get3A_143 = vector.shape_cast %get3A_142 : vector<16xi32> to vector<16xi32>
        %ge3A_144 = vector.broadcast %mul3A_35 : i32 to vector<16xi32>
        %ge3A_145 = arith.cmpi sge, %get3A_143, %ge3A_144 : vector<16xi32>
        %add3A_146 = arith.constant 12544 : i32
        %add3A_147 = arith.addi %mul3A_35, %add3A_146 : i32
        %lt3A_148 = vector.broadcast %add3A_147 : i32 to vector<16xi32>
        %lt3A_149 = arith.cmpi slt, %get3A_143, %lt3A_148 : vector<16xi32>
        %and3A_150 = arith.andi %ge3A_145, %lt3A_149 : vector<16xi1>
        %sub3A_151 = vector.broadcast %mul3A_35 : i32 to vector<16xi32>
        %sub3A_152 = arith.subi %get3A_143, %sub3A_151 : vector<16xi32>
        %jit3A_153 = arith.constant 12544 : i32
        %broadcast_in_dim3A_154 = vector.broadcast %jit3A_153 : i32 to vector<16xi32>
        %select_n3A_155 = arith.select %and3A_150, %sub3A_152, %broadcast_in_dim3A_154 : vector<16xi1>, vector<16xi32>
        %swap3A_156 = arith.constant 16 : index
        %swap3A_157 = tpu.vector_load %arg9[%swap3A_156] {strides = array<i32>} : memref<96xi32, #tpu.memory_space<vmem>>, vector<16xi32>,
        %swap3A_158 = vector.shape_cast %swap3A_157 : vector<16xi32> to vector<16xi32>
        %swap3A_159 = vector.shape_cast %select_n3A_155 : vector<16xi32> to vector<16xi32>
        tpu.vector_store %arg9[%swap3A_156], %swap3A_159 {strides = array<i32>} : memref<96xi32, #tpu.memory_space<vmem>>, vector<16xi32>,
        %get3A_160 = arith.constant 32 : index
        %get3A_161 = tpu.vector_load %arg8[%get3A_160] {strides = array<i32>} : memref<96xi32, #tpu.memory_space<vmem>>, vector<16xi32>,
        %get3A_162 = vector.shape_cast %get3A_161 : vector<16xi32> to vector<16xi32>
        %ge3A_163 = vector.broadcast %mul3A_35 : i32 to vector<16xi32>
        %ge3A_164 = arith.cmpi sge, %get3A_162, %ge3A_163 : vector<16xi32>
        %add3A_165 = arith.constant 12544 : i32
        %add3A_166 = arith.addi %mul3A_35, %add3A_165 : i32
        %lt3A_167 = vector.broadcast %add3A_166 : i32 to vector<16xi32>
        %lt3A_168 = arith.cmpi slt, %get3A_162, %lt3A_167 : vector<16xi32>
        %and3A_169 = arith.andi %ge3A_164, %lt3A_168 : vector<16xi1>
        %sub3A_170 = vector.broadcast %mul3A_35 : i32 to vector<16xi32>
        %sub3A_171 = arith.subi %get3A_162, %sub3A_170 : vector<16xi32>
        %jit3A_172 = arith.constant 12544 : i32
        %broadcast_in_dim3A_173 = vector.broadcast %jit3A_172 : i32 to vector<16xi32>
        %select_n3A_174 = arith.select %and3A_169, %sub3A_171, %broadcast_in_dim3A_173 : vector<16xi1>, vector<16xi32>
        %swap3A_175 = arith.constant 32 : index
        %swap3A_176 = tpu.vector_load %arg9[%swap3A_175] {strides = array<i32>} : memref<96xi32, #tpu.memory_space<vmem>>, vector<16xi32>,
        %swap3A_177 = vector.shape_cast %swap3A_176 : vector<16xi32> to vector<16xi32>
        %swap3A_178 = vector.shape_cast %select_n3A_174 : vector<16xi32> to vector<16xi32>
        tpu.vector_store %arg9[%swap3A_175], %swap3A_178 {strides = array<i32>} : memref<96xi32, #tpu.memory_space<vmem>>, vector<16xi32>,
        %get3A_179 = arith.constant 48 : index
        %get3A_180 = tpu.vector_load %arg8[%get3A_179] {strides = array<i32>} : memref<96xi32, #tpu.memory_space<vmem>>, vector<16xi32>,
        %get3A_181 = vector.shape_cast %get3A_180 : vector<16xi32> to vector<16xi32>
        %ge3A_182 = vector.broadcast %mul3A_35 : i32 to vector<16xi32>
        %ge3A_183 = arith.cmpi sge, %get3A_181, %ge3A_182 : vector<16xi32>
        %add3A_184 = arith.constant 12544 : i32
        %add3A_185 = arith.addi %mul3A_35, %add3A_184 : i32
        %lt3A_186 = vector.broadcast %add3A_185 : i32 to vector<16xi32>
        %lt3A_187 = arith.cmpi slt, %get3A_181, %lt3A_186 : vector<16xi32>
        %and3A_188 = arith.andi %ge3A_183, %lt3A_187 : vector<16xi1>
        %sub3A_189 = vector.broadcast %mul3A_35 : i32 to vector<16xi32>
        %sub3A_190 = arith.subi %get3A_181, %sub3A_189 : vector<16xi32>
        %jit3A_191 = arith.constant 12544 : i32
        %broadcast_in_dim3A_192 = vector.broadcast %jit3A_191 : i32 to vector<16xi32>
        %select_n3A_193 = arith.select %and3A_188, %sub3A_190, %broadcast_in_dim3A_192 : vector<16xi1>, vector<16xi32>
        %swap3A_194 = arith.constant 48 : index
        %swap3A_195 = tpu.vector_load %arg9[%swap3A_194] {strides = array<i32>} : memref<96xi32, #tpu.memory_space<vmem>>, vector<16xi32>,
        %swap3A_196 = vector.shape_cast %swap3A_195 : vector<16xi32> to vector<16xi32>
        %swap3A_197 = vector.shape_cast %select_n3A_193 : vector<16xi32> to vector<16xi32>
        tpu.vector_store %arg9[%swap3A_194], %swap3A_197 {strides = array<i32>} : memref<96xi32, #tpu.memory_space<vmem>>, vector<16xi32>,
        %get3A_198 = arith.constant 64 : index
        %get3A_199 = tpu.vector_load %arg8[%get3A_198] {strides = array<i32>} : memref<96xi32, #tpu.memory_space<vmem>>, vector<16xi32>,
        %get3A_200 = vector.shape_cast %get3A_199 : vector<16xi32> to vector<16xi32>
        %ge3A_201 = vector.broadcast %mul3A_35 : i32 to vector<16xi32>
        %ge3A_202 = arith.cmpi sge, %get3A_200, %ge3A_201 : vector<16xi32>
        %add3A_203 = arith.constant 12544 : i32
        %add3A_204 = arith.addi %mul3A_35, %add3A_203 : i32
        %lt3A_205 = vector.broadcast %add3A_204 : i32 to vector<16xi32>
        %lt3A_206 = arith.cmpi slt, %get3A_200, %lt3A_205 : vector<16xi32>
        %and3A_207 = arith.andi %ge3A_202, %lt3A_206 : vector<16xi1>
        %sub3A_208 = vector.broadcast %mul3A_35 : i32 to vector<16xi32>
        %sub3A_209 = arith.subi %get3A_200, %sub3A_208 : vector<16xi32>
        %jit3A_210 = arith.constant 12544 : i32
        %broadcast_in_dim3A_211 = vector.broadcast %jit3A_210 : i32 to vector<16xi32>
        %select_n3A_212 = arith.select %and3A_207, %sub3A_209, %broadcast_in_dim3A_211 : vector<16xi1>, vector<16xi32>
        %swap3A_213 = arith.constant 64 : index
        %swap3A_214 = tpu.vector_load %arg9[%swap3A_213] {strides = array<i32>} : memref<96xi32, #tpu.memory_space<vmem>>, vector<16xi32>,
        %swap3A_215 = vector.shape_cast %swap3A_214 : vector<16xi32> to vector<16xi32>
        %swap3A_216 = vector.shape_cast %select_n3A_212 : vector<16xi32> to vector<16xi32>
        tpu.vector_store %arg9[%swap3A_213], %swap3A_216 {strides = array<i32>} : memref<96xi32, #tpu.memory_space<vmem>>, vector<16xi32>,
        %get3A_217 = arith.constant 80 : index
        %get3A_218 = tpu.vector_load %arg8[%get3A_217] {strides = array<i32>} : memref<96xi32, #tpu.memory_space<vmem>>, vector<16xi32>,
        %get3A_219 = vector.shape_cast %get3A_218 : vector<16xi32> to vector<16xi32>
        %ge3A_220 = vector.broadcast %mul3A_35 : i32 to vector<16xi32>
        %ge3A_221 = arith.cmpi sge, %get3A_219, %ge3A_220 : vector<16xi32>
        %add3A_222 = arith.constant 12544 : i32
        %add3A_223 = arith.addi %mul3A_35, %add3A_222 : i32
        %lt3A_224 = vector.broadcast %add3A_223 : i32 to vector<16xi32>
        %lt3A_225 = arith.cmpi slt, %get3A_219, %lt3A_224 : vector<16xi32>
        %and3A_226 = arith.andi %ge3A_221, %lt3A_225 : vector<16xi1>
        %sub3A_227 = vector.broadcast %mul3A_35 : i32 to vector<16xi32>
        %sub3A_228 = arith.subi %get3A_219, %sub3A_227 : vector<16xi32>
        %jit3A_229 = arith.constant 12544 : i32
        %broadcast_in_dim3A_230 = vector.broadcast %jit3A_229 : i32 to vector<16xi32>
        %select_n3A_231 = arith.select %and3A_226, %sub3A_228, %broadcast_in_dim3A_230 : vector<16xi1>, vector<16xi32>
        %swap3A_232 = arith.constant 80 : index
        %swap3A_233 = tpu.vector_load %arg9[%swap3A_232] {strides = array<i32>} : memref<96xi32, #tpu.memory_space<vmem>>, vector<16xi32>,
        %swap3A_234 = vector.shape_cast %swap3A_233 : vector<16xi32> to vector<16xi32>
        %swap3A_235 = vector.shape_cast %select_n3A_231 : vector<16xi32> to vector<16xi32>
        tpu.vector_store %arg9[%swap3A_232], %swap3A_235 {strides = array<i32>} : memref<96xi32, #tpu.memory_space<vmem>>, vector<16xi32>,
        "tpu.region"() ({
          %run_scoped3A = tpu.sem_alloc : memref<!tpu.dma_semaphore, #tpu.memory_space<semaphore_mem>>
          %dma_start3A = arith.constant 0 : i32
          %dma_start3A_236 = tpu.memref_slice %arg2[%mul3A_129, %dma_start3A] : memref<300000x128xf32, #tpu.memory_space<hbm>> -> memref<96x128xf32, #tpu.memory_space<hbm>>
          %dma_start3A_237 = arith.constant 0 : i32
          %dma_start3A_238 = tpu.memref_slice %arg2[%mul3A_129, %dma_start3A_237] : memref<300000x128xf32, #tpu.memory_space<hbm>> -> memref<96x128xf32, #tpu.memory_space<hbm>>
          tpu.enqueue_dma source(%dma_start3A_238 : memref<96x128xf32, #tpu.memory_space<hbm>>) target(%arg10 : memref<96x128xf32, #tpu.memory_space<vmem>>) target_semaphore(%run_scoped3A : memref<!tpu.dma_semaphore, #tpu.memory_space<semaphore_mem>>)
          %dma_wait3A = arith.constant 0 : i32
          %dma_wait3A_239 = tpu.memref_slice %arg2[%mul3A_129, %dma_wait3A] : memref<300000x128xf32, #tpu.memory_space<hbm>> -> memref<96x128xf32, #tpu.memory_space<hbm>>
          %dma_wait3A_240 = arith.constant 0 : i32
          %dma_wait3A_241 = tpu.memref_slice %arg2[%mul3A_129, %dma_wait3A_240] : memref<300000x128xf32, #tpu.memory_space<hbm>> -> memref<96x128xf32, #tpu.memory_space<hbm>>
          tpu.wait_dma2 semaphore(%run_scoped3A : memref<!tpu.dma_semaphore, #tpu.memory_space<semaphore_mem>>) src(%dma_wait3A_241 : memref<96x128xf32, #tpu.memory_space<hbm>>) dst(%arg10 : memref<96x128xf32, #tpu.memory_space<vmem>>)
          tpu.yield
        }) : () -> ()
        "tpu.region"() ({
          %run_scoped3A = tpu.sem_alloc : memref<!tpu.dma_semaphore, #tpu.memory_space<semaphore_mem>>
          %dma_start3A = arith.constant 0 : i32
          %dma_start3A_236 = arith.constant 0 : i32
          %dma_start3A_237 = tpu.memref_slice %arg12[%dma_start3A, %dma_start3A_236] : memref<12552x128xf32, #tpu.memory_space<vmem_shared>> -> memref<12552x128xf32, #tpu.memory_space<vmem_shared>>
          tpu.enqueue_indirect_dma source(%arg10 : memref<96x128xf32, #tpu.memory_space<vmem>>) target(%dma_start3A_237 : memref<12552x128xf32, #tpu.memory_space<vmem_shared>>) offsets(%arg9 : memref<96xi32, #tpu.memory_space<vmem>>) semaphore(%run_scoped3A : memref<!tpu.dma_semaphore, #tpu.memory_space<semaphore_mem>>) {add = true}
          %dma_wait3A = arith.constant 0 : i32
          %dma_wait3A_238 = arith.constant 0 : i32
          %dma_wait3A_239 = tpu.memref_slice %arg12[%dma_wait3A, %dma_wait3A_238] : memref<12552x128xf32, #tpu.memory_space<vmem_shared>> -> memref<12552x128xf32, #tpu.memory_space<vmem_shared>>
          tpu.wait_indirect_dma semaphore(%run_scoped3A : memref<!tpu.dma_semaphore, #tpu.memory_space<semaphore_mem>>) src(%arg10 : memref<96x128xf32, #tpu.memory_space<vmem>>) dst(%dma_wait3A_239 : memref<12552x128xf32, #tpu.memory_space<vmem_shared>>)
          tpu.yield
        }) : () -> ()
      } else {
      }
    }
    %scan3A_58 = arith.constant 196 : i32
    %barrier3A_59 = arith.constant 0 : index
    tpu.barrier barrier_id(%barrier3A_59)
    %add3A_60 = arith.addi %mul3A_35, %mul3A_37 : i32
    "tpu.region"() ({
      %run_scoped3A = tpu.sem_alloc : memref<!tpu.dma_semaphore, #tpu.memory_space<semaphore_mem>>
      %dma_start3A = arith.constant 0 : i32
      %dma_start3A_122 = tpu.memref_slice %arg6[%add3A_60, %dma_start3A] : memref<50176x128xf32, #tpu.memory_space<hbm>> -> memref<784x128xf32, #tpu.memory_space<hbm>>
      %dma_start3A_123 = arith.constant 0 : i32
      %dma_start3A_124 = tpu.memref_slice %arg12[%mul3A_37, %dma_start3A_123] : memref<12552x128xf32, #tpu.memory_space<vmem_shared>> -> memref<784x128xf32, #tpu.memory_space<vmem_shared>>
      tpu.enqueue_dma source(%dma_start3A_124 : memref<784x128xf32, #tpu.memory_space<vmem_shared>>) target(%dma_start3A_122 : memref<784x128xf32, #tpu.memory_space<hbm>>) target_semaphore(%run_scoped3A : memref<!tpu.dma_semaphore, #tpu.memory_space<semaphore_mem>>)
      %dma_wait3A = arith.constant 0 : i32
      %dma_wait3A_125 = tpu.memref_slice %arg6[%add3A_60, %dma_wait3A] : memref<50176x128xf32, #tpu.memory_space<hbm>> -> memref<784x128xf32, #tpu.memory_space<hbm>>
      %dma_wait3A_126 = arith.constant 0 : i32
      %dma_wait3A_127 = tpu.memref_slice %arg12[%mul3A_37, %dma_wait3A_126] : memref<12552x128xf32, #tpu.memory_space<vmem_shared>> -> memref<784x128xf32, #tpu.memory_space<vmem_shared>>
      tpu.wait_dma2 semaphore(%run_scoped3A : memref<!tpu.dma_semaphore, #tpu.memory_space<semaphore_mem>>) src(%dma_wait3A_127 : memref<784x128xf32, #tpu.memory_space<vmem_shared>>) dst(%dma_wait3A_125 : memref<784x128xf32, #tpu.memory_space<hbm>>)
      tpu.yield
    }) : () -> ()
    %barrier3A_61 = arith.constant 0 : index
    tpu.barrier barrier_id(%barrier3A_61)
    %add3A_62 = arith.constant 0 : i32
    %add3A_63 = arith.addi %add3A_62, %arg0 : i32
    %mul3A_64 = arith.constant 12544 : i32
    %mul3A_65 = arith.muli %add3A_63, %mul3A_64 : i32
    %mul3A_66 = arith.constant 784 : i32
    %mul3A_67 = arith.muli %arg1, %mul3A_66 : i32
    %add3A_68 = arith.constant 0 : i32
    %add3A_69 = arith.addi %mul3A_67, %add3A_68 : i32
    "tpu.region"() ({
      %run_scoped3A = tpu.sem_alloc : memref<!tpu.dma_semaphore, #tpu.memory_space<semaphore_mem>>
      %dma_start3A = arith.constant 0 : i32
      %dma_start3A_122 = tpu.memref_slice %arg12[%add3A_69, %dma_start3A] : memref<12552x128xf32, #tpu.memory_space<vmem_shared>> -> memref<112x128xf32, #tpu.memory_space<vmem_shared>>
      %dma_start3A_123 = arith.constant 0 : i32
      %dma_start3A_124 = tpu.memref_slice %arg12[%add3A_69, %dma_start3A_123] : memref<12552x128xf32, #tpu.memory_space<vmem_shared>> -> memref<112x128xf32, #tpu.memory_space<vmem_shared>>
      tpu.enqueue_dma source(%arg11 : memref<112x128xf32, #tpu.memory_space<vmem>>) target(%dma_start3A_124 : memref<112x128xf32, #tpu.memory_space<vmem_shared>>) target_semaphore(%run_scoped3A : memref<!tpu.dma_semaphore, #tpu.memory_space<semaphore_mem>>)
      %dma_wait3A = arith.constant 0 : i32
      %dma_wait3A_125 = tpu.memref_slice %arg12[%add3A_69, %dma_wait3A] : memref<12552x128xf32, #tpu.memory_space<vmem_shared>> -> memref<112x128xf32, #tpu.memory_space<vmem_shared>>
      %dma_wait3A_126 = arith.constant 0 : i32
      %dma_wait3A_127 = tpu.memref_slice %arg12[%add3A_69, %dma_wait3A_126] : memref<12552x128xf32, #tpu.memory_space<vmem_shared>> -> memref<112x128xf32, #tpu.memory_space<vmem_shared>>
      tpu.wait_dma2 semaphore(%run_scoped3A : memref<!tpu.dma_semaphore, #tpu.memory_space<semaphore_mem>>) src(%arg11 : memref<112x128xf32, #tpu.memory_space<vmem>>) dst(%dma_wait3A_127 : memref<112x128xf32, #tpu.memory_space<vmem_shared>>)
      tpu.yield
    }) : () -> ()
    %add3A_70 = arith.constant 112 : i32
    %add3A_71 = arith.addi %mul3A_67, %add3A_70 : i32
    "tpu.region"() ({
      %run_scoped3A = tpu.sem_alloc : memref<!tpu.dma_semaphore, #tpu.memory_space<semaphore_mem>>
      %dma_start3A = arith.constant 0 : i32
      %dma_start3A_122 = tpu.memref_slice %arg12[%add3A_71, %dma_start3A] : memref<12552x128xf32, #tpu.memory_space<vmem_shared>> -> memref<112x128xf32, #tpu.memory_space<vmem_shared>>
      %dma_start3A_123 = arith.constant 0 : i32
      %dma_start3A_124 = tpu.memref_slice %arg12[%add3A_71, %dma_start3A_123] : memref<12552x128xf32, #tpu.memory_space<vmem_shared>> -> memref<112x128xf32, #tpu.memory_space<vmem_shared>>
      tpu.enqueue_dma source(%arg11 : memref<112x128xf32, #tpu.memory_space<vmem>>) target(%dma_start3A_124 : memref<112x128xf32, #tpu.memory_space<vmem_shared>>) target_semaphore(%run_scoped3A : memref<!tpu.dma_semaphore, #tpu.memory_space<semaphore_mem>>)
      %dma_wait3A = arith.constant 0 : i32
      %dma_wait3A_125 = tpu.memref_slice %arg12[%add3A_71, %dma_wait3A] : memref<12552x128xf32, #tpu.memory_space<vmem_shared>> -> memref<112x128xf32, #tpu.memory_space<vmem_shared>>
      %dma_wait3A_126 = arith.constant 0 : i32
      %dma_wait3A_127 = tpu.memref_slice %arg12[%add3A_71, %dma_wait3A_126] : memref<12552x128xf32, #tpu.memory_space<vmem_shared>> -> memref<112x128xf32, #tpu.memory_space<vmem_shared>>
      tpu.wait_dma2 semaphore(%run_scoped3A : memref<!tpu.dma_semaphore, #tpu.memory_space<semaphore_mem>>) src(%arg11 : memref<112x128xf32, #tpu.memory_space<vmem>>) dst(%dma_wait3A_127 : memref<112x128xf32, #tpu.memory_space<vmem_shared>>)
      tpu.yield
    }) : () -> ()
    %add3A_72 = arith.constant 224 : i32
    %add3A_73 = arith.addi %mul3A_67, %add3A_72 : i32
    "tpu.region"() ({
      %run_scoped3A = tpu.sem_alloc : memref<!tpu.dma_semaphore, #tpu.memory_space<semaphore_mem>>
      %dma_start3A = arith.constant 0 : i32
      %dma_start3A_122 = tpu.memref_slice %arg12[%add3A_73, %dma_start3A] : memref<12552x128xf32, #tpu.memory_space<vmem_shared>> -> memref<112x128xf32, #tpu.memory_space<vmem_shared>>
      %dma_start3A_123 = arith.constant 0 : i32
      %dma_start3A_124 = tpu.memref_slice %arg12[%add3A_73, %dma_start3A_123] : memref<12552x128xf32, #tpu.memory_space<vmem_shared>> -> memref<112x128xf32, #tpu.memory_space<vmem_shared>>
      tpu.enqueue_dma source(%arg11 : memref<112x128xf32, #tpu.memory_space<vmem>>) target(%dma_start3A_124 : memref<112x128xf32, #tpu.memory_space<vmem_shared>>) target_semaphore(%run_scoped3A : memref<!tpu.dma_semaphore, #tpu.memory_space<semaphore_mem>>)
      %dma_wait3A = arith.constant 0 : i32
      %dma_wait3A_125 = tpu.memref_slice %arg12[%add3A_73, %dma_wait3A] : memref<12552x128xf32, #tpu.memory_space<vmem_shared>> -> memref<112x128xf32, #tpu.memory_space<vmem_shared>>
      %dma_wait3A_126 = arith.constant 0 : i32
      %dma_wait3A_127 = tpu.memref_slice %arg12[%add3A_73, %dma_wait3A_126] : memref<12552x128xf32, #tpu.memory_space<vmem_shared>> -> memref<112x128xf32, #tpu.memory_space<vmem_shared>>
      tpu.wait_dma2 semaphore(%run_scoped3A : memref<!tpu.dma_semaphore, #tpu.memory_space<semaphore_mem>>) src(%arg11 : memref<112x128xf32, #tpu.memory_space<vmem>>) dst(%dma_wait3A_127 : memref<112x128xf32, #tpu.memory_space<vmem_shared>>)
      tpu.yield
    }) : () -> ()
    %add3A_74 = arith.constant 336 : i32
    %add3A_75 = arith.addi %mul3A_67, %add3A_74 : i32
    "tpu.region"() ({
      %run_scoped3A = tpu.sem_alloc : memref<!tpu.dma_semaphore, #tpu.memory_space<semaphore_mem>>
      %dma_start3A = arith.constant 0 : i32
      %dma_start3A_122 = tpu.memref_slice %arg12[%add3A_75, %dma_start3A] : memref<12552x128xf32, #tpu.memory_space<vmem_shared>> -> memref<112x128xf32, #tpu.memory_space<vmem_shared>>
      %dma_start3A_123 = arith.constant 0 : i32
      %dma_start3A_124 = tpu.memref_slice %arg12[%add3A_75, %dma_start3A_123] : memref<12552x128xf32, #tpu.memory_space<vmem_shared>> -> memref<112x128xf32, #tpu.memory_space<vmem_shared>>
      tpu.enqueue_dma source(%arg11 : memref<112x128xf32, #tpu.memory_space<vmem>>) target(%dma_start3A_124 : memref<112x128xf32, #tpu.memory_space<vmem_shared>>) target_semaphore(%run_scoped3A : memref<!tpu.dma_semaphore, #tpu.memory_space<semaphore_mem>>)
      %dma_wait3A = arith.constant 0 : i32
      %dma_wait3A_125 = tpu.memref_slice %arg12[%add3A_75, %dma_wait3A] : memref<12552x128xf32, #tpu.memory_space<vmem_shared>> -> memref<112x128xf32, #tpu.memory_space<vmem_shared>>
      %dma_wait3A_126 = arith.constant 0 : i32
      %dma_wait3A_127 = tpu.memref_slice %arg12[%add3A_75, %dma_wait3A_126] : memref<12552x128xf32, #tpu.memory_space<vmem_shared>> -> memref<112x128xf32, #tpu.memory_space<vmem_shared>>
      tpu.wait_dma2 semaphore(%run_scoped3A : memref<!tpu.dma_semaphore, #tpu.memory_space<semaphore_mem>>) src(%arg11 : memref<112x128xf32, #tpu.memory_space<vmem>>) dst(%dma_wait3A_127 : memref<112x128xf32, #tpu.memory_space<vmem_shared>>)
      tpu.yield
    }) : () -> ()
    %add3A_76 = arith.constant 448 : i32
    %add3A_77 = arith.addi %mul3A_67, %add3A_76 : i32
    "tpu.region"() ({
      %run_scoped3A = tpu.sem_alloc : memref<!tpu.dma_semaphore, #tpu.memory_space<semaphore_mem>>
      %dma_start3A = arith.constant 0 : i32
      %dma_start3A_122 = tpu.memref_slice %arg12[%add3A_77, %dma_start3A] : memref<12552x128xf32, #tpu.memory_space<vmem_shared>> -> memref<112x128xf32, #tpu.memory_space<vmem_shared>>
      %dma_start3A_123 = arith.constant 0 : i32
      %dma_start3A_124 = tpu.memref_slice %arg12[%add3A_77, %dma_start3A_123] : memref<12552x128xf32, #tpu.memory_space<vmem_shared>> -> memref<112x128xf32, #tpu.memory_space<vmem_shared>>
      tpu.enqueue_dma source(%arg11 : memref<112x128xf32, #tpu.memory_space<vmem>>) target(%dma_start3A_124 : memref<112x128xf32, #tpu.memory_space<vmem_shared>>) target_semaphore(%run_scoped3A : memref<!tpu.dma_semaphore, #tpu.memory_space<semaphore_mem>>)
      %dma_wait3A = arith.constant 0 : i32
      %dma_wait3A_125 = tpu.memref_slice %arg12[%add3A_77, %dma_wait3A] : memref<12552x128xf32, #tpu.memory_space<vmem_shared>> -> memref<112x128xf32, #tpu.memory_space<vmem_shared>>
      %dma_wait3A_126 = arith.constant 0 : i32
      %dma_wait3A_127 = tpu.memref_slice %arg12[%add3A_77, %dma_wait3A_126] : memref<12552x128xf32, #tpu.memory_space<vmem_shared>> -> memref<112x128xf32, #tpu.memory_space<vmem_shared>>
      tpu.wait_dma2 semaphore(%run_scoped3A : memref<!tpu.dma_semaphore, #tpu.memory_space<semaphore_mem>>) src(%arg11 : memref<112x128xf32, #tpu.memory_space<vmem>>) dst(%dma_wait3A_127 : memref<112x128xf32, #tpu.memory_space<vmem_shared>>)
      tpu.yield
    }) : () -> ()
    %add3A_78 = arith.constant 560 : i32
    %add3A_79 = arith.addi %mul3A_67, %add3A_78 : i32
    "tpu.region"() ({
      %run_scoped3A = tpu.sem_alloc : memref<!tpu.dma_semaphore, #tpu.memory_space<semaphore_mem>>
      %dma_start3A = arith.constant 0 : i32
      %dma_start3A_122 = tpu.memref_slice %arg12[%add3A_79, %dma_start3A] : memref<12552x128xf32, #tpu.memory_space<vmem_shared>> -> memref<112x128xf32, #tpu.memory_space<vmem_shared>>
      %dma_start3A_123 = arith.constant 0 : i32
      %dma_start3A_124 = tpu.memref_slice %arg12[%add3A_79, %dma_start3A_123] : memref<12552x128xf32, #tpu.memory_space<vmem_shared>> -> memref<112x128xf32, #tpu.memory_space<vmem_shared>>
      tpu.enqueue_dma source(%arg11 : memref<112x128xf32, #tpu.memory_space<vmem>>) target(%dma_start3A_124 : memref<112x128xf32, #tpu.memory_space<vmem_shared>>) target_semaphore(%run_scoped3A : memref<!tpu.dma_semaphore, #tpu.memory_space<semaphore_mem>>)
      %dma_wait3A = arith.constant 0 : i32
      %dma_wait3A_125 = tpu.memref_slice %arg12[%add3A_79, %dma_wait3A] : memref<12552x128xf32, #tpu.memory_space<vmem_shared>> -> memref<112x128xf32, #tpu.memory_space<vmem_shared>>
      %dma_wait3A_126 = arith.constant 0 : i32
      %dma_wait3A_127 = tpu.memref_slice %arg12[%add3A_79, %dma_wait3A_126] : memref<12552x128xf32, #tpu.memory_space<vmem_shared>> -> memref<112x128xf32, #tpu.memory_space<vmem_shared>>
      tpu.wait_dma2 semaphore(%run_scoped3A : memref<!tpu.dma_semaphore, #tpu.memory_space<semaphore_mem>>) src(%arg11 : memref<112x128xf32, #tpu.memory_space<vmem>>) dst(%dma_wait3A_127 : memref<112x128xf32, #tpu.memory_space<vmem_shared>>)
      tpu.yield
    }) : () -> ()
    %add3A_80 = arith.constant 672 : i32
    %add3A_81 = arith.addi %mul3A_67, %add3A_80 : i32
    "tpu.region"() ({
      %run_scoped3A = tpu.sem_alloc : memref<!tpu.dma_semaphore, #tpu.memory_space<semaphore_mem>>
      %dma_start3A = arith.constant 0 : i32
      %dma_start3A_122 = tpu.memref_slice %arg12[%add3A_81, %dma_start3A] : memref<12552x128xf32, #tpu.memory_space<vmem_shared>> -> memref<112x128xf32, #tpu.memory_space<vmem_shared>>
      %dma_start3A_123 = arith.constant 0 : i32
      %dma_start3A_124 = tpu.memref_slice %arg12[%add3A_81, %dma_start3A_123] : memref<12552x128xf32, #tpu.memory_space<vmem_shared>> -> memref<112x128xf32, #tpu.memory_space<vmem_shared>>
      tpu.enqueue_dma source(%arg11 : memref<112x128xf32, #tpu.memory_space<vmem>>) target(%dma_start3A_124 : memref<112x128xf32, #tpu.memory_space<vmem_shared>>) target_semaphore(%run_scoped3A : memref<!tpu.dma_semaphore, #tpu.memory_space<semaphore_mem>>)
      %dma_wait3A = arith.constant 0 : i32
      %dma_wait3A_125 = tpu.memref_slice %arg12[%add3A_81, %dma_wait3A] : memref<12552x128xf32, #tpu.memory_space<vmem_shared>> -> memref<112x128xf32, #tpu.memory_space<vmem_shared>>
      %dma_wait3A_126 = arith.constant 0 : i32
      %dma_wait3A_127 = tpu.memref_slice %arg12[%add3A_81, %dma_wait3A_126] : memref<12552x128xf32, #tpu.memory_space<vmem_shared>> -> memref<112x128xf32, #tpu.memory_space<vmem_shared>>
      tpu.wait_dma2 semaphore(%run_scoped3A : memref<!tpu.dma_semaphore, #tpu.memory_space<semaphore_mem>>) src(%arg11 : memref<112x128xf32, #tpu.memory_space<vmem>>) dst(%dma_wait3A_127 : memref<112x128xf32, #tpu.memory_space<vmem_shared>>)
      tpu.yield
    }) : () -> ()
    %barrier3A_82 = arith.constant 0 : index
    tpu.barrier barrier_id(%barrier3A_82)
    %scan3A_83 = arith.constant 0 : i32
    %scan3A_84 = arith.constant 0 : i32
    %scan3A_85 = arith.constant 196 : i32
    %scan3A_86 = arith.addi %scan3A_84, %scan3A_85 : i32
    %scan3A_87 = arith.constant 1 : i32
    scf.for %scan3A_122 = %scan3A_84 to %scan3A_86 step %scan3A_87  : i32 {
      %mul3A_123 = arith.constant 16 : i32
      %mul3A_124 = arith.muli %scan3A_122, %mul3A_123 : i32
      %add3A_125 = arith.addi %arg1, %mul3A_124 : i32
      %lt3A = arith.constant 3125 : i32
      %lt3A_126 = arith.cmpi slt, %add3A_125, %lt3A : i32
      %convert_element_type3A = arith.extui %lt3A_126 : i1 to i32
      %cond3A = arith.constant 0 : i32
      %cond3A_127 = arith.cmpi ne, %convert_element_type3A, %cond3A : i32
      scf.if %cond3A_127 {
        %mul3A_128 = arith.constant 96 : i32
        %mul3A_129 = arith.muli %add3A_125, %mul3A_128 : i32
        "tpu.region"() ({
          %run_scoped3A = tpu.sem_alloc : memref<!tpu.dma_semaphore, #tpu.memory_space<semaphore_mem>>
          %dma_start3A = tpu.memref_slice %arg5[%mul3A_129] : memref<300000xi32, #tpu.memory_space<hbm>> -> memref<96xi32, #tpu.memory_space<hbm>>
          %dma_start3A_236 = tpu.memref_slice %arg5[%mul3A_129] : memref<300000xi32, #tpu.memory_space<hbm>> -> memref<96xi32, #tpu.memory_space<hbm>>
          tpu.enqueue_dma source(%dma_start3A_236 : memref<96xi32, #tpu.memory_space<hbm>>) target(%arg8 : memref<96xi32, #tpu.memory_space<vmem>>) target_semaphore(%run_scoped3A : memref<!tpu.dma_semaphore, #tpu.memory_space<semaphore_mem>>)
          %dma_wait3A = tpu.memref_slice %arg5[%mul3A_129] : memref<300000xi32, #tpu.memory_space<hbm>> -> memref<96xi32, #tpu.memory_space<hbm>>
          %dma_wait3A_237 = tpu.memref_slice %arg5[%mul3A_129] : memref<300000xi32, #tpu.memory_space<hbm>> -> memref<96xi32, #tpu.memory_space<hbm>>
          tpu.wait_dma2 semaphore(%run_scoped3A : memref<!tpu.dma_semaphore, #tpu.memory_space<semaphore_mem>>) src(%dma_wait3A_237 : memref<96xi32, #tpu.memory_space<hbm>>) dst(%arg8 : memref<96xi32, #tpu.memory_space<vmem>>)
          tpu.yield
        }) : () -> ()
        %get3A = arith.constant 0 : index
        %get3A_130 = tpu.vector_load %arg8[%get3A] {strides = array<i32>} : memref<96xi32, #tpu.memory_space<vmem>>, vector<16xi32>,
        %get3A_131 = vector.shape_cast %get3A_130 : vector<16xi32> to vector<16xi32>
        %ge3A = vector.broadcast %mul3A_65 : i32 to vector<16xi32>
        %ge3A_132 = arith.cmpi sge, %get3A_131, %ge3A : vector<16xi32>
        %add3A_133 = arith.constant 12544 : i32
        %add3A_134 = arith.addi %mul3A_65, %add3A_133 : i32
        %lt3A_135 = vector.broadcast %add3A_134 : i32 to vector<16xi32>
        %lt3A_136 = arith.cmpi slt, %get3A_131, %lt3A_135 : vector<16xi32>
        %and3A = arith.andi %ge3A_132, %lt3A_136 : vector<16xi1>
        %sub3A = vector.broadcast %mul3A_65 : i32 to vector<16xi32>
        %sub3A_137 = arith.subi %get3A_131, %sub3A : vector<16xi32>
        %jit3A = arith.constant 12544 : i32
        %broadcast_in_dim3A = vector.broadcast %jit3A : i32 to vector<16xi32>
        %select_n3A = arith.select %and3A, %sub3A_137, %broadcast_in_dim3A : vector<16xi1>, vector<16xi32>
        %swap3A = arith.constant 0 : index
        %swap3A_138 = tpu.vector_load %arg9[%swap3A] {strides = array<i32>} : memref<96xi32, #tpu.memory_space<vmem>>, vector<16xi32>,
        %swap3A_139 = vector.shape_cast %swap3A_138 : vector<16xi32> to vector<16xi32>
        %swap3A_140 = vector.shape_cast %select_n3A : vector<16xi32> to vector<16xi32>
        tpu.vector_store %arg9[%swap3A], %swap3A_140 {strides = array<i32>} : memref<96xi32, #tpu.memory_space<vmem>>, vector<16xi32>,
        %get3A_141 = arith.constant 16 : index
        %get3A_142 = tpu.vector_load %arg8[%get3A_141] {strides = array<i32>} : memref<96xi32, #tpu.memory_space<vmem>>, vector<16xi32>,
        %get3A_143 = vector.shape_cast %get3A_142 : vector<16xi32> to vector<16xi32>
        %ge3A_144 = vector.broadcast %mul3A_65 : i32 to vector<16xi32>
        %ge3A_145 = arith.cmpi sge, %get3A_143, %ge3A_144 : vector<16xi32>
        %add3A_146 = arith.constant 12544 : i32
        %add3A_147 = arith.addi %mul3A_65, %add3A_146 : i32
        %lt3A_148 = vector.broadcast %add3A_147 : i32 to vector<16xi32>
        %lt3A_149 = arith.cmpi slt, %get3A_143, %lt3A_148 : vector<16xi32>
        %and3A_150 = arith.andi %ge3A_145, %lt3A_149 : vector<16xi1>
        %sub3A_151 = vector.broadcast %mul3A_65 : i32 to vector<16xi32>
        %sub3A_152 = arith.subi %get3A_143, %sub3A_151 : vector<16xi32>
        %jit3A_153 = arith.constant 12544 : i32
        %broadcast_in_dim3A_154 = vector.broadcast %jit3A_153 : i32 to vector<16xi32>
        %select_n3A_155 = arith.select %and3A_150, %sub3A_152, %broadcast_in_dim3A_154 : vector<16xi1>, vector<16xi32>
        %swap3A_156 = arith.constant 16 : index
        %swap3A_157 = tpu.vector_load %arg9[%swap3A_156] {strides = array<i32>} : memref<96xi32, #tpu.memory_space<vmem>>, vector<16xi32>,
        %swap3A_158 = vector.shape_cast %swap3A_157 : vector<16xi32> to vector<16xi32>
        %swap3A_159 = vector.shape_cast %select_n3A_155 : vector<16xi32> to vector<16xi32>
        tpu.vector_store %arg9[%swap3A_156], %swap3A_159 {strides = array<i32>} : memref<96xi32, #tpu.memory_space<vmem>>, vector<16xi32>,
        %get3A_160 = arith.constant 32 : index
        %get3A_161 = tpu.vector_load %arg8[%get3A_160] {strides = array<i32>} : memref<96xi32, #tpu.memory_space<vmem>>, vector<16xi32>,
        %get3A_162 = vector.shape_cast %get3A_161 : vector<16xi32> to vector<16xi32>
        %ge3A_163 = vector.broadcast %mul3A_65 : i32 to vector<16xi32>
        %ge3A_164 = arith.cmpi sge, %get3A_162, %ge3A_163 : vector<16xi32>
        %add3A_165 = arith.constant 12544 : i32
        %add3A_166 = arith.addi %mul3A_65, %add3A_165 : i32
        %lt3A_167 = vector.broadcast %add3A_166 : i32 to vector<16xi32>
        %lt3A_168 = arith.cmpi slt, %get3A_162, %lt3A_167 : vector<16xi32>
        %and3A_169 = arith.andi %ge3A_164, %lt3A_168 : vector<16xi1>
        %sub3A_170 = vector.broadcast %mul3A_65 : i32 to vector<16xi32>
        %sub3A_171 = arith.subi %get3A_162, %sub3A_170 : vector<16xi32>
        %jit3A_172 = arith.constant 12544 : i32
        %broadcast_in_dim3A_173 = vector.broadcast %jit3A_172 : i32 to vector<16xi32>
        %select_n3A_174 = arith.select %and3A_169, %sub3A_171, %broadcast_in_dim3A_173 : vector<16xi1>, vector<16xi32>
        %swap3A_175 = arith.constant 32 : index
        %swap3A_176 = tpu.vector_load %arg9[%swap3A_175] {strides = array<i32>} : memref<96xi32, #tpu.memory_space<vmem>>, vector<16xi32>,
        %swap3A_177 = vector.shape_cast %swap3A_176 : vector<16xi32> to vector<16xi32>
        %swap3A_178 = vector.shape_cast %select_n3A_174 : vector<16xi32> to vector<16xi32>
        tpu.vector_store %arg9[%swap3A_175], %swap3A_178 {strides = array<i32>} : memref<96xi32, #tpu.memory_space<vmem>>, vector<16xi32>,
        %get3A_179 = arith.constant 48 : index
        %get3A_180 = tpu.vector_load %arg8[%get3A_179] {strides = array<i32>} : memref<96xi32, #tpu.memory_space<vmem>>, vector<16xi32>,
        %get3A_181 = vector.shape_cast %get3A_180 : vector<16xi32> to vector<16xi32>
        %ge3A_182 = vector.broadcast %mul3A_65 : i32 to vector<16xi32>
        %ge3A_183 = arith.cmpi sge, %get3A_181, %ge3A_182 : vector<16xi32>
        %add3A_184 = arith.constant 12544 : i32
        %add3A_185 = arith.addi %mul3A_65, %add3A_184 : i32
        %lt3A_186 = vector.broadcast %add3A_185 : i32 to vector<16xi32>
        %lt3A_187 = arith.cmpi slt, %get3A_181, %lt3A_186 : vector<16xi32>
        %and3A_188 = arith.andi %ge3A_183, %lt3A_187 : vector<16xi1>
        %sub3A_189 = vector.broadcast %mul3A_65 : i32 to vector<16xi32>
        %sub3A_190 = arith.subi %get3A_181, %sub3A_189 : vector<16xi32>
        %jit3A_191 = arith.constant 12544 : i32
        %broadcast_in_dim3A_192 = vector.broadcast %jit3A_191 : i32 to vector<16xi32>
        %select_n3A_193 = arith.select %and3A_188, %sub3A_190, %broadcast_in_dim3A_192 : vector<16xi1>, vector<16xi32>
        %swap3A_194 = arith.constant 48 : index
        %swap3A_195 = tpu.vector_load %arg9[%swap3A_194] {strides = array<i32>} : memref<96xi32, #tpu.memory_space<vmem>>, vector<16xi32>,
        %swap3A_196 = vector.shape_cast %swap3A_195 : vector<16xi32> to vector<16xi32>
        %swap3A_197 = vector.shape_cast %select_n3A_193 : vector<16xi32> to vector<16xi32>
        tpu.vector_store %arg9[%swap3A_194], %swap3A_197 {strides = array<i32>} : memref<96xi32, #tpu.memory_space<vmem>>, vector<16xi32>,
        %get3A_198 = arith.constant 64 : index
        %get3A_199 = tpu.vector_load %arg8[%get3A_198] {strides = array<i32>} : memref<96xi32, #tpu.memory_space<vmem>>, vector<16xi32>,
        %get3A_200 = vector.shape_cast %get3A_199 : vector<16xi32> to vector<16xi32>
        %ge3A_201 = vector.broadcast %mul3A_65 : i32 to vector<16xi32>
        %ge3A_202 = arith.cmpi sge, %get3A_200, %ge3A_201 : vector<16xi32>
        %add3A_203 = arith.constant 12544 : i32
        %add3A_204 = arith.addi %mul3A_65, %add3A_203 : i32
        %lt3A_205 = vector.broadcast %add3A_204 : i32 to vector<16xi32>
        %lt3A_206 = arith.cmpi slt, %get3A_200, %lt3A_205 : vector<16xi32>
        %and3A_207 = arith.andi %ge3A_202, %lt3A_206 : vector<16xi1>
        %sub3A_208 = vector.broadcast %mul3A_65 : i32 to vector<16xi32>
        %sub3A_209 = arith.subi %get3A_200, %sub3A_208 : vector<16xi32>
        %jit3A_210 = arith.constant 12544 : i32
        %broadcast_in_dim3A_211 = vector.broadcast %jit3A_210 : i32 to vector<16xi32>
        %select_n3A_212 = arith.select %and3A_207, %sub3A_209, %broadcast_in_dim3A_211 : vector<16xi1>, vector<16xi32>
        %swap3A_213 = arith.constant 64 : index
        %swap3A_214 = tpu.vector_load %arg9[%swap3A_213] {strides = array<i32>} : memref<96xi32, #tpu.memory_space<vmem>>, vector<16xi32>,
        %swap3A_215 = vector.shape_cast %swap3A_214 : vector<16xi32> to vector<16xi32>
        %swap3A_216 = vector.shape_cast %select_n3A_212 : vector<16xi32> to vector<16xi32>
        tpu.vector_store %arg9[%swap3A_213], %swap3A_216 {strides = array<i32>} : memref<96xi32, #tpu.memory_space<vmem>>, vector<16xi32>,
        %get3A_217 = arith.constant 80 : index
        %get3A_218 = tpu.vector_load %arg8[%get3A_217] {strides = array<i32>} : memref<96xi32, #tpu.memory_space<vmem>>, vector<16xi32>,
        %get3A_219 = vector.shape_cast %get3A_218 : vector<16xi32> to vector<16xi32>
        %ge3A_220 = vector.broadcast %mul3A_65 : i32 to vector<16xi32>
        %ge3A_221 = arith.cmpi sge, %get3A_219, %ge3A_220 : vector<16xi32>
        %add3A_222 = arith.constant 12544 : i32
        %add3A_223 = arith.addi %mul3A_65, %add3A_222 : i32
        %lt3A_224 = vector.broadcast %add3A_223 : i32 to vector<16xi32>
        %lt3A_225 = arith.cmpi slt, %get3A_219, %lt3A_224 : vector<16xi32>
        %and3A_226 = arith.andi %ge3A_221, %lt3A_225 : vector<16xi1>
        %sub3A_227 = vector.broadcast %mul3A_65 : i32 to vector<16xi32>
        %sub3A_228 = arith.subi %get3A_219, %sub3A_227 : vector<16xi32>
        %jit3A_229 = arith.constant 12544 : i32
        %broadcast_in_dim3A_230 = vector.broadcast %jit3A_229 : i32 to vector<16xi32>
        %select_n3A_231 = arith.select %and3A_226, %sub3A_228, %broadcast_in_dim3A_230 : vector<16xi1>, vector<16xi32>
        %swap3A_232 = arith.constant 80 : index
        %swap3A_233 = tpu.vector_load %arg9[%swap3A_232] {strides = array<i32>} : memref<96xi32, #tpu.memory_space<vmem>>, vector<16xi32>,
        %swap3A_234 = vector.shape_cast %swap3A_233 : vector<16xi32> to vector<16xi32>
        %swap3A_235 = vector.shape_cast %select_n3A_231 : vector<16xi32> to vector<16xi32>
        tpu.vector_store %arg9[%swap3A_232], %swap3A_235 {strides = array<i32>} : memref<96xi32, #tpu.memory_space<vmem>>, vector<16xi32>,
        "tpu.region"() ({
          %run_scoped3A = tpu.sem_alloc : memref<!tpu.dma_semaphore, #tpu.memory_space<semaphore_mem>>
          %dma_start3A = arith.constant 0 : i32
          %dma_start3A_236 = tpu.memref_slice %arg4[%mul3A_129, %dma_start3A] : memref<300000x128xf32, #tpu.memory_space<hbm>> -> memref<96x128xf32, #tpu.memory_space<hbm>>
          %dma_start3A_237 = arith.constant 0 : i32
          %dma_start3A_238 = tpu.memref_slice %arg4[%mul3A_129, %dma_start3A_237] : memref<300000x128xf32, #tpu.memory_space<hbm>> -> memref<96x128xf32, #tpu.memory_space<hbm>>
          tpu.enqueue_dma source(%dma_start3A_238 : memref<96x128xf32, #tpu.memory_space<hbm>>) target(%arg10 : memref<96x128xf32, #tpu.memory_space<vmem>>) target_semaphore(%run_scoped3A : memref<!tpu.dma_semaphore, #tpu.memory_space<semaphore_mem>>)
          %dma_wait3A = arith.constant 0 : i32
          %dma_wait3A_239 = tpu.memref_slice %arg4[%mul3A_129, %dma_wait3A] : memref<300000x128xf32, #tpu.memory_space<hbm>> -> memref<96x128xf32, #tpu.memory_space<hbm>>
          %dma_wait3A_240 = arith.constant 0 : i32
          %dma_wait3A_241 = tpu.memref_slice %arg4[%mul3A_129, %dma_wait3A_240] : memref<300000x128xf32, #tpu.memory_space<hbm>> -> memref<96x128xf32, #tpu.memory_space<hbm>>
          tpu.wait_dma2 semaphore(%run_scoped3A : memref<!tpu.dma_semaphore, #tpu.memory_space<semaphore_mem>>) src(%dma_wait3A_241 : memref<96x128xf32, #tpu.memory_space<hbm>>) dst(%arg10 : memref<96x128xf32, #tpu.memory_space<vmem>>)
          tpu.yield
        }) : () -> ()
        "tpu.region"() ({
          %run_scoped3A = tpu.sem_alloc : memref<!tpu.dma_semaphore, #tpu.memory_space<semaphore_mem>>
          %dma_start3A = arith.constant 0 : i32
          %dma_start3A_236 = arith.constant 0 : i32
          %dma_start3A_237 = tpu.memref_slice %arg12[%dma_start3A, %dma_start3A_236] : memref<12552x128xf32, #tpu.memory_space<vmem_shared>> -> memref<12552x128xf32, #tpu.memory_space<vmem_shared>>
          tpu.enqueue_indirect_dma source(%arg10 : memref<96x128xf32, #tpu.memory_space<vmem>>) target(%dma_start3A_237 : memref<12552x128xf32, #tpu.memory_space<vmem_shared>>) offsets(%arg9 : memref<96xi32, #tpu.memory_space<vmem>>) semaphore(%run_scoped3A : memref<!tpu.dma_semaphore, #tpu.memory_space<semaphore_mem>>) {add = true}
          %dma_wait3A = arith.constant 0 : i32
          %dma_wait3A_238 = arith.constant 0 : i32
          %dma_wait3A_239 = tpu.memref_slice %arg12[%dma_wait3A, %dma_wait3A_238] : memref<12552x128xf32, #tpu.memory_space<vmem_shared>> -> memref<12552x128xf32, #tpu.memory_space<vmem_shared>>
          tpu.wait_indirect_dma semaphore(%run_scoped3A : memref<!tpu.dma_semaphore, #tpu.memory_space<semaphore_mem>>) src(%arg10 : memref<96x128xf32, #tpu.memory_space<vmem>>) dst(%dma_wait3A_239 : memref<12552x128xf32, #tpu.memory_space<vmem_shared>>)
          tpu.yield
        }) : () -> ()
      } else {
      }
    }
    %scan3A_88 = arith.constant 196 : i32
    %barrier3A_89 = arith.constant 0 : index
    tpu.barrier barrier_id(%barrier3A_89)
    %add3A_90 = arith.addi %mul3A_65, %mul3A_67 : i32
    "tpu.region"() ({
      %run_scoped3A = tpu.sem_alloc : memref<!tpu.dma_semaphore, #tpu.memory_space<semaphore_mem>>
      %dma_start3A = arith.constant 0 : i32
      %dma_start3A_122 = tpu.memref_slice %arg7[%add3A_90, %dma_start3A] : memref<50176x128xf32, #tpu.memory_space<hbm>> -> memref<784x128xf32, #tpu.memory_space<hbm>>
      %dma_start3A_123 = arith.constant 0 : i32
      %dma_start3A_124 = tpu.memref_slice %arg12[%mul3A_67, %dma_start3A_123] : memref<12552x128xf32, #tpu.memory_space<vmem_shared>> -> memref<784x128xf32, #tpu.memory_space<vmem_shared>>
      tpu.enqueue_dma source(%dma_start3A_124 : memref<784x128xf32, #tpu.memory_space<vmem_shared>>) target(%dma_start3A_122 : memref<784x128xf32, #tpu.memory_space<hbm>>) target_semaphore(%run_scoped3A : memref<!tpu.dma_semaphore, #tpu.memory_space<semaphore_mem>>)
      %dma_wait3A = arith.constant 0 : i32
      %dma_wait3A_125 = tpu.memref_slice %arg7[%add3A_90, %dma_wait3A] : memref<50176x128xf32, #tpu.memory_space<hbm>> -> memref<784x128xf32, #tpu.memory_space<hbm>>
      %dma_wait3A_126 = arith.constant 0 : i32
      %dma_wait3A_127 = tpu.memref_slice %arg12[%mul3A_67, %dma_wait3A_126] : memref<12552x128xf32, #tpu.memory_space<vmem_shared>> -> memref<784x128xf32, #tpu.memory_space<vmem_shared>>
      tpu.wait_dma2 semaphore(%run_scoped3A : memref<!tpu.dma_semaphore, #tpu.memory_space<semaphore_mem>>) src(%dma_wait3A_127 : memref<784x128xf32, #tpu.memory_space<vmem_shared>>) dst(%dma_wait3A_125 : memref<784x128xf32, #tpu.memory_space<hbm>>)
      tpu.yield
    }) : () -> ()
    %barrier3A_91 = arith.constant 0 : index
    tpu.barrier barrier_id(%barrier3A_91)
    %add3A_92 = arith.constant 2 : i32
    %add3A_93 = arith.addi %add3A_92, %arg0 : i32
    %mul3A_94 = arith.constant 12544 : i32
    %mul3A_95 = arith.muli %add3A_93, %mul3A_94 : i32
    %mul3A_96 = arith.constant 784 : i32
    %mul3A_97 = arith.muli %arg1, %mul3A_96 : i32
    %add3A_98 = arith.constant 0 : i32
    %add3A_99 = arith.addi %mul3A_97, %add3A_98 : i32
    "tpu.region"() ({
      %run_scoped3A = tpu.sem_alloc : memref<!tpu.dma_semaphore, #tpu.memory_space<semaphore_mem>>
      %dma_start3A = arith.constant 0 : i32
      %dma_start3A_122 = tpu.memref_slice %arg12[%add3A_99, %dma_start3A] : memref<12552x128xf32, #tpu.memory_space<vmem_shared>> -> memref<112x128xf32, #tpu.memory_space<vmem_shared>>
      %dma_start3A_123 = arith.constant 0 : i32
      %dma_start3A_124 = tpu.memref_slice %arg12[%add3A_99, %dma_start3A_123] : memref<12552x128xf32, #tpu.memory_space<vmem_shared>> -> memref<112x128xf32, #tpu.memory_space<vmem_shared>>
      tpu.enqueue_dma source(%arg11 : memref<112x128xf32, #tpu.memory_space<vmem>>) target(%dma_start3A_124 : memref<112x128xf32, #tpu.memory_space<vmem_shared>>) target_semaphore(%run_scoped3A : memref<!tpu.dma_semaphore, #tpu.memory_space<semaphore_mem>>)
      %dma_wait3A = arith.constant 0 : i32
      %dma_wait3A_125 = tpu.memref_slice %arg12[%add3A_99, %dma_wait3A] : memref<12552x128xf32, #tpu.memory_space<vmem_shared>> -> memref<112x128xf32, #tpu.memory_space<vmem_shared>>
      %dma_wait3A_126 = arith.constant 0 : i32
      %dma_wait3A_127 = tpu.memref_slice %arg12[%add3A_99, %dma_wait3A_126] : memref<12552x128xf32, #tpu.memory_space<vmem_shared>> -> memref<112x128xf32, #tpu.memory_space<vmem_shared>>
      tpu.wait_dma2 semaphore(%run_scoped3A : memref<!tpu.dma_semaphore, #tpu.memory_space<semaphore_mem>>) src(%arg11 : memref<112x128xf32, #tpu.memory_space<vmem>>) dst(%dma_wait3A_127 : memref<112x128xf32, #tpu.memory_space<vmem_shared>>)
      tpu.yield
    }) : () -> ()
    %add3A_100 = arith.constant 112 : i32
    %add3A_101 = arith.addi %mul3A_97, %add3A_100 : i32
    "tpu.region"() ({
      %run_scoped3A = tpu.sem_alloc : memref<!tpu.dma_semaphore, #tpu.memory_space<semaphore_mem>>
      %dma_start3A = arith.constant 0 : i32
      %dma_start3A_122 = tpu.memref_slice %arg12[%add3A_101, %dma_start3A] : memref<12552x128xf32, #tpu.memory_space<vmem_shared>> -> memref<112x128xf32, #tpu.memory_space<vmem_shared>>
      %dma_start3A_123 = arith.constant 0 : i32
      %dma_start3A_124 = tpu.memref_slice %arg12[%add3A_101, %dma_start3A_123] : memref<12552x128xf32, #tpu.memory_space<vmem_shared>> -> memref<112x128xf32, #tpu.memory_space<vmem_shared>>
      tpu.enqueue_dma source(%arg11 : memref<112x128xf32, #tpu.memory_space<vmem>>) target(%dma_start3A_124 : memref<112x128xf32, #tpu.memory_space<vmem_shared>>) target_semaphore(%run_scoped3A : memref<!tpu.dma_semaphore, #tpu.memory_space<semaphore_mem>>)
      %dma_wait3A = arith.constant 0 : i32
      %dma_wait3A_125 = tpu.memref_slice %arg12[%add3A_101, %dma_wait3A] : memref<12552x128xf32, #tpu.memory_space<vmem_shared>> -> memref<112x128xf32, #tpu.memory_space<vmem_shared>>
      %dma_wait3A_126 = arith.constant 0 : i32
      %dma_wait3A_127 = tpu.memref_slice %arg12[%add3A_101, %dma_wait3A_126] : memref<12552x128xf32, #tpu.memory_space<vmem_shared>> -> memref<112x128xf32, #tpu.memory_space<vmem_shared>>
      tpu.wait_dma2 semaphore(%run_scoped3A : memref<!tpu.dma_semaphore, #tpu.memory_space<semaphore_mem>>) src(%arg11 : memref<112x128xf32, #tpu.memory_space<vmem>>) dst(%dma_wait3A_127 : memref<112x128xf32, #tpu.memory_space<vmem_shared>>)
      tpu.yield
    }) : () -> ()
    %add3A_102 = arith.constant 224 : i32
    %add3A_103 = arith.addi %mul3A_97, %add3A_102 : i32
    "tpu.region"() ({
      %run_scoped3A = tpu.sem_alloc : memref<!tpu.dma_semaphore, #tpu.memory_space<semaphore_mem>>
      %dma_start3A = arith.constant 0 : i32
      %dma_start3A_122 = tpu.memref_slice %arg12[%add3A_103, %dma_start3A] : memref<12552x128xf32, #tpu.memory_space<vmem_shared>> -> memref<112x128xf32, #tpu.memory_space<vmem_shared>>
      %dma_start3A_123 = arith.constant 0 : i32
      %dma_start3A_124 = tpu.memref_slice %arg12[%add3A_103, %dma_start3A_123] : memref<12552x128xf32, #tpu.memory_space<vmem_shared>> -> memref<112x128xf32, #tpu.memory_space<vmem_shared>>
      tpu.enqueue_dma source(%arg11 : memref<112x128xf32, #tpu.memory_space<vmem>>) target(%dma_start3A_124 : memref<112x128xf32, #tpu.memory_space<vmem_shared>>) target_semaphore(%run_scoped3A : memref<!tpu.dma_semaphore, #tpu.memory_space<semaphore_mem>>)
      %dma_wait3A = arith.constant 0 : i32
      %dma_wait3A_125 = tpu.memref_slice %arg12[%add3A_103, %dma_wait3A] : memref<12552x128xf32, #tpu.memory_space<vmem_shared>> -> memref<112x128xf32, #tpu.memory_space<vmem_shared>>
      %dma_wait3A_126 = arith.constant 0 : i32
      %dma_wait3A_127 = tpu.memref_slice %arg12[%add3A_103, %dma_wait3A_126] : memref<12552x128xf32, #tpu.memory_space<vmem_shared>> -> memref<112x128xf32, #tpu.memory_space<vmem_shared>>
      tpu.wait_dma2 semaphore(%run_scoped3A : memref<!tpu.dma_semaphore, #tpu.memory_space<semaphore_mem>>) src(%arg11 : memref<112x128xf32, #tpu.memory_space<vmem>>) dst(%dma_wait3A_127 : memref<112x128xf32, #tpu.memory_space<vmem_shared>>)
      tpu.yield
    }) : () -> ()
    %add3A_104 = arith.constant 336 : i32
    %add3A_105 = arith.addi %mul3A_97, %add3A_104 : i32
    "tpu.region"() ({
      %run_scoped3A = tpu.sem_alloc : memref<!tpu.dma_semaphore, #tpu.memory_space<semaphore_mem>>
      %dma_start3A = arith.constant 0 : i32
      %dma_start3A_122 = tpu.memref_slice %arg12[%add3A_105, %dma_start3A] : memref<12552x128xf32, #tpu.memory_space<vmem_shared>> -> memref<112x128xf32, #tpu.memory_space<vmem_shared>>
      %dma_start3A_123 = arith.constant 0 : i32
      %dma_start3A_124 = tpu.memref_slice %arg12[%add3A_105, %dma_start3A_123] : memref<12552x128xf32, #tpu.memory_space<vmem_shared>> -> memref<112x128xf32, #tpu.memory_space<vmem_shared>>
      tpu.enqueue_dma source(%arg11 : memref<112x128xf32, #tpu.memory_space<vmem>>) target(%dma_start3A_124 : memref<112x128xf32, #tpu.memory_space<vmem_shared>>) target_semaphore(%run_scoped3A : memref<!tpu.dma_semaphore, #tpu.memory_space<semaphore_mem>>)
      %dma_wait3A = arith.constant 0 : i32
      %dma_wait3A_125 = tpu.memref_slice %arg12[%add3A_105, %dma_wait3A] : memref<12552x128xf32, #tpu.memory_space<vmem_shared>> -> memref<112x128xf32, #tpu.memory_space<vmem_shared>>
      %dma_wait3A_126 = arith.constant 0 : i32
      %dma_wait3A_127 = tpu.memref_slice %arg12[%add3A_105, %dma_wait3A_126] : memref<12552x128xf32, #tpu.memory_space<vmem_shared>> -> memref<112x128xf32, #tpu.memory_space<vmem_shared>>
      tpu.wait_dma2 semaphore(%run_scoped3A : memref<!tpu.dma_semaphore, #tpu.memory_space<semaphore_mem>>) src(%arg11 : memref<112x128xf32, #tpu.memory_space<vmem>>) dst(%dma_wait3A_127 : memref<112x128xf32, #tpu.memory_space<vmem_shared>>)
      tpu.yield
    }) : () -> ()
    %add3A_106 = arith.constant 448 : i32
    %add3A_107 = arith.addi %mul3A_97, %add3A_106 : i32
    "tpu.region"() ({
      %run_scoped3A = tpu.sem_alloc : memref<!tpu.dma_semaphore, #tpu.memory_space<semaphore_mem>>
      %dma_start3A = arith.constant 0 : i32
      %dma_start3A_122 = tpu.memref_slice %arg12[%add3A_107, %dma_start3A] : memref<12552x128xf32, #tpu.memory_space<vmem_shared>> -> memref<112x128xf32, #tpu.memory_space<vmem_shared>>
      %dma_start3A_123 = arith.constant 0 : i32
      %dma_start3A_124 = tpu.memref_slice %arg12[%add3A_107, %dma_start3A_123] : memref<12552x128xf32, #tpu.memory_space<vmem_shared>> -> memref<112x128xf32, #tpu.memory_space<vmem_shared>>
      tpu.enqueue_dma source(%arg11 : memref<112x128xf32, #tpu.memory_space<vmem>>) target(%dma_start3A_124 : memref<112x128xf32, #tpu.memory_space<vmem_shared>>) target_semaphore(%run_scoped3A : memref<!tpu.dma_semaphore, #tpu.memory_space<semaphore_mem>>)
      %dma_wait3A = arith.constant 0 : i32
      %dma_wait3A_125 = tpu.memref_slice %arg12[%add3A_107, %dma_wait3A] : memref<12552x128xf32, #tpu.memory_space<vmem_shared>> -> memref<112x128xf32, #tpu.memory_space<vmem_shared>>
      %dma_wait3A_126 = arith.constant 0 : i32
      %dma_wait3A_127 = tpu.memref_slice %arg12[%add3A_107, %dma_wait3A_126] : memref<12552x128xf32, #tpu.memory_space<vmem_shared>> -> memref<112x128xf32, #tpu.memory_space<vmem_shared>>
      tpu.wait_dma2 semaphore(%run_scoped3A : memref<!tpu.dma_semaphore, #tpu.memory_space<semaphore_mem>>) src(%arg11 : memref<112x128xf32, #tpu.memory_space<vmem>>) dst(%dma_wait3A_127 : memref<112x128xf32, #tpu.memory_space<vmem_shared>>)
      tpu.yield
    }) : () -> ()
    %add3A_108 = arith.constant 560 : i32
    %add3A_109 = arith.addi %mul3A_97, %add3A_108 : i32
    "tpu.region"() ({
      %run_scoped3A = tpu.sem_alloc : memref<!tpu.dma_semaphore, #tpu.memory_space<semaphore_mem>>
      %dma_start3A = arith.constant 0 : i32
      %dma_start3A_122 = tpu.memref_slice %arg12[%add3A_109, %dma_start3A] : memref<12552x128xf32, #tpu.memory_space<vmem_shared>> -> memref<112x128xf32, #tpu.memory_space<vmem_shared>>
      %dma_start3A_123 = arith.constant 0 : i32
      %dma_start3A_124 = tpu.memref_slice %arg12[%add3A_109, %dma_start3A_123] : memref<12552x128xf32, #tpu.memory_space<vmem_shared>> -> memref<112x128xf32, #tpu.memory_space<vmem_shared>>
      tpu.enqueue_dma source(%arg11 : memref<112x128xf32, #tpu.memory_space<vmem>>) target(%dma_start3A_124 : memref<112x128xf32, #tpu.memory_space<vmem_shared>>) target_semaphore(%run_scoped3A : memref<!tpu.dma_semaphore, #tpu.memory_space<semaphore_mem>>)
      %dma_wait3A = arith.constant 0 : i32
      %dma_wait3A_125 = tpu.memref_slice %arg12[%add3A_109, %dma_wait3A] : memref<12552x128xf32, #tpu.memory_space<vmem_shared>> -> memref<112x128xf32, #tpu.memory_space<vmem_shared>>
      %dma_wait3A_126 = arith.constant 0 : i32
      %dma_wait3A_127 = tpu.memref_slice %arg12[%add3A_109, %dma_wait3A_126] : memref<12552x128xf32, #tpu.memory_space<vmem_shared>> -> memref<112x128xf32, #tpu.memory_space<vmem_shared>>
      tpu.wait_dma2 semaphore(%run_scoped3A : memref<!tpu.dma_semaphore, #tpu.memory_space<semaphore_mem>>) src(%arg11 : memref<112x128xf32, #tpu.memory_space<vmem>>) dst(%dma_wait3A_127 : memref<112x128xf32, #tpu.memory_space<vmem_shared>>)
      tpu.yield
    }) : () -> ()
    %add3A_110 = arith.constant 672 : i32
    %add3A_111 = arith.addi %mul3A_97, %add3A_110 : i32
    "tpu.region"() ({
      %run_scoped3A = tpu.sem_alloc : memref<!tpu.dma_semaphore, #tpu.memory_space<semaphore_mem>>
      %dma_start3A = arith.constant 0 : i32
      %dma_start3A_122 = tpu.memref_slice %arg12[%add3A_111, %dma_start3A] : memref<12552x128xf32, #tpu.memory_space<vmem_shared>> -> memref<112x128xf32, #tpu.memory_space<vmem_shared>>
      %dma_start3A_123 = arith.constant 0 : i32
      %dma_start3A_124 = tpu.memref_slice %arg12[%add3A_111, %dma_start3A_123] : memref<12552x128xf32, #tpu.memory_space<vmem_shared>> -> memref<112x128xf32, #tpu.memory_space<vmem_shared>>
      tpu.enqueue_dma source(%arg11 : memref<112x128xf32, #tpu.memory_space<vmem>>) target(%dma_start3A_124 : memref<112x128xf32, #tpu.memory_space<vmem_shared>>) target_semaphore(%run_scoped3A : memref<!tpu.dma_semaphore, #tpu.memory_space<semaphore_mem>>)
      %dma_wait3A = arith.constant 0 : i32
      %dma_wait3A_125 = tpu.memref_slice %arg12[%add3A_111, %dma_wait3A] : memref<12552x128xf32, #tpu.memory_space<vmem_shared>> -> memref<112x128xf32, #tpu.memory_space<vmem_shared>>
      %dma_wait3A_126 = arith.constant 0 : i32
      %dma_wait3A_127 = tpu.memref_slice %arg12[%add3A_111, %dma_wait3A_126] : memref<12552x128xf32, #tpu.memory_space<vmem_shared>> -> memref<112x128xf32, #tpu.memory_space<vmem_shared>>
      tpu.wait_dma2 semaphore(%run_scoped3A : memref<!tpu.dma_semaphore, #tpu.memory_space<semaphore_mem>>) src(%arg11 : memref<112x128xf32, #tpu.memory_space<vmem>>) dst(%dma_wait3A_127 : memref<112x128xf32, #tpu.memory_space<vmem_shared>>)
      tpu.yield
    }) : () -> ()
    %barrier3A_112 = arith.constant 0 : index
    tpu.barrier barrier_id(%barrier3A_112)
    %scan3A_113 = arith.constant 0 : i32
    %scan3A_114 = arith.constant 0 : i32
    %scan3A_115 = arith.constant 196 : i32
    %scan3A_116 = arith.addi %scan3A_114, %scan3A_115 : i32
    %scan3A_117 = arith.constant 1 : i32
    scf.for %scan3A_122 = %scan3A_114 to %scan3A_116 step %scan3A_117  : i32 {
      %mul3A_123 = arith.constant 16 : i32
      %mul3A_124 = arith.muli %scan3A_122, %mul3A_123 : i32
      %add3A_125 = arith.addi %arg1, %mul3A_124 : i32
      %lt3A = arith.constant 3125 : i32
      %lt3A_126 = arith.cmpi slt, %add3A_125, %lt3A : i32
      %convert_element_type3A = arith.extui %lt3A_126 : i1 to i32
      %cond3A = arith.constant 0 : i32
      %cond3A_127 = arith.cmpi ne, %convert_element_type3A, %cond3A : i32
      scf.if %cond3A_127 {
        %mul3A_128 = arith.constant 96 : i32
        %mul3A_129 = arith.muli %add3A_125, %mul3A_128 : i32
        "tpu.region"() ({
          %run_scoped3A = tpu.sem_alloc : memref<!tpu.dma_semaphore, #tpu.memory_space<semaphore_mem>>
          %dma_start3A = tpu.memref_slice %arg5[%mul3A_129] : memref<300000xi32, #tpu.memory_space<hbm>> -> memref<96xi32, #tpu.memory_space<hbm>>
          %dma_start3A_236 = tpu.memref_slice %arg5[%mul3A_129] : memref<300000xi32, #tpu.memory_space<hbm>> -> memref<96xi32, #tpu.memory_space<hbm>>
          tpu.enqueue_dma source(%dma_start3A_236 : memref<96xi32, #tpu.memory_space<hbm>>) target(%arg8 : memref<96xi32, #tpu.memory_space<vmem>>) target_semaphore(%run_scoped3A : memref<!tpu.dma_semaphore, #tpu.memory_space<semaphore_mem>>)
          %dma_wait3A = tpu.memref_slice %arg5[%mul3A_129] : memref<300000xi32, #tpu.memory_space<hbm>> -> memref<96xi32, #tpu.memory_space<hbm>>
          %dma_wait3A_237 = tpu.memref_slice %arg5[%mul3A_129] : memref<300000xi32, #tpu.memory_space<hbm>> -> memref<96xi32, #tpu.memory_space<hbm>>
          tpu.wait_dma2 semaphore(%run_scoped3A : memref<!tpu.dma_semaphore, #tpu.memory_space<semaphore_mem>>) src(%dma_wait3A_237 : memref<96xi32, #tpu.memory_space<hbm>>) dst(%arg8 : memref<96xi32, #tpu.memory_space<vmem>>)
          tpu.yield
        }) : () -> ()
        %get3A = arith.constant 0 : index
        %get3A_130 = tpu.vector_load %arg8[%get3A] {strides = array<i32>} : memref<96xi32, #tpu.memory_space<vmem>>, vector<16xi32>,
        %get3A_131 = vector.shape_cast %get3A_130 : vector<16xi32> to vector<16xi32>
        %ge3A = vector.broadcast %mul3A_95 : i32 to vector<16xi32>
        %ge3A_132 = arith.cmpi sge, %get3A_131, %ge3A : vector<16xi32>
        %add3A_133 = arith.constant 12544 : i32
        %add3A_134 = arith.addi %mul3A_95, %add3A_133 : i32
        %lt3A_135 = vector.broadcast %add3A_134 : i32 to vector<16xi32>
        %lt3A_136 = arith.cmpi slt, %get3A_131, %lt3A_135 : vector<16xi32>
        %and3A = arith.andi %ge3A_132, %lt3A_136 : vector<16xi1>
        %sub3A = vector.broadcast %mul3A_95 : i32 to vector<16xi32>
        %sub3A_137 = arith.subi %get3A_131, %sub3A : vector<16xi32>
        %jit3A = arith.constant 12544 : i32
        %broadcast_in_dim3A = vector.broadcast %jit3A : i32 to vector<16xi32>
        %select_n3A = arith.select %and3A, %sub3A_137, %broadcast_in_dim3A : vector<16xi1>, vector<16xi32>
        %swap3A = arith.constant 0 : index
        %swap3A_138 = tpu.vector_load %arg9[%swap3A] {strides = array<i32>} : memref<96xi32, #tpu.memory_space<vmem>>, vector<16xi32>,
        %swap3A_139 = vector.shape_cast %swap3A_138 : vector<16xi32> to vector<16xi32>
        %swap3A_140 = vector.shape_cast %select_n3A : vector<16xi32> to vector<16xi32>
        tpu.vector_store %arg9[%swap3A], %swap3A_140 {strides = array<i32>} : memref<96xi32, #tpu.memory_space<vmem>>, vector<16xi32>,
        %get3A_141 = arith.constant 16 : index
        %get3A_142 = tpu.vector_load %arg8[%get3A_141] {strides = array<i32>} : memref<96xi32, #tpu.memory_space<vmem>>, vector<16xi32>,
        %get3A_143 = vector.shape_cast %get3A_142 : vector<16xi32> to vector<16xi32>
        %ge3A_144 = vector.broadcast %mul3A_95 : i32 to vector<16xi32>
        %ge3A_145 = arith.cmpi sge, %get3A_143, %ge3A_144 : vector<16xi32>
        %add3A_146 = arith.constant 12544 : i32
        %add3A_147 = arith.addi %mul3A_95, %add3A_146 : i32
        %lt3A_148 = vector.broadcast %add3A_147 : i32 to vector<16xi32>
        %lt3A_149 = arith.cmpi slt, %get3A_143, %lt3A_148 : vector<16xi32>
        %and3A_150 = arith.andi %ge3A_145, %lt3A_149 : vector<16xi1>
        %sub3A_151 = vector.broadcast %mul3A_95 : i32 to vector<16xi32>
        %sub3A_152 = arith.subi %get3A_143, %sub3A_151 : vector<16xi32>
        %jit3A_153 = arith.constant 12544 : i32
        %broadcast_in_dim3A_154 = vector.broadcast %jit3A_153 : i32 to vector<16xi32>
        %select_n3A_155 = arith.select %and3A_150, %sub3A_152, %broadcast_in_dim3A_154 : vector<16xi1>, vector<16xi32>
        %swap3A_156 = arith.constant 16 : index
        %swap3A_157 = tpu.vector_load %arg9[%swap3A_156] {strides = array<i32>} : memref<96xi32, #tpu.memory_space<vmem>>, vector<16xi32>,
        %swap3A_158 = vector.shape_cast %swap3A_157 : vector<16xi32> to vector<16xi32>
        %swap3A_159 = vector.shape_cast %select_n3A_155 : vector<16xi32> to vector<16xi32>
        tpu.vector_store %arg9[%swap3A_156], %swap3A_159 {strides = array<i32>} : memref<96xi32, #tpu.memory_space<vmem>>, vector<16xi32>,
        %get3A_160 = arith.constant 32 : index
        %get3A_161 = tpu.vector_load %arg8[%get3A_160] {strides = array<i32>} : memref<96xi32, #tpu.memory_space<vmem>>, vector<16xi32>,
        %get3A_162 = vector.shape_cast %get3A_161 : vector<16xi32> to vector<16xi32>
        %ge3A_163 = vector.broadcast %mul3A_95 : i32 to vector<16xi32>
        %ge3A_164 = arith.cmpi sge, %get3A_162, %ge3A_163 : vector<16xi32>
        %add3A_165 = arith.constant 12544 : i32
        %add3A_166 = arith.addi %mul3A_95, %add3A_165 : i32
        %lt3A_167 = vector.broadcast %add3A_166 : i32 to vector<16xi32>
        %lt3A_168 = arith.cmpi slt, %get3A_162, %lt3A_167 : vector<16xi32>
        %and3A_169 = arith.andi %ge3A_164, %lt3A_168 : vector<16xi1>
        %sub3A_170 = vector.broadcast %mul3A_95 : i32 to vector<16xi32>
        %sub3A_171 = arith.subi %get3A_162, %sub3A_170 : vector<16xi32>
        %jit3A_172 = arith.constant 12544 : i32
        %broadcast_in_dim3A_173 = vector.broadcast %jit3A_172 : i32 to vector<16xi32>
        %select_n3A_174 = arith.select %and3A_169, %sub3A_171, %broadcast_in_dim3A_173 : vector<16xi1>, vector<16xi32>
        %swap3A_175 = arith.constant 32 : index
        %swap3A_176 = tpu.vector_load %arg9[%swap3A_175] {strides = array<i32>} : memref<96xi32, #tpu.memory_space<vmem>>, vector<16xi32>,
        %swap3A_177 = vector.shape_cast %swap3A_176 : vector<16xi32> to vector<16xi32>
        %swap3A_178 = vector.shape_cast %select_n3A_174 : vector<16xi32> to vector<16xi32>
        tpu.vector_store %arg9[%swap3A_175], %swap3A_178 {strides = array<i32>} : memref<96xi32, #tpu.memory_space<vmem>>, vector<16xi32>,
        %get3A_179 = arith.constant 48 : index
        %get3A_180 = tpu.vector_load %arg8[%get3A_179] {strides = array<i32>} : memref<96xi32, #tpu.memory_space<vmem>>, vector<16xi32>,
        %get3A_181 = vector.shape_cast %get3A_180 : vector<16xi32> to vector<16xi32>
        %ge3A_182 = vector.broadcast %mul3A_95 : i32 to vector<16xi32>
        %ge3A_183 = arith.cmpi sge, %get3A_181, %ge3A_182 : vector<16xi32>
        %add3A_184 = arith.constant 12544 : i32
        %add3A_185 = arith.addi %mul3A_95, %add3A_184 : i32
        %lt3A_186 = vector.broadcast %add3A_185 : i32 to vector<16xi32>
        %lt3A_187 = arith.cmpi slt, %get3A_181, %lt3A_186 : vector<16xi32>
        %and3A_188 = arith.andi %ge3A_183, %lt3A_187 : vector<16xi1>
        %sub3A_189 = vector.broadcast %mul3A_95 : i32 to vector<16xi32>
        %sub3A_190 = arith.subi %get3A_181, %sub3A_189 : vector<16xi32>
        %jit3A_191 = arith.constant 12544 : i32
        %broadcast_in_dim3A_192 = vector.broadcast %jit3A_191 : i32 to vector<16xi32>
        %select_n3A_193 = arith.select %and3A_188, %sub3A_190, %broadcast_in_dim3A_192 : vector<16xi1>, vector<16xi32>
        %swap3A_194 = arith.constant 48 : index
        %swap3A_195 = tpu.vector_load %arg9[%swap3A_194] {strides = array<i32>} : memref<96xi32, #tpu.memory_space<vmem>>, vector<16xi32>,
        %swap3A_196 = vector.shape_cast %swap3A_195 : vector<16xi32> to vector<16xi32>
        %swap3A_197 = vector.shape_cast %select_n3A_193 : vector<16xi32> to vector<16xi32>
        tpu.vector_store %arg9[%swap3A_194], %swap3A_197 {strides = array<i32>} : memref<96xi32, #tpu.memory_space<vmem>>, vector<16xi32>,
        %get3A_198 = arith.constant 64 : index
        %get3A_199 = tpu.vector_load %arg8[%get3A_198] {strides = array<i32>} : memref<96xi32, #tpu.memory_space<vmem>>, vector<16xi32>,
        %get3A_200 = vector.shape_cast %get3A_199 : vector<16xi32> to vector<16xi32>
        %ge3A_201 = vector.broadcast %mul3A_95 : i32 to vector<16xi32>
        %ge3A_202 = arith.cmpi sge, %get3A_200, %ge3A_201 : vector<16xi32>
        %add3A_203 = arith.constant 12544 : i32
        %add3A_204 = arith.addi %mul3A_95, %add3A_203 : i32
        %lt3A_205 = vector.broadcast %add3A_204 : i32 to vector<16xi32>
        %lt3A_206 = arith.cmpi slt, %get3A_200, %lt3A_205 : vector<16xi32>
        %and3A_207 = arith.andi %ge3A_202, %lt3A_206 : vector<16xi1>
        %sub3A_208 = vector.broadcast %mul3A_95 : i32 to vector<16xi32>
        %sub3A_209 = arith.subi %get3A_200, %sub3A_208 : vector<16xi32>
        %jit3A_210 = arith.constant 12544 : i32
        %broadcast_in_dim3A_211 = vector.broadcast %jit3A_210 : i32 to vector<16xi32>
        %select_n3A_212 = arith.select %and3A_207, %sub3A_209, %broadcast_in_dim3A_211 : vector<16xi1>, vector<16xi32>
        %swap3A_213 = arith.constant 64 : index
        %swap3A_214 = tpu.vector_load %arg9[%swap3A_213] {strides = array<i32>} : memref<96xi32, #tpu.memory_space<vmem>>, vector<16xi32>,
        %swap3A_215 = vector.shape_cast %swap3A_214 : vector<16xi32> to vector<16xi32>
        %swap3A_216 = vector.shape_cast %select_n3A_212 : vector<16xi32> to vector<16xi32>
        tpu.vector_store %arg9[%swap3A_213], %swap3A_216 {strides = array<i32>} : memref<96xi32, #tpu.memory_space<vmem>>, vector<16xi32>,
        %get3A_217 = arith.constant 80 : index
        %get3A_218 = tpu.vector_load %arg8[%get3A_217] {strides = array<i32>} : memref<96xi32, #tpu.memory_space<vmem>>, vector<16xi32>,
        %get3A_219 = vector.shape_cast %get3A_218 : vector<16xi32> to vector<16xi32>
        %ge3A_220 = vector.broadcast %mul3A_95 : i32 to vector<16xi32>
        %ge3A_221 = arith.cmpi sge, %get3A_219, %ge3A_220 : vector<16xi32>
        %add3A_222 = arith.constant 12544 : i32
        %add3A_223 = arith.addi %mul3A_95, %add3A_222 : i32
        %lt3A_224 = vector.broadcast %add3A_223 : i32 to vector<16xi32>
        %lt3A_225 = arith.cmpi slt, %get3A_219, %lt3A_224 : vector<16xi32>
        %and3A_226 = arith.andi %ge3A_221, %lt3A_225 : vector<16xi1>
        %sub3A_227 = vector.broadcast %mul3A_95 : i32 to vector<16xi32>
        %sub3A_228 = arith.subi %get3A_219, %sub3A_227 : vector<16xi32>
        %jit3A_229 = arith.constant 12544 : i32
        %broadcast_in_dim3A_230 = vector.broadcast %jit3A_229 : i32 to vector<16xi32>
        %select_n3A_231 = arith.select %and3A_226, %sub3A_228, %broadcast_in_dim3A_230 : vector<16xi1>, vector<16xi32>
        %swap3A_232 = arith.constant 80 : index
        %swap3A_233 = tpu.vector_load %arg9[%swap3A_232] {strides = array<i32>} : memref<96xi32, #tpu.memory_space<vmem>>, vector<16xi32>,
        %swap3A_234 = vector.shape_cast %swap3A_233 : vector<16xi32> to vector<16xi32>
        %swap3A_235 = vector.shape_cast %select_n3A_231 : vector<16xi32> to vector<16xi32>
        tpu.vector_store %arg9[%swap3A_232], %swap3A_235 {strides = array<i32>} : memref<96xi32, #tpu.memory_space<vmem>>, vector<16xi32>,
        "tpu.region"() ({
          %run_scoped3A = tpu.sem_alloc : memref<!tpu.dma_semaphore, #tpu.memory_space<semaphore_mem>>
          %dma_start3A = arith.constant 0 : i32
          %dma_start3A_236 = tpu.memref_slice %arg4[%mul3A_129, %dma_start3A] : memref<300000x128xf32, #tpu.memory_space<hbm>> -> memref<96x128xf32, #tpu.memory_space<hbm>>
          %dma_start3A_237 = arith.constant 0 : i32
          %dma_start3A_238 = tpu.memref_slice %arg4[%mul3A_129, %dma_start3A_237] : memref<300000x128xf32, #tpu.memory_space<hbm>> -> memref<96x128xf32, #tpu.memory_space<hbm>>
          tpu.enqueue_dma source(%dma_start3A_238 : memref<96x128xf32, #tpu.memory_space<hbm>>) target(%arg10 : memref<96x128xf32, #tpu.memory_space<vmem>>) target_semaphore(%run_scoped3A : memref<!tpu.dma_semaphore, #tpu.memory_space<semaphore_mem>>)
          %dma_wait3A = arith.constant 0 : i32
          %dma_wait3A_239 = tpu.memref_slice %arg4[%mul3A_129, %dma_wait3A] : memref<300000x128xf32, #tpu.memory_space<hbm>> -> memref<96x128xf32, #tpu.memory_space<hbm>>
          %dma_wait3A_240 = arith.constant 0 : i32
          %dma_wait3A_241 = tpu.memref_slice %arg4[%mul3A_129, %dma_wait3A_240] : memref<300000x128xf32, #tpu.memory_space<hbm>> -> memref<96x128xf32, #tpu.memory_space<hbm>>
          tpu.wait_dma2 semaphore(%run_scoped3A : memref<!tpu.dma_semaphore, #tpu.memory_space<semaphore_mem>>) src(%dma_wait3A_241 : memref<96x128xf32, #tpu.memory_space<hbm>>) dst(%arg10 : memref<96x128xf32, #tpu.memory_space<vmem>>)
          tpu.yield
        }) : () -> ()
        "tpu.region"() ({
          %run_scoped3A = tpu.sem_alloc : memref<!tpu.dma_semaphore, #tpu.memory_space<semaphore_mem>>
          %dma_start3A = arith.constant 0 : i32
          %dma_start3A_236 = arith.constant 0 : i32
          %dma_start3A_237 = tpu.memref_slice %arg12[%dma_start3A, %dma_start3A_236] : memref<12552x128xf32, #tpu.memory_space<vmem_shared>> -> memref<12552x128xf32, #tpu.memory_space<vmem_shared>>
          tpu.enqueue_indirect_dma source(%arg10 : memref<96x128xf32, #tpu.memory_space<vmem>>) target(%dma_start3A_237 : memref<12552x128xf32, #tpu.memory_space<vmem_shared>>) offsets(%arg9 : memref<96xi32, #tpu.memory_space<vmem>>) semaphore(%run_scoped3A : memref<!tpu.dma_semaphore, #tpu.memory_space<semaphore_mem>>) {add = true}
          %dma_wait3A = arith.constant 0 : i32
          %dma_wait3A_238 = arith.constant 0 : i32
          %dma_wait3A_239 = tpu.memref_slice %arg12[%dma_wait3A, %dma_wait3A_238] : memref<12552x128xf32, #tpu.memory_space<vmem_shared>> -> memref<12552x128xf32, #tpu.memory_space<vmem_shared>>
          tpu.wait_indirect_dma semaphore(%run_scoped3A : memref<!tpu.dma_semaphore, #tpu.memory_space<semaphore_mem>>) src(%arg10 : memref<96x128xf32, #tpu.memory_space<vmem>>) dst(%dma_wait3A_239 : memref<12552x128xf32, #tpu.memory_space<vmem_shared>>)
          tpu.yield
        }) : () -> ()
      } else {
      }
    }
    %scan3A_118 = arith.constant 196 : i32
    %barrier3A_119 = arith.constant 0 : index
    tpu.barrier barrier_id(%barrier3A_119)
    %add3A_120 = arith.addi %mul3A_95, %mul3A_97 : i32
    "tpu.region"() ({
      %run_scoped3A = tpu.sem_alloc : memref<!tpu.dma_semaphore, #tpu.memory_space<semaphore_mem>>
      %dma_start3A = arith.constant 0 : i32
      %dma_start3A_122 = tpu.memref_slice %arg7[%add3A_120, %dma_start3A] : memref<50176x128xf32, #tpu.memory_space<hbm>> -> memref<784x128xf32, #tpu.memory_space<hbm>>
      %dma_start3A_123 = arith.constant 0 : i32
      %dma_start3A_124 = tpu.memref_slice %arg12[%mul3A_97, %dma_start3A_123] : memref<12552x128xf32, #tpu.memory_space<vmem_shared>> -> memref<784x128xf32, #tpu.memory_space<vmem_shared>>
      tpu.enqueue_dma source(%dma_start3A_124 : memref<784x128xf32, #tpu.memory_space<vmem_shared>>) target(%dma_start3A_122 : memref<784x128xf32, #tpu.memory_space<hbm>>) target_semaphore(%run_scoped3A : memref<!tpu.dma_semaphore, #tpu.memory_space<semaphore_mem>>)
      %dma_wait3A = arith.constant 0 : i32
      %dma_wait3A_125 = tpu.memref_slice %arg7[%add3A_120, %dma_wait3A] : memref<50176x128xf32, #tpu.memory_space<hbm>> -> memref<784x128xf32, #tpu.memory_space<hbm>>
      %dma_wait3A_126 = arith.constant 0 : i32
      %dma_wait3A_127 = tpu.memref_slice %arg12[%mul3A_97, %dma_wait3A_126] : memref<12552x128xf32, #tpu.memory_space<vmem_shared>> -> memref<784x128xf32, #tpu.memory_space<vmem_shared>>
      tpu.wait_dma2 semaphore(%run_scoped3A : memref<!tpu.dma_semaphore, #tpu.memory_space<semaphore_mem>>) src(%dma_wait3A_127 : memref<784x128xf32, #tpu.memory_space<vmem_shared>>) dst(%dma_wait3A_125 : memref<784x128xf32, #tpu.memory_space<hbm>>)
      tpu.yield
    }) : () -> ()
    %barrier3A_121 = arith.constant 0 : index
    tpu.barrier barrier_id(%barrier3A_121)
    return
  }
}

module attributes {stable_mosaic.version = 14 : i64} {
  func.func @_dense_a_body(%arg0: i32, %arg1: memref<1000x128xf32, #tpu.memory_space<vmem>>, %arg2: memref<1000x128xf32, #tpu.memory_space<vmem>>, %arg3: memref<128x128xf32, #tpu.memory_space<vmem>>, %arg4: memref<1x128xf32, #tpu.memory_space<vmem>>, %arg5: memref<128x128xf32, #tpu.memory_space<vmem>>, %arg6: memref<1x128xf32, #tpu.memory_space<vmem>>, %arg7: memref<128x128xf32, #tpu.memory_space<vmem>>, %arg8: memref<1x128xf32, #tpu.memory_space<vmem>>, %arg9: memref<128x128xf32, #tpu.memory_space<vmem>>, %arg10: memref<1x128xf32, #tpu.memory_space<vmem>>, %arg11: memref<128x128xf32, #tpu.memory_space<vmem>>, %arg12: memref<1x128xf32, #tpu.memory_space<vmem>>, %arg13: memref<128x128xf32, #tpu.memory_space<vmem>>, %arg14: memref<1x128xf32, #tpu.memory_space<vmem>>, %arg15: memref<128x128xf32, #tpu.memory_space<vmem>>, %arg16: memref<1x128xf32, #tpu.memory_space<vmem>>, %arg17: memref<1000x128xf32, #tpu.memory_space<vmem>>, %arg18: memref<1000x128xf32, #tpu.memory_space<vmem>>, %arg19: memref<1000x128xf32, #tpu.memory_space<vmem>>, %arg20: memref<1000x128xf32, #tpu.memory_space<vmem>>, %arg21: memref<1000x128xf32, #tpu.memory_space<vmem>>, %arg22: memref<1000x128xf32, #tpu.memory_space<vmem>>) attributes {dimension_semantics = [#tpu.dimension_semantics<arbitrary>], iteration_bounds = array<i64: 50>, scalar_prefetch = 0 : i64, scratch_operands = 0 : i64, tpu.core_type = #tpu.core_type<tc>, window_params = [{transform_indices = @transform_0, window_bounds = array<i64: 1000, 128>}, {transform_indices = @transform_1, window_bounds = array<i64: 1000, 128>}, {pipeline_mode = #tpu.pipeline_mode<synchronous>, transform_indices = @transform_2, window_bounds = array<i64: 128, 128>}, {pipeline_mode = #tpu.pipeline_mode<synchronous>, transform_indices = @transform_3, window_bounds = array<i64: 1, 128>}, {pipeline_mode = #tpu.pipeline_mode<synchronous>, transform_indices = @transform_4, window_bounds = array<i64: 128, 128>}, {pipeline_mode = #tpu.pipeline_mode<synchronous>, transform_indices = @transform_5, window_bounds = array<i64: 1, 128>}, {pipeline_mode = #tpu.pipeline_mode<synchronous>, transform_indices = @transform_6, window_bounds = array<i64: 128, 128>}, {pipeline_mode = #tpu.pipeline_mode<synchronous>, transform_indices = @transform_7, window_bounds = array<i64: 1, 128>}, {pipeline_mode = #tpu.pipeline_mode<synchronous>, transform_indices = @transform_8, window_bounds = array<i64: 128, 128>}, {pipeline_mode = #tpu.pipeline_mode<synchronous>, transform_indices = @transform_9, window_bounds = array<i64: 1, 128>}, {pipeline_mode = #tpu.pipeline_mode<synchronous>, transform_indices = @transform_10, window_bounds = array<i64: 128, 128>}, {pipeline_mode = #tpu.pipeline_mode<synchronous>, transform_indices = @transform_11, window_bounds = array<i64: 1, 128>}, {pipeline_mode = #tpu.pipeline_mode<synchronous>, transform_indices = @transform_12, window_bounds = array<i64: 128, 128>}, {pipeline_mode = #tpu.pipeline_mode<synchronous>, transform_indices = @transform_13, window_bounds = array<i64: 1, 128>}, {pipeline_mode = #tpu.pipeline_mode<synchronous>, transform_indices = @transform_14, window_bounds = array<i64: 128, 128>}, {pipeline_mode = #tpu.pipeline_mode<synchronous>, transform_indices = @transform_15, window_bounds = array<i64: 1, 128>}, {transform_indices = @transform_16, window_bounds = array<i64: 1000, 128>}, {transform_indices = @transform_17, window_bounds = array<i64: 1000, 128>}, {transform_indices = @transform_18, window_bounds = array<i64: 1000, 128>}, {transform_indices = @transform_19, window_bounds = array<i64: 1000, 128>}, {transform_indices = @transform_20, window_bounds = array<i64: 1000, 128>}, {transform_indices = @transform_21, window_bounds = array<i64: 1000, 128>}]} {
    %get3A = arith.constant 0 : index
    %get3A_0 = arith.constant 0 : index
    %get3A_1 = vector.load %arg1[%get3A, %get3A_0] : memref<1000x128xf32, #tpu.memory_space<vmem>>, vector<1000x128xf32>
    %get3A_2 = arith.constant 0 : index
    %get3A_3 = arith.constant 0 : index
    %get3A_4 = vector.load %arg3[%get3A_2, %get3A_3] : memref<128x128xf32, #tpu.memory_space<vmem>>, vector<128x128xf32>
    %dot_general3A = arith.constant dense<0.000000e+00> : vector<1000x128xf32>
    %dot_general3A_5 = tpu.matmul %get3A_1, %get3A_4, %dot_general3A {dimension_numbers = #tpu.dot_dimension_numbers<[1], [0], [0], [1], [0, 0, 1, 1], [], []>, transpose_lhs_hint = false} : vector<1000x128xf32>, vector<128x128xf32>, vector<1000x128xf32> -> vector<1000x128xf32>
    %get3A_6 = arith.constant 0 : index
    %get3A_7 = arith.constant 0 : index
    %get3A_8 = vector.load %arg4[%get3A_6, %get3A_7] : memref<1x128xf32, #tpu.memory_space<vmem>>, vector<1x128xf32>
    %add3A = vector.broadcast %get3A_8 : vector<1x128xf32> to vector<1000x128xf32>
    %add3A_9 = arith.addf %dot_general3A_5, %add3A : vector<1000x128xf32>
    %max3A = arith.constant 0.000000e+00 : f32
    %max3A_10 = vector.broadcast %max3A : f32 to vector<1000x128xf32>
    %max3A_11 = arith.maximumf %add3A_9, %max3A_10 : vector<1000x128xf32>
    %get3A_12 = arith.constant 0 : index
    %get3A_13 = arith.constant 0 : index
    %get3A_14 = vector.load %arg2[%get3A_12, %get3A_13] : memref<1000x128xf32, #tpu.memory_space<vmem>>, vector<1000x128xf32>
    %get3A_15 = arith.constant 0 : index
    %get3A_16 = arith.constant 0 : index
    %get3A_17 = vector.load %arg5[%get3A_15, %get3A_16] : memref<128x128xf32, #tpu.memory_space<vmem>>, vector<128x128xf32>
    %dot_general3A_18 = arith.constant dense<0.000000e+00> : vector<1000x128xf32>
    %dot_general3A_19 = tpu.matmul %get3A_14, %get3A_17, %dot_general3A_18 {dimension_numbers = #tpu.dot_dimension_numbers<[1], [0], [0], [1], [0, 0, 1, 1], [], []>, transpose_lhs_hint = false} : vector<1000x128xf32>, vector<128x128xf32>, vector<1000x128xf32> -> vector<1000x128xf32>
    %get3A_20 = arith.constant 0 : index
    %get3A_21 = arith.constant 0 : index
    %get3A_22 = vector.load %arg6[%get3A_20, %get3A_21] : memref<1x128xf32, #tpu.memory_space<vmem>>, vector<1x128xf32>
    %add3A_23 = vector.broadcast %get3A_22 : vector<1x128xf32> to vector<1000x128xf32>
    %add3A_24 = arith.addf %dot_general3A_19, %add3A_23 : vector<1000x128xf32>
    %max3A_25 = arith.constant 0.000000e+00 : f32
    %max3A_26 = vector.broadcast %max3A_25 : f32 to vector<1000x128xf32>
    %max3A_27 = arith.maximumf %add3A_24, %max3A_26 : vector<1000x128xf32>
    %swap3A = arith.constant 0 : index
    %swap3A_28 = arith.constant 0 : index
    %swap3A_29 = vector.load %arg17[%swap3A, %swap3A_28] : memref<1000x128xf32, #tpu.memory_space<vmem>>, vector<1000x128xf32>
    tpu.vector_store %arg17[%swap3A, %swap3A_28], %max3A_11 {strides = array<i32>} : memref<1000x128xf32, #tpu.memory_space<vmem>>, vector<1000x128xf32>,
    %get3A_30 = arith.constant 0 : index
    %get3A_31 = arith.constant 0 : index
    %get3A_32 = vector.load %arg7[%get3A_30, %get3A_31] : memref<128x128xf32, #tpu.memory_space<vmem>>, vector<128x128xf32>
    %dot_general3A_33 = arith.constant dense<0.000000e+00> : vector<1000x128xf32>
    %dot_general3A_34 = tpu.matmul %max3A_11, %get3A_32, %dot_general3A_33 {dimension_numbers = #tpu.dot_dimension_numbers<[1], [0], [0], [1], [0, 0, 1, 1], [], []>, transpose_lhs_hint = false} : vector<1000x128xf32>, vector<128x128xf32>, vector<1000x128xf32> -> vector<1000x128xf32>
    %get3A_35 = arith.constant 0 : index
    %get3A_36 = arith.constant 0 : index
    %get3A_37 = vector.load %arg8[%get3A_35, %get3A_36] : memref<1x128xf32, #tpu.memory_space<vmem>>, vector<1x128xf32>
    %add3A_38 = vector.broadcast %get3A_37 : vector<1x128xf32> to vector<1000x128xf32>
    %add3A_39 = arith.addf %dot_general3A_34, %add3A_38 : vector<1000x128xf32>
    %swap3A_40 = arith.constant 0 : index
    %swap3A_41 = arith.constant 0 : index
    %swap3A_42 = vector.load %arg18[%swap3A_40, %swap3A_41] : memref<1000x128xf32, #tpu.memory_space<vmem>>, vector<1000x128xf32>
    tpu.vector_store %arg18[%swap3A_40, %swap3A_41], %add3A_39 {strides = array<i32>} : memref<1000x128xf32, #tpu.memory_space<vmem>>, vector<1000x128xf32>,
    %get3A_43 = arith.constant 0 : index
    %get3A_44 = arith.constant 0 : index
    %get3A_45 = vector.load %arg13[%get3A_43, %get3A_44] : memref<128x128xf32, #tpu.memory_space<vmem>>, vector<128x128xf32>
    %dot_general3A_46 = arith.constant dense<0.000000e+00> : vector<1000x128xf32>
    %dot_general3A_47 = tpu.matmul %max3A_11, %get3A_45, %dot_general3A_46 {dimension_numbers = #tpu.dot_dimension_numbers<[1], [0], [0], [1], [0, 0, 1, 1], [], []>, transpose_lhs_hint = false} : vector<1000x128xf32>, vector<128x128xf32>, vector<1000x128xf32> -> vector<1000x128xf32>
    %get3A_48 = arith.constant 0 : index
    %get3A_49 = arith.constant 0 : index
    %get3A_50 = vector.load %arg14[%get3A_48, %get3A_49] : memref<1x128xf32, #tpu.memory_space<vmem>>, vector<1x128xf32>
    %add3A_51 = vector.broadcast %get3A_50 : vector<1x128xf32> to vector<1000x128xf32>
    %add3A_52 = arith.addf %dot_general3A_47, %add3A_51 : vector<1000x128xf32>
    %swap3A_53 = arith.constant 0 : index
    %swap3A_54 = arith.constant 0 : index
    %swap3A_55 = vector.load %arg21[%swap3A_53, %swap3A_54] : memref<1000x128xf32, #tpu.memory_space<vmem>>, vector<1000x128xf32>
    tpu.vector_store %arg21[%swap3A_53, %swap3A_54], %add3A_52 {strides = array<i32>} : memref<1000x128xf32, #tpu.memory_space<vmem>>, vector<1000x128xf32>,
    %get3A_56 = arith.constant 0 : index
    %get3A_57 = arith.constant 0 : index
    %get3A_58 = vector.load %arg15[%get3A_56, %get3A_57] : memref<128x128xf32, #tpu.memory_space<vmem>>, vector<128x128xf32>
    %dot_general3A_59 = arith.constant dense<0.000000e+00> : vector<1000x128xf32>
    %dot_general3A_60 = tpu.matmul %max3A_11, %get3A_58, %dot_general3A_59 {dimension_numbers = #tpu.dot_dimension_numbers<[1], [0], [0], [1], [0, 0, 1, 1], [], []>, transpose_lhs_hint = false} : vector<1000x128xf32>, vector<128x128xf32>, vector<1000x128xf32> -> vector<1000x128xf32>
    %get3A_61 = arith.constant 0 : index
    %get3A_62 = arith.constant 0 : index
    %get3A_63 = vector.load %arg16[%get3A_61, %get3A_62] : memref<1x128xf32, #tpu.memory_space<vmem>>, vector<1x128xf32>
    %add3A_64 = vector.broadcast %get3A_63 : vector<1x128xf32> to vector<1000x128xf32>
    %add3A_65 = arith.addf %dot_general3A_60, %add3A_64 : vector<1000x128xf32>
    %swap3A_66 = arith.constant 0 : index
    %swap3A_67 = arith.constant 0 : index
    %swap3A_68 = vector.load %arg22[%swap3A_66, %swap3A_67] : memref<1000x128xf32, #tpu.memory_space<vmem>>, vector<1000x128xf32>
    tpu.vector_store %arg22[%swap3A_66, %swap3A_67], %add3A_65 {strides = array<i32>} : memref<1000x128xf32, #tpu.memory_space<vmem>>, vector<1000x128xf32>,
    %get3A_69 = arith.constant 0 : index
    %get3A_70 = arith.constant 0 : index
    %get3A_71 = vector.load %arg9[%get3A_69, %get3A_70] : memref<128x128xf32, #tpu.memory_space<vmem>>, vector<128x128xf32>
    %dot_general3A_72 = arith.constant dense<0.000000e+00> : vector<1000x128xf32>
    %dot_general3A_73 = tpu.matmul %max3A_27, %get3A_71, %dot_general3A_72 {dimension_numbers = #tpu.dot_dimension_numbers<[1], [0], [0], [1], [0, 0, 1, 1], [], []>, transpose_lhs_hint = false} : vector<1000x128xf32>, vector<128x128xf32>, vector<1000x128xf32> -> vector<1000x128xf32>
    %get3A_74 = arith.constant 0 : index
    %get3A_75 = arith.constant 0 : index
    %get3A_76 = vector.load %arg10[%get3A_74, %get3A_75] : memref<1x128xf32, #tpu.memory_space<vmem>>, vector<1x128xf32>
    %add3A_77 = vector.broadcast %get3A_76 : vector<1x128xf32> to vector<1000x128xf32>
    %add3A_78 = arith.addf %dot_general3A_73, %add3A_77 : vector<1000x128xf32>
    %swap3A_79 = arith.constant 0 : index
    %swap3A_80 = arith.constant 0 : index
    %swap3A_81 = vector.load %arg19[%swap3A_79, %swap3A_80] : memref<1000x128xf32, #tpu.memory_space<vmem>>, vector<1000x128xf32>
    tpu.vector_store %arg19[%swap3A_79, %swap3A_80], %add3A_78 {strides = array<i32>} : memref<1000x128xf32, #tpu.memory_space<vmem>>, vector<1000x128xf32>,
    %get3A_82 = arith.constant 0 : index
    %get3A_83 = arith.constant 0 : index
    %get3A_84 = vector.load %arg11[%get3A_82, %get3A_83] : memref<128x128xf32, #tpu.memory_space<vmem>>, vector<128x128xf32>
    %dot_general3A_85 = arith.constant dense<0.000000e+00> : vector<1000x128xf32>
    %dot_general3A_86 = tpu.matmul %max3A_27, %get3A_84, %dot_general3A_85 {dimension_numbers = #tpu.dot_dimension_numbers<[1], [0], [0], [1], [0, 0, 1, 1], [], []>, transpose_lhs_hint = false} : vector<1000x128xf32>, vector<128x128xf32>, vector<1000x128xf32> -> vector<1000x128xf32>
    %get3A_87 = arith.constant 0 : index
    %get3A_88 = arith.constant 0 : index
    %get3A_89 = vector.load %arg12[%get3A_87, %get3A_88] : memref<1x128xf32, #tpu.memory_space<vmem>>, vector<1x128xf32>
    %add3A_90 = vector.broadcast %get3A_89 : vector<1x128xf32> to vector<1000x128xf32>
    %add3A_91 = arith.addf %dot_general3A_86, %add3A_90 : vector<1000x128xf32>
    %swap3A_92 = arith.constant 0 : index
    %swap3A_93 = arith.constant 0 : index
    %swap3A_94 = vector.load %arg20[%swap3A_92, %swap3A_93] : memref<1000x128xf32, #tpu.memory_space<vmem>>, vector<1000x128xf32>
    tpu.vector_store %arg20[%swap3A_92, %swap3A_93], %add3A_91 {strides = array<i32>} : memref<1000x128xf32, #tpu.memory_space<vmem>>, vector<1000x128xf32>,
    return
  }
  func.func @transform_0(%arg0: i32) -> (i32, i32) {
    %c0_i32 = arith.constant 0 : i32
    %c0_i32_0 = arith.constant 0 : i32
    return %arg0, %c0_i32 : i32, i32
  }
  func.func @transform_1(%arg0: i32) -> (i32, i32) {
    %c0_i32 = arith.constant 0 : i32
    %c0_i32_0 = arith.constant 0 : i32
    return %arg0, %c0_i32 : i32, i32
  }
  func.func @transform_2(%arg0: i32) -> (i32, i32) {
    %c0_i32 = arith.constant 0 : i32
    %c0_i32_0 = arith.constant 0 : i32
    %c0_i32_1 = arith.constant 0 : i32
    return %c0_i32, %c0_i32_0 : i32, i32
  }
  func.func @transform_3(%arg0: i32) -> (i32, i32) {
    %c0_i32 = arith.constant 0 : i32
    %c0_i32_0 = arith.constant 0 : i32
    %c0_i32_1 = arith.constant 0 : i32
    return %c0_i32, %c0_i32_0 : i32, i32
  }
  func.func @transform_4(%arg0: i32) -> (i32, i32) {
    %c0_i32 = arith.constant 0 : i32
    %c0_i32_0 = arith.constant 0 : i32
    %c0_i32_1 = arith.constant 0 : i32
    return %c0_i32, %c0_i32_0 : i32, i32
  }
  func.func @transform_5(%arg0: i32) -> (i32, i32) {
    %c0_i32 = arith.constant 0 : i32
    %c0_i32_0 = arith.constant 0 : i32
    %c0_i32_1 = arith.constant 0 : i32
    return %c0_i32, %c0_i32_0 : i32, i32
  }
  func.func @transform_6(%arg0: i32) -> (i32, i32) {
    %c0_i32 = arith.constant 0 : i32
    %c0_i32_0 = arith.constant 0 : i32
    %c0_i32_1 = arith.constant 0 : i32
    return %c0_i32, %c0_i32_0 : i32, i32
  }
  func.func @transform_7(%arg0: i32) -> (i32, i32) {
    %c0_i32 = arith.constant 0 : i32
    %c0_i32_0 = arith.constant 0 : i32
    %c0_i32_1 = arith.constant 0 : i32
    return %c0_i32, %c0_i32_0 : i32, i32
  }
  func.func @transform_8(%arg0: i32) -> (i32, i32) {
    %c0_i32 = arith.constant 0 : i32
    %c0_i32_0 = arith.constant 0 : i32
    %c0_i32_1 = arith.constant 0 : i32
    return %c0_i32, %c0_i32_0 : i32, i32
  }
  func.func @transform_9(%arg0: i32) -> (i32, i32) {
    %c0_i32 = arith.constant 0 : i32
    %c0_i32_0 = arith.constant 0 : i32
    %c0_i32_1 = arith.constant 0 : i32
    return %c0_i32, %c0_i32_0 : i32, i32
  }
  func.func @transform_10(%arg0: i32) -> (i32, i32) {
    %c0_i32 = arith.constant 0 : i32
    %c0_i32_0 = arith.constant 0 : i32
    %c0_i32_1 = arith.constant 0 : i32
    return %c0_i32, %c0_i32_0 : i32, i32
  }
  func.func @transform_11(%arg0: i32) -> (i32, i32) {
    %c0_i32 = arith.constant 0 : i32
    %c0_i32_0 = arith.constant 0 : i32
    %c0_i32_1 = arith.constant 0 : i32
    return %c0_i32, %c0_i32_0 : i32, i32
  }
  func.func @transform_12(%arg0: i32) -> (i32, i32) {
    %c0_i32 = arith.constant 0 : i32
    %c0_i32_0 = arith.constant 0 : i32
    %c0_i32_1 = arith.constant 0 : i32
    return %c0_i32, %c0_i32_0 : i32, i32
  }
  func.func @transform_13(%arg0: i32) -> (i32, i32) {
    %c0_i32 = arith.constant 0 : i32
    %c0_i32_0 = arith.constant 0 : i32
    %c0_i32_1 = arith.constant 0 : i32
    return %c0_i32, %c0_i32_0 : i32, i32
  }
  func.func @transform_14(%arg0: i32) -> (i32, i32) {
    %c0_i32 = arith.constant 0 : i32
    %c0_i32_0 = arith.constant 0 : i32
    %c0_i32_1 = arith.constant 0 : i32
    return %c0_i32, %c0_i32_0 : i32, i32
  }
  func.func @transform_15(%arg0: i32) -> (i32, i32) {
    %c0_i32 = arith.constant 0 : i32
    %c0_i32_0 = arith.constant 0 : i32
    %c0_i32_1 = arith.constant 0 : i32
    return %c0_i32, %c0_i32_0 : i32, i32
  }
  func.func @transform_16(%arg0: i32) -> (i32, i32) {
    %c0_i32 = arith.constant 0 : i32
    %c0_i32_0 = arith.constant 0 : i32
    return %arg0, %c0_i32 : i32, i32
  }
  func.func @transform_17(%arg0: i32) -> (i32, i32) {
    %c0_i32 = arith.constant 0 : i32
    %c0_i32_0 = arith.constant 0 : i32
    return %arg0, %c0_i32 : i32, i32
  }
  func.func @transform_18(%arg0: i32) -> (i32, i32) {
    %c0_i32 = arith.constant 0 : i32
    %c0_i32_0 = arith.constant 0 : i32
    return %arg0, %c0_i32 : i32, i32
  }
  func.func @transform_19(%arg0: i32) -> (i32, i32) {
    %c0_i32 = arith.constant 0 : i32
    %c0_i32_0 = arith.constant 0 : i32
    return %arg0, %c0_i32 : i32, i32
  }
  func.func @transform_20(%arg0: i32) -> (i32, i32) {
    %c0_i32 = arith.constant 0 : i32
    %c0_i32_0 = arith.constant 0 : i32
    return %arg0, %c0_i32 : i32, i32
  }
  func.func @transform_21(%arg0: i32) -> (i32, i32) {
    %c0_i32 = arith.constant 0 : i32
    %c0_i32_0 = arith.constant 0 : i32
    return %arg0, %c0_i32 : i32, i32
  }
}

module attributes {stable_mosaic.version = 14 : i64} {
  func.func @_edge_b_body(%arg0: i32, %arg1: memref<1000x128xf32, #tpu.memory_space<vmem>>, %arg2: memref<1000x128xf32, #tpu.memory_space<vmem>>, %arg3: memref<1000x128xf32, #tpu.memory_space<vmem>>, %arg4: memref<1000x1xi32, #tpu.memory_space<vmem>>, %arg5: memref<128x8xf32, #tpu.memory_space<vmem>>, %arg6: memref<8x128xf32, #tpu.memory_space<vmem>>, %arg7: memref<1000x128xf32, #tpu.memory_space<vmem>>, %arg8: memref<1000x128xf32, #tpu.memory_space<vmem>>) attributes {dimension_semantics = [#tpu.dimension_semantics<arbitrary>], iteration_bounds = array<i64: 300>, scalar_prefetch = 0 : i64, scratch_operands = 0 : i64, tpu.core_type = #tpu.core_type<tc>, window_params = [{transform_indices = @transform_0, window_bounds = array<i64: 1000, 128>}, {transform_indices = @transform_1, window_bounds = array<i64: 1000, 128>}, {transform_indices = @transform_2, window_bounds = array<i64: 1000, 128>}, {transform_indices = @transform_3, window_bounds = array<i64: 1000, 1>}, {pipeline_mode = #tpu.pipeline_mode<synchronous>, transform_indices = @transform_4, window_bounds = array<i64: 128, 8>}, {pipeline_mode = #tpu.pipeline_mode<synchronous>, transform_indices = @transform_5, window_bounds = array<i64: 8, 128>}, {transform_indices = @transform_6, window_bounds = array<i64: 1000, 128>}, {transform_indices = @transform_7, window_bounds = array<i64: 1000, 128>}]} {
    %get3A = arith.constant 0 : index
    %get3A_0 = arith.constant 0 : index
    %get3A_1 = vector.load %arg1[%get3A, %get3A_0] : memref<1000x128xf32, #tpu.memory_space<vmem>>, vector<1000x128xf32>
    %get3A_2 = arith.constant 0 : index
    %get3A_3 = arith.constant 0 : index
    %get3A_4 = vector.load %arg2[%get3A_2, %get3A_3] : memref<1000x128xf32, #tpu.memory_space<vmem>>, vector<1000x128xf32>
    %mul3A = arith.mulf %get3A_1, %get3A_4 : vector<1000x128xf32>
    %get3A_5 = arith.constant 0 : index
    %get3A_6 = arith.constant 0 : index
    %get3A_7 = vector.load %arg5[%get3A_5, %get3A_6] : memref<128x8xf32, #tpu.memory_space<vmem>>, vector<128x8xf32>
    %dot_general3A = arith.constant dense<0.000000e+00> : vector<1000x8xf32>
    %dot_general3A_8 = tpu.matmul %mul3A, %get3A_7, %dot_general3A {dimension_numbers = #tpu.dot_dimension_numbers<[1], [0], [0], [1], [0, 0, 1, 1], [], []>, transpose_lhs_hint = false} : vector<1000x128xf32>, vector<128x8xf32>, vector<1000x8xf32> -> vector<1000x8xf32>
    %exp3A = math.exp %dot_general3A_8 : vector<1000x8xf32>
    %get3A_9 = arith.constant 0 : index
    %get3A_10 = arith.constant 0 : index
    %get3A_11 = vector.load %arg5[%get3A_9, %get3A_10] : memref<128x8xf32, #tpu.memory_space<vmem>>, vector<128x8xf32>
    %transpose3A = tpu.transpose %get3A_11, [1, 0] : vector<128x8xf32> -> vector<8x128xf32>
    %dot_general3A_12 = arith.constant dense<0.000000e+00> : vector<1000x128xf32>
    %dot_general3A_13 = tpu.matmul %exp3A, %transpose3A, %dot_general3A_12 {dimension_numbers = #tpu.dot_dimension_numbers<[1], [0], [0], [1], [0, 0, 1, 1], [], []>, transpose_lhs_hint = false} : vector<1000x8xf32>, vector<8x128xf32>, vector<1000x128xf32> -> vector<1000x128xf32>
    %get3A_14 = arith.constant 0 : index
    %get3A_15 = arith.constant 0 : index
    %get3A_16 = vector.load %arg3[%get3A_14, %get3A_15] : memref<1000x128xf32, #tpu.memory_space<vmem>>, vector<1000x128xf32>
    %mul3A_17 = arith.mulf %get3A_16, %dot_general3A_13 : vector<1000x128xf32>
    %swap3A = arith.constant 0 : index
    %swap3A_18 = arith.constant 0 : index
    %swap3A_19 = vector.load %arg7[%swap3A, %swap3A_18] : memref<1000x128xf32, #tpu.memory_space<vmem>>, vector<1000x128xf32>
    tpu.vector_store %arg7[%swap3A, %swap3A_18], %mul3A_17 {strides = array<i32>} : memref<1000x128xf32, #tpu.memory_space<vmem>>, vector<1000x128xf32>,
    %get3A_20 = arith.constant 0 : index
    %get3A_21 = arith.constant 0 : index
    %get3A_22 = vector.load %arg6[%get3A_20, %get3A_21] : memref<8x128xf32, #tpu.memory_space<vmem>>, vector<8x128xf32>
    %dot_general3A_23 = arith.constant dense<0.000000e+00> : vector<1000x128xf32>
    %dot_general3A_24 = tpu.matmul %exp3A, %get3A_22, %dot_general3A_23 {dimension_numbers = #tpu.dot_dimension_numbers<[1], [0], [0], [1], [0, 0, 1, 1], [], []>, transpose_lhs_hint = false} : vector<1000x8xf32>, vector<8x128xf32>, vector<1000x128xf32> -> vector<1000x128xf32>
    %iota3A = tpu.iota {dimensions = array<i32: 1>} : vector<1000x128xi32>
    %jit3A = arith.constant 8 : i32
    %div3A = vector.broadcast %jit3A : i32 to vector<1000x128xi32>
    %div3A_25 = arith.divsi %iota3A, %div3A : vector<1000x128xi32>
    %sign3A = arith.constant 0 : i32
    %sign3A_26 = vector.broadcast %sign3A : i32 to vector<1000x128xi32>
    %sign3A_27 = arith.cmpi sgt, %iota3A, %sign3A_26 : vector<1000x128xi32>
    %sign3A_28 = arith.extui %sign3A_27 : vector<1000x128xi1> to vector<1000x128xi32>
    %sign3A_29 = arith.constant 0 : i32
    %sign3A_30 = vector.broadcast %sign3A_29 : i32 to vector<1000x128xi32>
    %sign3A_31 = arith.cmpi slt, %iota3A, %sign3A_30 : vector<1000x128xi32>
    %sign3A_32 = arith.extui %sign3A_31 : vector<1000x128xi1> to vector<1000x128xi32>
    %sign3A_33 = arith.subi %sign3A_28, %sign3A_32 : vector<1000x128xi32>
    %sign3A_34 = arith.constant 0 : i32
    %sign3A_35 = arith.cmpi sgt, %jit3A, %sign3A_34 : i32
    %sign3A_36 = arith.extui %sign3A_35 : i1 to i32
    %sign3A_37 = arith.constant 0 : i32
    %sign3A_38 = arith.cmpi slt, %jit3A, %sign3A_37 : i32
    %sign3A_39 = arith.extui %sign3A_38 : i1 to i32
    %sign3A_40 = arith.subi %sign3A_36, %sign3A_39 : i32
    %ne3A = vector.broadcast %sign3A_40 : i32 to vector<1000x128xi32>
    %ne3A_41 = arith.cmpi ne, %sign3A_33, %ne3A : vector<1000x128xi32>
    %rem3A = vector.broadcast %jit3A : i32 to vector<1000x128xi32>
    %rem3A_42 = arith.remsi %iota3A, %rem3A : vector<1000x128xi32>
    %ne3A_43 = arith.constant 0 : i32
    %ne3A_44 = vector.broadcast %ne3A_43 : i32 to vector<1000x128xi32>
    %ne3A_45 = arith.cmpi ne, %rem3A_42, %ne3A_44 : vector<1000x128xi32>
    %and3A = arith.andi %ne3A_41, %ne3A_45 : vector<1000x128xi1>
    %sub3A = arith.constant 1 : i32
    %sub3A_46 = vector.broadcast %sub3A : i32 to vector<1000x128xi32>
    %sub3A_47 = arith.subi %div3A_25, %sub3A_46 : vector<1000x128xi32>
    %select_n3A = arith.select %and3A, %sub3A_47, %div3A_25 : vector<1000x128xi1>, vector<1000x128xi32>
    %get3A_48 = arith.constant 0 : index
    %get3A_49 = arith.constant 0 : index
    %get3A_50 = vector.load %arg4[%get3A_48, %get3A_49] : memref<1000x1xi32, #tpu.memory_space<vmem>>, vector<1000x1xi32>
    %rem3A_51 = arith.constant 16 : i32
    %rem3A_52 = vector.broadcast %rem3A_51 : i32 to vector<1000x1xi32>
    %rem3A_53 = arith.remsi %get3A_50, %rem3A_52 : vector<1000x1xi32>
    %eq3A = vector.broadcast %rem3A_53 : vector<1000x1xi32> to vector<1000x128xi32>
    %eq3A_54 = arith.cmpi eq, %select_n3A, %eq3A : vector<1000x128xi32>
    %convert_element_type3A = arith.extui %eq3A_54 : vector<1000x128xi1> to vector<1000x128xi32>
    %convert_element_type3A_55 = arith.sitofp %convert_element_type3A : vector<1000x128xi32> to vector<1000x128xf32>
    %mul3A_56 = arith.mulf %dot_general3A_24, %convert_element_type3A_55 : vector<1000x128xf32>
    %swap3A_57 = arith.constant 0 : index
    %swap3A_58 = arith.constant 0 : index
    %swap3A_59 = vector.load %arg8[%swap3A_57, %swap3A_58] : memref<1000x128xf32, #tpu.memory_space<vmem>>, vector<1000x128xf32>
    tpu.vector_store %arg8[%swap3A_57, %swap3A_58], %mul3A_56 {strides = array<i32>} : memref<1000x128xf32, #tpu.memory_space<vmem>>, vector<1000x128xf32>,
    return
  }
  func.func @transform_0(%arg0: i32) -> (i32, i32) {
    %c0_i32 = arith.constant 0 : i32
    %c0_i32_0 = arith.constant 0 : i32
    return %arg0, %c0_i32 : i32, i32
  }
  func.func @transform_1(%arg0: i32) -> (i32, i32) {
    %c0_i32 = arith.constant 0 : i32
    %c0_i32_0 = arith.constant 0 : i32
    return %arg0, %c0_i32 : i32, i32
  }
  func.func @transform_2(%arg0: i32) -> (i32, i32) {
    %c0_i32 = arith.constant 0 : i32
    %c0_i32_0 = arith.constant 0 : i32
    return %arg0, %c0_i32 : i32, i32
  }
  func.func @transform_3(%arg0: i32) -> (i32, i32) {
    %c0_i32 = arith.constant 0 : i32
    %c0_i32_0 = arith.constant 0 : i32
    return %arg0, %c0_i32 : i32, i32
  }
  func.func @transform_4(%arg0: i32) -> (i32, i32) {
    %c0_i32 = arith.constant 0 : i32
    %c0_i32_0 = arith.constant 0 : i32
    %c0_i32_1 = arith.constant 0 : i32
    return %c0_i32, %c0_i32_0 : i32, i32
  }
  func.func @transform_5(%arg0: i32) -> (i32, i32) {
    %c0_i32 = arith.constant 0 : i32
    %c0_i32_0 = arith.constant 0 : i32
    %c0_i32_1 = arith.constant 0 : i32
    return %c0_i32, %c0_i32_0 : i32, i32
  }
  func.func @transform_6(%arg0: i32) -> (i32, i32) {
    %c0_i32 = arith.constant 0 : i32
    %c0_i32_0 = arith.constant 0 : i32
    return %arg0, %c0_i32 : i32, i32
  }
  func.func @transform_7(%arg0: i32) -> (i32, i32) {
    %c0_i32 = arith.constant 0 : i32
    %c0_i32_0 = arith.constant 0 : i32
    return %arg0, %c0_i32 : i32, i32
  }
}

module attributes {stable_mosaic.version = 14 : i64} {
  func.func @_final_c_body(%arg0: i32, %arg1: memref<1000x128xf32, #tpu.memory_space<vmem>>, %arg2: memref<1000x8xf32, #tpu.memory_space<vmem>>, %arg3: memref<1000x128xf32, #tpu.memory_space<vmem>>, %arg4: memref<1000x8xf32, #tpu.memory_space<vmem>>, %arg5: memref<1000x128xf32, #tpu.memory_space<vmem>>, %arg6: memref<128x8xf32, #tpu.memory_space<vmem>>, %arg7: memref<128x128xf32, #tpu.memory_space<vmem>>, %arg8: memref<1x128xf32, #tpu.memory_space<vmem>>, %arg9: memref<128x349xf32, #tpu.memory_space<vmem>>, %arg10: memref<1x349xf32, #tpu.memory_space<vmem>>, %arg11: memref<1x1xf32, #tpu.memory_space<vmem>>, %arg12: memref<1000x349xf32, #tpu.memory_space<vmem>>) attributes {dimension_semantics = [#tpu.dimension_semantics<arbitrary>], iteration_bounds = array<i64: 50>, scalar_prefetch = 0 : i64, scratch_operands = 0 : i64, tpu.core_type = #tpu.core_type<tc>, window_params = [{transform_indices = @transform_0, window_bounds = array<i64: 1000, 128>}, {transform_indices = @transform_1, window_bounds = array<i64: 1000, 8>}, {transform_indices = @transform_2, window_bounds = array<i64: 1000, 128>}, {transform_indices = @transform_3, window_bounds = array<i64: 1000, 8>}, {transform_indices = @transform_4, window_bounds = array<i64: 1000, 128>}, {pipeline_mode = #tpu.pipeline_mode<synchronous>, transform_indices = @transform_5, window_bounds = array<i64: 128, 8>}, {pipeline_mode = #tpu.pipeline_mode<synchronous>, transform_indices = @transform_6, window_bounds = array<i64: 128, 128>}, {pipeline_mode = #tpu.pipeline_mode<synchronous>, transform_indices = @transform_7, window_bounds = array<i64: 1, 128>}, {pipeline_mode = #tpu.pipeline_mode<synchronous>, transform_indices = @transform_8, window_bounds = array<i64: 128, 349>}, {pipeline_mode = #tpu.pipeline_mode<synchronous>, transform_indices = @transform_9, window_bounds = array<i64: 1, 349>}, {pipeline_mode = #tpu.pipeline_mode<synchronous>, transform_indices = @transform_10, window_bounds = array<i64: 1, 1>}, {transform_indices = @transform_11, window_bounds = array<i64: 1000, 349>}]} {
    %get3A = arith.constant 0 : index
    %get3A_0 = arith.constant 0 : index
    %get3A_1 = vector.load %arg2[%get3A, %get3A_0] : memref<1000x8xf32, #tpu.memory_space<vmem>>, vector<1000x8xf32>
    %get3A_2 = arith.constant 0 : index
    %get3A_3 = arith.constant 0 : index
    %get3A_4 = vector.load %arg6[%get3A_2, %get3A_3] : memref<128x8xf32, #tpu.memory_space<vmem>>, vector<128x8xf32>
    %transpose3A = tpu.transpose %get3A_4, [1, 0] : vector<128x8xf32> -> vector<8x128xf32>
    %dot_general3A = arith.constant dense<0.000000e+00> : vector<1000x128xf32>
    %dot_general3A_5 = tpu.matmul %get3A_1, %transpose3A, %dot_general3A {dimension_numbers = #tpu.dot_dimension_numbers<[1], [0], [0], [1], [0, 0, 1, 1], [], []>, transpose_lhs_hint = false} : vector<1000x8xf32>, vector<8x128xf32>, vector<1000x128xf32> -> vector<1000x128xf32>
    %get3A_6 = arith.constant 0 : index
    %get3A_7 = arith.constant 0 : index
    %get3A_8 = vector.load %arg1[%get3A_6, %get3A_7] : memref<1000x128xf32, #tpu.memory_space<vmem>>, vector<1000x128xf32>
    %add3A = arith.constant 1.000000e-16 : f32
    %add3A_9 = vector.broadcast %add3A : f32 to vector<1000x128xf32>
    %add3A_10 = arith.addf %dot_general3A_5, %add3A_9 : vector<1000x128xf32>
    %div3A = arith.divf %get3A_8, %add3A_10 : vector<1000x128xf32>
    %get3A_11 = arith.constant 0 : index
    %get3A_12 = arith.constant 0 : index
    %get3A_13 = vector.load %arg4[%get3A_11, %get3A_12] : memref<1000x8xf32, #tpu.memory_space<vmem>>, vector<1000x8xf32>
    %get3A_14 = arith.constant 0 : index
    %get3A_15 = arith.constant 0 : index
    %get3A_16 = vector.load %arg6[%get3A_14, %get3A_15] : memref<128x8xf32, #tpu.memory_space<vmem>>, vector<128x8xf32>
    %transpose3A_17 = tpu.transpose %get3A_16, [1, 0] : vector<128x8xf32> -> vector<8x128xf32>
    %dot_general3A_18 = arith.constant dense<0.000000e+00> : vector<1000x128xf32>
    %dot_general3A_19 = tpu.matmul %get3A_13, %transpose3A_17, %dot_general3A_18 {dimension_numbers = #tpu.dot_dimension_numbers<[1], [0], [0], [1], [0, 0, 1, 1], [], []>, transpose_lhs_hint = false} : vector<1000x8xf32>, vector<8x128xf32>, vector<1000x128xf32> -> vector<1000x128xf32>
    %get3A_20 = arith.constant 0 : index
    %get3A_21 = arith.constant 0 : index
    %get3A_22 = vector.load %arg3[%get3A_20, %get3A_21] : memref<1000x128xf32, #tpu.memory_space<vmem>>, vector<1000x128xf32>
    %add3A_23 = arith.constant 1.000000e-16 : f32
    %add3A_24 = vector.broadcast %add3A_23 : f32 to vector<1000x128xf32>
    %add3A_25 = arith.addf %dot_general3A_19, %add3A_24 : vector<1000x128xf32>
    %div3A_26 = arith.divf %get3A_22, %add3A_25 : vector<1000x128xf32>
    %add3A_27 = arith.addf %div3A, %div3A_26 : vector<1000x128xf32>
    %mul3A = arith.constant 5.000000e-01 : f32
    %mul3A_28 = vector.broadcast %mul3A : f32 to vector<1000x128xf32>
    %mul3A_29 = arith.mulf %mul3A_28, %add3A_27 : vector<1000x128xf32>
    %mul3A_30 = arith.constant 0.707106769 : f32
    %mul3A_31 = vector.broadcast %mul3A_30 : f32 to vector<1000x128xf32>
    %mul3A_32 = arith.mulf %add3A_27, %mul3A_31 : vector<1000x128xf32>
    %erf3A = math.erf %mul3A_32 : vector<1000x128xf32>
    %add3A_33 = arith.constant 1.000000e+00 : f32
    %add3A_34 = vector.broadcast %add3A_33 : f32 to vector<1000x128xf32>
    %add3A_35 = arith.addf %add3A_34, %erf3A : vector<1000x128xf32>
    %mul3A_36 = arith.mulf %mul3A_29, %add3A_35 : vector<1000x128xf32>
    %get3A_37 = arith.constant 0 : index
    %get3A_38 = arith.constant 0 : index
    %get3A_39 = vector.load %arg7[%get3A_37, %get3A_38] : memref<128x128xf32, #tpu.memory_space<vmem>>, vector<128x128xf32>
    %dot_general3A_40 = arith.constant dense<0.000000e+00> : vector<1000x128xf32>
    %dot_general3A_41 = tpu.matmul %mul3A_36, %get3A_39, %dot_general3A_40 {dimension_numbers = #tpu.dot_dimension_numbers<[1], [0], [0], [1], [0, 0, 1, 1], [], []>, transpose_lhs_hint = false} : vector<1000x128xf32>, vector<128x128xf32>, vector<1000x128xf32> -> vector<1000x128xf32>
    %get3A_42 = arith.constant 0 : index
    %get3A_43 = arith.constant 0 : index
    %get3A_44 = vector.load %arg8[%get3A_42, %get3A_43] : memref<1x128xf32, #tpu.memory_space<vmem>>, vector<1x128xf32>
    %add3A_45 = vector.broadcast %get3A_44 : vector<1x128xf32> to vector<1000x128xf32>
    %add3A_46 = arith.addf %dot_general3A_41, %add3A_45 : vector<1000x128xf32>
    %get3A_47 = arith.constant 0 : index
    %get3A_48 = arith.constant 0 : index
    %get3A_49 = vector.load %arg11[%get3A_47, %get3A_48] : memref<1x1xf32, #tpu.memory_space<vmem>>, vector<1x1xf32>
    %get3A_50 = vector.extract %get3A_49[0, 0] : f32 from vector<1x1xf32>
    %mul3A_51 = vector.broadcast %get3A_50 : f32 to vector<1000x128xf32>
    %mul3A_52 = arith.mulf %mul3A_51, %add3A_46 : vector<1000x128xf32>
    %sub3A = arith.constant 1.000000e+00 : f32
    %sub3A_53 = arith.subf %sub3A, %get3A_50 : f32
    %get3A_54 = arith.constant 0 : index
    %get3A_55 = arith.constant 0 : index
    %get3A_56 = vector.load %arg5[%get3A_54, %get3A_55] : memref<1000x128xf32, #tpu.memory_space<vmem>>, vector<1000x128xf32>
    %mul3A_57 = vector.broadcast %sub3A_53 : f32 to vector<1000x128xf32>
    %mul3A_58 = arith.mulf %mul3A_57, %get3A_56 : vector<1000x128xf32>
    %add3A_59 = arith.addf %mul3A_52, %mul3A_58 : vector<1000x128xf32>
    %get3A_60 = arith.constant 0 : index
    %get3A_61 = arith.constant 0 : index
    %get3A_62 = vector.load %arg9[%get3A_60, %get3A_61] : memref<128x349xf32, #tpu.memory_space<vmem>>, vector<128x349xf32>
    %dot_general3A_63 = arith.constant dense<0.000000e+00> : vector<1000x349xf32>
    %dot_general3A_64 = tpu.matmul %add3A_59, %get3A_62, %dot_general3A_63 {dimension_numbers = #tpu.dot_dimension_numbers<[1], [0], [0], [1], [0, 0, 1, 1], [], []>, transpose_lhs_hint = false} : vector<1000x128xf32>, vector<128x349xf32>, vector<1000x349xf32> -> vector<1000x349xf32>
    %get3A_65 = arith.constant 0 : index
    %get3A_66 = arith.constant 0 : index
    %get3A_67 = vector.load %arg10[%get3A_65, %get3A_66] : memref<1x349xf32, #tpu.memory_space<vmem>>, vector<1x349xf32>
    %add3A_68 = vector.broadcast %get3A_67 : vector<1x349xf32> to vector<1000x349xf32>
    %add3A_69 = arith.addf %dot_general3A_64, %add3A_68 : vector<1000x349xf32>
    %swap3A = arith.constant 0 : index
    %swap3A_70 = arith.constant 0 : index
    %swap3A_71 = vector.load %arg12[%swap3A, %swap3A_70] : memref<1000x349xf32, #tpu.memory_space<vmem>>, vector<1000x349xf32>
    tpu.vector_store %arg12[%swap3A, %swap3A_70], %add3A_69 {strides = array<i32>} : memref<1000x349xf32, #tpu.memory_space<vmem>>, vector<1000x349xf32>,
    return
  }
  func.func @transform_0(%arg0: i32) -> (i32, i32) {
    %c0_i32 = arith.constant 0 : i32
    %c0_i32_0 = arith.constant 0 : i32
    return %arg0, %c0_i32 : i32, i32
  }
  func.func @transform_1(%arg0: i32) -> (i32, i32) {
    %c0_i32 = arith.constant 0 : i32
    %c0_i32_0 = arith.constant 0 : i32
    return %arg0, %c0_i32 : i32, i32
  }
  func.func @transform_2(%arg0: i32) -> (i32, i32) {
    %c0_i32 = arith.constant 0 : i32
    %c0_i32_0 = arith.constant 0 : i32
    return %arg0, %c0_i32 : i32, i32
  }
  func.func @transform_3(%arg0: i32) -> (i32, i32) {
    %c0_i32 = arith.constant 0 : i32
    %c0_i32_0 = arith.constant 0 : i32
    return %arg0, %c0_i32 : i32, i32
  }
  func.func @transform_4(%arg0: i32) -> (i32, i32) {
    %c0_i32 = arith.constant 0 : i32
    %c0_i32_0 = arith.constant 0 : i32
    return %arg0, %c0_i32 : i32, i32
  }
  func.func @transform_5(%arg0: i32) -> (i32, i32) {
    %c0_i32 = arith.constant 0 : i32
    %c0_i32_0 = arith.constant 0 : i32
    %c0_i32_1 = arith.constant 0 : i32
    return %c0_i32, %c0_i32_0 : i32, i32
  }
  func.func @transform_6(%arg0: i32) -> (i32, i32) {
    %c0_i32 = arith.constant 0 : i32
    %c0_i32_0 = arith.constant 0 : i32
    %c0_i32_1 = arith.constant 0 : i32
    return %c0_i32, %c0_i32_0 : i32, i32
  }
  func.func @transform_7(%arg0: i32) -> (i32, i32) {
    %c0_i32 = arith.constant 0 : i32
    %c0_i32_0 = arith.constant 0 : i32
    %c0_i32_1 = arith.constant 0 : i32
    return %c0_i32, %c0_i32_0 : i32, i32
  }
  func.func @transform_8(%arg0: i32) -> (i32, i32) {
    %c0_i32 = arith.constant 0 : i32
    %c0_i32_0 = arith.constant 0 : i32
    %c0_i32_1 = arith.constant 0 : i32
    return %c0_i32, %c0_i32_0 : i32, i32
  }
  func.func @transform_9(%arg0: i32) -> (i32, i32) {
    %c0_i32 = arith.constant 0 : i32
    %c0_i32_0 = arith.constant 0 : i32
    %c0_i32_1 = arith.constant 0 : i32
    return %c0_i32, %c0_i32_0 : i32, i32
  }
  func.func @transform_10(%arg0: i32) -> (i32, i32) {
    %c0_i32 = arith.constant 0 : i32
    %c0_i32_0 = arith.constant 0 : i32
    %c0_i32_1 = arith.constant 0 : i32
    return %c0_i32, %c0_i32_0 : i32, i32
  }
  func.func @transform_11(%arg0: i32) -> (i32, i32) {
    %c0_i32 = arith.constant 0 : i32
    %c0_i32_0 = arith.constant 0 : i32
    return %arg0, %c0_i32 : i32, i32
  }
}

</mosaic_0001>

<sc_bundles>
// kernel: kernel.12.cloned.1.call-start
scs
__scs_entry_jumppad:
0x0: {  	(pc) =	sbr.rel $0x88, $3  }
0x1: {  	(tag) =	ssettag $0x0;
	lr =	simm.s32 $0x1  }
0x2: {  	[smem:$0x3F84] =	sst lr;
	_ =	strace $0xD0000000  }
0x3: {  	_ = 	snop  }
0x4: {  	_ = 	snop  }
0x5: {  	_ = 	snop  }
0x6: {  	_ = 	snop  }
0x7: {  	_ = 	snop  }
__scs_overlays_trampoline_lowered:
0x8: {  	[smem:$0x3F93] =	sst s0  }
0x9: {  	[smem:$0x3F94] =	sst s1  }
0xa: {  	[smem:$0x3F95] =	sst s2  }
0xb: {  	[smem:$0x3F96] =	sst s3  }
0xc: {  	[smem:$0x3F97] =	sst s4  }
0xd: {  	[smem:$0x3F98] =	sst s5  }
0xe: {  	[smem:$0x3F99] =	sst s6  }
0xf: {  	[smem:$0x3F9A] =	sst s7  }
0x10: {  	[smem:$0x3F9B] =	sst s8  }
0x11: {  	[smem:$0x3F9C] =	sst s9;
	s0 =	simm.s32 @!p0 $0x0  }
0x12: {  	s1 =	sld [smem:$0x3F82];
	s0 =	simm.s32 @p0 $0x1  }
0x13: {  	[smem:$0x3F9D] =	sst s0;
	s0 =	simm.s32 @!p1 $0x0  }
0x14: {  	s2 =	sld [smem:$0x3F81];
	s0 =	simm.s32 @p1 $0x1  }
0x15: {  	[smem:$0x3F9E] =	sst s0;
	s0 =	simm.s32 @!p2 $0x0  }
0x16: {  	s3 =	sld [smem:$0x3FDB];
	s0 =	simm.s32 @p2 $0x1  }
0x17: {  	s4 =	simm.s32 $0x1BF5;
	[smem:$0x3FA0] =	sst s0  }
0x18: {  	s0 =	sld [smem:$0x3F83];
	_ =	swait.ge [sflag:s4], $0x0  }
0x19: {  	s7 =	sld [smem:$0x3F84]  }
0x1a: {  	s8 =	sadd.s32 $0xFFFFE003, lr  }
0x1b: {  	s9 =	sadd.s32 $0xFFFFFEF7, lr;
	s5 =	simm.s32 $0xFFFFFFFF;
	p2 =	slt.u32 s8, $0xFFFFF086  }
0x1c: {  	p1 =	slt.u32 s9, $0xF7A;
	s5 =	simm.s32 @!p2 $0x0  }
0x1d: {  	s5 =	simm.s32 @p1 $0x1;
	p0 =	seq.s32 s7, s2  }
0x1e: {  	s7 =	smul.u32 @!p0 $0xF7A, s2;
	p2 =	seq.s32 @!p0 s5, $0x0  }
0x1f: {  	s9 =	smul.u32 $0xF7A, s1;
	s8 =	simm.s32 @!p0 $0x1BF5;
	p2 =	por !p2, p0  }
0x20: {  	[sflag:s8] =	ssyncset.s32 @!p0 $0xFFFFF086;
	s6 =	sadd.s32 @!p0 s3, s7;
	s7 =	simm.s32 @!p0 $0x108  }
0x21: {  	s3 =	sadd.s32 s3, s9;
	s6 =	sadd.s32 @!p0 $0x88, s6;
	s7 =	simm.s32 @p2 $0x1082  }
0x22: {  	[simem:s7], [sflag:s8] =	dma.local @!p0 [hbm:s6], $0xF7A  }
0x23: {  	s9 =	sor.u32 $0xD0000000, s2;
	s6 =	simm.s32 $0x108;
	_ =	swait.ge @!p0 [sflag:s8], $0x0  }
0x24: {  	s3 =	sadd.s32 $0x88, s3;
	s6 =	simm.s32 @!p1 $0x1082;
	[sflag:s4] =	ssyncset.s32 $0xFFFFF086  }
0x25: {  	[simem:s6], [sflag:s4] =	dma.local [hbm:s3], $0xF7A  }
0x26: {  	[smem:$0x3F84] =	sst s1;
	(tag) =	ssettag s2;
	_ =	strace s9  }
0x27: {  	s1 =	sld [smem:$0x3F94]  }
0x28: {  	s2 =	sld [smem:$0x3F95]  }
0x29: {  	s4 =	sld [smem:$0x3F97]  }
0x2a: {  	p0 =	seq.s32 s5, $0x0;
	s5 =	sld [smem:$0x3F98]  }
0x2b: {  	s6 =	sld [smem:$0x3F99]  }
0x2c: {  	s7 =	sld [smem:$0x3F9A]  }
0x2d: {  	s3 =	simm.s32 $0x108;
	s8 =	sld [smem:$0x3F9B]  }
0x2e: {  	s3 =	simm.s32 @!p0 $0x1082;
	s9 =	sld [smem:$0x3F9C]  }
0x2f: {  	lr =	sadd.s32 s0, s3;
	s0 =	sld [smem:$0x3F93]  }
0x30: {  	s3 =	sld [smem:$0x3F96]  }
0x31: {  	[smem:$0x3F9F] =	sst s10  }
0x32: {  	s10 =	sld [smem:$0x3F9D];
	_ =	sdelay $0x3  }
0x33: {  	p0 =	seq.s32 s10, $0x1;
	s10 =	sld [smem:$0x3F9F];
	_ =	sdelay $0x3  }
0x34: {  	[smem:$0x3F9F] =	sst s10  }
0x35: {  	s10 =	sld [smem:$0x3F9E];
	_ =	sdelay $0x3  }
0x36: {  	p1 =	seq.s32 s10, $0x1;
	s10 =	sld [smem:$0x3F9F];
	_ =	sdelay $0x3  }
0x37: {  	[smem:$0x3F9F] =	sst s10  }
0x38: {  	s10 =	sld [smem:$0x3FA0]  }
0x39: {  	_ = 	snop;
	(pc) =	sbr.ind lr, $3  }
0x3a: {  	_ = 	snop  }
0x3b: {  	_ = 	snop  }
0x3c: {  	p2 =	seq.s32 s10, $0x1;
	s10 =	sld [smem:$0x3F9F]  }
0x3d: {  	_ =	shalt  }
0x3e: {  	_ =	shalt  }
0x3f: {  	_ =	shalt  }
0x40: {  	_ =	shalt  }
0x41: {  	_ =	shalt  }
0x42: {  	_ =	shalt  }
0x43: {  	_ =	shalt  }
0x44: {  	_ =	shalt  }
0x45: {  	_ =	shalt  }
0x46: {  	_ =	shalt  }
0x47: {  	_ =	shalt  }
0x48: {  	_ =	shalt  }
0x49: {  	_ =	shalt  }
0x4a: {  	_ =	shalt  }
0x4b: {  	_ =	shalt  }
0x4c: {  	_ =	shalt  }
0x4d: {  	_ =	shalt  }
0x4e: {  	_ =	shalt  }
0x4f: {  	_ =	shalt  }
0x50: {  	_ =	shalt  }
0x51: {  	_ =	shalt  }
0x52: {  	_ =	shalt  }
0x53: {  	_ =	shalt  }
0x54: {  	_ =	shalt  }
0x55: {  	_ =	shalt  }
0x56: {  	_ =	shalt  }
0x57: {  	_ =	shalt  }
0x58: {  	_ =	shalt  }
0x59: {  	_ =	shalt  }
0x5a: {  	_ =	shalt  }
0x5b: {  	_ =	shalt  }
0x5c: {  	_ =	shalt  }
0x5d: {  	_ =	shalt  }
0x5e: {  	_ =	shalt  }
0x5f: {  	_ =	shalt  }
0x60: {  	_ =	shalt  }
0x61: {  	_ =	shalt  }
0x62: {  	_ =	shalt  }
0x63: {  	_ =	shalt  }
0x64: {  	_ =	shalt  }
0x65: {  	_ =	shalt  }
0x66: {  	_ =	shalt  }
0x67: {  	_ =	shalt  }
0x68: {  	_ =	shalt  }
0x69: {  	_ =	shalt  }
0x6a: {  	_ =	shalt  }
0x6b: {  	_ =	shalt  }
0x6c: {  	_ =	shalt  }
0x6d: {  	_ =	shalt  }
0x6e: {  	_ =	shalt  }
0x6f: {  	_ =	shalt  }
0x70: {  	_ =	shalt  }
0x71: {  	_ =	shalt  }
0x72: {  	_ =	shalt  }
0x73: {  	_ =	shalt  }
0x74: {  	_ =	shalt  }
0x75: {  	_ =	shalt  }
0x76: {  	_ =	shalt  }
0x77: {  	_ =	shalt  }
0x78: {  	_ =	shalt  }
0x79: {  	_ =	shalt  }
0x7a: {  	_ =	shalt  }
0x7b: {  	_ =	shalt  }
0x7c: {  	_ =	shalt  }
0x7d: {  	_ =	shalt  }
0x7e: {  	_ =	shalt  }
0x7f: {  	_ =	shalt  }
0x80: {  	_ =	shalt  }
0x81: {  	_ =	shalt  }
0x82: {  	_ =	shalt  }
0x83: {  	_ =	shalt  }
0x84: {  	_ =	shalt  }
0x85: {  	_ =	shalt  }
0x86: {  	_ =	shalt  }
0x87: {  	_ =	shalt  }
.Lfunc_end0:
.L_simem_size_0:
called_computation.1_lowered:
.L_overlay_start_0:
0x88: {  	s2 =	sld [smem:$0x3FD9]  }
0x89: {  	s3 =	sld [smem:$0x3FFE];
	_ =	sdelay $0x1  }
0x8a: {  	s1 =	srdreg.scid  }
0x8b: {  	s0 =	sand.u32 $0x1, s1  }
0x8c: {  	s17 =	sshll.u32 s0, $0xA;
	s2 =	sadd.s32 s3, s2  }
0x8d: {  	s2 =	sadd.s32 s2, s17  }
0x8e: {  	[smem:$0x3FAB] =	sst s2  }
0x8f: {  	_ = 	snop  }
0x90: {  	s18 =	sld [smem:$0x3FD0];
	(tm) =	ssettm $0x1  }
0x91: {  	s19 =	sld [smem:$0x3FFB];
	_ =	sdelay $0x3  }
0x92: {  	_ =	strace s19  }
0x93: {  	s2 =	sld [smem:$0x3FFC];
	_ =	sdelay $0x3  }
0x94: {  	_ =	strace s2  }
0x95: {  	s2 =	sld [smem:$0x3FFD];
	_ =	sdelay $0x3  }
0x96: {  	_ =	strace s2  }
0x97: {  	_ =	strace $0x8FFFFFFF  }
0x98: {  	s20 =	sld [smem:$0x3FDB];
	_ =	sdelay $0x1  }
0x99: {  	s4 =	simm.s32 $_scs_section_size  }
0x9a: {  	s5 =	simm.s32 $_size__tile_overlayer_lowered;
	s6 =	simm.s32 $_tile_overlayer_lowered  }
0x9b: {  	s7 =	simm.s32 $0x1BFF;
	s21 =	sshll.u32 s6, $0x1;
	s4 =	sadd.s32 s4, s20  }
0x9c: {  	s22 =	simm.s32 $0x0;
	s5 =	sshll.u32 s5, $0x1;
	s6 =	sadd.s32 s21, s4  }
0x9d: {  	[timem:s22], [sflag:s7] =	dma.local [hbm:s6], s5  }
0x9e: {  	_ =	swait.ge [sflag:s7], s5  }
0x9f: {  	s5 =	ssub.s32 $0x0, s5;
	[sflag:s7] =	ssyncset.done $0x0  }
0xa0: {  	[sflag:s7] =	ssyncadd.s32 s5;
	_ =	sdelay $0x1  }
0xa1: {  	s23 =	simm.s32 $0x1B8B  }
0xa2: {  	_ =	swait.ge [sflag:s23], $0x1  }
0xa3: {  	[sflag:s23] =	ssyncset.done $0x0  }
0xa4: {  	[sflag:s23] =	ssyncadd.s32 $0xFFFFFFFF  }
0xa5: {  	s5 =	sld [smem:$0x0]  }
0xa6: {  	s6 =	sand.u32 $0xFFFFFFFE, s1  }
0xa7: {  	p0 =	sne.s32 s1, s6  }
0xa8: {  	s6 =	sshll.u32 @p0 s6, $0xE  }
0xa9: {  	s6 =	sadd.s32 @p0 $0x11B8D, s6;
	s7 =	sshll.u32 @p0 s5, $0x11  }
0xaa: {  	s6 =	sor.u32 @p0 s7, s6  }
0xab: {  	[sflag:s6] =	ssyncadd.remote.s32 @p0 $0x1;
	_ =	sdelay $0x1  }
0xac: {  	s6 =	simm.s32 @p0 $0x1B8D  }
0xad: {  	_ =	swait.eq @p0 [sflag:s6], $0x1  }
0xae: {  	[sflag:s6] =	ssyncadd.s32 @p0 $0xFFFFFFFF  }
0xaf: {  	s7 =	sshll.u32 @!p0 s1, $0xE  }
0xb0: {  	s7 =	sor.u32 @!p0 $0x4000, s7;
	s6 =	simm.s32 @!p0 $0x1B8D  }
0xb1: {  	s5 =	sshll.u32 @!p0 s5, $0x11;
	s7 =	sadd.s32 @!p0 $0x11B8D, s7;
	_ =	swait.eq @!p0 [sflag:s6], $0x1  }
0xb2: {  	s5 =	sor.u32 @!p0 s5, s7;
	[sflag:s6] =	ssyncadd.s32 @!p0 $0xFFFFFFFF  }
0xb3: {  	s25 =	simm.s32 $0x1B8E;
	s24 =	sld [smem:$0x3FFE];
	[sflag:s5] =	ssyncadd.remote.s32 @!p0 $0x1  }
0xb4: {  	s26 =	simm.s32 $execute0_lowered;
	[smem:$0x3FD2] =	sst s25  }
0xb5: {  	s6 =	sshll.u32 s26, $0x1;
	_ =	strace $0x8000004C;
	[dreg:$0x1] =	wrdreg $0xFFFFFFFF  }
0xb6: {  	s28 =	simm.s32 $_size_execute0_lowered;
	s4 =	sadd.s32 s4, s6;
	[dreg:$0x0] =	wrdreg $0x0  }
0xb7: {  	s6 =	sshll.u32 s28, $0x1;
	[dreg:$0x2] =	wrdreg s4  }
0xb8: {  	[dreg:$0x3] =	wrdreg s6  }
0xb9: {  	[dreg:$0x4] =	wrdreg $0xC0  }
0xba: {  	_ =	task [dreg:s22], $0x5FFFF  }
0xbb: {  	[dreg:$0x1] =	wrdreg $0xFFFFFFFF  }
0xbc: {  	[dreg:$0x0] =	wrdreg $0x60  }
0xbd: {  	[dreg:$0x2] =	wrdreg s24  }
0xbe: {  	[dreg:$0x3] =	wrdreg s18  }
0xbf: {  	[dreg:$0x4] =	wrdreg $0x69000  }
0xc0: {  	[dreg:$0x5] =	wrdreg $0x9  }
0xc1: {  	_ =	task.clear_ibuf [dreg:s22], $0x6FFFF;
	_ =	strace $0x9000004C  }
0xc2: {  	s29 =	simm.s32 $0x9;
	_ =	strace $0x8000004E  }
0xc3: {  	_ =	swait.ge [sflag:s29], $0x1  }
0xc4: {  	[sflag:s29] =	ssyncadd.s32 $0xFFFFFFFF  }
0xc5: {  	_ =	strace $0x9000004E  }
0xc6: {  	_ =	sfence  }
0xc7: {  	s30 =	sld [smem:$0x0];
	_ =	sdelay $0x2  }
0xc8: {  	s31 =	sshll.u32 s1, $0xD;
	s1 =	sshrl.u32 s1, $0x2  }
0xc9: {  	s4 =	sand.u32 $0x4000, s31;
	s1 =	sadd.s32 s1, s30  }
0xca: {  	s0 =	sor.u32 s4, s0;
	s1 =	sshll.u32 s1, $0x11  }
0xcb: {  	s0 =	sor.u32 s1, s0  }
0xcc: {  	s0 =	sadd.s32 $0x8F2B, s0  }
0xcd: {  	[sflag:s0] =	ssyncadd.remote.s32 $0x1  }
0xce: {  	_ =	sfence.sel $0xFFFF  }
0xcf: {  	[dreg:$0x0] =	wrdreg $0xFFFFFFFF;
	(pc) =	sbr.abs _section_cstart, $3  }
0xd0: {  	[dreg:$0x1] =	wrdreg $0xFFFFFFFF  }
0xd1: {  	_ =	task.clear_ibuf [dreg:s22], $0x2FFFF;
	_ =	strace $0x9FFFFFFF  }
0xd2: {  	(tm) =	ssettm $0x7FFFFFFF  }
0xd3: {  	_ =	shalt  }
tec
execute0_lowered:
.L_overlay_start_1:
0x0: {  	(tag) =	ssettag $0x1  }
0x1: {  	s4 =	rddreg [dreg:$0x0]  }
0x2: {  	s12 =	rddreg [dreg:$0x1];
	s1 =	stileid.u32  }
0x3: {  	s2 =	rddreg [dreg:$0x2];
	s5 =	smul.u32 $0x600, s1  }
0x4: {  	s3 =	simm.s32 $0x0;
	s7 =	srdreg.scid;
	s6 =	smul.u32 $0xC, s1  }
0x5: {  	[smem:$0x7FF] =	sst s3;
	s25 =	sand.u32 $0x1, s7;
	s26 =	smul.u32 $0x62000, s1  }
0x6: {  	s14 =	sadd.s32 $0x3EC00, s4;
	s11 =	smul.u32 $0x310, s1;
	_ =	strace $0x8000004D  }
0x7: {  	s28 =	ssub.s32 $0x2, s25;
	s16 =	smul.u32 $0x3100, s25;
	s19 =	sadd.s32 s5, s4  }
0x8: {  	s18 =	sadd.s32 s6, s4;
	s29 =	sshrl.u32 s28, $0x1;
	s30 =	sshrl.u32 s26, $0x2  }
0x9: {  	s15 =	ssub.s32 s28, s29;
	s4 =	sadd.s32 s30, s2;
	s20 =	sadd.s32 $0x6200, s16  }
0xa: {  	s13 =	sadd.s32 s11, s16;
	s17 =	sadd.s32 $0x3100, s16;
	s31 =	sadd.s32 $0x9300, s16  }
0xb: {  	v0 =	vmov s16;
	s16 =	sadd.s32 $0x16C00, s18;
	s18 =	sadd.s32 $0x29400, s18;
	s5 =	sadd.s32 $0x3800, s4  }
0xc: {  	s6 =	sadd.s32 $0x7000, s4;
	s7 =	sadd.s32 $0xA800, s4;
	s8 =	sadd.s32 $0xE000, s4  }
0xd: {  	s9 =	sadd.s32 $0x11800, s4;
	s10 =	sadd.s32 $0x15000, s4;
	s11 =	sadd.s32 s11, s20  }
0xe: {  	s13 =	sshll.u32 s13, $0x4;
	s15 =	smax.u32 s15, $0x1;
	v1 =	vmov s17;
	s17 =	sadd.s32 $0x403600, s19  }
0xf: {  	v2 =	vmov s20;
	s19 =	sadd.s32 $0x2D36400, s19;
	s20 =	simm.s32 $0x3100;
	s0 =	sadd.s32 s12, s13  }
0x10: {  	s21 =	sshll.u32 s11, $0x4;
	s13 =	sadd.s32 s14, s13;
	[dreg:$0x4] =	wrdreg s0  }
0x11: {  	v4 =	vimm.f32 $0.0e+00;
	v3 =	vmov s31;
	s12 =	sadd.s32 s12, s21;
	s14 =	sadd.s32 s14, s21;
	s21 =	simm.s32 $0x1  }
.LBB2_1:
0x12: {  	s22 =	simm.s32 $0x0;
	s23 =	simm.s32 $0x200  }
.LBB2_2:
0x13: {  	p0 =	sne.s32 s23, $0xDE00;
	[tilespmem:s22+$0x3170] =	vst v4  }
0x14: {  	[tilespmem:s22+$0x3100] =	vst v4  }
0x15: {  	[tilespmem:s22+$0x3110] =	vst v4  }
.Ltmp0:
0x16: {  	[tilespmem:s22+$0x3120] =	vst v4;
	(pc) =	sbr.rel @p0 .LBB2_2-.Ltmp0, $4  }
0x17: {  	[tilespmem:s22+$0x3130] =	vst v4  }
0x18: {  	[tilespmem:s22+$0x3140] =	vst v4  }
0x19: {  	[tilespmem:s22+$0x3150] =	vst v4  }
0x1a: {  	[tilespmem:s22+$0x3160] =	vst v4;
	s22 =	sshra.s32 s23, $0x2;
	s23 =	sadd.s32 $0x200, s23  }
0x1b: {  	[tilespmem:s22+$0x3170] =	vst v4  }
0x1c: {  	[tilespmem:s22+$0x3100] =	vst v4  }
0x1d: {  	[tilespmem:s22+$0x3110] =	vst v4  }
0x1e: {  	[tilespmem:s22+$0x3120] =	vst v4  }
0x1f: {  	[tilespmem:s22+$0x3130] =	vst v4  }
0x20: {  	[tilespmem:s22+$0x3140] =	vst v4  }
0x21: {  	[tilespmem:s22+$0x3150] =	vst v4  }
0x22: {  	[tilespmem:s22+$0x3160] =	vst v4  }
0x23: {  	[spmem:s4] =	stream.linear.scatter [tilespmem:s20], [sflag:$0x1], $0x3800, $0x38;
	[tilespmem:$0x1F140] =	vst v63  }
0x24: {  	_ =	swait.ge [sflag:s21], $0x3800  }
0x25: {  	[sflag:s21] =	ssyncset.done $0x0  }
0x26: {  	[sflag:s21] =	ssyncadd.s32 $0xFFFFC800  }
0x27: {  	[spmem:s5] =	stream.linear.scatter [tilespmem:s20], [sflag:$0x1], $0x3800, $0x38;
	[tilespmem:$0x1F140] =	vst v63  }
0x28: {  	_ =	swait.ge [sflag:s21], $0x3800  }
0x29: {  	[sflag:s21] =	ssyncset.done $0x0  }
0x2a: {  	[sflag:s21] =	ssyncadd.s32 $0xFFFFC800  }
0x2b: {  	[spmem:s6] =	stream.linear.scatter [tilespmem:s20], [sflag:$0x1], $0x3800, $0x38;
	[tilespmem:$0x1F140] =	vst v63  }
0x2c: {  	_ =	swait.ge [sflag:s21], $0x3800  }
0x2d: {  	[sflag:s21] =	ssyncset.done $0x0  }
0x2e: {  	[sflag:s21] =	ssyncadd.s32 $0xFFFFC800  }
0x2f: {  	[spmem:s7] =	stream.linear.scatter [tilespmem:s20], [sflag:$0x1], $0x3800, $0x38;
	[tilespmem:$0x1F140] =	vst v63  }
0x30: {  	_ =	swait.ge [sflag:s21], $0x3800  }
0x31: {  	[sflag:s21] =	ssyncset.done $0x0  }
0x32: {  	[sflag:s21] =	ssyncadd.s32 $0xFFFFC800  }
0x33: {  	[spmem:s8] =	stream.linear.scatter [tilespmem:s20], [sflag:$0x1], $0x3800, $0x38;
	[tilespmem:$0x1F140] =	vst v63  }
0x34: {  	_ =	swait.ge [sflag:s21], $0x3800  }
0x35: {  	[sflag:s21] =	ssyncset.done $0x0  }
0x36: {  	[sflag:s21] =	ssyncadd.s32 $0xFFFFC800  }
0x37: {  	[spmem:s9] =	stream.linear.scatter [tilespmem:s20], [sflag:$0x1], $0x3800, $0x38;
	[tilespmem:$0x1F140] =	vst v63  }
0x38: {  	_ =	swait.ge [sflag:s21], $0x3800  }
0x39: {  	[sflag:s21] =	ssyncset.done $0x0  }
0x3a: {  	[sflag:s21] =	ssyncadd.s32 $0xFFFFC800  }
0x3b: {  	[spmem:s10] =	stream.linear.scatter [tilespmem:s20], [sflag:$0x1], $0x3800, $0x38;
	[tilespmem:$0x1F140] =	vst v63  }
0x3c: {  	_ =	swait.ge [sflag:s21], $0x3800  }
0x3d: {  	s31 =	sadd.s32 $0x0, s1;
	[sflag:s21] =	ssyncset.done $0x0  }
0x3e: {  	p1 =	sgt.u32 s31, $0xC34;
	[sflag:s21] =	ssyncadd.s32 $0xFFFFC800  }
0x3f: {  	s23 =	simm.s32 @!p1 $0x0;
	s22 =	simm.s32 @!p1 $0x2;
	[bflag:$0x0] =	sbarrier.arrive $0xFFFF  }
0x40: {  	[tilespmem:s23], [sflag:$0x2] =	stream.linear.gather @!p1 [hbm4b:s16+s23], $0x60, $0x38;
	[tilespmem:$0x1F140] =	vst v63  }
0x41: {  	p0 =	por p1, p1;
	_ =	swait.ge @!p1 [sflag:s22], $0x60  }
0x42: {  	[sflag:s22] =	ssyncset.done @!p0 $0x0  }
0x43: {  	[sflag:s22] =	ssyncadd.s32 @!p0 $0xFFFFFFA0  }
0x44: {  	v5 =	vld @!p0 [tilespmem:$0x50]  }
0x45: {  	v6 =	vld @!p0 [tilespmem:$0x40]  }
0x46: {  	v7 =	vld @!p0 [tilespmem:$0x10]  }
0x47: {  	v8 =	vld @!p0 [tilespmem:$0x0]  }
0x48: {  	v9 =	vld @!p0 [tilespmem:$0x20]  }
0x49: {  	vm0 =	vge.s32 @!p0 v5, v0;
	vm1 =	vlt.s32 @!p0 v5, v1  }
0x4a: {  	v5 =	vsub.s32 @!p0 v5, v0;
	vm2 =	vge.s32 @!p0 v6, v0;
	vm3 =	vlt.s32 @!p0 v6, v1  }
0x4b: {  	v6 =	vsub.s32 @!p0 v6, v0;
	v11 =	vsub.s32 @!p0 v7, v0;
	vm4 =	vlt.s32 @!p0 v7, v1  }
0x4c: {  	v10 =	vld @!p0 [tilespmem:$0x30];
	vm2 =	vmand @!p0 vm2, vm3;
	vm0 =	vmand @!p0 vm0, vm1;
	vm1 =	vlt.s32 @!p0 v8, v1  }
0x4d: {  	vm3 =	vge.s32 @!p0 v7, v0;
	v7 =	vsub.s32 @!p0 v9, v0;
	v6 =	vnsel @!p0 vm2, $0x3100, v6  }
0x4e: {  	vm2 =	vge.s32 @!p0 v8, v0;
	v8 =	vsub.s32 @!p0 v8, v0;
	v5 =	vnsel @!p0 vm0, $0x3100, v5  }
0x4f: {  	vm0 =	vmand @!p0 vm3, vm4;
	vm3 =	vlt.s32 @!p0 v9, v1;
	vm1 =	vmand @!p0 vm2, vm1;
	[tilespmem:$0xC0] =	vst @!p0 v6  }
0x50: {  	[tilespmem:$0xD0] =	vst @!p0 v5;
	vm2 =	vge.s32 @!p0 v9, v0;
	v5 =	vnsel @!p0 vm0, $0x3100, v11;
	v6 =	vnsel @!p0 vm1, $0x3100, v8  }
0x51: {  	vm1 =	vlt.s32 @!p0 v10, v1;
	vm0 =	vmand @!p0 vm2, vm3;
	vm2 =	vge.s32 @!p0 v10, v0;
	[tilespmem:$0x90] =	vst @!p0 v5  }
0x52: {  	s24 =	simm.s32 $0x10;
	s25 =	smov.u32 s16;
	v5 =	vsub.s32 @!p0 v10, v0;
	[tilespmem:$0x80] =	vst @!p0 v6;
	v6 =	vnsel @!p0 vm0, $0x3100, v7;
	vm0 =	vmand @!p0 vm2, vm1  }
0x53: {  	s26 =	smov.u32 s17;
	s29 =	smov.u32 s17;
	s28 =	simm.s32 @!p1 $0x100;
	[tilespmem:$0xA0] =	vst @!p0 v6;
	v5 =	vnsel @!p0 vm0, $0x3100, v5  }
.LBB2_4:
0x54: {  	s25 =	sadd.s32 $0xC0, s25  }
0x55: {  	[tilespmem:$0xB0] =	vst @!p0 v5;
	s26 =	sadd.s32 $0x6000, s26;
	s30 =	smov.u32 s24;
	s24 =	sadd.s32 $0x10, s24  }
0x56: {  	[tilespmem:s28], [sflag:$0x2] =	stream.linear.gather @!p0 [hbm4b:s29+s23], $0x3000, $0x38;
	[tilespmem:$0x1F140] =	vst v63  }
0x57: {  	p1 =	sne.s32 s24, $0xC40;
	s29 =	smov.u32 s26;
	_ =	swait.ge @!p0 [sflag:s22], $0x3000  }
0x58: {  	s31 =	simm.s32 @!p0 $0x1;
	[sflag:s22] =	ssyncset.done @!p0 $0x0  }
0x59: {  	s23 =	simm.s32 @!p0 $0x80;
	[sflag:s22] =	ssyncadd.s32 @!p0 $0xFFFFD000;
	s22 =	simm.s32 @!p0 $0x60  }
0x5a: {  	[spmem:s2] =	stream.indirect.scatter.add.f32 @!p0 [tilespmem:s28], [sflag:$0x1], $0x80, s23, s22, $0xb8;
	[tilespmem:$0x1F140] =	vst v63  }
0x5b: {  	s22 =	sadd.s32 s30, s1;
	_ =	swait.ge @!p0 [sflag:s31], $0x3000  }
0x5c: {  	p2 =	sgt.u32 s22, $0xC34;
	[sflag:s31] =	ssyncset.done @!p0 $0x0  }
0x5d: {  	s23 =	simm.s32 @!p2 $0x0;
	s22 =	simm.s32 @!p2 $0x2;
	[sflag:s31] =	ssyncadd.s32 @!p0 $0xFFFFD000  }
0x5e: {  	[tilespmem:s23], [sflag:$0x2] =	stream.linear.gather @!p2 [hbm4b:s25+s23], $0x60, $0x38;
	[tilespmem:$0x1F140] =	vst v63  }
0x5f: {  	s28 =	simm.s32 @!p2 $0x100;
	p0 =	por p2, p2;
	_ =	swait.ge @!p2 [sflag:s22], $0x60  }
0x60: {  	[sflag:s22] =	ssyncset.done @!p0 $0x0  }
0x61: {  	[sflag:s22] =	ssyncadd.s32 @!p0 $0xFFFFFFA0  }
0x62: {  	v5 =	vld @!p0 [tilespmem:$0x50]  }
0x63: {  	v6 =	vld @!p0 [tilespmem:$0x40]  }
0x64: {  	v7 =	vld @!p0 [tilespmem:$0x10]  }
0x65: {  	v8 =	vld @!p0 [tilespmem:$0x0]  }
0x66: {  	v9 =	vld @!p0 [tilespmem:$0x20]  }
0x67: {  	v10 =	vld @!p0 [tilespmem:$0x30];
	vm0 =	vge.s32 @!p0 v5, v0;
	vm1 =	vlt.s32 @!p0 v5, v1;
	v5 =	vsub.s32 @!p0 v5, v0  }
0x68: {  	vm2 =	vge.s32 @!p0 v6, v0;
	vm3 =	vlt.s32 @!p0 v6, v1;
	v6 =	vsub.s32 @!p0 v6, v0  }
0x69: {  	vm0 =	vmand @!p0 vm0, vm1;
	v11 =	vsub.s32 @!p0 v7, v0;
	vm2 =	vmand @!p0 vm2, vm3  }
0x6a: {  	vm3 =	vge.s32 @!p0 v7, v0;
	vm1 =	vlt.s32 @!p0 v8, v1;
	v6 =	vnsel @!p0 vm2, $0x3100, v6  }
0x6b: {  	vm4 =	vlt.s32 @!p0 v7, v1;
	vm2 =	vge.s32 @!p0 v8, v0;
	v8 =	vsub.s32 @!p0 v8, v0;
	[tilespmem:$0xC0] =	vst @!p0 v6  }
0x6c: {  	v5 =	vnsel @!p0 vm0, $0x3100, v5;
	vm1 =	vmand @!p0 vm2, vm1;
	v6 =	vsub.s32 @!p0 v9, v0  }
.Ltmp1:
0x6d: {  	vm0 =	vmand @!p0 vm3, vm4;
	v7 =	vnsel @!p0 vm1, $0x3100, v8;
	vm1 =	vlt.s32 @!p0 v10, v1;
	[tilespmem:$0xD0] =	vst @!p0 v5;
	(pc) =	sbr.rel @p1 .LBB2_4-.Ltmp1, $4  }
0x6e: {  	vm2 =	vlt.s32 @!p0 v9, v1;
	v5 =	vnsel @!p0 vm0, $0x3100, v11;
	vm0 =	vge.s32 @!p0 v9, v0;
	[tilespmem:$0x80] =	vst @!p0 v7  }
0x6f: {  	vm0 =	vmand @!p0 vm0, vm2;
	vm2 =	vge.s32 @!p0 v10, v0;
	[tilespmem:$0x90] =	vst @!p0 v5;
	v5 =	vsub.s32 @!p0 v10, v0  }
0x70: {  	v6 =	vnsel @!p0 vm0, $0x3100, v6;
	vm0 =	vmand @!p0 vm2, vm1  }
0x71: {  	v5 =	vnsel @!p0 vm0, $0x3100, v5;
	[tilespmem:$0xA0] =	vst @!p0 v6  }
0x72: {  	[tilespmem:$0xB0] =	vst @!p0 v5  }
0x73: {  	[tilespmem:s28], [sflag:$0x2] =	stream.linear.gather @!p0 [hbm4b:s29+s23], $0x3000, $0x38;
	[tilespmem:$0x1F140] =	vst v63  }
0x74: {  	_ =	swait.ge @!p0 [sflag:s22], $0x3000  }
0x75: {  	s24 =	simm.s32 @!p0 $0x80;
	[sflag:s22] =	ssyncset.done @!p0 $0x0  }
0x76: {  	s23 =	simm.s32 @!p0 $0x1;
	[sflag:s22] =	ssyncadd.s32 @!p0 $0xFFFFD000;
	s22 =	simm.s32 @!p0 $0x60  }
0x77: {  	[spmem:s2] =	stream.indirect.scatter.add.f32 @!p0 [tilespmem:s28], [sflag:$0x1], $0x80, s24, s22, $0xb8;
	[tilespmem:$0x1F140] =	vst v63  }
0x78: {  	_ =	swait.ge @!p0 [sflag:s23], $0x3000  }
0x79: {  	[sflag:s23] =	ssyncset.done @!p0 $0x0  }
0x7a: {  	[sflag:s23] =	ssyncadd.s32 @!p0 $0xFFFFD000  }
0x7b: {  	s25 =	sshll.u32 s1, $0x6;
	[bflag:$0x0] =	sbarrier.arrive $0xFFFF  }
0x7c: {  	s22 =	sor.u32 $0x1C01, s25;
	s23 =	sshrl.u32 s4, $0x3;
	s0 =	rddreg [dreg:$0x4]  }
0x7d: {  	[hbm:s0], [sflag:s22] =	dma.local [spmem:s23], $0x3100  }
0x7e: {  	_ =	swait.ge [sflag:s21], $0x3100  }
0x7f: {  	[sflag:s21] =	ssyncset.done $0x0  }
0x80: {  	[sflag:s21] =	ssyncadd.s32 $0xFFFFCF00  }
0x81: {  	[bflag:$0x0] =	sbarrier.arrive $0xFFFF  }
0x82: {  	[spmem:s4] =	stream.linear.scatter [tilespmem:s20], [sflag:$0x1], $0x3800, $0x38;
	[tilespmem:$0x1F140] =	vst v63  }
0x83: {  	_ =	swait.ge [sflag:s21], $0x3800  }
0x84: {  	[sflag:s21] =	ssyncset.done $0x0  }
0x85: {  	[sflag:s21] =	ssyncadd.s32 $0xFFFFC800  }
0x86: {  	[spmem:s5] =	stream.linear.scatter [tilespmem:s20], [sflag:$0x1], $0x3800, $0x38;
	[tilespmem:$0x1F140] =	vst v63  }
0x87: {  	_ =	swait.ge [sflag:s21], $0x3800  }
0x88: {  	[sflag:s21] =	ssyncset.done $0x0  }
0x89: {  	[sflag:s21] =	ssyncadd.s32 $0xFFFFC800  }
0x8a: {  	[spmem:s6] =	stream.linear.scatter [tilespmem:s20], [sflag:$0x1], $0x3800, $0x38;
	[tilespmem:$0x1F140] =	vst v63  }
0x8b: {  	_ =	swait.ge [sflag:s21], $0x3800  }
0x8c: {  	[sflag:s21] =	ssyncset.done $0x0  }
0x8d: {  	[sflag:s21] =	ssyncadd.s32 $0xFFFFC800  }
0x8e: {  	[spmem:s7] =	stream.linear.scatter [tilespmem:s20], [sflag:$0x1], $0x3800, $0x38;
	[tilespmem:$0x1F140] =	vst v63  }
0x8f: {  	_ =	swait.ge [sflag:s21], $0x3800  }
0x90: {  	[sflag:s21] =	ssyncset.done $0x0  }
0x91: {  	[sflag:s21] =	ssyncadd.s32 $0xFFFFC800  }
0x92: {  	[spmem:s8] =	stream.linear.scatter [tilespmem:s20], [sflag:$0x1], $0x3800, $0x38;
	[tilespmem:$0x1F140] =	vst v63  }
0x93: {  	_ =	swait.ge [sflag:s21], $0x3800  }
0x94: {  	[sflag:s21] =	ssyncset.done $0x0  }
0x95: {  	[sflag:s21] =	ssyncadd.s32 $0xFFFFC800  }
0x96: {  	[spmem:s9] =	stream.linear.scatter [tilespmem:s20], [sflag:$0x1], $0x3800, $0x38;
	[tilespmem:$0x1F140] =	vst v63  }
0x97: {  	_ =	swait.ge [sflag:s21], $0x3800  }
0x98: {  	[sflag:s21] =	ssyncset.done $0x0  }
0x99: {  	[sflag:s21] =	ssyncadd.s32 $0xFFFFC800  }
0x9a: {  	[spmem:s10] =	stream.linear.scatter [tilespmem:s20], [sflag:$0x1], $0x3800, $0x38;
	[tilespmem:$0x1F140] =	vst v63  }
0x9b: {  	_ =	swait.ge [sflag:s21], $0x3800  }
0x9c: {  	s26 =	sadd.s32 $0x0, s1;
	[sflag:s21] =	ssyncset.done $0x0  }
0x9d: {  	p1 =	sgt.u32 s26, $0xC34;
	[sflag:s21] =	ssyncadd.s32 $0xFFFFC800  }
0x9e: {  	s25 =	simm.s32 @!p1 $0x0;
	s24 =	simm.s32 @!p1 $0x2;
	[bflag:$0x0] =	sbarrier.arrive $0xFFFF  }
0x9f: {  	[tilespmem:s25], [sflag:$0x2] =	stream.linear.gather @!p1 [hbm4b:s16+s25], $0x60, $0x38;
	[tilespmem:$0x1F140] =	vst v63  }
0xa0: {  	p0 =	por p1, p1;
	_ =	swait.ge @!p1 [sflag:s24], $0x60  }
0xa1: {  	[sflag:s24] =	ssyncset.done @!p0 $0x0  }
0xa2: {  	[sflag:s24] =	ssyncadd.s32 @!p0 $0xFFFFFFA0  }
0xa3: {  	v5 =	vld @!p0 [tilespmem:$0x50]  }
0xa4: {  	v6 =	vld @!p0 [tilespmem:$0x40]  }
0xa5: {  	v7 =	vld @!p0 [tilespmem:$0x10]  }
0xa6: {  	v8 =	vld @!p0 [tilespmem:$0x0]  }
0xa7: {  	v9 =	vld @!p0 [tilespmem:$0x20]  }
0xa8: {  	vm0 =	vge.s32 @!p0 v5, v2;
	vm1 =	vlt.s32 @!p0 v5, v3  }
0xa9: {  	v5 =	vsub.s32 @!p0 v5, v2;
	vm2 =	vge.s32 @!p0 v6, v2;
	vm3 =	vlt.s32 @!p0 v6, v3  }
0xaa: {  	v6 =	vsub.s32 @!p0 v6, v2;
	v11 =	vsub.s32 @!p0 v7, v2;
	vm4 =	vlt.s32 @!p0 v7, v3  }
0xab: {  	v10 =	vld @!p0 [tilespmem:$0x30];
	vm2 =	vmand @!p0 vm2, vm3;
	vm0 =	vmand @!p0 vm0, vm1;
	vm1 =	vlt.s32 @!p0 v8, v3  }
0xac: {  	vm3 =	vge.s32 @!p0 v7, v2;
	v7 =	vsub.s32 @!p0 v9, v2;
	v6 =	vnsel @!p0 vm2, $0x3100, v6  }
0xad: {  	vm2 =	vge.s32 @!p0 v8, v2;
	v8 =	vsub.s32 @!p0 v8, v2;
	v5 =	vnsel @!p0 vm0, $0x3100, v5  }
0xae: {  	vm0 =	vmand @!p0 vm3, vm4;
	vm3 =	vlt.s32 @!p0 v9, v3;
	vm1 =	vmand @!p0 vm2, vm1;
	[tilespmem:$0xC0] =	vst @!p0 v6  }
0xaf: {  	[tilespmem:$0xD0] =	vst @!p0 v5;
	vm2 =	vge.s32 @!p0 v9, v2;
	v5 =	vnsel @!p0 vm0, $0x3100, v11;
	v6 =	vnsel @!p0 vm1, $0x3100, v8  }
0xb0: {  	vm1 =	vlt.s32 @!p0 v10, v3;
	vm0 =	vmand @!p0 vm2, vm3;
	vm2 =	vge.s32 @!p0 v10, v2;
	[tilespmem:$0x90] =	vst @!p0 v5  }
0xb1: {  	s31 =	smov.u32 s17;
	s26 =	simm.s32 $0x10;
	v5 =	vsub.s32 @!p0 v10, v2;
	[tilespmem:$0x80] =	vst @!p0 v6;
	v6 =	vnsel @!p0 vm0, $0x3100, v7;
	vm0 =	vmand @!p0 vm2, vm1  }
0xb2: {  	s29 =	smov.u32 s17;
	s30 =	simm.s32 @!p1 $0x100;
	s28 =	smov.u32 s16;
	[tilespmem:$0xA0] =	vst @!p0 v6;
	v5 =	vnsel @!p0 vm0, $0x3100, v5  }
.LBB2_6:
0xb3: {  	s28 =	sadd.s32 $0xC0, s28  }
0xb4: {  	[tilespmem:$0xB0] =	vst @!p0 v5;
	s29 =	sadd.s32 $0x6000, s29;
	s0 =	smov.u32 s26;
	s26 =	sadd.s32 $0x10, s26  }
0xb5: {  	[tilespmem:s30], [sflag:$0x2] =	stream.linear.gather @!p0 [hbm4b:s31+s25], $0x3000, $0x38;
	[tilespmem:$0x1F140] =	vst v63  }
0xb6: {  	p1 =	sne.s32 s26, $0xC40;
	s31 =	smov.u32 s29;
	_ =	swait.ge @!p0 [sflag:s24], $0x3000  }
0xb7: {  	s11 =	simm.s32 @!p0 $0x1;
	[sflag:s24] =	ssyncset.done @!p0 $0x0  }
0xb8: {  	s25 =	simm.s32 @!p0 $0x80;
	[sflag:s24] =	ssyncadd.s32 @!p0 $0xFFFFD000;
	s24 =	simm.s32 @!p0 $0x60  }
0xb9: {  	[spmem:s2] =	stream.indirect.scatter.add.f32 @!p0 [tilespmem:s30], [sflag:$0x1], $0x80, s25, s24, $0xb8;
	[tilespmem:$0x1F140] =	vst v63  }
0xba: {  	s0 =	sadd.s32 s0, s1;
	_ =	swait.ge @!p0 [sflag:s11], $0x3000  }
0xbb: {  	p2 =	sgt.u32 s0, $0xC34;
	[sflag:s11] =	ssyncset.done @!p0 $0x0  }
0xbc: {  	s25 =	simm.s32 @!p2 $0x0;
	s24 =	simm.s32 @!p2 $0x2;
	[sflag:s11] =	ssyncadd.s32 @!p0 $0xFFFFD000  }
0xbd: {  	[tilespmem:s25], [sflag:$0x2] =	stream.linear.gather @!p2 [hbm4b:s28+s25], $0x60, $0x38;
	[tilespmem:$0x1F140] =	vst v63  }
0xbe: {  	s30 =	simm.s32 @!p2 $0x100;
	p0 =	por p2, p2;
	_ =	swait.ge @!p2 [sflag:s24], $0x60  }
0xbf: {  	[sflag:s24] =	ssyncset.done @!p0 $0x0  }
0xc0: {  	[sflag:s24] =	ssyncadd.s32 @!p0 $0xFFFFFFA0  }
0xc1: {  	v5 =	vld @!p0 [tilespmem:$0x50]  }
0xc2: {  	v6 =	vld @!p0 [tilespmem:$0x40]  }
0xc3: {  	v7 =	vld @!p0 [tilespmem:$0x10]  }
0xc4: {  	v8 =	vld @!p0 [tilespmem:$0x0]  }
0xc5: {  	v9 =	vld @!p0 [tilespmem:$0x20]  }
0xc6: {  	v10 =	vld @!p0 [tilespmem:$0x30];
	vm0 =	vge.s32 @!p0 v5, v2;
	vm1 =	vlt.s32 @!p0 v5, v3;
	v5 =	vsub.s32 @!p0 v5, v2  }
0xc7: {  	vm2 =	vge.s32 @!p0 v6, v2;
	vm3 =	vlt.s32 @!p0 v6, v3;
	v6 =	vsub.s32 @!p0 v6, v2  }
0xc8: {  	vm0 =	vmand @!p0 vm0, vm1;
	v11 =	vsub.s32 @!p0 v7, v2;
	vm2 =	vmand @!p0 vm2, vm3  }
0xc9: {  	vm3 =	vge.s32 @!p0 v7, v2;
	vm1 =	vlt.s32 @!p0 v8, v3;
	v6 =	vnsel @!p0 vm2, $0x3100, v6  }
0xca: {  	vm4 =	vlt.s32 @!p0 v7, v3;
	vm2 =	vge.s32 @!p0 v8, v2;
	v8 =	vsub.s32 @!p0 v8, v2;
	[tilespmem:$0xC0] =	vst @!p0 v6  }
0xcb: {  	v5 =	vnsel @!p0 vm0, $0x3100, v5;
	vm1 =	vmand @!p0 vm2, vm1;
	v6 =	vsub.s32 @!p0 v9, v2  }
.Ltmp2:
0xcc: {  	vm0 =	vmand @!p0 vm3, vm4;
	v7 =	vnsel @!p0 vm1, $0x3100, v8;
	vm1 =	vlt.s32 @!p0 v10, v3;
	[tilespmem:$0xD0] =	vst @!p0 v5;
	(pc) =	sbr.rel @p1 .LBB2_6-.Ltmp2, $4  }
0xcd: {  	vm2 =	vlt.s32 @!p0 v9, v3;
	v5 =	vnsel @!p0 vm0, $0x3100, v11;
	vm0 =	vge.s32 @!p0 v9, v2;
	[tilespmem:$0x80] =	vst @!p0 v7  }
0xce: {  	vm0 =	vmand @!p0 vm0, vm2;
	vm2 =	vge.s32 @!p0 v10, v2;
	[tilespmem:$0x90] =	vst @!p0 v5;
	v5 =	vsub.s32 @!p0 v10, v2  }
0xcf: {  	v6 =	vnsel @!p0 vm0, $0x3100, v6;
	vm0 =	vmand @!p0 vm2, vm1  }
0xd0: {  	v5 =	vnsel @!p0 vm0, $0x3100, v5;
	[tilespmem:$0xA0] =	vst @!p0 v6  }
0xd1: {  	[tilespmem:$0xB0] =	vst @!p0 v5  }
0xd2: {  	[tilespmem:s30], [sflag:$0x2] =	stream.linear.gather @!p0 [hbm4b:s31+s25], $0x3000, $0x38;
	[tilespmem:$0x1F140] =	vst v63  }
0xd3: {  	_ =	swait.ge @!p0 [sflag:s24], $0x3000  }
0xd4: {  	s0 =	simm.s32 @!p0 $0x1;
	[sflag:s24] =	ssyncset.done @!p0 $0x0  }
0xd5: {  	s11 =	simm.s32 @!p0 $0x60;
	[sflag:s24] =	ssyncadd.s32 @!p0 $0xFFFFD000;
	s24 =	simm.s32 @!p0 $0x80  }
0xd6: {  	[spmem:s2] =	stream.indirect.scatter.add.f32 @!p0 [tilespmem:s30], [sflag:$0x1], $0x80, s24, s11, $0xb8;
	[tilespmem:$0x1F140] =	vst v63  }
0xd7: {  	_ =	swait.ge @!p0 [sflag:s0], $0x3000  }
0xd8: {  	[sflag:s0] =	ssyncset.done @!p0 $0x0  }
0xd9: {  	[sflag:s0] =	ssyncadd.s32 @!p0 $0xFFFFD000  }
0xda: {  	[bflag:$0x0] =	sbarrier.arrive $0xFFFF  }
0xdb: {  	[hbm:s12], [sflag:s22] =	dma.local [spmem:s23], $0x3100  }
0xdc: {  	_ =	swait.ge [sflag:s21], $0x3100  }
0xdd: {  	[sflag:s21] =	ssyncset.done $0x0  }
0xde: {  	[sflag:s21] =	ssyncadd.s32 $0xFFFFCF00  }
0xdf: {  	[bflag:$0x0] =	sbarrier.arrive $0xFFFF  }
0xe0: {  	[spmem:s4] =	stream.linear.scatter [tilespmem:s20], [sflag:$0x1], $0x3800, $0x38;
	[tilespmem:$0x1F140] =	vst v63  }
0xe1: {  	_ =	swait.ge [sflag:s21], $0x3800  }
0xe2: {  	[sflag:s21] =	ssyncset.done $0x0  }
0xe3: {  	[sflag:s21] =	ssyncadd.s32 $0xFFFFC800  }
0xe4: {  	[spmem:s5] =	stream.linear.scatter [tilespmem:s20], [sflag:$0x1], $0x3800, $0x38;
	[tilespmem:$0x1F140] =	vst v63  }
0xe5: {  	_ =	swait.ge [sflag:s21], $0x3800  }
0xe6: {  	[sflag:s21] =	ssyncset.done $0x0  }
0xe7: {  	[sflag:s21] =	ssyncadd.s32 $0xFFFFC800  }
0xe8: {  	[spmem:s6] =	stream.linear.scatter [tilespmem:s20], [sflag:$0x1], $0x3800, $0x38;
	[tilespmem:$0x1F140] =	vst v63  }
0xe9: {  	_ =	swait.ge [sflag:s21], $0x3800  }
0xea: {  	[sflag:s21] =	ssyncset.done $0x0  }
0xeb: {  	[sflag:s21] =	ssyncadd.s32 $0xFFFFC800  }
0xec: {  	[spmem:s7] =	stream.linear.scatter [tilespmem:s20], [sflag:$0x1], $0x3800, $0x38;
	[tilespmem:$0x1F140] =	vst v63  }
0xed: {  	_ =	swait.ge [sflag:s21], $0x3800  }
0xee: {  	[sflag:s21] =	ssyncset.done $0x0  }
0xef: {  	[sflag:s21] =	ssyncadd.s32 $0xFFFFC800  }
0xf0: {  	[spmem:s8] =	stream.linear.scatter [tilespmem:s20], [sflag:$0x1], $0x3800, $0x38;
	[tilespmem:$0x1F140] =	vst v63  }
0xf1: {  	_ =	swait.ge [sflag:s21], $0x3800  }
0xf2: {  	[sflag:s21] =	ssyncset.done $0x0  }
0xf3: {  	[sflag:s21] =	ssyncadd.s32 $0xFFFFC800  }
0xf4: {  	[spmem:s9] =	stream.linear.scatter [tilespmem:s20], [sflag:$0x1], $0x3800, $0x38;
	[tilespmem:$0x1F140] =	vst v63  }
0xf5: {  	_ =	swait.ge [sflag:s21], $0x3800  }
0xf6: {  	[sflag:s21] =	ssyncset.done $0x0  }
0xf7: {  	[sflag:s21] =	ssyncadd.s32 $0xFFFFC800  }
0xf8: {  	[spmem:s10] =	stream.linear.scatter [tilespmem:s20], [sflag:$0x1], $0x3800, $0x38;
	[tilespmem:$0x1F140] =	vst v63  }
0xf9: {  	_ =	swait.ge [sflag:s21], $0x3800  }
0xfa: {  	s26 =	sadd.s32 $0x0, s1;
	[sflag:s21] =	ssyncset.done $0x0  }
0xfb: {  	p1 =	sgt.u32 s26, $0xC34;
	[sflag:s21] =	ssyncadd.s32 $0xFFFFC800  }
0xfc: {  	s25 =	simm.s32 @!p1 $0x0;
	s24 =	simm.s32 @!p1 $0x2;
	[bflag:$0x0] =	sbarrier.arrive $0xFFFF  }
0xfd: {  	[tilespmem:s25], [sflag:$0x2] =	stream.linear.gather @!p1 [hbm4b:s18+s25], $0x60, $0x38;
	[tilespmem:$0x1F140] =	vst v63  }
0xfe: {  	p0 =	por p1, p1;
	_ =	swait.ge @!p1 [sflag:s24], $0x60  }
0xff: {  	[sflag:s24] =	ssyncset.done @!p0 $0x0  }
0x100: {  	[sflag:s24] =	ssyncadd.s32 @!p0 $0xFFFFFFA0  }
0x101: {  	v5 =	vld @!p0 [tilespmem:$0x50]  }
0x102: {  	v6 =	vld @!p0 [tilespmem:$0x40]  }
0x103: {  	v7 =	vld @!p0 [tilespmem:$0x10]  }
0x104: {  	v8 =	vld @!p0 [tilespmem:$0x0]  }
0x105: {  	v9 =	vld @!p0 [tilespmem:$0x20]  }
0x106: {  	vm0 =	vge.s32 @!p0 v5, v0;
	vm1 =	vlt.s32 @!p0 v5, v1  }
0x107: {  	v5 =	vsub.s32 @!p0 v5, v0;
	vm2 =	vge.s32 @!p0 v6, v0;
	vm3 =	vlt.s32 @!p0 v6, v1  }
0x108: {  	v6 =	vsub.s32 @!p0 v6, v0;
	v11 =	vsub.s32 @!p0 v7, v0;
	vm4 =	vlt.s32 @!p0 v7, v1  }
0x109: {  	v10 =	vld @!p0 [tilespmem:$0x30];
	vm2 =	vmand @!p0 vm2, vm3;
	vm0 =	vmand @!p0 vm0, vm1;
	vm1 =	vlt.s32 @!p0 v8, v1  }
0x10a: {  	vm3 =	vge.s32 @!p0 v7, v0;
	v7 =	vsub.s32 @!p0 v9, v0;
	v6 =	vnsel @!p0 vm2, $0x3100, v6  }
0x10b: {  	vm2 =	vge.s32 @!p0 v8, v0;
	v8 =	vsub.s32 @!p0 v8, v0;
	v5 =	vnsel @!p0 vm0, $0x3100, v5  }
0x10c: {  	vm0 =	vmand @!p0 vm3, vm4;
	vm3 =	vlt.s32 @!p0 v9, v1;
	vm1 =	vmand @!p0 vm2, vm1;
	[tilespmem:$0xC0] =	vst @!p0 v6  }
0x10d: {  	[tilespmem:$0xD0] =	vst @!p0 v5;
	vm2 =	vge.s32 @!p0 v9, v0;
	v5 =	vnsel @!p0 vm0, $0x3100, v11;
	v6 =	vnsel @!p0 vm1, $0x3100, v8  }
0x10e: {  	vm1 =	vlt.s32 @!p0 v10, v1;
	vm0 =	vmand @!p0 vm2, vm3;
	vm2 =	vge.s32 @!p0 v10, v0;
	[tilespmem:$0x90] =	vst @!p0 v5  }
0x10f: {  	s28 =	smov.u32 s18;
	s29 =	smov.u32 s19;
	v5 =	vsub.s32 @!p0 v10, v0;
	[tilespmem:$0x80] =	vst @!p0 v6;
	v6 =	vnsel @!p0 vm0, $0x3100, v7;
	vm0 =	vmand @!p0 vm2, vm1  }
0x110: {  	s26 =	simm.s32 $0x10;
	s31 =	smov.u32 s19;
	s30 =	simm.s32 @!p1 $0x100;
	[tilespmem:$0xA0] =	vst @!p0 v6;
	v5 =	vnsel @!p0 vm0, $0x3100, v5  }
.LBB2_8:
0x111: {  	s28 =	sadd.s32 $0xC0, s28  }
0x112: {  	[tilespmem:$0xB0] =	vst @!p0 v5;
	s29 =	sadd.s32 $0x6000, s29;
	s0 =	smov.u32 s26;
	s26 =	sadd.s32 $0x10, s26  }
0x113: {  	[tilespmem:s30], [sflag:$0x2] =	stream.linear.gather @!p0 [hbm4b:s31+s25], $0x3000, $0x38;
	[tilespmem:$0x1F140] =	vst v63  }
0x114: {  	p1 =	sne.s32 s26, $0xC40;
	s31 =	smov.u32 s29;
	_ =	swait.ge @!p0 [sflag:s24], $0x3000  }
0x115: {  	s11 =	simm.s32 @!p0 $0x1;
	[sflag:s24] =	ssyncset.done @!p0 $0x0  }
0x116: {  	s25 =	simm.s32 @!p0 $0x80;
	[sflag:s24] =	ssyncadd.s32 @!p0 $0xFFFFD000;
	s24 =	simm.s32 @!p0 $0x60  }
0x117: {  	[spmem:s2] =	stream.indirect.scatter.add.f32 @!p0 [tilespmem:s30], [sflag:$0x1], $0x80, s25, s24, $0xb8;
	[tilespmem:$0x1F140] =	vst v63  }
0x118: {  	s0 =	sadd.s32 s0, s1;
	_ =	swait.ge @!p0 [sflag:s11], $0x3000  }
0x119: {  	p2 =	sgt.u32 s0, $0xC34;
	[sflag:s11] =	ssyncset.done @!p0 $0x0  }
0x11a: {  	s25 =	simm.s32 @!p2 $0x0;
	s24 =	simm.s32 @!p2 $0x2;
	[sflag:s11] =	ssyncadd.s32 @!p0 $0xFFFFD000  }
0x11b: {  	[tilespmem:s25], [sflag:$0x2] =	stream.linear.gather @!p2 [hbm4b:s28+s25], $0x60, $0x38;
	[tilespmem:$0x1F140] =	vst v63  }
0x11c: {  	s30 =	simm.s32 @!p2 $0x100;
	p0 =	por p2, p2;
	_ =	swait.ge @!p2 [sflag:s24], $0x60  }
0x11d: {  	[sflag:s24] =	ssyncset.done @!p0 $0x0  }
0x11e: {  	[sflag:s24] =	ssyncadd.s32 @!p0 $0xFFFFFFA0  }
0x11f: {  	v5 =	vld @!p0 [tilespmem:$0x50]  }
0x120: {  	v6 =	vld @!p0 [tilespmem:$0x40]  }
0x121: {  	v7 =	vld @!p0 [tilespmem:$0x10]  }
0x122: {  	v8 =	vld @!p0 [tilespmem:$0x0]  }
0x123: {  	v9 =	vld @!p0 [tilespmem:$0x20]  }
0x124: {  	v10 =	vld @!p0 [tilespmem:$0x30];
	vm0 =	vge.s32 @!p0 v5, v0;
	vm1 =	vlt.s32 @!p0 v5, v1;
	v5 =	vsub.s32 @!p0 v5, v0  }
0x125: {  	vm2 =	vge.s32 @!p0 v6, v0;
	vm3 =	vlt.s32 @!p0 v6, v1;
	v6 =	vsub.s32 @!p0 v6, v0  }
0x126: {  	vm0 =	vmand @!p0 vm0, vm1;
	v11 =	vsub.s32 @!p0 v7, v0;
	vm2 =	vmand @!p0 vm2, vm3  }
0x127: {  	vm3 =	vge.s32 @!p0 v7, v0;
	vm1 =	vlt.s32 @!p0 v8, v1;
	v6 =	vnsel @!p0 vm2, $0x3100, v6  }
0x128: {  	vm4 =	vlt.s32 @!p0 v7, v1;
	vm2 =	vge.s32 @!p0 v8, v0;
	v8 =	vsub.s32 @!p0 v8, v0;
	[tilespmem:$0xC0] =	vst @!p0 v6  }
0x129: {  	v5 =	vnsel @!p0 vm0, $0x3100, v5;
	vm1 =	vmand @!p0 vm2, vm1;
	v6 =	vsub.s32 @!p0 v9, v0  }
.Ltmp3:
0x12a: {  	vm0 =	vmand @!p0 vm3, vm4;
	v7 =	vnsel @!p0 vm1, $0x3100, v8;
	vm1 =	vlt.s32 @!p0 v10, v1;
	[tilespmem:$0xD0] =	vst @!p0 v5;
	(pc) =	sbr.rel @p1 .LBB2_8-.Ltmp3, $4  }
0x12b: {  	vm2 =	vlt.s32 @!p0 v9, v1;
	v5 =	vnsel @!p0 vm0, $0x3100, v11;
	vm0 =	vge.s32 @!p0 v9, v0;
	[tilespmem:$0x80] =	vst @!p0 v7  }
0x12c: {  	vm0 =	vmand @!p0 vm0, vm2;
	vm2 =	vge.s32 @!p0 v10, v0;
	[tilespmem:$0x90] =	vst @!p0 v5;
	v5 =	vsub.s32 @!p0 v10, v0  }
0x12d: {  	v6 =	vnsel @!p0 vm0, $0x3100, v6;
	vm0 =	vmand @!p0 vm2, vm1  }
0x12e: {  	v5 =	vnsel @!p0 vm0, $0x3100, v5;
	[tilespmem:$0xA0] =	vst @!p0 v6  }
0x12f: {  	[tilespmem:$0xB0] =	vst @!p0 v5  }
0x130: {  	[tilespmem:s30], [sflag:$0x2] =	stream.linear.gather @!p0 [hbm4b:s31+s25], $0x3000, $0x38;
	[tilespmem:$0x1F140] =	vst v63  }
0x131: {  	_ =	swait.ge @!p0 [sflag:s24], $0x3000  }
0x132: {  	s0 =	simm.s32 @!p0 $0x1;
	[sflag:s24] =	ssyncset.done @!p0 $0x0  }
0x133: {  	s11 =	simm.s32 @!p0 $0x60;
	[sflag:s24] =	ssyncadd.s32 @!p0 $0xFFFFD000;
	s24 =	simm.s32 @!p0 $0x80  }
0x134: {  	[spmem:s2] =	stream.indirect.scatter.add.f32 @!p0 [tilespmem:s30], [sflag:$0x1], $0x80, s24, s11, $0xb8;
	[tilespmem:$0x1F140] =	vst v63  }
0x135: {  	_ =	swait.ge @!p0 [sflag:s0], $0x3000  }
0x136: {  	[sflag:s0] =	ssyncset.done @!p0 $0x0  }
0x137: {  	[sflag:s0] =	ssyncadd.s32 @!p0 $0xFFFFD000  }
0x138: {  	[bflag:$0x0] =	sbarrier.arrive $0xFFFF  }
0x139: {  	[hbm:s13], [sflag:s22] =	dma.local [spmem:s23], $0x3100  }
0x13a: {  	_ =	swait.ge [sflag:s21], $0x3100  }
0x13b: {  	[sflag:s21] =	ssyncset.done $0x0  }
0x13c: {  	[sflag:s21] =	ssyncadd.s32 $0xFFFFCF00  }
0x13d: {  	[bflag:$0x0] =	sbarrier.arrive $0xFFFF  }
0x13e: {  	[spmem:s4] =	stream.linear.scatter [tilespmem:s20], [sflag:$0x1], $0x3800, $0x38;
	[tilespmem:$0x1F140] =	vst v63  }
0x13f: {  	_ =	swait.ge [sflag:s21], $0x3800  }
0x140: {  	[sflag:s21] =	ssyncset.done $0x0  }
0x141: {  	[sflag:s21] =	ssyncadd.s32 $0xFFFFC800  }
0x142: {  	[spmem:s5] =	stream.linear.scatter [tilespmem:s20], [sflag:$0x1], $0x3800, $0x38;
	[tilespmem:$0x1F140] =	vst v63  }
0x143: {  	_ =	swait.ge [sflag:s21], $0x3800  }
0x144: {  	[sflag:s21] =	ssyncset.done $0x0  }
0x145: {  	[sflag:s21] =	ssyncadd.s32 $0xFFFFC800  }
0x146: {  	[spmem:s6] =	stream.linear.scatter [tilespmem:s20], [sflag:$0x1], $0x3800, $0x38;
	[tilespmem:$0x1F140] =	vst v63  }
0x147: {  	_ =	swait.ge [sflag:s21], $0x3800  }
0x148: {  	[sflag:s21] =	ssyncset.done $0x0  }
0x149: {  	[sflag:s21] =	ssyncadd.s32 $0xFFFFC800  }
0x14a: {  	[spmem:s7] =	stream.linear.scatter [tilespmem:s20], [sflag:$0x1], $0x3800, $0x38;
	[tilespmem:$0x1F140] =	vst v63  }
0x14b: {  	_ =	swait.ge [sflag:s21], $0x3800  }
0x14c: {  	[sflag:s21] =	ssyncset.done $0x0  }
0x14d: {  	[sflag:s21] =	ssyncadd.s32 $0xFFFFC800  }
0x14e: {  	[spmem:s8] =	stream.linear.scatter [tilespmem:s20], [sflag:$0x1], $0x3800, $0x38;
	[tilespmem:$0x1F140] =	vst v63  }
0x14f: {  	_ =	swait.ge [sflag:s21], $0x3800  }
0x150: {  	[sflag:s21] =	ssyncset.done $0x0  }
0x151: {  	[sflag:s21] =	ssyncadd.s32 $0xFFFFC800  }
0x152: {  	[spmem:s9] =	stream.linear.scatter [tilespmem:s20], [sflag:$0x1], $0x3800, $0x38;
	[tilespmem:$0x1F140] =	vst v63  }
0x153: {  	_ =	swait.ge [sflag:s21], $0x3800  }
0x154: {  	[sflag:s21] =	ssyncset.done $0x0  }
0x155: {  	[sflag:s21] =	ssyncadd.s32 $0xFFFFC800  }
0x156: {  	[spmem:s10] =	stream.linear.scatter [tilespmem:s20], [sflag:$0x1], $0x3800, $0x38;
	[tilespmem:$0x1F140] =	vst v63  }
0x157: {  	_ =	swait.ge [sflag:s21], $0x3800  }
0x158: {  	s26 =	sadd.s32 $0x0, s1;
	[sflag:s21] =	ssyncset.done $0x0  }
0x159: {  	p1 =	sgt.u32 s26, $0xC34;
	[sflag:s21] =	ssyncadd.s32 $0xFFFFC800  }
0x15a: {  	s25 =	simm.s32 @!p1 $0x0;
	s24 =	simm.s32 @!p1 $0x2;
	[bflag:$0x0] =	sbarrier.arrive $0xFFFF  }
0x15b: {  	[tilespmem:s25], [sflag:$0x2] =	stream.linear.gather @!p1 [hbm4b:s18+s25], $0x60, $0x38;
	[tilespmem:$0x1F140] =	vst v63  }
0x15c: {  	p0 =	por p1, p1;
	_ =	swait.ge @!p1 [sflag:s24], $0x60  }
0x15d: {  	[sflag:s24] =	ssyncset.done @!p0 $0x0  }
0x15e: {  	[sflag:s24] =	ssyncadd.s32 @!p0 $0xFFFFFFA0  }
0x15f: {  	v5 =	vld @!p0 [tilespmem:$0x50]  }
0x160: {  	v6 =	vld @!p0 [tilespmem:$0x40]  }
0x161: {  	v7 =	vld @!p0 [tilespmem:$0x10]  }
0x162: {  	v8 =	vld @!p0 [tilespmem:$0x0]  }
0x163: {  	v9 =	vld @!p0 [tilespmem:$0x20]  }
0x164: {  	vm0 =	vge.s32 @!p0 v5, v2;
	vm1 =	vlt.s32 @!p0 v5, v3  }
0x165: {  	v5 =	vsub.s32 @!p0 v5, v2;
	vm2 =	vge.s32 @!p0 v6, v2;
	vm3 =	vlt.s32 @!p0 v6, v3  }
0x166: {  	v6 =	vsub.s32 @!p0 v6, v2;
	v11 =	vsub.s32 @!p0 v7, v2;
	vm4 =	vlt.s32 @!p0 v7, v3  }
0x167: {  	v10 =	vld @!p0 [tilespmem:$0x30];
	vm2 =	vmand @!p0 vm2, vm3;
	vm0 =	vmand @!p0 vm0, vm1;
	vm1 =	vlt.s32 @!p0 v8, v3  }
0x168: {  	vm3 =	vge.s32 @!p0 v7, v2;
	v7 =	vsub.s32 @!p0 v9, v2;
	v6 =	vnsel @!p0 vm2, $0x3100, v6  }
0x169: {  	vm2 =	vge.s32 @!p0 v8, v2;
	v8 =	vsub.s32 @!p0 v8, v2;
	v5 =	vnsel @!p0 vm0, $0x3100, v5  }
0x16a: {  	vm0 =	vmand @!p0 vm3, vm4;
	vm3 =	vlt.s32 @!p0 v9, v3;
	vm1 =	vmand @!p0 vm2, vm1;
	[tilespmem:$0xC0] =	vst @!p0 v6  }
0x16b: {  	[tilespmem:$0xD0] =	vst @!p0 v5;
	vm2 =	vge.s32 @!p0 v9, v2;
	v5 =	vnsel @!p0 vm0, $0x3100, v11;
	v6 =	vnsel @!p0 vm1, $0x3100, v8  }
0x16c: {  	vm1 =	vlt.s32 @!p0 v10, v3;
	vm0 =	vmand @!p0 vm2, vm3;
	vm2 =	vge.s32 @!p0 v10, v2;
	[tilespmem:$0x90] =	vst @!p0 v5  }
0x16d: {  	s28 =	smov.u32 s18;
	s29 =	smov.u32 s19;
	v5 =	vsub.s32 @!p0 v10, v2;
	[tilespmem:$0x80] =	vst @!p0 v6;
	v6 =	vnsel @!p0 vm0, $0x3100, v7;
	vm0 =	vmand @!p0 vm2, vm1  }
0x16e: {  	s26 =	simm.s32 $0x10;
	s31 =	smov.u32 s19;
	s30 =	simm.s32 @!p1 $0x100;
	[tilespmem:$0xA0] =	vst @!p0 v6;
	v5 =	vnsel @!p0 vm0, $0x3100, v5  }
.LBB2_10:
0x16f: {  	s28 =	sadd.s32 $0xC0, s28  }
0x170: {  	[tilespmem:$0xB0] =	vst @!p0 v5;
	s29 =	sadd.s32 $0x6000, s29;
	s0 =	smov.u32 s26;
	s26 =	sadd.s32 $0x10, s26  }
0x171: {  	[tilespmem:s30], [sflag:$0x2] =	stream.linear.gather @!p0 [hbm4b:s31+s25], $0x3000, $0x38;
	[tilespmem:$0x1F140] =	vst v63  }
0x172: {  	p1 =	sne.s32 s26, $0xC40;
	s31 =	smov.u32 s29;
	_ =	swait.ge @!p0 [sflag:s24], $0x3000  }
0x173: {  	s11 =	simm.s32 @!p0 $0x1;
	[sflag:s24] =	ssyncset.done @!p0 $0x0  }
0x174: {  	s25 =	simm.s32 @!p0 $0x80;
	[sflag:s24] =	ssyncadd.s32 @!p0 $0xFFFFD000;
	s24 =	simm.s32 @!p0 $0x60  }
0x175: {  	[spmem:s2] =	stream.indirect.scatter.add.f32 @!p0 [tilespmem:s30], [sflag:$0x1], $0x80, s25, s24, $0xb8;
	[tilespmem:$0x1F140] =	vst v63  }
0x176: {  	s0 =	sadd.s32 s0, s1;
	_ =	swait.ge @!p0 [sflag:s11], $0x3000  }
0x177: {  	p2 =	sgt.u32 s0, $0xC34;
	[sflag:s11] =	ssyncset.done @!p0 $0x0  }
0x178: {  	s25 =	simm.s32 @!p2 $0x0;
	s24 =	simm.s32 @!p2 $0x2;
	[sflag:s11] =	ssyncadd.s32 @!p0 $0xFFFFD000  }
0x179: {  	[tilespmem:s25], [sflag:$0x2] =	stream.linear.gather @!p2 [hbm4b:s28+s25], $0x60, $0x38;
	[tilespmem:$0x1F140] =	vst v63  }
0x17a: {  	s30 =	simm.s32 @!p2 $0x100;
	p0 =	por p2, p2;
	_ =	swait.ge @!p2 [sflag:s24], $0x60  }
0x17b: {  	[sflag:s24] =	ssyncset.done @!p0 $0x0  }
0x17c: {  	[sflag:s24] =	ssyncadd.s32 @!p0 $0xFFFFFFA0  }
0x17d: {  	v5 =	vld @!p0 [tilespmem:$0x50]  }
0x17e: {  	v6 =	vld @!p0 [tilespmem:$0x40]  }
0x17f: {  	v7 =	vld @!p0 [tilespmem:$0x10]  }
0x180: {  	v8 =	vld @!p0 [tilespmem:$0x0]  }
0x181: {  	v9 =	vld @!p0 [tilespmem:$0x20]  }
0x182: {  	v10 =	vld @!p0 [tilespmem:$0x30];
	vm0 =	vge.s32 @!p0 v5, v2;
	vm1 =	vlt.s32 @!p0 v5, v3;
	v5 =	vsub.s32 @!p0 v5, v2  }
0x183: {  	vm2 =	vge.s32 @!p0 v6, v2;
	vm3 =	vlt.s32 @!p0 v6, v3;
	v6 =	vsub.s32 @!p0 v6, v2  }
0x184: {  	vm0 =	vmand @!p0 vm0, vm1;
	v11 =	vsub.s32 @!p0 v7, v2;
	vm2 =	vmand @!p0 vm2, vm3  }
0x185: {  	vm3 =	vge.s32 @!p0 v7, v2;
	vm1 =	vlt.s32 @!p0 v8, v3;
	v6 =	vnsel @!p0 vm2, $0x3100, v6  }
0x186: {  	vm4 =	vlt.s32 @!p0 v7, v3;
	vm2 =	vge.s32 @!p0 v8, v2;
	v8 =	vsub.s32 @!p0 v8, v2;
	[tilespmem:$0xC0] =	vst @!p0 v6  }
0x187: {  	v5 =	vnsel @!p0 vm0, $0x3100, v5;
	vm1 =	vmand @!p0 vm2, vm1;
	v6 =	vsub.s32 @!p0 v9, v2  }
.Ltmp4:
0x188: {  	vm0 =	vmand @!p0 vm3, vm4;
	v7 =	vnsel @!p0 vm1, $0x3100, v8;
	vm1 =	vlt.s32 @!p0 v10, v3;
	[tilespmem:$0xD0] =	vst @!p0 v5;
	(pc) =	sbr.rel @p1 .LBB2_10-.Ltmp4, $4  }
0x189: {  	vm2 =	vlt.s32 @!p0 v9, v3;
	v5 =	vnsel @!p0 vm0, $0x3100, v11;
	vm0 =	vge.s32 @!p0 v9, v2;
	[tilespmem:$0x80] =	vst @!p0 v7  }
0x18a: {  	vm0 =	vmand @!p0 vm0, vm2;
	vm2 =	vge.s32 @!p0 v10, v2;
	[tilespmem:$0x90] =	vst @!p0 v5;
	v5 =	vsub.s32 @!p0 v10, v2  }
0x18b: {  	v6 =	vnsel @!p0 vm0, $0x3100, v6;
	vm0 =	vmand @!p0 vm2, vm1  }
0x18c: {  	v5 =	vnsel @!p0 vm0, $0x3100, v5;
	[tilespmem:$0xA0] =	vst @!p0 v6  }
0x18d: {  	[tilespmem:$0xB0] =	vst @!p0 v5  }
0x18e: {  	[tilespmem:s30], [sflag:$0x2] =	stream.linear.gather @!p0 [hbm4b:s31+s25], $0x3000, $0x38;
	[tilespmem:$0x1F140] =	vst v63  }
0x18f: {  	_ =	swait.ge @!p0 [sflag:s24], $0x3000  }
0x190: {  	s0 =	simm.s32 @!p0 $0x1;
	[sflag:s24] =	ssyncset.done @!p0 $0x0  }
0x191: {  	s11 =	simm.s32 @!p0 $0x60;
	[sflag:s24] =	ssyncadd.s32 @!p0 $0xFFFFD000;
	s24 =	simm.s32 @!p0 $0x80  }
0x192: {  	[spmem:s2] =	stream.indirect.scatter.add.f32 @!p0 [tilespmem:s30], [sflag:$0x1], $0x80, s24, s11, $0xb8;
	[tilespmem:$0x1F140] =	vst v63  }
0x193: {  	_ =	swait.ge @!p0 [sflag:s0], $0x3000  }
0x194: {  	[sflag:s0] =	ssyncset.done @!p0 $0x0  }
0x195: {  	s3 =	sadd.s32 $0x1, s3;
	[sflag:s0] =	ssyncadd.s32 @!p0 $0xFFFFD000  }
0x196: {  	p0 =	sne.s32 s3, s15;
	[bflag:$0x0] =	sbarrier.arrive $0xFFFF  }
0x197: {  	[hbm:s14], [sflag:s22] =	dma.local [spmem:s23], $0x3100  }
.Ltmp5:
0x198: {  	_ =	swait.ge [sflag:s21], $0x3100;
	(pc) =	sbr.rel @p0 .LBB2_1-.Ltmp5, $3  }
0x199: {  	[sflag:s21] =	ssyncset.done $0x0  }
0x19a: {  	[sflag:s21] =	ssyncadd.s32 $0xFFFFCF00  }
0x19b: {  	[bflag:$0x0] =	sbarrier.arrive $0xFFFF;
	_ =	sdelay $0x1  }
0x19c: {  	_ =	sfence.sel $0x180000  }
0x19d: {  	[bflag:$0x0] =	sbarrier.arrive $0xFFFF  }
0x19e: {  	_ =	strace $0x9000004D  }
0x19f: {  	[bflag:$0x2] =	sbarrier.arrive $0xFFFF  }
0x1a0: {  	p0 =	sne.s32 s1, $0x0;
	s0 =	rddreg [dreg:$0x3]  }
0x1a1: {  	s0 =	sadd.s32 @!p0 $0x100000, s0  }
0x1a2: {  	[sflag:s0] =	ssyncadd.tile.s32 @!p0 $0x1;
	_ =	shalt  }
.Lfunc_end2:
_tile_overlayer_lowered:
.L_overlay_start_2:
0x1a3: {  	(tag) =	ssettag $0x2  }
0x1a4: {  	s0 =	rddreg [dreg:$0x0];
	s2 =	stileid.u32  }
0x1a5: {  	s1 =	rddreg [dreg:$0x1];
	p0 =	sne.s32 s2, $0x0  }
0x1a6: {  	s3 =	rddreg [dreg:$0x2];
	[bflag:$0x3] =	sbarrier.arrive $0xFFFF;
	s2 =	simm.s32 @!p0 $0x1C01  }
0x1a7: {  	[timem:s3], [sflag:s2] =	dma.local @!p0 [hbm:s0], s1  }
0x1a8: {  	s0 =	simm.s32 @!p0 $0x1  }
0x1a9: {  	_ =	swait.ge @!p0 [sflag:s0], s1  }
0x1aa: {  	s1 =	ssub.s32 @!p0 $0x0, s1;
	[sflag:s0] =	ssyncset.done @!p0 $0x0  }
0x1ab: {  	[sflag:s0] =	ssyncadd.s32 @!p0 s1  }
0x1ac: {  	[bflag:$0x3] =	sbarrier.arrive $0xFFFF  }
0x1ad: {  	_ =	shalt  }

// kernel: kernel.15.cloned.1.call-start
scs
__scs_entry_jumppad:
0x0: {  	(pc) =	sbr.rel $0x88, $3  }
0x1: {  	(tag) =	ssettag $0x0;
	lr =	simm.s32 $0x1  }
0x2: {  	[smem:$0x3F84] =	sst lr;
	_ =	strace $0xD0000000  }
0x3: {  	_ = 	snop  }
0x4: {  	_ = 	snop  }
0x5: {  	_ = 	snop  }
0x6: {  	_ = 	snop  }
0x7: {  	_ = 	snop  }
__scs_overlays_trampoline_lowered:
0x8: {  	[smem:$0x3F93] =	sst s0  }
0x9: {  	[smem:$0x3F94] =	sst s1  }
0xa: {  	[smem:$0x3F95] =	sst s2  }
0xb: {  	[smem:$0x3F96] =	sst s3  }
0xc: {  	[smem:$0x3F97] =	sst s4  }
0xd: {  	[smem:$0x3F98] =	sst s5  }
0xe: {  	[smem:$0x3F99] =	sst s6  }
0xf: {  	[smem:$0x3F9A] =	sst s7  }
0x10: {  	[smem:$0x3F9B] =	sst s8  }
0x11: {  	[smem:$0x3F9C] =	sst s9;
	s0 =	simm.s32 @!p0 $0x0  }
0x12: {  	s1 =	sld [smem:$0x3F82];
	s0 =	simm.s32 @p0 $0x1  }
0x13: {  	[smem:$0x3F9D] =	sst s0;
	s0 =	simm.s32 @!p1 $0x0  }
0x14: {  	s2 =	sld [smem:$0x3F81];
	s0 =	simm.s32 @p1 $0x1  }
0x15: {  	[smem:$0x3F9E] =	sst s0;
	s0 =	simm.s32 @!p2 $0x0  }
0x16: {  	s3 =	sld [smem:$0x3FDB];
	s0 =	simm.s32 @p2 $0x1  }
0x17: {  	s4 =	simm.s32 $0x1BF5;
	[smem:$0x3FA0] =	sst s0  }
0x18: {  	s0 =	sld [smem:$0x3F83];
	_ =	swait.ge [sflag:s4], $0x0  }
0x19: {  	s7 =	sld [smem:$0x3F84]  }
0x1a: {  	s8 =	sadd.s32 $0xFFFFE003, lr  }
0x1b: {  	s9 =	sadd.s32 $0xFFFFFEF7, lr;
	s5 =	simm.s32 $0xFFFFFFFF;
	p2 =	slt.u32 s8, $0xFFFFF086  }
0x1c: {  	p1 =	slt.u32 s9, $0xF7A;
	s5 =	simm.s32 @!p2 $0x0  }
0x1d: {  	s5 =	simm.s32 @p1 $0x1;
	p0 =	seq.s32 s7, s2  }
0x1e: {  	s7 =	smul.u32 @!p0 $0xF7A, s2;
	p2 =	seq.s32 @!p0 s5, $0x0  }
0x1f: {  	s9 =	smul.u32 $0xF7A, s1;
	s8 =	simm.s32 @!p0 $0x1BF5;
	p2 =	por !p2, p0  }
0x20: {  	[sflag:s8] =	ssyncset.s32 @!p0 $0xFFFFF086;
	s6 =	sadd.s32 @!p0 s3, s7;
	s7 =	simm.s32 @!p0 $0x108  }
0x21: {  	s3 =	sadd.s32 s3, s9;
	s6 =	sadd.s32 @!p0 $0x88, s6;
	s7 =	simm.s32 @p2 $0x1082  }
0x22: {  	[simem:s7], [sflag:s8] =	dma.local @!p0 [hbm:s6], $0xF7A  }
0x23: {  	s9 =	sor.u32 $0xD0000000, s2;
	s6 =	simm.s32 $0x108;
	_ =	swait.ge @!p0 [sflag:s8], $0x0  }
0x24: {  	s3 =	sadd.s32 $0x88, s3;
	s6 =	simm.s32 @!p1 $0x1082;
	[sflag:s4] =	ssyncset.s32 $0xFFFFF086  }
0x25: {  	[simem:s6], [sflag:s4] =	dma.local [hbm:s3], $0xF7A  }
0x26: {  	[smem:$0x3F84] =	sst s1;
	(tag) =	ssettag s2;
	_ =	strace s9  }
0x27: {  	s1 =	sld [smem:$0x3F94]  }
0x28: {  	s2 =	sld [smem:$0x3F95]  }
0x29: {  	s4 =	sld [smem:$0x3F97]  }
0x2a: {  	p0 =	seq.s32 s5, $0x0;
	s5 =	sld [smem:$0x3F98]  }
0x2b: {  	s6 =	sld [smem:$0x3F99]  }
0x2c: {  	s7 =	sld [smem:$0x3F9A]  }
0x2d: {  	s3 =	simm.s32 $0x108;
	s8 =	sld [smem:$0x3F9B]  }
0x2e: {  	s3 =	simm.s32 @!p0 $0x1082;
	s9 =	sld [smem:$0x3F9C]  }
0x2f: {  	lr =	sadd.s32 s0, s3;
	s0 =	sld [smem:$0x3F93]  }
0x30: {  	s3 =	sld [smem:$0x3F96]  }
0x31: {  	[smem:$0x3F9F] =	sst s10  }
0x32: {  	s10 =	sld [smem:$0x3F9D];
	_ =	sdelay $0x3  }
0x33: {  	p0 =	seq.s32 s10, $0x1;
	s10 =	sld [smem:$0x3F9F];
	_ =	sdelay $0x3  }
0x34: {  	[smem:$0x3F9F] =	sst s10  }
0x35: {  	s10 =	sld [smem:$0x3F9E];
	_ =	sdelay $0x3  }
0x36: {  	p1 =	seq.s32 s10, $0x1;
	s10 =	sld [smem:$0x3F9F];
	_ =	sdelay $0x3  }
0x37: {  	[smem:$0x3F9F] =	sst s10  }
0x38: {  	s10 =	sld [smem:$0x3FA0]  }
0x39: {  	_ = 	snop;
	(pc) =	sbr.ind lr, $3  }
0x3a: {  	_ = 	snop  }
0x3b: {  	_ = 	snop  }
0x3c: {  	p2 =	seq.s32 s10, $0x1;
	s10 =	sld [smem:$0x3F9F]  }
0x3d: {  	_ =	shalt  }
0x3e: {  	_ =	shalt  }
0x3f: {  	_ =	shalt  }
0x40: {  	_ =	shalt  }
0x41: {  	_ =	shalt  }
0x42: {  	_ =	shalt  }
0x43: {  	_ =	shalt  }
0x44: {  	_ =	shalt  }
0x45: {  	_ =	shalt  }
0x46: {  	_ =	shalt  }
0x47: {  	_ =	shalt  }
0x48: {  	_ =	shalt  }
0x49: {  	_ =	shalt  }
0x4a: {  	_ =	shalt  }
0x4b: {  	_ =	shalt  }
0x4c: {  	_ =	shalt  }
0x4d: {  	_ =	shalt  }
0x4e: {  	_ =	shalt  }
0x4f: {  	_ =	shalt  }
0x50: {  	_ =	shalt  }
0x51: {  	_ =	shalt  }
0x52: {  	_ =	shalt  }
0x53: {  	_ =	shalt  }
0x54: {  	_ =	shalt  }
0x55: {  	_ =	shalt  }
0x56: {  	_ =	shalt  }
0x57: {  	_ =	shalt  }
0x58: {  	_ =	shalt  }
0x59: {  	_ =	shalt  }
0x5a: {  	_ =	shalt  }
0x5b: {  	_ =	shalt  }
0x5c: {  	_ =	shalt  }
0x5d: {  	_ =	shalt  }
0x5e: {  	_ =	shalt  }
0x5f: {  	_ =	shalt  }
0x60: {  	_ =	shalt  }
0x61: {  	_ =	shalt  }
0x62: {  	_ =	shalt  }
0x63: {  	_ =	shalt  }
0x64: {  	_ =	shalt  }
0x65: {  	_ =	shalt  }
0x66: {  	_ =	shalt  }
0x67: {  	_ =	shalt  }
0x68: {  	_ =	shalt  }
0x69: {  	_ =	shalt  }
0x6a: {  	_ =	shalt  }
0x6b: {  	_ =	shalt  }
0x6c: {  	_ =	shalt  }
0x6d: {  	_ =	shalt  }
0x6e: {  	_ =	shalt  }
0x6f: {  	_ =	shalt  }
0x70: {  	_ =	shalt  }
0x71: {  	_ =	shalt  }
0x72: {  	_ =	shalt  }
0x73: {  	_ =	shalt  }
0x74: {  	_ =	shalt  }
0x75: {  	_ =	shalt  }
0x76: {  	_ =	shalt  }
0x77: {  	_ =	shalt  }
0x78: {  	_ =	shalt  }
0x79: {  	_ =	shalt  }
0x7a: {  	_ =	shalt  }
0x7b: {  	_ =	shalt  }
0x7c: {  	_ =	shalt  }
0x7d: {  	_ =	shalt  }
0x7e: {  	_ =	shalt  }
0x7f: {  	_ =	shalt  }
0x80: {  	_ =	shalt  }
0x81: {  	_ =	shalt  }
0x82: {  	_ =	shalt  }
0x83: {  	_ =	shalt  }
0x84: {  	_ =	shalt  }
0x85: {  	_ =	shalt  }
0x86: {  	_ =	shalt  }
0x87: {  	_ =	shalt  }
.Lfunc_end0:
.L_simem_size_0:
called_computation.2_lowered:
.L_overlay_start_0:
0x88: {  	s2 =	sld [smem:$0x3FD9]  }
0x89: {  	s3 =	sld [smem:$0x3FFE];
	_ =	sdelay $0x1  }
0x8a: {  	s1 =	srdreg.scid  }
0x8b: {  	s0 =	sand.u32 $0x1, s1  }
0x8c: {  	s16 =	sshll.u32 s0, $0xA;
	s2 =	sadd.s32 s3, s2  }
0x8d: {  	s2 =	sadd.s32 s2, s16  }
0x8e: {  	[smem:$0x3FAB] =	sst s2  }
0x8f: {  	_ = 	snop  }
0x90: {  	(tm) =	ssettm $0x1  }
0x91: {  	s17 =	sld [smem:$0x3FFB];
	_ =	sdelay $0x3  }
0x92: {  	_ =	strace s17  }
0x93: {  	s2 =	sld [smem:$0x3FFC];
	_ =	sdelay $0x3  }
0x94: {  	_ =	strace s2  }
0x95: {  	s2 =	sld [smem:$0x3FFD];
	_ =	sdelay $0x3  }
0x96: {  	_ =	strace s2  }
0x97: {  	_ =	strace $0x8FFFFFFF  }
0x98: {  	s18 =	sld [smem:$0x3FDB];
	_ =	sdelay $0x1  }
0x99: {  	s19 =	simm.s32 $_scs_section_size  }
0x9a: {  	s4 =	simm.s32 $_size__tile_overlayer_lowered;
	s5 =	simm.s32 $_tile_overlayer_lowered  }
0x9b: {  	s22 =	simm.s32 $0x1BFF;
	s21 =	sshll.u32 s5, $0x1;
	s2 =	sadd.s32 s19, s18  }
0x9c: {  	s6 =	simm.s32 $0x0;
	s20 =	sshll.u32 s4, $0x1;
	s4 =	sadd.s32 s21, s2  }
0x9d: {  	[timem:s6], [sflag:s22] =	dma.local [hbm:s4], s20  }
0x9e: {  	_ =	swait.ge [sflag:s22], s20  }
0x9f: {  	s3 =	ssub.s32 $0x0, s20;
	[sflag:s22] =	ssyncset.done $0x0  }
0xa0: {  	[sflag:s22] =	ssyncadd.s32 s3;
	_ =	sdelay $0x1  }
0xa1: {  	s23 =	simm.s32 $0x1B8B  }
0xa2: {  	_ =	swait.ge [sflag:s23], $0x1  }
0xa3: {  	[sflag:s23] =	ssyncset.done $0x0  }
0xa4: {  	s25 =	simm.s32 $0x1B8E;
	s24 =	sld [smem:$0x3FFE];
	[sflag:s23] =	ssyncadd.s32 $0xFFFFFFFF  }
0xa5: {  	s26 =	simm.s32 $execute0_lowered;
	[smem:$0x3FD2] =	sst s25  }
0xa6: {  	s4 =	sshll.u32 s26, $0x1;
	_ =	strace $0x80000049;
	[dreg:$0x1] =	wrdreg $0xFFFFFFFF  }
0xa7: {  	s28 =	simm.s32 $_size_execute0_lowered;
	s2 =	sadd.s32 s2, s4;
	[dreg:$0x0] =	wrdreg $0x0  }
0xa8: {  	s4 =	sshll.u32 s28, $0x1;
	[dreg:$0x2] =	wrdreg s2  }
0xa9: {  	[dreg:$0x3] =	wrdreg s4  }
0xaa: {  	[dreg:$0x4] =	wrdreg $0xC0  }
0xab: {  	_ =	task [dreg:s6], $0x5FFFF  }
0xac: {  	[dreg:$0x1] =	wrdreg $0xFFFFFFFF  }
0xad: {  	[dreg:$0x0] =	wrdreg $0x60  }
0xae: {  	[dreg:$0x2] =	wrdreg s24  }
0xaf: {  	[dreg:$0x3] =	wrdreg $0x9A000  }
0xb0: {  	[dreg:$0x4] =	wrdreg $0xA  }
0xb1: {  	_ =	task.clear_ibuf [dreg:s6], $0x5FFFF;
	_ =	strace $0x90000049  }
0xb2: {  	s29 =	simm.s32 $0xA;
	_ =	strace $0x8000004B  }
0xb3: {  	_ =	swait.ge [sflag:s29], $0x1  }
0xb4: {  	[sflag:s29] =	ssyncadd.s32 $0xFFFFFFFF  }
0xb5: {  	_ =	strace $0x9000004B  }
0xb6: {  	_ =	sfence  }
0xb7: {  	s30 =	sld [smem:$0x0];
	_ =	sdelay $0x2  }
0xb8: {  	s31 =	sshll.u32 s1, $0xD;
	s1 =	sshrl.u32 s1, $0x2  }
0xb9: {  	s3 =	sand.u32 $0x4000, s31;
	s1 =	sadd.s32 s1, s30  }
0xba: {  	s0 =	sor.u32 s3, s0;
	s1 =	sshll.u32 s1, $0x11  }
0xbb: {  	s0 =	sor.u32 s1, s0  }
0xbc: {  	s0 =	sadd.s32 $0x8F2B, s0  }
0xbd: {  	[sflag:s0] =	ssyncadd.remote.s32 $0x1  }
0xbe: {  	_ =	sfence.sel $0xFFFF  }
0xbf: {  	[dreg:$0x0] =	wrdreg $0xFFFFFFFF;
	(pc) =	sbr.abs _section_cstart, $3  }
0xc0: {  	[dreg:$0x1] =	wrdreg $0xFFFFFFFF  }
0xc1: {  	_ =	task.clear_ibuf [dreg:s6], $0x2FFFF;
	_ =	strace $0x9FFFFFFF  }
0xc2: {  	(tm) =	ssettm $0x7FFFFFFF  }
0xc3: {  	_ =	shalt  }
tec
execute0_lowered:
.L_overlay_start_1:
0x0: {  	(tag) =	ssettag $0x1  }
0x1: {  	s0 =	rddreg [dreg:$0x0];
	s2 =	srdreg.scid  }
0x2: {  	s1 =	rddreg [dreg:$0x1];
	s3 =	simm.s32 $0x0;
	s4 =	sand.u32 $0x1, s2  }
0x3: {  	s22 =	simm.s32 $0x200;
	s2 =	stileid.u32;
	s8 =	smul.u32 $0x620, s4  }
0x4: {  	s28 =	simm.s32 $0x100;
	s29 =	simm.s32 $0x3;
	s5 =	smul.u32 $0xE0, s2  }
0x5: {  	[smem:$0x7FF] =	sst s3;
	s9 =	sadd.s32 $0x1F7AA00, s0;
	s6 =	smul.u32 $0x1C000, s2  }
0x6: {  	s10 =	sadd.s32 $0x16C00, s0;
	s11 =	sadd.s32 $0x28A2600, s0;
	s12 =	smul.u32 $0xC, s2  }
0x7: {  	s14 =	sadd.s32 $0x29400, s0;
	s13 =	smul.u32 $0x600, s2;
	s23 =	sor.u32 $0x10, s2  }
0x8: {  	_ =	strace $0x8000004A;
	s7 =	ssub.s32 $0x2, s4;
	s15 =	smul.u32 $0xC, s23  }
0x9: {  	p0 =	sgt.u32 s2, $0x6;
	s25 =	sshrl.u32 s7, $0x1;
	s16 =	smul.u32 $0x600, s23  }
0xa: {  	s5 =	sadd.s32 s5, s8;
	s24 =	sshrl.u32 s6, $0x2;
	s17 =	ssub.s32 s7, s25  }
0xb: {  	s26 =	sadd.s32 s10, s12;
	s7 =	sadd.s32 s9, s13;
	s30 =	sadd.s32 $0x620, s8  }
0xc: {  	s12 =	sadd.s32 s14, s12;
	s13 =	sadd.s32 s11, s13;
	s6 =	simm.s32 $0x80  }
0xd: {  	s25 =	simm.s32 $0x1;
	s5 =	sshll.u32 s5, $0x4;
	s4 =	sadd.s32 s24, s1  }
0xe: {  	s10 =	sadd.s32 s10, s15;
	s9 =	sadd.s32 s9, s16;
	[dreg:$0x3] =	wrdreg s26  }
0xf: {  	s14 =	sadd.s32 s14, s15;
	s11 =	sadd.s32 s11, s16;
	[dreg:$0x4] =	wrdreg s10  }
0x10: {  	s31 =	smax.u32 s17, $0x1;
	s19 =	sadd.s32 $0x12000, s7;
	[dreg:$0x5] =	wrdreg s9  }
0x11: {  	s23 =	sadd.s32 $0x240, s12;
	s24 =	sadd.s32 $0x12000, s13;
	[dreg:$0x7] =	wrdreg s14  }
0x12: {  	s17 =	simm.s32 $0x3200;
	s0 =	sadd.s32 s5, s0;
	[dreg:$0x8] =	wrdreg s11  }
0x13: {  	s5 =	sadd.s32 $0x3800, s4;
	[dreg:$0xa] =	wrdreg s31;
	s18 =	sadd.s32 $0x4C00, s0  }
0x14: {  	s10 =	ssub.s32 $0xC25, s2;
	s0 =	sadd.s32 $0x32800, s0;
	[dreg:$0x6] =	wrdreg s18  }
0x15: {  	v2 =	vimm.f32 $0.0e+00;
	v0 =	vmov s8;
	v1 =	vmov s30;
	[dreg:$0x9] =	wrdreg s0;
	s18 =	sadd.s32 $0x240, s26;
	s26 =	simm.s32 $0x60  }
.LBB2_1:
0x16: {  	s0 =	simm.s32 $0x0;
	s8 =	simm.s32 $0x200  }
.LBB2_2:
0x17: {  	p1 =	sne.s32 s8, $0xDE00;
	[tilespmem:s0+$0x6270] =	vst v2  }
0x18: {  	[tilespmem:s0+$0x6200] =	vst v2  }
0x19: {  	[tilespmem:s0+$0x6210] =	vst v2  }
.Ltmp0:
0x1a: {  	[tilespmem:s0+$0x6220] =	vst v2;
	(pc) =	sbr.rel @p1 .LBB2_2-.Ltmp0, $4  }
0x1b: {  	[tilespmem:s0+$0x6230] =	vst v2  }
0x1c: {  	[tilespmem:s0+$0x6240] =	vst v2  }
0x1d: {  	[tilespmem:s0+$0x6250] =	vst v2  }
0x1e: {  	[tilespmem:s0+$0x6260] =	vst v2;
	s0 =	sshra.s32 s8, $0x2;
	s8 =	sadd.s32 $0x200, s8  }
0x1f: {  	[tilespmem:s0+$0x6270] =	vst v2  }
0x20: {  	[tilespmem:s0+$0x6200] =	vst v2  }
0x21: {  	[tilespmem:s0+$0x6210] =	vst v2  }
0x22: {  	[tilespmem:s0+$0x6220] =	vst v2  }
0x23: {  	[tilespmem:s0+$0x6230] =	vst v2  }
0x24: {  	[tilespmem:s0+$0x6240] =	vst v2  }
0x25: {  	[tilespmem:s0+$0x6250] =	vst v2  }
0x26: {  	[tilespmem:s0+$0x6260] =	vst v2;
	s0 =	simm.s32 @!p0 $0x6200;
	s8 =	simm.s32 @!p0 $0x3  }
0x27: {  	[spmem:s4] =	stream.linear.scatter @!p0 [tilespmem:s0], [sflag:$0x3], $0x3800, $0x38;
	[tilespmem:$0xCB40] =	vst v63  }
0x28: {  	_ =	swait.ge @!p0 [sflag:s8], $0x3800  }
0x29: {  	[sflag:s8] =	ssyncset.done @!p0 $0x0  }
0x2a: {  	[sflag:s8] =	ssyncadd.s32 @!p0 $0xFFFFC800  }
0x2b: {  	[spmem:s5] =	stream.linear.scatter @!p0 [tilespmem:s0], [sflag:$0x3], $0x3800, $0x38;
	[tilespmem:$0xCB40] =	vst v63  }
0x2c: {  	_ =	swait.ge @!p0 [sflag:s8], $0x3800  }
0x2d: {  	[sflag:s8] =	ssyncset.done @!p0 $0x0  }
0x2e: {  	[sflag:s8] =	ssyncadd.s32 @!p0 $0xFFFFC800  }
0x2f: {  	[bflag:$0x0] =	sbarrier.arrive $0xFFFF  }
0x30: {  	s20 =	simm.s32 $0x0;
	s16 =	rddreg [dreg:$0x3]  }
0x31: {  	[tilespmem:s20], [sflag:$0x1] =	stream.linear.gather [hbm4b:s16+s20], $0x60, $0x38;
	[tilespmem:$0xCB40] =	vst v63  }
0x32: {  	_ = 	snop  }
0x33: {  	[tilespmem:s22], [sflag:$0x1] =	stream.linear.gather [hbm4b:s7+s20], $0x3000, $0x38;
	[tilespmem:$0xCB40] =	vst v63  }
0x34: {  	s21 =	rddreg [dreg:$0x4]  }
0x35: {  	[tilespmem:s6], [sflag:$0x2] =	stream.linear.gather [hbm4b:s21+s20], $0x60, $0x38;
	[tilespmem:$0xCB40] =	vst v63  }
0x36: {  	s31 =	rddreg [dreg:$0x5]  }
0x37: {  	[tilespmem:s17], [sflag:$0x2] =	stream.linear.gather [hbm4b:s31+s20], $0x3000, $0x38;
	[tilespmem:$0xCB40] =	vst v63  }
0x38: {  	_ =	swait.ge [sflag:s25], $0x60  }
0x39: {  	[sflag:s25] =	ssyncset.done $0x0  }
0x3a: {  	[sflag:s25] =	ssyncadd.s32 $0xFFFFFFA0  }
0x3b: {  	_ =	swait.ge [sflag:s25], $0x3000  }
0x3c: {  	[sflag:s25] =	ssyncset.done $0x0  }
0x3d: {  	[sflag:s25] =	ssyncadd.s32 $0xFFFFD000  }
0x3e: {  	v3 =	vld [tilespmem:$0x10]  }
0x3f: {  	v4 =	vld [tilespmem:$0x50]  }
0x40: {  	v8 =	vld [tilespmem:$0x20]  }
0x41: {  	v10 =	vld [tilespmem:$0x30];
	_ =	sdelay $0x3  }
0x42: {  	v5 =	vshrl.u32 v3, $0x4  }
0x43: {  	v7 =	vld [tilespmem:$0x40];
	v6 =	vshrl.u32 v4, $0x4;
	v4 =	vshrl.u32 v8, $0x4;
	v8 =	vshrl.u32 v10, $0x4  }
0x44: {  	s9 =	simm.s32 $0x20;
	s11 =	smov.u32 s18;
	vm0 =	vge.u32 v5, v0;
	vm1 =	vlt.u32 v5, v1;
	v9 =	vsub.s32 v5, v0  }
0x45: {  	s30 =	smov.u32 s19;
	s8 =	smov.u32 s19;
	s21 =	smov.u32 s18;
	v3 =	vld [tilespmem:$0x0];
	v5 =	vsub.s32 v6, v0;
	vm1 =	vmand vm0, vm1;
	vm0 =	vlt.u32 v6, v1  }
.LBB2_4:
0x46: {  	s11 =	sadd.s32 $0x180, s11  }
0x47: {  	v9 =	vnsel vm1, $0x620, v9;
	v10 =	vsub.s32 v4, v0;
	v11 =	vsub.s32 v8, v0;
	s8 =	sadd.s32 $0xC000, s8;
	s14 =	smov.u32 s9;
	s9 =	sadd.s32 $0x20, s9  }
0x48: {  	vm1 =	vlt.u32 v8, v1;
	vm2 =	vge.u32 v6, v0;
	p1 =	sne.s32 s9, $0xC40;
	v7 =	vshrl.u32 v7, $0x4  }
0x49: {  	vm3 =	vge.u32 v8, v0;
	vm0 =	vmand vm2, vm0;
	vm4 =	vge.u32 v7, v0  }
0x4a: {  	vm2 =	vlt.u32 v4, v1;
	vm1 =	vmand vm3, vm1;
	vm3 =	vlt.u32 v7, v1;
	[tilespmem:$0x110] =	vst v9  }
0x4b: {  	v6 =	vnsel vm1, $0x620, v11;
	v5 =	vnsel vm0, $0x620, v5;
	vm1 =	vmand vm4, vm3  }
0x4c: {  	v3 =	vshrl.u32 v3, $0x4;
	vm0 =	vge.u32 v4, v0;
	v4 =	vsub.s32 v7, v0;
	[tilespmem:$0x130] =	vst v6  }
0x4d: {  	vm3 =	vge.u32 v3, v0;
	vm4 =	vlt.u32 v3, v1;
	v4 =	vnsel vm1, $0x620, v4;
	[tilespmem:$0x150] =	vst v5  }
0x4e: {  	v3 =	vsub.s32 v3, v0;
	vm0 =	vmand vm0, vm2;
	vm1 =	vmand vm3, vm4;
	[tilespmem:$0x140] =	vst v4  }
0x4f: {  	v3 =	vnsel vm1, $0x620, v3;
	v4 =	vnsel vm0, $0x620, v10  }
0x50: {  	[tilespmem:$0x100] =	vst v3  }
0x51: {  	s0 =	sadd.s32 s20, s2;
	[tilespmem:$0x120] =	vst v4  }
0x52: {  	[spmem:s1] =	stream.indirect.scatter.add.f32 [tilespmem:s22], [sflag:$0x3], $0x80, s28, s26, $0xb8;
	[tilespmem:$0xCB40] =	vst v63  }
0x53: {  	s15 =	sadd.s32 $0x20, s0;
	s0 =	sadd.s32 $0x30, s0;
	_ =	swait.ge [sflag:s29], $0x3000  }
0x54: {  	p3 =	sgt.u32 s15, $0xC34;
	[sflag:s29] =	ssyncset.done $0x0  }
0x55: {  	s15 =	sadd.s32 @!p3 $0xFFFFFF40, s21;
	s31 =	simm.s32 @!p3 $0x0;
	[sflag:s29] =	ssyncadd.s32 $0xFFFFD000  }
0x56: {  	[tilespmem:s31], [sflag:$0x1] =	stream.linear.gather @!p3 [hbm4b:s15+s31], $0x60, $0x38;
	[tilespmem:$0xCB40] =	vst v63  }
0x57: {  	p2 =	sge.u32 s20, s10;
	s16 =	simm.s32 @!p3 $0x200;
	s15 =	sadd.s32 @!p3 $0xFFFFA000, s30  }
0x58: {  	[tilespmem:s16], [sflag:$0x1] =	stream.linear.gather @!p3 [hbm4b:s15+s31], $0x3000, $0x38;
	[tilespmem:$0xCB40] =	vst v63  }
0x59: {  	s20 =	smov.u32 s14;
	s15 =	simm.s32 @!p2 $0x2  }
0x5a: {  	_ =	swait.ge @!p2 [sflag:s15], $0x60  }
0x5b: {  	[sflag:s15] =	ssyncset.done @!p2 $0x0  }
0x5c: {  	[sflag:s15] =	ssyncadd.s32 @!p2 $0xFFFFFFA0  }
0x5d: {  	_ =	swait.ge @!p2 [sflag:s15], $0x3000  }
0x5e: {  	[sflag:s15] =	ssyncset.done @!p2 $0x0  }
0x5f: {  	[sflag:s15] =	ssyncadd.s32 @!p2 $0xFFFFD000  }
0x60: {  	v3 =	vld @!p2 [tilespmem:$0x80]  }
0x61: {  	v4 =	vld @!p2 [tilespmem:$0x90]  }
0x62: {  	v5 =	vld @!p2 [tilespmem:$0xA0]  }
0x63: {  	v6 =	vld @!p2 [tilespmem:$0xB0]  }
0x64: {  	v7 =	vld @!p2 [tilespmem:$0xD0]  }
0x65: {  	v3 =	vshrl.u32 @!p2 v3, $0x4  }
0x66: {  	vm0 =	vge.u32 @!p2 v3, v0;
	vm1 =	vlt.u32 @!p2 v3, v1;
	v4 =	vshrl.u32 @!p2 v4, $0x4  }
0x67: {  	vm2 =	vge.u32 @!p2 v4, v0;
	vm3 =	vlt.u32 @!p2 v4, v1;
	v5 =	vshrl.u32 @!p2 v5, $0x4  }
0x68: {  	vm4 =	vge.u32 @!p2 v5, v0;
	vm5 =	vlt.u32 @!p2 v5, v1;
	v5 =	vsub.s32 @!p2 v5, v0  }
0x69: {  	vm2 =	vmand @!p2 vm2, vm3;
	v6 =	vshrl.u32 @!p2 v6, $0x4;
	vm3 =	vmand @!p2 vm4, vm5  }
0x6a: {  	vm4 =	vlt.u32 @!p2 v6, v1;
	v5 =	vnsel @!p2 vm3, $0x620, v5;
	vm3 =	vge.u32 @!p2 v6, v0  }
0x6b: {  	vm0 =	vmand @!p2 vm0, vm1;
	[tilespmem:$0x1A0] =	vst @!p2 v5;
	vm1 =	vmand @!p2 vm3, vm4;
	v5 =	vsub.s32 @!p2 v6, v0;
	v6 =	vld @!p2 [tilespmem:$0xC0]  }
0x6c: {  	v7 =	vshrl.u32 @!p2 v7, $0x4;
	v5 =	vnsel @!p2 vm1, $0x620, v5  }
0x6d: {  	v4 =	vsub.s32 @!p2 v4, v0;
	vm3 =	vlt.u32 @!p2 v7, v1;
	vm1 =	vge.u32 @!p2 v7, v0;
	[tilespmem:$0x1B0] =	vst @!p2 v5  }
0x6e: {  	v4 =	vnsel @!p2 vm2, $0x620, v4;
	vm1 =	vmand @!p2 vm1, vm3;
	v5 =	vsub.s32 @!p2 v7, v0  }
0x6f: {  	v3 =	vsub.s32 @!p2 v3, v0;
	[tilespmem:$0x190] =	vst @!p2 v4;
	v4 =	vnsel @!p2 vm1, $0x620, v5  }
0x70: {  	v3 =	vnsel @!p2 vm0, $0x620, v3;
	v5 =	vshrl.u32 @!p2 v6, $0x4;
	[tilespmem:$0x1D0] =	vst @!p2 v4  }
0x71: {  	[tilespmem:$0x180] =	vst @!p2 v3;
	vm0 =	vge.u32 @!p2 v5, v0;
	vm1 =	vlt.u32 @!p2 v5, v1;
	v3 =	vsub.s32 @!p2 v5, v0  }
0x72: {  	vm0 =	vmand @!p2 vm0, vm1  }
0x73: {  	s14 =	simm.s32 @!p2 $0x3;
	v3 =	vnsel @!p2 vm0, $0x620, v3  }
0x74: {  	s16 =	simm.s32 @!p2 $0x180;
	s31 =	simm.s32 @!p2 $0x3200;
	s15 =	simm.s32 @!p2 $0x60;
	[tilespmem:$0x1C0] =	vst @!p2 v3  }
0x75: {  	[spmem:s1] =	stream.indirect.scatter.add.f32 @!p2 [tilespmem:s31], [sflag:$0x3], $0x80, s16, s15, $0xb8;
	[tilespmem:$0xCB40] =	vst v63  }
0x76: {  	p3 =	sgt.u32 s0, $0xC34;
	_ =	swait.ge @!p2 [sflag:s14], $0x3000  }
0x77: {  	s0 =	simm.s32 @!p3 $0x0;
	s15 =	simm.s32 @!p3 $0x80;
	[sflag:s14] =	ssyncset.done @!p2 $0x0  }
0x78: {  	[sflag:s14] =	ssyncadd.s32 @!p2 $0xFFFFD000  }
0x79: {  	[tilespmem:s15], [sflag:$0x2] =	stream.linear.gather @!p3 [hbm4b:s21+s0], $0x60, $0x38;
	[tilespmem:$0xCB40] =	vst v63  }
0x7a: {  	s14 =	simm.s32 @!p3 $0x3200;
	s21 =	smov.u32 s11  }
0x7b: {  	[tilespmem:s14], [sflag:$0x2] =	stream.linear.gather @!p3 [hbm4b:s30+s0], $0x3000, $0x38;
	[tilespmem:$0xCB40] =	vst v63  }
0x7c: {  	s30 =	smov.u32 s8;
	_ =	swait.ge [sflag:s25], $0x60  }
0x7d: {  	[sflag:s25] =	ssyncset.done $0x0  }
0x7e: {  	[sflag:s25] =	ssyncadd.s32 $0xFFFFFFA0  }
0x7f: {  	_ =	swait.ge [sflag:s25], $0x3000  }
0x80: {  	[sflag:s25] =	ssyncset.done $0x0  }
0x81: {  	[sflag:s25] =	ssyncadd.s32 $0xFFFFD000  }
0x82: {  	v4 =	vld [tilespmem:$0x10]  }
0x83: {  	v5 =	vld [tilespmem:$0x50]  }
0x84: {  	v8 =	vld [tilespmem:$0x20]  }
0x85: {  	v10 =	vld [tilespmem:$0x30]  }
.Ltmp1:
0x86: {  	v3 =	vld [tilespmem:$0x0];
	(pc) =	sbr.rel @p1 .LBB2_4-.Ltmp1, $4  }
0x87: {  	v4 =	vshrl.u32 v4, $0x4;
	v7 =	vld [tilespmem:$0x40]  }
0x88: {  	vm0 =	vge.u32 v4, v0;
	vm1 =	vlt.u32 v4, v1;
	v6 =	vshrl.u32 v5, $0x4  }
0x89: {  	v9 =	vsub.s32 v4, v0;
	vm1 =	vmand vm0, vm1;
	v5 =	vsub.s32 v6, v0  }
0x8a: {  	v4 =	vshrl.u32 v8, $0x4;
	vm0 =	vlt.u32 v6, v1;
	v8 =	vshrl.u32 v10, $0x4  }
0x8b: {  	v9 =	vnsel vm1, $0x620, v9  }
0x8c: {  	v10 =	vsub.s32 v8, v0;
	vm1 =	vlt.u32 v8, v1;
	vm2 =	vge.u32 v6, v0  }
0x8d: {  	vm3 =	vge.u32 v8, v0;
	v3 =	vshrl.u32 v3, $0x4;
	v7 =	vshrl.u32 v7, $0x4  }
0x8e: {  	vm0 =	vmand vm2, vm0;
	vm1 =	vmand vm3, vm1;
	vm3 =	vlt.u32 v4, v1  }
0x8f: {  	vm15 =	vlt.u32 v3, v1;
	vm4 =	vge.u32 v7, v0;
	vm2 =	vlt.u32 v7, v1  }
0x90: {  	[tilespmem:$0x110] =	vst v9;
	v6 =	vnsel vm1, $0x620, v10;
	v5 =	vnsel vm0, $0x620, v5;
	vm0 =	vge.u32 v4, v0  }
0x91: {  	v4 =	vsub.s32 v4, v0;
	vm1 =	vmand vm4, vm2;
	[tilespmem:$0x130] =	vst v6;
	v6 =	vsub.s32 v7, v0  }
0x92: {  	vm2 =	vge.u32 v3, v0;
	[tilespmem:$0x150] =	vst v5;
	vm0 =	vmand vm0, vm3;
	v6 =	vnsel vm1, $0x620, v6  }
0x93: {  	v3 =	vsub.s32 v3, v0;
	vm1 =	vmand vm2, vm15;
	v4 =	vnsel vm0, $0x620, v4;
	[tilespmem:$0x140] =	vst v6  }
0x94: {  	v3 =	vnsel vm1, $0x620, v3;
	[tilespmem:$0x120] =	vst v4  }
0x95: {  	s0 =	sadd.s32 s20, s2;
	[tilespmem:$0x100] =	vst v3  }
0x96: {  	[spmem:s1] =	stream.indirect.scatter.add.f32 [tilespmem:s22], [sflag:$0x3], $0x80, s28, s26, $0xb8;
	[tilespmem:$0xCB40] =	vst v63  }
0x97: {  	s8 =	sadd.s32 $0x20, s0;
	_ =	swait.ge [sflag:s29], $0x3000  }
0x98: {  	p2 =	sgt.u32 s8, $0xC34;
	[sflag:s29] =	ssyncset.done $0x0  }
0x99: {  	s8 =	sadd.s32 @!p2 $0xFFFFFF40, s21;
	s9 =	simm.s32 @!p2 $0x0;
	[sflag:s29] =	ssyncadd.s32 $0xFFFFD000  }
0x9a: {  	[tilespmem:s9], [sflag:$0x1] =	stream.linear.gather @!p2 [hbm4b:s8+s9], $0x60, $0x38;
	[tilespmem:$0xCB40] =	vst v63  }
0x9b: {  	p1 =	sge.u32 s20, s10;
	s11 =	simm.s32 @!p2 $0x200;
	s8 =	sadd.s32 @!p2 $0xFFFFA000, s30  }
0x9c: {  	[tilespmem:s11], [sflag:$0x1] =	stream.linear.gather @!p2 [hbm4b:s8+s9], $0x3000, $0x38;
	[tilespmem:$0xCB40] =	vst v63  }
0x9d: {  	s8 =	simm.s32 @!p1 $0x2  }
0x9e: {  	_ =	swait.ge @!p1 [sflag:s8], $0x60  }
0x9f: {  	[sflag:s8] =	ssyncset.done @!p1 $0x0  }
0xa0: {  	[sflag:s8] =	ssyncadd.s32 @!p1 $0xFFFFFFA0  }
0xa1: {  	_ =	swait.ge @!p1 [sflag:s8], $0x3000  }
0xa2: {  	[sflag:s8] =	ssyncset.done @!p1 $0x0  }
0xa3: {  	[sflag:s8] =	ssyncadd.s32 @!p1 $0xFFFFD000  }
0xa4: {  	v3 =	vld @!p1 [tilespmem:$0x80]  }
0xa5: {  	v4 =	vld @!p1 [tilespmem:$0x90]  }
0xa6: {  	v5 =	vld @!p1 [tilespmem:$0xA0]  }
0xa7: {  	v6 =	vld @!p1 [tilespmem:$0xB0]  }
0xa8: {  	v7 =	vld @!p1 [tilespmem:$0xD0];
	_ =	sdelay $0x3  }
0xa9: {  	v3 =	vshrl.u32 @!p1 v3, $0x4;
	v4 =	vshrl.u32 @!p1 v4, $0x4  }
0xaa: {  	v5 =	vshrl.u32 @!p1 v5, $0x4;
	v6 =	vshrl.u32 @!p1 v6, $0x4;
	v7 =	vshrl.u32 @!p1 v7, $0x4  }
0xab: {  	vm0 =	vge.u32 @!p1 v3, v0;
	vm1 =	vlt.u32 @!p1 v3, v1;
	vm2 =	vge.u32 @!p1 v4, v0  }
0xac: {  	vm3 =	vge.u32 @!p1 v5, v0;
	vm4 =	vlt.u32 @!p1 v5, v1;
	vm5 =	vlt.u32 @!p1 v4, v1  }
0xad: {  	v8 =	vld @!p1 [tilespmem:$0xC0];
	v5 =	vsub.s32 @!p1 v5, v0;
	v4 =	vsub.s32 @!p1 v4, v0;
	v3 =	vsub.s32 @!p1 v3, v0  }
0xae: {  	vm3 =	vmand @!p1 vm3, vm4;
	vm2 =	vmand @!p1 vm2, vm5;
	vm4 =	vlt.u32 @!p1 v6, v1  }
0xaf: {  	vm0 =	vmand @!p1 vm0, vm1;
	v5 =	vnsel @!p1 vm3, $0x620, v5;
	vm3 =	vge.u32 @!p1 v6, v0  }
0xb0: {  	v6 =	vsub.s32 @!p1 v6, v0;
	v4 =	vnsel @!p1 vm2, $0x620, v4;
	vm1 =	vmand @!p1 vm3, vm4  }
0xb1: {  	vm3 =	vge.u32 @!p1 v7, v0;
	vm4 =	vlt.u32 @!p1 v7, v1;
	[tilespmem:$0x1A0] =	vst @!p1 v5;
	v5 =	vnsel @!p1 vm1, $0x620, v6  }
0xb2: {  	vm1 =	vmand @!p1 vm3, vm4;
	v6 =	vshrl.u32 @!p1 v8, $0x4;
	[tilespmem:$0x1B0] =	vst @!p1 v5;
	v5 =	vsub.s32 @!p1 v7, v0  }
0xb3: {  	[tilespmem:$0x190] =	vst @!p1 v4;
	vm2 =	vlt.u32 @!p1 v6, v1;
	v4 =	vnsel @!p1 vm1, $0x620, v5;
	vm1 =	vge.u32 @!p1 v6, v0  }
0xb4: {  	v3 =	vnsel @!p1 vm0, $0x620, v3;
	[tilespmem:$0x1D0] =	vst @!p1 v4;
	v4 =	vsub.s32 @!p1 v6, v0;
	vm0 =	vmand @!p1 vm1, vm2  }
0xb5: {  	s14 =	simm.s32 @!p1 $0x3200;
	[tilespmem:$0x180] =	vst @!p1 v3;
	v3 =	vnsel @!p1 vm0, $0x620, v4  }
0xb6: {  	s9 =	simm.s32 @!p1 $0x60;
	s11 =	simm.s32 @!p1 $0x180;
	s8 =	simm.s32 @!p1 $0x3;
	[tilespmem:$0x1C0] =	vst @!p1 v3  }
0xb7: {  	[spmem:s1] =	stream.indirect.scatter.add.f32 @!p1 [tilespmem:s14], [sflag:$0x3], $0x80, s11, s9, $0xb8;
	[tilespmem:$0xCB40] =	vst v63  }
0xb8: {  	s0 =	sadd.s32 $0x30, s0;
	_ =	swait.ge @!p1 [sflag:s8], $0x3000  }
0xb9: {  	p2 =	sgt.u32 s0, $0xC34;
	[sflag:s8] =	ssyncset.done @!p1 $0x0  }
0xba: {  	s0 =	simm.s32 @!p2 $0x0;
	s9 =	simm.s32 @!p2 $0x80;
	[sflag:s8] =	ssyncadd.s32 @!p1 $0xFFFFD000  }
0xbb: {  	[tilespmem:s9], [sflag:$0x2] =	stream.linear.gather @!p2 [hbm4b:s21+s0], $0x60, $0x38;
	[tilespmem:$0xCB40] =	vst v63  }
0xbc: {  	s8 =	simm.s32 @!p2 $0x3200  }
0xbd: {  	[tilespmem:s8], [sflag:$0x2] =	stream.linear.gather @!p2 [hbm4b:s30+s0], $0x3000, $0x38;
	[tilespmem:$0xCB40] =	vst v63  }
0xbe: {  	[bflag:$0x0] =	sbarrier.arrive $0xFFFF  }
0xbf: {  	s0 =	sshll.u32 @!p0 s2, $0x6;
	[bflag:$0x0] =	sbarrier.arrive @p0 $0xFFFF  }
0xc0: {  	s31 =	sshrl.u32 @!p0 s4, $0x3;
	s30 =	sor.u32 @!p0 $0x1C03, s0;
	s0 =	rddreg [dreg:$0x6]  }
0xc1: {  	[hbm:s0], [sflag:s30] =	dma.local @!p0 [spmem:s31], $0xE00  }
0xc2: {  	s0 =	simm.s32 @!p0 $0x3  }
0xc3: {  	_ =	swait.ge @!p0 [sflag:s0], $0xE00  }
0xc4: {  	[sflag:s0] =	ssyncset.done @!p0 $0x0  }
0xc5: {  	[sflag:s0] =	ssyncadd.s32 @!p0 $0xFFFFF200  }
0xc6: {  	s8 =	simm.s32 @!p0 $0x6200;
	[bflag:$0x0] =	sbarrier.arrive @!p0 $0xFFFF  }
0xc7: {  	[spmem:s4] =	stream.linear.scatter @!p0 [tilespmem:s8], [sflag:$0x3], $0x3800, $0x38;
	[tilespmem:$0xCB40] =	vst v63  }
0xc8: {  	_ =	swait.ge @!p0 [sflag:s0], $0x3800  }
0xc9: {  	[sflag:s0] =	ssyncset.done @!p0 $0x0  }
0xca: {  	[sflag:s0] =	ssyncadd.s32 @!p0 $0xFFFFC800  }
0xcb: {  	[spmem:s5] =	stream.linear.scatter @!p0 [tilespmem:s8], [sflag:$0x3], $0x3800, $0x38;
	[tilespmem:$0xCB40] =	vst v63  }
0xcc: {  	_ =	swait.ge @!p0 [sflag:s0], $0x3800  }
0xcd: {  	[sflag:s0] =	ssyncset.done @!p0 $0x0  }
0xce: {  	[sflag:s0] =	ssyncadd.s32 @!p0 $0xFFFFC800  }
0xcf: {  	s9 =	simm.s32 $0x0;
	[bflag:$0x0] =	sbarrier.arrive $0xFFFF  }
0xd0: {  	[tilespmem:s9], [sflag:$0x1] =	stream.linear.gather [hbm4b:s12+s9], $0x60, $0x38;
	[tilespmem:$0xCB40] =	vst v63  }
0xd1: {  	_ = 	snop  }
0xd2: {  	[tilespmem:s22], [sflag:$0x1] =	stream.linear.gather [hbm4b:s13+s9], $0x3000, $0x38;
	[tilespmem:$0xCB40] =	vst v63  }
0xd3: {  	s20 =	rddreg [dreg:$0x7]  }
0xd4: {  	[tilespmem:s6], [sflag:$0x2] =	stream.linear.gather [hbm4b:s20+s9], $0x60, $0x38;
	[tilespmem:$0xCB40] =	vst v63  }
0xd5: {  	s21 =	rddreg [dreg:$0x8]  }
0xd6: {  	[tilespmem:s17], [sflag:$0x2] =	stream.linear.gather [hbm4b:s21+s9], $0x3000, $0x38;
	[tilespmem:$0xCB40] =	vst v63  }
0xd7: {  	_ =	swait.ge [sflag:s25], $0x60  }
0xd8: {  	[sflag:s25] =	ssyncset.done $0x0  }
0xd9: {  	[sflag:s25] =	ssyncadd.s32 $0xFFFFFFA0  }
0xda: {  	_ =	swait.ge [sflag:s25], $0x3000  }
0xdb: {  	[sflag:s25] =	ssyncset.done $0x0  }
0xdc: {  	[sflag:s25] =	ssyncadd.s32 $0xFFFFD000  }
0xdd: {  	v3 =	vld [tilespmem:$0x10]  }
0xde: {  	v4 =	vld [tilespmem:$0x50]  }
0xdf: {  	v8 =	vld [tilespmem:$0x20]  }
0xe0: {  	v10 =	vld [tilespmem:$0x30];
	_ =	sdelay $0x3  }
0xe1: {  	v5 =	vshrl.u32 v3, $0x4  }
0xe2: {  	v7 =	vld [tilespmem:$0x40];
	v6 =	vshrl.u32 v4, $0x4;
	v4 =	vshrl.u32 v8, $0x4;
	v8 =	vshrl.u32 v10, $0x4  }
0xe3: {  	s11 =	simm.s32 $0x20;
	s8 =	smov.u32 s23;
	vm0 =	vge.u32 v5, v0;
	vm1 =	vlt.u32 v5, v1;
	v9 =	vsub.s32 v5, v0  }
0xe4: {  	s0 =	smov.u32 s24;
	s20 =	smov.u32 s23;
	s21 =	smov.u32 s24;
	v3 =	vld [tilespmem:$0x0];
	v5 =	vsub.s32 v6, v0;
	vm1 =	vmand vm0, vm1;
	vm0 =	vlt.u32 v6, v1  }
.LBB2_6:
0xe5: {  	s8 =	sadd.s32 $0x180, s8  }
0xe6: {  	v9 =	vnsel vm1, $0x620, v9;
	v10 =	vsub.s32 v4, v0;
	v11 =	vsub.s32 v8, v0;
	s0 =	sadd.s32 $0xC000, s0;
	s15 =	smov.u32 s11;
	s11 =	sadd.s32 $0x20, s11  }
0xe7: {  	vm1 =	vlt.u32 v8, v1;
	vm2 =	vge.u32 v6, v0;
	p1 =	sne.s32 s11, $0xC40;
	v7 =	vshrl.u32 v7, $0x4  }
0xe8: {  	vm3 =	vge.u32 v8, v0;
	vm0 =	vmand vm2, vm0;
	vm4 =	vge.u32 v7, v0  }
0xe9: {  	vm2 =	vlt.u32 v4, v1;
	vm1 =	vmand vm3, vm1;
	vm3 =	vlt.u32 v7, v1;
	[tilespmem:$0x110] =	vst v9  }
0xea: {  	v6 =	vnsel vm1, $0x620, v11;
	v5 =	vnsel vm0, $0x620, v5;
	vm1 =	vmand vm4, vm3  }
0xeb: {  	v3 =	vshrl.u32 v3, $0x4;
	vm0 =	vge.u32 v4, v0;
	v4 =	vsub.s32 v7, v0;
	[tilespmem:$0x130] =	vst v6  }
0xec: {  	vm3 =	vge.u32 v3, v0;
	vm4 =	vlt.u32 v3, v1;
	v4 =	vnsel vm1, $0x620, v4;
	[tilespmem:$0x150] =	vst v5  }
0xed: {  	v3 =	vsub.s32 v3, v0;
	vm0 =	vmand vm0, vm2;
	vm1 =	vmand vm3, vm4;
	[tilespmem:$0x140] =	vst v4  }
0xee: {  	v3 =	vnsel vm1, $0x620, v3;
	v4 =	vnsel vm0, $0x620, v10  }
0xef: {  	[tilespmem:$0x100] =	vst v3  }
0xf0: {  	s14 =	sadd.s32 s9, s2;
	[tilespmem:$0x120] =	vst v4  }
0xf1: {  	[spmem:s1] =	stream.indirect.scatter.add.f32 [tilespmem:s22], [sflag:$0x3], $0x80, s28, s26, $0xb8;
	[tilespmem:$0xCB40] =	vst v63  }
0xf2: {  	s16 =	sadd.s32 $0x20, s14;
	s14 =	sadd.s32 $0x30, s14;
	_ =	swait.ge [sflag:s29], $0x3000  }
0xf3: {  	p3 =	sgt.u32 s16, $0xC34;
	[sflag:s29] =	ssyncset.done $0x0  }
0xf4: {  	s16 =	sadd.s32 @!p3 $0xFFFFFF40, s20;
	s17 =	simm.s32 @!p3 $0x0;
	[sflag:s29] =	ssyncadd.s32 $0xFFFFD000  }
0xf5: {  	[tilespmem:s17], [sflag:$0x1] =	stream.linear.gather @!p3 [hbm4b:s16+s17], $0x60, $0x38;
	[tilespmem:$0xCB40] =	vst v63  }
0xf6: {  	p2 =	sge.u32 s9, s10;
	s6 =	simm.s32 @!p3 $0x200;
	s16 =	sadd.s32 @!p3 $0xFFFFA000, s21  }
0xf7: {  	[tilespmem:s6], [sflag:$0x1] =	stream.linear.gather @!p3 [hbm4b:s16+s17], $0x3000, $0x38;
	[tilespmem:$0xCB40] =	vst v63  }
0xf8: {  	s9 =	smov.u32 s15;
	s6 =	simm.s32 @!p2 $0x2  }
0xf9: {  	_ =	swait.ge @!p2 [sflag:s6], $0x60  }
0xfa: {  	[sflag:s6] =	ssyncset.done @!p2 $0x0  }
0xfb: {  	[sflag:s6] =	ssyncadd.s32 @!p2 $0xFFFFFFA0  }
0xfc: {  	_ =	swait.ge @!p2 [sflag:s6], $0x3000  }
0xfd: {  	[sflag:s6] =	ssyncset.done @!p2 $0x0  }
0xfe: {  	[sflag:s6] =	ssyncadd.s32 @!p2 $0xFFFFD000  }
0xff: {  	v3 =	vld @!p2 [tilespmem:$0x80]  }
0x100: {  	v4 =	vld @!p2 [tilespmem:$0x90]  }
0x101: {  	v5 =	vld @!p2 [tilespmem:$0xA0]  }
0x102: {  	v6 =	vld @!p2 [tilespmem:$0xB0]  }
0x103: {  	v7 =	vld @!p2 [tilespmem:$0xD0]  }
0x104: {  	v3 =	vshrl.u32 @!p2 v3, $0x4  }
0x105: {  	vm0 =	vge.u32 @!p2 v3, v0;
	vm1 =	vlt.u32 @!p2 v3, v1;
	v4 =	vshrl.u32 @!p2 v4, $0x4  }
0x106: {  	vm2 =	vge.u32 @!p2 v4, v0;
	vm3 =	vlt.u32 @!p2 v4, v1;
	v5 =	vshrl.u32 @!p2 v5, $0x4  }
0x107: {  	vm4 =	vge.u32 @!p2 v5, v0;
	vm5 =	vlt.u32 @!p2 v5, v1;
	v5 =	vsub.s32 @!p2 v5, v0  }
0x108: {  	vm2 =	vmand @!p2 vm2, vm3;
	v6 =	vshrl.u32 @!p2 v6, $0x4;
	vm3 =	vmand @!p2 vm4, vm5  }
0x109: {  	vm4 =	vlt.u32 @!p2 v6, v1;
	v5 =	vnsel @!p2 vm3, $0x620, v5;
	vm3 =	vge.u32 @!p2 v6, v0  }
0x10a: {  	vm0 =	vmand @!p2 vm0, vm1;
	[tilespmem:$0x1A0] =	vst @!p2 v5;
	vm1 =	vmand @!p2 vm3, vm4;
	v5 =	vsub.s32 @!p2 v6, v0;
	v6 =	vld @!p2 [tilespmem:$0xC0]  }
0x10b: {  	v7 =	vshrl.u32 @!p2 v7, $0x4;
	v5 =	vnsel @!p2 vm1, $0x620, v5  }
0x10c: {  	v4 =	vsub.s32 @!p2 v4, v0;
	vm3 =	vlt.u32 @!p2 v7, v1;
	vm1 =	vge.u32 @!p2 v7, v0;
	[tilespmem:$0x1B0] =	vst @!p2 v5  }
0x10d: {  	v4 =	vnsel @!p2 vm2, $0x620, v4;
	vm1 =	vmand @!p2 vm1, vm3;
	v5 =	vsub.s32 @!p2 v7, v0  }
0x10e: {  	v3 =	vsub.s32 @!p2 v3, v0;
	[tilespmem:$0x190] =	vst @!p2 v4;
	v4 =	vnsel @!p2 vm1, $0x620, v5  }
0x10f: {  	v3 =	vnsel @!p2 vm0, $0x620, v3;
	v5 =	vshrl.u32 @!p2 v6, $0x4;
	[tilespmem:$0x1D0] =	vst @!p2 v4  }
0x110: {  	[tilespmem:$0x180] =	vst @!p2 v3;
	vm0 =	vge.u32 @!p2 v5, v0;
	vm1 =	vlt.u32 @!p2 v5, v1;
	v3 =	vsub.s32 @!p2 v5, v0  }
0x111: {  	vm0 =	vmand @!p2 vm0, vm1  }
0x112: {  	s6 =	simm.s32 @!p2 $0x3;
	v3 =	vnsel @!p2 vm0, $0x620, v3  }
0x113: {  	s15 =	simm.s32 @!p2 $0x60;
	s16 =	simm.s32 @!p2 $0x180;
	s17 =	simm.s32 @!p2 $0x3200;
	[tilespmem:$0x1C0] =	vst @!p2 v3  }
0x114: {  	[spmem:s1] =	stream.indirect.scatter.add.f32 @!p2 [tilespmem:s17], [sflag:$0x3], $0x80, s16, s15, $0xb8;
	[tilespmem:$0xCB40] =	vst v63  }
0x115: {  	p3 =	sgt.u32 s14, $0xC34;
	_ =	swait.ge @!p2 [sflag:s6], $0x3000  }
0x116: {  	s14 =	simm.s32 @!p3 $0x0;
	s15 =	simm.s32 @!p3 $0x80;
	[sflag:s6] =	ssyncset.done @!p2 $0x0  }
0x117: {  	[sflag:s6] =	ssyncadd.s32 @!p2 $0xFFFFD000  }
0x118: {  	[tilespmem:s15], [sflag:$0x2] =	stream.linear.gather @!p3 [hbm4b:s20+s14], $0x60, $0x38;
	[tilespmem:$0xCB40] =	vst v63  }
0x119: {  	s6 =	simm.s32 @!p3 $0x3200;
	s20 =	smov.u32 s8  }
0x11a: {  	[tilespmem:s6], [sflag:$0x2] =	stream.linear.gather @!p3 [hbm4b:s21+s14], $0x3000, $0x38;
	[tilespmem:$0xCB40] =	vst v63  }
0x11b: {  	s21 =	smov.u32 s0;
	_ =	swait.ge [sflag:s25], $0x60  }
0x11c: {  	[sflag:s25] =	ssyncset.done $0x0  }
0x11d: {  	[sflag:s25] =	ssyncadd.s32 $0xFFFFFFA0  }
0x11e: {  	_ =	swait.ge [sflag:s25], $0x3000  }
0x11f: {  	[sflag:s25] =	ssyncset.done $0x0  }
0x120: {  	[sflag:s25] =	ssyncadd.s32 $0xFFFFD000  }
0x121: {  	v4 =	vld [tilespmem:$0x10]  }
0x122: {  	v5 =	vld [tilespmem:$0x50]  }
0x123: {  	v8 =	vld [tilespmem:$0x20]  }
0x124: {  	v10 =	vld [tilespmem:$0x30]  }
.Ltmp2:
0x125: {  	v3 =	vld [tilespmem:$0x0];
	(pc) =	sbr.rel @p1 .LBB2_6-.Ltmp2, $4  }
0x126: {  	v4 =	vshrl.u32 v4, $0x4;
	v7 =	vld [tilespmem:$0x40]  }
0x127: {  	vm0 =	vge.u32 v4, v0;
	vm1 =	vlt.u32 v4, v1;
	v6 =	vshrl.u32 v5, $0x4  }
0x128: {  	v9 =	vsub.s32 v4, v0;
	vm1 =	vmand vm0, vm1;
	v5 =	vsub.s32 v6, v0  }
0x129: {  	v4 =	vshrl.u32 v8, $0x4;
	vm0 =	vlt.u32 v6, v1;
	v8 =	vshrl.u32 v10, $0x4  }
0x12a: {  	v9 =	vnsel vm1, $0x620, v9  }
0x12b: {  	v10 =	vsub.s32 v8, v0;
	vm8 =	vlt.u32 v8, v1;
	vm2 =	vge.u32 v6, v0  }
0x12c: {  	vm3 =	vge.u32 v8, v0;
	vm10 =	vlt.u32 v4, v1;
	v3 =	vshrl.u32 v3, $0x4  }
0x12d: {  	vm12 =	vge.u32 v4, v0;
	v63 =	vsub.s32 v4, v0;
	v7 =	vshrl.u32 v7, $0x4  }
0x12e: {  	vm0 =	vmand vm2, vm0;
	vm1 =	vmand vm3, vm8;
	vm13 =	vge.u32 v3, v0  }
0x12f: {  	[tilespmem:$0x110] =	vst v9;
	vm14 =	vlt.u32 v3, v1;
	v3 =	vsub.s32 v3, v0;
	v61 =	vnsel vm1, $0x620, v10  }
0x130: {  	vm4 =	vge.u32 v7, v0;
	v5 =	vnsel vm0, $0x620, v5;
	vm15 =	vmand vm13, vm14;
	[tilespmem:$0x130] =	vst v61  }
0x131: {  	vm9 =	vlt.u32 v7, v1;
	vm0 =	vmand vm12, vm10;
	[tilespmem:$0x150] =	vst v5;
	v3 =	vnsel vm15, $0x620, v3  }
0x132: {  	v62 =	vsub.s32 v7, v0;
	vm11 =	vmand vm4, vm9;
	v4 =	vnsel vm0, $0x620, v63;
	[tilespmem:$0x100] =	vst v3  }
0x133: {  	v6 =	vnsel vm11, $0x620, v62;
	[tilespmem:$0x120] =	vst v4  }
0x134: {  	s0 =	sadd.s32 s9, s2;
	[tilespmem:$0x140] =	vst v6  }
0x135: {  	[spmem:s1] =	stream.indirect.scatter.add.f32 [tilespmem:s22], [sflag:$0x3], $0x80, s28, s26, $0xb8;
	[tilespmem:$0xCB40] =	vst v63  }
0x136: {  	s6 =	sadd.s32 $0x20, s0;
	_ =	swait.ge [sflag:s29], $0x3000  }
0x137: {  	p2 =	sgt.u32 s6, $0xC34;
	[sflag:s29] =	ssyncset.done $0x0  }
0x138: {  	s6 =	sadd.s32 @!p2 $0xFFFFFF40, s20;
	s8 =	simm.s32 @!p2 $0x0;
	[sflag:s29] =	ssyncadd.s32 $0xFFFFD000  }
0x139: {  	[tilespmem:s8], [sflag:$0x1] =	stream.linear.gather @!p2 [hbm4b:s6+s8], $0x60, $0x38;
	[tilespmem:$0xCB40] =	vst v63  }
0x13a: {  	p1 =	sge.u32 s9, s10;
	s11 =	simm.s32 @!p2 $0x200;
	s6 =	sadd.s32 @!p2 $0xFFFFA000, s21  }
0x13b: {  	[tilespmem:s11], [sflag:$0x1] =	stream.linear.gather @!p2 [hbm4b:s6+s8], $0x3000, $0x38;
	[tilespmem:$0xCB40] =	vst v63  }
0x13c: {  	s6 =	simm.s32 @!p1 $0x2  }
0x13d: {  	_ =	swait.ge @!p1 [sflag:s6], $0x60  }
0x13e: {  	[sflag:s6] =	ssyncset.done @!p1 $0x0  }
0x13f: {  	[sflag:s6] =	ssyncadd.s32 @!p1 $0xFFFFFFA0  }
0x140: {  	_ =	swait.ge @!p1 [sflag:s6], $0x3000  }
0x141: {  	[sflag:s6] =	ssyncset.done @!p1 $0x0  }
0x142: {  	[sflag:s6] =	ssyncadd.s32 @!p1 $0xFFFFD000  }
0x143: {  	v3 =	vld @!p1 [tilespmem:$0x80]  }
0x144: {  	v4 =	vld @!p1 [tilespmem:$0x90]  }
0x145: {  	v5 =	vld @!p1 [tilespmem:$0xA0]  }
0x146: {  	v6 =	vld @!p1 [tilespmem:$0xB0]  }
0x147: {  	v7 =	vld @!p1 [tilespmem:$0xD0];
	_ =	sdelay $0x3  }
0x148: {  	v3 =	vshrl.u32 @!p1 v3, $0x4;
	v4 =	vshrl.u32 @!p1 v4, $0x4  }
0x149: {  	v5 =	vshrl.u32 @!p1 v5, $0x4;
	v6 =	vshrl.u32 @!p1 v6, $0x4;
	v7 =	vshrl.u32 @!p1 v7, $0x4  }
0x14a: {  	vm0 =	vge.u32 @!p1 v3, v0;
	vm1 =	vlt.u32 @!p1 v3, v1;
	vm2 =	vge.u32 @!p1 v4, v0  }
0x14b: {  	vm3 =	vge.u32 @!p1 v5, v0;
	vm4 =	vlt.u32 @!p1 v5, v1;
	vm5 =	vlt.u32 @!p1 v4, v1  }
0x14c: {  	v8 =	vld @!p1 [tilespmem:$0xC0];
	v5 =	vsub.s32 @!p1 v5, v0;
	v4 =	vsub.s32 @!p1 v4, v0;
	v3 =	vsub.s32 @!p1 v3, v0  }
0x14d: {  	vm3 =	vmand @!p1 vm3, vm4;
	vm2 =	vmand @!p1 vm2, vm5;
	vm4 =	vlt.u32 @!p1 v6, v1  }
0x14e: {  	vm0 =	vmand @!p1 vm0, vm1;
	v5 =	vnsel @!p1 vm3, $0x620, v5;
	vm3 =	vge.u32 @!p1 v6, v0  }
0x14f: {  	v6 =	vsub.s32 @!p1 v6, v0;
	v4 =	vnsel @!p1 vm2, $0x620, v4;
	vm1 =	vmand @!p1 vm3, vm4  }
0x150: {  	vm3 =	vge.u32 @!p1 v7, v0;
	vm4 =	vlt.u32 @!p1 v7, v1;
	[tilespmem:$0x1A0] =	vst @!p1 v5;
	v5 =	vnsel @!p1 vm1, $0x620, v6  }
0x151: {  	vm1 =	vmand @!p1 vm3, vm4;
	v6 =	vshrl.u32 @!p1 v8, $0x4;
	[tilespmem:$0x1B0] =	vst @!p1 v5;
	v5 =	vsub.s32 @!p1 v7, v0  }
0x152: {  	[tilespmem:$0x190] =	vst @!p1 v4;
	vm2 =	vlt.u32 @!p1 v6, v1;
	v4 =	vnsel @!p1 vm1, $0x620, v5;
	vm1 =	vge.u32 @!p1 v6, v0  }
0x153: {  	v3 =	vnsel @!p1 vm0, $0x620, v3;
	[tilespmem:$0x1D0] =	vst @!p1 v4;
	v4 =	vsub.s32 @!p1 v6, v0;
	vm0 =	vmand @!p1 vm1, vm2  }
0x154: {  	s9 =	simm.s32 @!p1 $0x180;
	[tilespmem:$0x180] =	vst @!p1 v3;
	v3 =	vnsel @!p1 vm0, $0x620, v4  }
0x155: {  	s8 =	simm.s32 @!p1 $0x60;
	s11 =	simm.s32 @!p1 $0x3200;
	s6 =	simm.s32 @!p1 $0x3;
	[tilespmem:$0x1C0] =	vst @!p1 v3  }
0x156: {  	[spmem:s1] =	stream.indirect.scatter.add.f32 @!p1 [tilespmem:s11], [sflag:$0x3], $0x80, s9, s8, $0xb8;
	[tilespmem:$0xCB40] =	vst v63  }
0x157: {  	s0 =	sadd.s32 $0x30, s0;
	_ =	swait.ge @!p1 [sflag:s6], $0x3000  }
0x158: {  	p2 =	sgt.u32 s0, $0xC34;
	[sflag:s6] =	ssyncset.done @!p1 $0x0  }
0x159: {  	s0 =	simm.s32 @!p2 $0x0;
	s8 =	simm.s32 @!p2 $0x80;
	[sflag:s6] =	ssyncadd.s32 @!p1 $0xFFFFD000  }
0x15a: {  	[tilespmem:s8], [sflag:$0x2] =	stream.linear.gather @!p2 [hbm4b:s20+s0], $0x60, $0x38;
	[tilespmem:$0xCB40] =	vst v63  }
0x15b: {  	s6 =	simm.s32 @!p2 $0x3200  }
0x15c: {  	[tilespmem:s6], [sflag:$0x2] =	stream.linear.gather @!p2 [hbm4b:s21+s0], $0x3000, $0x38;
	[tilespmem:$0xCB40] =	vst v63  }
0x15d: {  	[bflag:$0x0] =	sbarrier.arrive $0xFFFF  }
0x15e: {  	s0 =	rddreg [dreg:$0x9]  }
0x15f: {  	[hbm:s0], [sflag:s30] =	dma.local @!p0 [spmem:s31], $0xE00  }
0x160: {  	s0 =	simm.s32 @!p0 $0x3  }
0x161: {  	_ =	swait.ge @!p0 [sflag:s0], $0xE00  }
0x162: {  	s3 =	sadd.s32 $0x1, s3;
	s31 =	rddreg [dreg:$0xa]  }
0x163: {  	p1 =	sne.s32 s3, s31  }
.Ltmp3:
0x164: {  	_ = 	snop;
	(pc) =	sbr.rel @p1 .LBB2_1-.Ltmp3, $4  }
0x165: {  	[sflag:s0] =	ssyncset.done @!p0 $0x0  }
0x166: {  	[sflag:s0] =	ssyncadd.s32 @!p0 $0xFFFFF200  }
0x167: {  	[bflag:$0x0] =	sbarrier.arrive $0xFFFF  }
0x168: {  	s17 =	simm.s32 $0x3200;
	s6 =	simm.s32 $0x80  }
0x169: {  	_ =	sfence.sel $0x180000  }
0x16a: {  	[bflag:$0x0] =	sbarrier.arrive $0xFFFF  }
0x16b: {  	_ =	strace $0x9000004A  }
0x16c: {  	[bflag:$0x2] =	sbarrier.arrive $0xFFFF  }
0x16d: {  	p0 =	sne.s32 s2, $0x0;
	s0 =	rddreg [dreg:$0x2]  }
0x16e: {  	s0 =	sadd.s32 @!p0 $0x100000, s0  }
0x16f: {  	[sflag:s0] =	ssyncadd.tile.s32 @!p0 $0x1;
	_ =	shalt  }
.Lfunc_end2:
_tile_overlayer_lowered:
.L_overlay_start_2:
0x170: {  	(tag) =	ssettag $0x2  }
0x171: {  	s0 =	rddreg [dreg:$0x0];
	s2 =	stileid.u32  }
0x172: {  	s1 =	rddreg [dreg:$0x1];
	p0 =	sne.s32 s2, $0x0  }
0x173: {  	s3 =	rddreg [dreg:$0x2];
	[bflag:$0x3] =	sbarrier.arrive $0xFFFF;
	s2 =	simm.s32 @!p0 $0x1C03  }
0x174: {  	[timem:s3], [sflag:s2] =	dma.local @!p0 [hbm:s0], s1  }
0x175: {  	s0 =	simm.s32 @!p0 $0x3  }
0x176: {  	_ =	swait.ge @!p0 [sflag:s0], s1  }
0x177: {  	s1 =	ssub.s32 @!p0 $0x0, s1;
	[sflag:s0] =	ssyncset.done @!p0 $0x0  }
0x178: {  	[sflag:s0] =	ssyncadd.s32 @!p0 s1  }
0x179: {  	[bflag:$0x3] =	sbarrier.arrive $0xFFFF  }
0x17a: {  	_ =	shalt  }

// kernel: kernel.9.cloned.1.call-start
scs
__scs_entry_jumppad:
0x0: {  	(pc) =	sbr.rel $0x88, $3  }
0x1: {  	(tag) =	ssettag $0x0;
	lr =	simm.s32 $0x1  }
0x2: {  	[smem:$0x3F84] =	sst lr;
	_ =	strace $0xD0000000  }
0x3: {  	_ = 	snop  }
0x4: {  	_ = 	snop  }
0x5: {  	_ = 	snop  }
0x6: {  	_ = 	snop  }
0x7: {  	_ = 	snop  }
__scs_overlays_trampoline_lowered:
0x8: {  	[smem:$0x3F93] =	sst s0  }
0x9: {  	[smem:$0x3F94] =	sst s1  }
0xa: {  	[smem:$0x3F95] =	sst s2  }
0xb: {  	[smem:$0x3F96] =	sst s3  }
0xc: {  	[smem:$0x3F97] =	sst s4  }
0xd: {  	[smem:$0x3F98] =	sst s5  }
0xe: {  	[smem:$0x3F99] =	sst s6  }
0xf: {  	[smem:$0x3F9A] =	sst s7  }
0x10: {  	[smem:$0x3F9B] =	sst s8  }
0x11: {  	[smem:$0x3F9C] =	sst s9;
	s0 =	simm.s32 @!p0 $0x0  }
0x12: {  	s1 =	sld [smem:$0x3F82];
	s0 =	simm.s32 @p0 $0x1  }
0x13: {  	[smem:$0x3F9D] =	sst s0;
	s0 =	simm.s32 @!p1 $0x0  }
0x14: {  	s2 =	sld [smem:$0x3F81];
	s0 =	simm.s32 @p1 $0x1  }
0x15: {  	[smem:$0x3F9E] =	sst s0;
	s0 =	simm.s32 @!p2 $0x0  }
0x16: {  	s3 =	sld [smem:$0x3FDB];
	s0 =	simm.s32 @p2 $0x1  }
0x17: {  	s4 =	simm.s32 $0x1BF5;
	[smem:$0x3FA0] =	sst s0  }
0x18: {  	s0 =	sld [smem:$0x3F83];
	_ =	swait.ge [sflag:s4], $0x0  }
0x19: {  	s7 =	sld [smem:$0x3F84]  }
0x1a: {  	s8 =	sadd.s32 $0xFFFFE003, lr  }
0x1b: {  	s9 =	sadd.s32 $0xFFFFFEF7, lr;
	s5 =	simm.s32 $0xFFFFFFFF;
	p2 =	slt.u32 s8, $0xFFFFF086  }
0x1c: {  	p1 =	slt.u32 s9, $0xF7A;
	s5 =	simm.s32 @!p2 $0x0  }
0x1d: {  	s5 =	simm.s32 @p1 $0x1;
	p0 =	seq.s32 s7, s2  }
0x1e: {  	s7 =	smul.u32 @!p0 $0xF7A, s2;
	p2 =	seq.s32 @!p0 s5, $0x0  }
0x1f: {  	s9 =	smul.u32 $0xF7A, s1;
	s8 =	simm.s32 @!p0 $0x1BF5;
	p2 =	por !p2, p0  }
0x20: {  	[sflag:s8] =	ssyncset.s32 @!p0 $0xFFFFF086;
	s6 =	sadd.s32 @!p0 s3, s7;
	s7 =	simm.s32 @!p0 $0x108  }
0x21: {  	s3 =	sadd.s32 s3, s9;
	s6 =	sadd.s32 @!p0 $0x88, s6;
	s7 =	simm.s32 @p2 $0x1082  }
0x22: {  	[simem:s7], [sflag:s8] =	dma.local @!p0 [hbm:s6], $0xF7A  }
0x23: {  	s9 =	sor.u32 $0xD0000000, s2;
	s6 =	simm.s32 $0x108;
	_ =	swait.ge @!p0 [sflag:s8], $0x0  }
0x24: {  	s3 =	sadd.s32 $0x88, s3;
	s6 =	simm.s32 @!p1 $0x1082;
	[sflag:s4] =	ssyncset.s32 $0xFFFFF086  }
0x25: {  	[simem:s6], [sflag:s4] =	dma.local [hbm:s3], $0xF7A  }
0x26: {  	[smem:$0x3F84] =	sst s1;
	(tag) =	ssettag s2;
	_ =	strace s9  }
0x27: {  	s1 =	sld [smem:$0x3F94]  }
0x28: {  	s2 =	sld [smem:$0x3F95]  }
0x29: {  	s4 =	sld [smem:$0x3F97]  }
0x2a: {  	p0 =	seq.s32 s5, $0x0;
	s5 =	sld [smem:$0x3F98]  }
0x2b: {  	s6 =	sld [smem:$0x3F99]  }
0x2c: {  	s7 =	sld [smem:$0x3F9A]  }
0x2d: {  	s3 =	simm.s32 $0x108;
	s8 =	sld [smem:$0x3F9B]  }
0x2e: {  	s3 =	simm.s32 @!p0 $0x1082;
	s9 =	sld [smem:$0x3F9C]  }
0x2f: {  	lr =	sadd.s32 s0, s3;
	s0 =	sld [smem:$0x3F93]  }
0x30: {  	s3 =	sld [smem:$0x3F96]  }
0x31: {  	[smem:$0x3F9F] =	sst s10  }
0x32: {  	s10 =	sld [smem:$0x3F9D];
	_ =	sdelay $0x3  }
0x33: {  	p0 =	seq.s32 s10, $0x1;
	s10 =	sld [smem:$0x3F9F];
	_ =	sdelay $0x3  }
0x34: {  	[smem:$0x3F9F] =	sst s10  }
0x35: {  	s10 =	sld [smem:$0x3F9E];
	_ =	sdelay $0x3  }
0x36: {  	p1 =	seq.s32 s10, $0x1;
	s10 =	sld [smem:$0x3F9F];
	_ =	sdelay $0x3  }
0x37: {  	[smem:$0x3F9F] =	sst s10  }
0x38: {  	s10 =	sld [smem:$0x3FA0]  }
0x39: {  	_ = 	snop;
	(pc) =	sbr.ind lr, $3  }
0x3a: {  	_ = 	snop  }
0x3b: {  	_ = 	snop  }
0x3c: {  	p2 =	seq.s32 s10, $0x1;
	s10 =	sld [smem:$0x3F9F]  }
0x3d: {  	_ =	shalt  }
0x3e: {  	_ =	shalt  }
0x3f: {  	_ =	shalt  }
0x40: {  	_ =	shalt  }
0x41: {  	_ =	shalt  }
0x42: {  	_ =	shalt  }
0x43: {  	_ =	shalt  }
0x44: {  	_ =	shalt  }
0x45: {  	_ =	shalt  }
0x46: {  	_ =	shalt  }
0x47: {  	_ =	shalt  }
0x48: {  	_ =	shalt  }
0x49: {  	_ =	shalt  }
0x4a: {  	_ =	shalt  }
0x4b: {  	_ =	shalt  }
0x4c: {  	_ =	shalt  }
0x4d: {  	_ =	shalt  }
0x4e: {  	_ =	shalt  }
0x4f: {  	_ =	shalt  }
0x50: {  	_ =	shalt  }
0x51: {  	_ =	shalt  }
0x52: {  	_ =	shalt  }
0x53: {  	_ =	shalt  }
0x54: {  	_ =	shalt  }
0x55: {  	_ =	shalt  }
0x56: {  	_ =	shalt  }
0x57: {  	_ =	shalt  }
0x58: {  	_ =	shalt  }
0x59: {  	_ =	shalt  }
0x5a: {  	_ =	shalt  }
0x5b: {  	_ =	shalt  }
0x5c: {  	_ =	shalt  }
0x5d: {  	_ =	shalt  }
0x5e: {  	_ =	shalt  }
0x5f: {  	_ =	shalt  }
0x60: {  	_ =	shalt  }
0x61: {  	_ =	shalt  }
0x62: {  	_ =	shalt  }
0x63: {  	_ =	shalt  }
0x64: {  	_ =	shalt  }
0x65: {  	_ =	shalt  }
0x66: {  	_ =	shalt  }
0x67: {  	_ =	shalt  }
0x68: {  	_ =	shalt  }
0x69: {  	_ =	shalt  }
0x6a: {  	_ =	shalt  }
0x6b: {  	_ =	shalt  }
0x6c: {  	_ =	shalt  }
0x6d: {  	_ =	shalt  }
0x6e: {  	_ =	shalt  }
0x6f: {  	_ =	shalt  }
0x70: {  	_ =	shalt  }
0x71: {  	_ =	shalt  }
0x72: {  	_ =	shalt  }
0x73: {  	_ =	shalt  }
0x74: {  	_ =	shalt  }
0x75: {  	_ =	shalt  }
0x76: {  	_ =	shalt  }
0x77: {  	_ =	shalt  }
0x78: {  	_ =	shalt  }
0x79: {  	_ =	shalt  }
0x7a: {  	_ =	shalt  }
0x7b: {  	_ =	shalt  }
0x7c: {  	_ =	shalt  }
0x7d: {  	_ =	shalt  }
0x7e: {  	_ =	shalt  }
0x7f: {  	_ =	shalt  }
0x80: {  	_ =	shalt  }
0x81: {  	_ =	shalt  }
0x82: {  	_ =	shalt  }
0x83: {  	_ =	shalt  }
0x84: {  	_ =	shalt  }
0x85: {  	_ =	shalt  }
0x86: {  	_ =	shalt  }
0x87: {  	_ =	shalt  }
.Lfunc_end0:
.L_simem_size_0:
called_computation_lowered:
.L_overlay_start_0:
0x88: {  	s2 =	sld [smem:$0x3FD9]  }
0x89: {  	s3 =	sld [smem:$0x3FFE];
	_ =	sdelay $0x1  }
0x8a: {  	s1 =	srdreg.scid  }
0x8b: {  	s0 =	sand.u32 $0x1, s1  }
0x8c: {  	s17 =	sshll.u32 s0, $0xA;
	s2 =	sadd.s32 s3, s2  }
0x8d: {  	s2 =	sadd.s32 s2, s17  }
0x8e: {  	[smem:$0x3FAB] =	sst s2  }
0x8f: {  	_ = 	snop  }
0x90: {  	s2 =	sld [smem:$0x3FD0];
	(tm) =	ssettm $0x1  }
0x91: {  	s18 =	sld [smem:$0x3FFB];
	_ =	sdelay $0x3  }
0x92: {  	_ =	strace s18  }
0x93: {  	s3 =	sld [smem:$0x3FFC];
	_ =	sdelay $0x3  }
0x94: {  	_ =	strace s3  }
0x95: {  	s3 =	sld [smem:$0x3FFD];
	_ =	sdelay $0x3  }
0x96: {  	_ =	strace s3  }
0x97: {  	_ =	strace $0x8FFFFFFF  }
0x98: {  	s19 =	sld [smem:$0x3FDB];
	_ =	sdelay $0x1  }
0x99: {  	s4 =	simm.s32 $_scs_section_size  }
0x9a: {  	s5 =	simm.s32 $_size__tile_overlayer_lowered;
	s6 =	simm.s32 $_tile_overlayer_lowered  }
0x9b: {  	s22 =	simm.s32 $0x1BFF;
	s21 =	sshll.u32 s6, $0x1;
	s3 =	sadd.s32 s4, s19  }
0x9c: {  	s7 =	simm.s32 $0x0;
	s20 =	sshll.u32 s5, $0x1;
	s5 =	sadd.s32 s21, s3  }
0x9d: {  	[timem:s7], [sflag:s22] =	dma.local [hbm:s5], s20  }
0x9e: {  	_ =	swait.ge [sflag:s22], s20  }
0x9f: {  	s4 =	ssub.s32 $0x0, s20;
	[sflag:s22] =	ssyncset.done $0x0  }
0xa0: {  	[sflag:s22] =	ssyncadd.s32 s4;
	_ =	sdelay $0x1  }
0xa1: {  	s23 =	simm.s32 $0x1B8B  }
0xa2: {  	_ =	swait.ge [sflag:s23], $0x1  }
0xa3: {  	[sflag:s23] =	ssyncset.done $0x0  }
0xa4: {  	s25 =	simm.s32 $0x1B8E;
	s24 =	sld [smem:$0x3FFE];
	[sflag:s23] =	ssyncadd.s32 $0xFFFFFFFF  }
0xa5: {  	s26 =	simm.s32 $execute0_lowered;
	[smem:$0x3FD2] =	sst s25  }
0xa6: {  	s5 =	sshll.u32 s26, $0x1;
	_ =	strace $0x80000046;
	[dreg:$0x1] =	wrdreg $0xFFFFFFFF  }
0xa7: {  	s28 =	simm.s32 $_size_execute0_lowered;
	s3 =	sadd.s32 s3, s5;
	[dreg:$0x0] =	wrdreg $0x0  }
0xa8: {  	s5 =	sshll.u32 s28, $0x1;
	[dreg:$0x2] =	wrdreg s3  }
0xa9: {  	[dreg:$0x3] =	wrdreg s5  }
0xaa: {  	[dreg:$0x4] =	wrdreg $0xC0  }
0xab: {  	_ =	task [dreg:s7], $0x5FFFF  }
0xac: {  	[dreg:$0x1] =	wrdreg $0xFFFFFFFF  }
0xad: {  	[dreg:$0x0] =	wrdreg $0x60  }
0xae: {  	[dreg:$0x2] =	wrdreg s24  }
0xaf: {  	[dreg:$0x3] =	wrdreg s2  }
0xb0: {  	[dreg:$0x4] =	wrdreg $0x9  }
0xb1: {  	_ =	task.clear_ibuf [dreg:s7], $0x5FFFF;
	_ =	strace $0x90000046  }
0xb2: {  	s29 =	simm.s32 $0x9;
	_ =	strace $0x80000048  }
0xb3: {  	_ =	swait.ge [sflag:s29], $0x1  }
0xb4: {  	[sflag:s29] =	ssyncadd.s32 $0xFFFFFFFF  }
0xb5: {  	_ =	strace $0x90000048  }
0xb6: {  	_ =	sfence  }
0xb7: {  	s30 =	sld [smem:$0x0];
	_ =	sdelay $0x2  }
0xb8: {  	s31 =	sshll.u32 s1, $0xD;
	s1 =	sshrl.u32 s1, $0x2  }
0xb9: {  	s3 =	sand.u32 $0x4000, s31;
	s1 =	sadd.s32 s1, s30  }
0xba: {  	s0 =	sor.u32 s3, s0;
	s1 =	sshll.u32 s1, $0x11  }
0xbb: {  	s0 =	sor.u32 s1, s0  }
0xbc: {  	s0 =	sadd.s32 $0x8F2B, s0  }
0xbd: {  	[sflag:s0] =	ssyncadd.remote.s32 $0x1  }
0xbe: {  	_ =	sfence.sel $0xFFFF  }
0xbf: {  	[dreg:$0x0] =	wrdreg $0xFFFFFFFF;
	(pc) =	sbr.abs _section_cstart, $3  }
0xc0: {  	[dreg:$0x1] =	wrdreg $0xFFFFFFFF  }
0xc1: {  	_ =	task.clear_ibuf [dreg:s7], $0x2FFFF;
	_ =	strace $0x9FFFFFFF  }
0xc2: {  	(tm) =	ssettm $0x7FFFFFFF  }
0xc3: {  	_ =	shalt  }
tec
execute0_lowered:
.L_overlay_start_1:
0x0: {  	(tag) =	ssettag $0x1  }
0x1: {  	s0 =	rddreg [dreg:$0x0]  }
0x2: {  	s1 =	rddreg [dreg:$0x1];
	s3 =	simm.s32 $0x0  }
0x3: {  	s2 =	stileid.u32;
	s6 =	srdreg.scid;
	s20 =	simm.s32 $0x3  }
0x4: {  	s21 =	simm.s32 $0x258;
	s22 =	simm.s32 $0x280;
	s23 =	simm.s32 $0x1  }
0x5: {  	s24 =	simm.s32 $0x2;
	s25 =	simm.s32 $0x0;
	[smem:$0x7FF] =	sst s3  }
0x6: {  	s4 =	sadd.s32 $0x32800, s0;
	s5 =	sadd.s32 $0xF5E00, s0;
	s8 =	smul.u32 $0x96, s2  }
0x7: {  	s9 =	sand.u32 $0x1, s6;
	s6 =	sadd.s32 $0x1B9400, s0;
	s10 =	smul.u32 $0x4B00, s2  }
0x8: {  	s7 =	sadd.s32 $0x27CA00, s0;
	s11 =	ssub.s32 $0x2, s9;
	s13 =	smul.u32 $0x2580, s9  }
0x9: {  	_ =	strace $0x80000047;
	s15 =	smul.u32 $0x4B, s9;
	s12 =	sshrl.u32 s11, $0x1  }
0xa: {  	s14 =	sadd.s32 s8, s0;
	s0 =	sadd.s32 s10, s0;
	s8 =	sshll.u32 s2, $0x1  }
.Ltmp0:
0xb: {  	s31 =	ssub.s32 s11, s12;
	s0 =	sadd.s32 s13, s0;
	(pc) =	sbr.rel .LBB2_1-.Ltmp0, $4  }
0xc: {  	s19 =	sadd.s32 s15, s14;
	s10 =	sadd.s32 $0x1AE6C00, s0;
	s11 =	sadd.s32 $0x1652E00, s0  }
0xd: {  	s9 =	smax.u32 s31, $0x1;
	s12 =	sadd.s32 $0x403600, s0;
	s13 =	sadd.s32 $0xD2B200, s0  }
0xe: {  	s14 =	sadd.s32 $0x11BF000, s0;
	s15 =	sadd.s32 $0x897400, s0;
	s16 =	sadd.s32 $0xD800, s19  }
0xf: {  	s17 =	sadd.s32 $0x16C00, s19;
	s18 =	sadd.s32 $0x20000, s19;
	s19 =	sadd.s32 $0x29400, s19  }
.LBB2_5:
0x10: {  	s25 =	sadd.s32 $0x1, s25  }
0x11: {  	p0 =	sne.s32 s25, s9  }
.Ltmp1:
0x12: {  	_ = 	snop;
	(pc) =	sbr.rel @!p0 .LBB2_6-.Ltmp1, $1  }
0x13: {  	_ =	sdelay $0x3  }
.LBB2_1:
.Ltmp2:
0x14: {  	(pc) =	sbr.rel .LBB2_2-.Ltmp2, $3  }
0x15: {  	_ =	sdelay $0x1  }
0x16: {  	s26 =	smov.u32 s8;
	s28 =	smov.u32 s19;
	s29 =	smov.u32 s18  }
0x17: {  	s30 =	smov.u32 s17;
	s31 =	smov.u32 s16;
	s0 =	simm.s32 $0x0  }
.LBB2_4:
0x18: {  	s0 =	sadd.s32 $0x4B000, s0  }
0x19: {  	p0 =	sne.s32 s0, $0x4B0000  }
.Ltmp3:
0x1a: {  	_ = 	snop;
	(pc) =	sbr.rel @!p0 .LBB2_5-.Ltmp3, $3  }
0x1b: {  	_ =	sdelay $0x1  }
0x1c: {  	s31 =	sadd.s32 $0x960, s31;
	s30 =	sadd.s32 $0x960, s30  }
0x1d: {  	s29 =	sadd.s32 $0x960, s29;
	s28 =	sadd.s32 $0x960, s28;
	s26 =	sadd.s32 $0x20, s26  }
.LBB2_2:
0x1e: {  	p0 =	sgt.u32 s26, $0x1F3  }
.Ltmp4:
0x1f: {  	_ = 	snop;
	(pc) =	sbr.rel @p0 .LBB2_4-.Ltmp4, $1  }
0x20: {  	_ =	sdelay $0x3  }
0x21: {  	[tilespmem:s3], [sflag:$0x3] =	stream.linear.gather [hbm4b:s31+s3], $0x258, $0x38;
	[tilespmem:$0x12E80] =	vst v63  }
0x22: {  	_ =	swait.ge [sflag:s20], $0x258  }
0x23: {  	[sflag:s20] =	ssyncset.done $0x0  }
0x24: {  	[sflag:s20] =	ssyncadd.s32 $0xFFFFFDA8  }
0x25: {  	[tilespmem:s22], [sflag:$0x1] =	stream.indirect.gather [hbm4b:s4+s21], $0x80, s3, s21, $0xb8;
	[tilespmem:$0x12E80] =	vst v63  }
0x26: {  	_ =	swait.ge [sflag:s23], $0x12C00  }
0x27: {  	[sflag:s23] =	ssyncset.done $0x0  }
0x28: {  	s2 =	sadd.s32 s0, s14;
	[sflag:s23] =	ssyncadd.s32 $0xFFFED400  }
0x29: {  	[hbm4b:s2+s3] =	stream.linear.scatter [tilespmem:s22], [sflag:$0x3], $0x12C00, $0x38;
	[tilespmem:$0x12E80] =	vst v63  }
0x2a: {  	_ =	swait.ge [sflag:s20], $0x12C00  }
0x2b: {  	[sflag:s20] =	ssyncset.done $0x0  }
0x2c: {  	[sflag:s20] =	ssyncadd.s32 $0xFFFED400  }
0x2d: {  	[tilespmem:s22], [sflag:$0x1] =	stream.indirect.gather [hbm4b:s5+s21], $0x80, s3, s21, $0xb8;
	[tilespmem:$0x12E80] =	vst v63  }
0x2e: {  	_ =	swait.ge [sflag:s23], $0x12C00  }
0x2f: {  	[sflag:s23] =	ssyncset.done $0x0  }
0x30: {  	s2 =	sadd.s32 s0, s10;
	[sflag:s23] =	ssyncadd.s32 $0xFFFED400  }
0x31: {  	[hbm4b:s2+s3] =	stream.linear.scatter [tilespmem:s22], [sflag:$0x3], $0x12C00, $0x38;
	[tilespmem:$0x12E80] =	vst v63  }
0x32: {  	_ =	swait.ge [sflag:s20], $0x12C00  }
0x33: {  	[sflag:s20] =	ssyncset.done $0x0  }
0x34: {  	[sflag:s20] =	ssyncadd.s32 $0xFFFED400  }
0x35: {  	[tilespmem:s3], [sflag:$0x3] =	stream.linear.gather [hbm4b:s30+s3], $0x258, $0x38;
	[tilespmem:$0x12E80] =	vst v63  }
0x36: {  	_ =	swait.ge [sflag:s20], $0x258  }
0x37: {  	[sflag:s20] =	ssyncset.done $0x0  }
0x38: {  	[sflag:s20] =	ssyncadd.s32 $0xFFFFFDA8  }
0x39: {  	[tilespmem:s22], [sflag:$0x1] =	stream.indirect.gather [hbm4b:s1+s21], $0x80, s3, s21, $0xb8;
	[tilespmem:$0x12E80] =	vst v63  }
0x3a: {  	_ =	swait.ge [sflag:s23], $0x12C00  }
0x3b: {  	[sflag:s23] =	ssyncset.done $0x0  }
0x3c: {  	s2 =	sadd.s32 s0, s11;
	[sflag:s23] =	ssyncadd.s32 $0xFFFED400  }
0x3d: {  	[hbm4b:s2+s3] =	stream.linear.scatter [tilespmem:s22], [sflag:$0x3], $0x12C00, $0x38;
	[tilespmem:$0x12E80] =	vst v63  }
0x3e: {  	_ =	swait.ge [sflag:s20], $0x12C00  }
0x3f: {  	[sflag:s20] =	ssyncset.done $0x0  }
0x40: {  	[sflag:s20] =	ssyncadd.s32 $0xFFFED400  }
0x41: {  	[tilespmem:s3], [sflag:$0x3] =	stream.linear.gather [hbm4b:s29+s3], $0x258, $0x38;
	[tilespmem:$0x12E80] =	vst v63  }
0x42: {  	_ =	swait.ge [sflag:s20], $0x258  }
0x43: {  	[sflag:s20] =	ssyncset.done $0x0  }
0x44: {  	[sflag:s20] =	ssyncadd.s32 $0xFFFFFDA8  }
0x45: {  	[tilespmem:s22], [sflag:$0x1] =	stream.indirect.gather [hbm4b:s6+s21], $0x80, s3, s21, $0xb8;
	[tilespmem:$0x12E80] =	vst v63  }
0x46: {  	_ =	swait.ge [sflag:s23], $0x12C00  }
0x47: {  	[sflag:s23] =	ssyncset.done $0x0  }
0x48: {  	s2 =	sadd.s32 s0, s12;
	[sflag:s23] =	ssyncadd.s32 $0xFFFED400  }
0x49: {  	[hbm4b:s2+s3] =	stream.linear.scatter [tilespmem:s22], [sflag:$0x3], $0x12C00, $0x38;
	[tilespmem:$0x12E80] =	vst v63  }
0x4a: {  	_ =	swait.ge [sflag:s20], $0x12C00  }
0x4b: {  	[sflag:s20] =	ssyncset.done $0x0  }
0x4c: {  	[sflag:s20] =	ssyncadd.s32 $0xFFFED400  }
0x4d: {  	[tilespmem:s22], [sflag:$0x1] =	stream.indirect.gather [hbm4b:s7+s21], $0x80, s3, s21, $0xb8;
	[tilespmem:$0x12E80] =	vst v63  }
0x4e: {  	_ =	swait.ge [sflag:s23], $0x12C00  }
0x4f: {  	[sflag:s23] =	ssyncset.done $0x0  }
0x50: {  	s2 =	sadd.s32 s0, s13;
	[sflag:s23] =	ssyncadd.s32 $0xFFFED400  }
0x51: {  	[hbm4b:s2+s3] =	stream.linear.scatter [tilespmem:s22], [sflag:$0x3], $0x12C00, $0x38;
	[tilespmem:$0x12E80] =	vst v63  }
0x52: {  	_ =	swait.ge [sflag:s20], $0x12C00  }
0x53: {  	[sflag:s20] =	ssyncset.done $0x0  }
0x54: {  	[sflag:s20] =	ssyncadd.s32 $0xFFFED400  }
0x55: {  	[tilespmem:s3], [sflag:$0x3] =	stream.linear.gather [hbm4b:s28+s3], $0x258, $0x38;
	[tilespmem:$0x12E80] =	vst v63  }
0x56: {  	_ =	swait.ge [sflag:s20], $0x258  }
0x57: {  	[sflag:s20] =	ssyncset.done $0x0  }
0x58: {  	[sflag:s20] =	ssyncadd.s32 $0xFFFFFDA8  }
0x59: {  	[tilespmem:s22], [sflag:$0x1] =	stream.indirect.gather [hbm4b:s1+s21], $0x80, s3, s21, $0xb8;
	[tilespmem:$0x12E80] =	vst v63  }
0x5a: {  	_ =	swait.ge [sflag:s23], $0x12C00  }
0x5b: {  	[sflag:s23] =	ssyncset.done $0x0  }
.Ltmp5:
0x5c: {  	s2 =	sadd.s32 s0, s15;
	[sflag:s23] =	ssyncadd.s32 $0xFFFED400;
	(pc) =	sbr.rel .LBB2_4-.Ltmp5, $4  }
0x5d: {  	[hbm4b:s2+s3] =	stream.linear.scatter [tilespmem:s22], [sflag:$0x2], $0x12C00, $0x38;
	[tilespmem:$0x12E80] =	vst v63  }
0x5e: {  	_ =	swait.ge [sflag:s24], $0x12C00  }
0x5f: {  	[sflag:s24] =	ssyncset.done $0x0  }
0x60: {  	[sflag:s24] =	ssyncadd.s32 $0xFFFED400  }
.LBB2_6:
0x61: {  	_ =	sfence.sel $0x180000  }
0x62: {  	[bflag:$0x0] =	sbarrier.arrive $0xFFFF  }
0x63: {  	_ =	strace $0x90000047  }
0x64: {  	s0 =	stileid.u32;
	[bflag:$0x2] =	sbarrier.arrive $0xFFFF  }
0x65: {  	p0 =	sne.s32 s0, $0x0;
	s0 =	rddreg [dreg:$0x2]  }
0x66: {  	s0 =	sadd.s32 @!p0 $0x100000, s0  }
0x67: {  	[sflag:s0] =	ssyncadd.tile.s32 @!p0 $0x1;
	_ =	shalt  }
.Lfunc_end2:
_tile_overlayer_lowered:
.L_overlay_start_2:
0x68: {  	(tag) =	ssettag $0x2  }
0x69: {  	s0 =	rddreg [dreg:$0x0];
	s2 =	stileid.u32  }
0x6a: {  	s1 =	rddreg [dreg:$0x1];
	p0 =	sne.s32 s2, $0x0  }
0x6b: {  	s3 =	rddreg [dreg:$0x2];
	[bflag:$0x3] =	sbarrier.arrive $0xFFFF;
	s2 =	simm.s32 @!p0 $0x1C02  }
0x6c: {  	[timem:s3], [sflag:s2] =	dma.local @!p0 [hbm:s0], s1  }
0x6d: {  	s0 =	simm.s32 @!p0 $0x2  }
0x6e: {  	_ =	swait.ge @!p0 [sflag:s0], s1  }
0x6f: {  	s1 =	ssub.s32 @!p0 $0x0, s1;
	[sflag:s0] =	ssyncset.done @!p0 $0x0  }
0x70: {  	[sflag:s0] =	ssyncadd.s32 @!p0 s1  }
0x71: {  	[bflag:$0x3] =	sbarrier.arrive $0xFFFF  }
0x72: {  	_ =	shalt  }

</sc_bundles>
